<compile_context>
chip_gen: v7x
topology: tpu7x:2x2x1
jax: 0.10.2.dev20260603
libtpu: 0.0.44.dev20260713+nightly
codegen_flags: <defaults>
</compile_context>

<pallas_src>
import functools

import jax
import jax.numpy as jnp
from jax import lax
from jax.experimental import pallas as pl
from jax.experimental.pallas import tpu as pltpu
from jax.experimental.pallas import tpu_sc as plsc

NC = 2
NS = 16
NW = NC * NS
B = 128
RING = 4
PF = 2

F32 = jnp.float32


def _mesh():
  return plsc.VectorSubcoreMesh(core_axis_name="c", subcore_axis_name="s")


def _fill(buf, nrows, ncols, value):
  v = jnp.full((16,), value, F32)
  per_row = ncols // 16

  def body(i, _):
    buf[i // per_row, pl.ds((i % per_row) * 16, 16)] = v
    return 0

  lax.fori_loop(0, nrows * per_row, body, 0)




def _deg_body(nb, rows_per_tile, nb_real,
              src2, dst2, zeros_hbm, deg_s_out, deg_d_out,
              idx_s, idx_d, ones_v, acc, sem):
  c = lax.axis_index("c")
  s = lax.axis_index("s")
  w = c * NS + s
  limit = jnp.maximum(0, jnp.minimum(nb, nb_real - w * nb))

  _fill(ones_v, B, 16, 1.0)
  base = s * rows_per_tile

  pltpu.sync_copy(src2.at[pl.ds(w * nb, nb)], idx_s)
  pltpu.sync_copy(dst2.at[pl.ds(w * nb, nb)], idx_d)

  for idx, out in ((idx_s, deg_s_out), (idx_d, deg_d_out)):
    pltpu.sync_copy(zeros_hbm, acc.at[pl.ds(base, rows_per_tile)])
    plsc.subcore_barrier()

    def edge_body(j, _, idx=idx):
      @pl.when(j < limit)
      def _():
        pltpu.async_copy(ones_v, acc.at[idx.at[j]], sem, add=True)
      return 0

    lax.fori_loop(0, nb, edge_body, 0)

    def drain_body(j, _, idx=idx):
      @pl.when(j < limit)
      def _():
        pltpu.make_async_copy(ones_v, acc.at[idx.at[0]], sem).wait()
      return 0

    lax.fori_loop(0, nb, drain_body, 0)
    plsc.subcore_barrier()

    pltpu.sync_copy(acc.at[pl.ds(base, rows_per_tile)],
                    out.at[c, pl.ds(base, rows_per_tile)])
    plsc.subcore_barrier()


def _deg_call(np_pad, nb, nb_real, src2, dst2, zeros_hbm):
  rows_per_tile = np_pad // NS
  out = jax.ShapeDtypeStruct((NC, np_pad, 16), F32)
  f = pl.kernel(
      functools.partial(_deg_body, nb, rows_per_tile, nb_real),
      out_type=[out, out],
      mesh=_mesh(),
      scratch_types=[
          pltpu.VMEM((nb, B), jnp.int32),
          pltpu.VMEM((nb, B), jnp.int32),
          pltpu.VMEM((B, 16), F32),
          pltpu.VMEM_SHARED((np_pad, 16), F32),
          pltpu.SemaphoreType.DMA,
      ],
  )
  return f(src2, dst2, zeros_hbm)




CH = 8


def _prop_body(nb, rows_per_tile, nb_real,
               table, src2, dst2, zeros_hbm, part_out,
               idx_s, idx_d, rows, acc, gsem, ssem, isem, dsem):
  c = lax.axis_index("c")
  s = lax.axis_index("s")
  w = c * NS + s
  base = s * rows_per_tile
  limit = jnp.maximum(0, jnp.minimum(nb, nb_real - w * nb))

  pltpu.sync_copy(zeros_hbm, acc.at[pl.ds(base, rows_per_tile)])
  plsc.subcore_barrier()

  def load_chunk(g, p, sync=False):
    src_rows = src2.at[pl.ds(w * nb + g * CH, CH)]
    dst_rows = dst2.at[pl.ds(w * nb + g * CH, CH)]
    sl = pl.ds(p * CH, CH)
    if sync:
      pltpu.sync_copy(src_rows, idx_s.at[sl])
      pltpu.sync_copy(dst_rows, idx_d.at[sl])
    else:
      pltpu.async_copy(src_rows, idx_s.at[sl], isem.at[p])
      pltpu.async_copy(dst_rows, idx_d.at[sl], dsem.at[p])

  def wait_chunk(g, p):
    sl = pl.ds(p * CH, CH)
    pltpu.make_async_copy(src2.at[pl.ds(w * nb + g * CH, CH)],
                          idx_s.at[sl], isem.at[p]).wait()
    pltpu.make_async_copy(dst2.at[pl.ds(w * nb + g * CH, CH)],
                          idx_d.at[sl], dsem.at[p]).wait()

  def gather(cb, r, b):
    pltpu.async_copy(table.at[idx_s.at[cb * CH + r]], rows.at[b],
                     gsem.at[b])

  def gather_wait(cb, r, b):
    pltpu.make_async_copy(table.at[idx_s.at[cb * CH + r]], rows.at[b],
                          gsem.at[b]).wait()

  def scatter(cb, r, b):
    pltpu.async_copy(rows.at[b], acc.at[idx_d.at[cb * CH + r]],
                     ssem.at[b], add=True)

  def scatter_wait(b):
    pltpu.make_async_copy(rows.at[b], acc.at[idx_d.at[0]],
                          ssem.at[b]).wait()

  load_chunk(0, 0, sync=True)
  gather(0, 0, 0)
  gather(0, 1, 1)

  nchunks = nb // CH

  def outer(gg, _):
    for p in range(2):
      g = 2 * gg + p
      load_chunk(g + 1, p ^ 1)
      for pos in range(CH):
        b = pos % 2
        if pos == CH - 2:
          wait_chunk(g + 1, p ^ 1)
        gather_wait(p, pos, b)

        @pl.when(g * CH + pos < limit)
        def _():
          scatter(p, pos, b)
          scatter_wait(b)
        np2 = pos + 2
        gather((p ^ 1) if np2 >= CH else p, np2 % CH, b)
    return 0

  lax.fori_loop(0, nchunks // 2, outer, 0)
  gather_wait(0, 0, 0)
  gather_wait(0, 1, 1)
  plsc.subcore_barrier()

  pltpu.sync_copy(acc.at[pl.ds(base, rows_per_tile)],
                  part_out.at[c, pl.ds(base, rows_per_tile)])


def _prop_call(np_pad, nb, nb_real, table, src2, dst2, zeros_hbm):
  rows_per_tile = np_pad // NS
  f = pl.kernel(
      functools.partial(_prop_body, nb, rows_per_tile, nb_real),
      out_type=jax.ShapeDtypeStruct((NC, np_pad, 128), F32),
      mesh=_mesh(),
      scratch_types=[
          pltpu.VMEM((2 * CH, B), jnp.int32),
          pltpu.VMEM((2 * CH, B), jnp.int32),
          pltpu.VMEM((2, B, 128), F32),
          pltpu.VMEM_SHARED((np_pad, 128), F32),
          pltpu.SemaphoreType.DMA((2,)),
          pltpu.SemaphoreType.DMA((2,)),
          pltpu.SemaphoreType.DMA((2,)),
          pltpu.SemaphoreType.DMA((2,)),
      ],
  )
  return f(table, src2, dst2, zeros_hbm)




def _tc1_body(xp_ref, ds_ref, dd_ref, w1_ref, hw1_ref, ns_ref, nd_ref):
  deg_s = ds_ref[0, :, 0:1] + ds_ref[1, :, 0:1] + 1.0
  deg_d = dd_ref[0, :, 0:1] + dd_ref[1, :, 0:1] + 1.0
  ns = lax.rsqrt(deg_s)
  nd = lax.rsqrt(deg_d)
  ns_ref[...] = ns
  nd_ref[...] = nd
  xw = jnp.dot(xp_ref[...], w1_ref[...], preferred_element_type=F32)
  hw1_ref[...] = xw * ns


def _merge_halves(part_ref):
  return part_ref[0] + part_ref[1]


def _tc2_body(part_ref, hw1_ref, ns_ref, nd_ref, b1_ref, w2_ref, hw2_ref):
  m = _merge_halves(part_ref) + hw1_ref[...]
  h = jax.nn.relu(m * nd_ref[...] + b1_ref[...][None, :])
  hw2_ref[...] = jnp.dot(h, w2_ref[...],
                         preferred_element_type=F32) * ns_ref[...]


def _tc3_body(part_ref, hw2_ref, nd_ref, b2_ref, wm1_ref, bm1_ref,
              gamma_ref, beta_ref, wm2_ref, bm2_ref, out_ref):
  m = _merge_halves(part_ref) + hw2_ref[...]
  h = jax.nn.relu(m * nd_ref[...] + b2_ref[...][None, :])
  t = jax.nn.relu(
      jnp.dot(h, wm1_ref[...], preferred_element_type=F32)
      + bm1_ref[...][None, :])
  inv = 1.0 / jnp.sqrt(jnp.float32(1.0 + 1e-5))
  t = t * (gamma_ref[...] * inv)[None, :] + beta_ref[...][None, :]
  out_ref[...] = (jnp.dot(t, wm2_ref[...], preferred_element_type=F32)
                  + bm2_ref[...][None, :])


def _tc_call(body, out_shape, *args):
  return pl.pallas_call(body, out_shape=out_shape)(*args)




def kernel(x, edge_index, W1, b1, W2, b2, Wm1, bm1, gamma, beta, Wm2, bm2):
  n, _ = x.shape
  e = edge_index.shape[1]
  np_pad = -(-(n + 1) // 256) * 256
  nb = -(-e // (NW * B))
  nb = -(-nb // 8) * 8
  e_pad = NW * nb * B
  nbatches = e_pad // B

  ei = jnp.pad(edge_index, ((0, 0), (0, e_pad + 16 * B - e)),
               constant_values=n)
  src2 = ei[0].reshape(-1, B)
  dst2 = ei[1].reshape(-1, B)
  xp = jnp.pad(x, ((0, np_pad - n), (0, 0)))
  zeros_hbm = jnp.zeros((np_pad // NS, 128), F32)
  zeros16_hbm = jnp.zeros((np_pad // NS, 16), F32)

  nb_real = -(-e // B)
  deg_s, deg_d = _deg_call(np_pad, nb, nb_real, src2, dst2, zeros16_hbm)

  hw1, ns, nd = _tc_call(
      _tc1_body,
      [jax.ShapeDtypeStruct((np_pad, 128), F32),
       jax.ShapeDtypeStruct((np_pad, 1), F32),
       jax.ShapeDtypeStruct((np_pad, 1), F32)],
      xp, deg_s, deg_d, W1)

  part1 = _prop_call(np_pad, nb, nb_real, hw1, src2, dst2, zeros_hbm)

  hw2 = _tc_call(
      _tc2_body,
      jax.ShapeDtypeStruct((np_pad, 128), F32),
      part1, hw1, ns, nd, b1, W2)

  part2 = _prop_call(np_pad, nb, nb_real, hw2, src2, dst2, zeros_hbm)

  out_full = _tc_call(
      _tc3_body,
      jax.ShapeDtypeStruct((np_pad, 2), F32),
      part2, hw2, nd, b2, Wm1, bm1, gamma, beta, Wm2, bm2)

  return out_full[:n]

# --- scband reference (transcript-rebuilt; emitter-appended) ---
"""Pipeline reference for scband-gcn-70153995813500 (READ-ONLY COPY).

The authoritative reference and input builder live on the scoring server;
editing this copy changes nothing except your own understanding.
"""

import jax, jax.numpy as jnp
import numpy as np

N = 10000
E = 320000
D_IN = 128
D_H = 128
MLP_H = 200
N_CLASSES = 2


def setup_inputs(seed: int = 0) -> dict:
    key = jax.random.key(seed)
    ks = jax.random.split(key, 12)
    x = jax.random.normal(ks[0], (N, D_IN), dtype=jnp.float32)
    edge_index = jax.random.randint(ks[1], (2, E), 0, N, dtype=jnp.int32)
    W1 = jax.random.normal(ks[2], (D_IN, D_H), dtype=jnp.float32) * 0.05
    b1 = jnp.zeros((D_H,), dtype=jnp.float32)
    W2 = jax.random.normal(ks[3], (D_H, D_H), dtype=jnp.float32) * 0.05
    b2 = jnp.zeros((D_H,), dtype=jnp.float32)
    Wm1 = jax.random.normal(ks[4], (D_H, MLP_H), dtype=jnp.float32) * 0.05
    bm1 = jnp.zeros((MLP_H,), dtype=jnp.float32)
    gamma = jnp.ones((MLP_H,), dtype=jnp.float32)
    beta = jnp.zeros((MLP_H,), dtype=jnp.float32)
    Wm2 = jax.random.normal(ks[5], (MLP_H, N_CLASSES), dtype=jnp.float32) * 0.05
    bm2 = jnp.zeros((N_CLASSES,), dtype=jnp.float32)
    return {"x": x, "edge_index": edge_index, "W1": W1, "b1": b1, "W2": W2, "b2": b2,
            "Wm1": Wm1, "bm1": bm1, "gamma": gamma, "beta": beta, "Wm2": Wm2, "bm2": bm2}


def reference(x, edge_index, W1, b1, W2, b2, Wm1, bm1, gamma, beta, Wm2, bm2):
    n = x.shape[0]
    # dgl.add_self_loop
    loops = jnp.arange(n, dtype=edge_index.dtype)
    src = jnp.concatenate([edge_index[0], loops])
    dst = jnp.concatenate([edge_index[1], loops])
    deg_out = jnp.bincount(src, length=n).astype(x.dtype)
    deg_in = jnp.bincount(dst, length=n).astype(x.dtype)
    norm_src = jnp.where(deg_out > 0, deg_out ** -0.5, 0.0)
    norm_dst = jnp.where(deg_in > 0, deg_in ** -0.5, 0.0)

    def graph_conv(h, W, b):
        # DGL GraphConv, norm='both': D_out^{-1/2} A^T D_in^{-1/2} h W
        h = h * norm_src[:, None]
        h = h @ W
        m = jax.ops.segment_sum(h[src], dst, num_segments=n)
        m = m * norm_dst[:, None]
        return jax.nn.relu(m + b)

    h = graph_conv(x, W1, b1)   # dropout p=0.0 -> identity
    h = graph_conv(h, W2, b2)
    # MLPPredictor (eval mode): Dropout(0) -> Linear -> ReLU -> BatchNorm1d(eval, running mean=0, var=1) -> Linear
    h = h @ Wm1 + bm1
    h = jax.nn.relu(h)
    h = (h - 0.0) / jnp.sqrt(1.0 + 1e-5) * gamma + beta
    out = h @ Wm2 + bm2
    return out

if __name__ == "__main__":
    import jax
    _d = setup_inputs()
    print(jax.jit(kernel)(*tuple(_d.values())))

</pallas_src>

<mosaic_0001>
#map = affine_map<(d0, d1) -> (0, 0)>
#map1 = affine_map<(d0, d1) -> (0, 0, 0)>
module attributes {stable_mosaic.version = 14 : i64} {
  func.func @_deg_body(%arg0: i32, %arg1: i32, %arg2: memref<2576x128xi32, #tpu.memory_space<hbm>>, %arg3: memref<2576x128xi32, #tpu.memory_space<hbm>>, %arg4: memref<640x16xf32, #tpu.memory_space<hbm>>, %arg5: memref<2x10240x16xf32, #tpu.memory_space<hbm>>, %arg6: memref<2x10240x16xf32, #tpu.memory_space<hbm>>, %arg7: memref<80x128xi32, #tpu.memory_space<vmem>>, %arg8: memref<80x128xi32, #tpu.memory_space<vmem>>, %arg9: memref<128x16xf32, #tpu.memory_space<vmem>>, %arg10: memref<10240x16xf32, #tpu.memory_space<vmem_shared>>, %arg11: memref<!tpu.dma_semaphore, #tpu.memory_space<semaphore_mem>>) attributes {dimension_semantics = [#tpu.dimension_semantics<core_parallel>, #tpu.dimension_semantics<subcore_parallel>], iteration_bounds = array<i64: 2, 16>, scalar_prefetch = 0 : i64, scratch_operands = 5 : i64, tpu.core_type = #tpu.core_type<sc_vector_subcore>, window_params = [{transform_indices = #map}, {transform_indices = #map}, {transform_indices = #map}, {transform_indices = #map1}, {transform_indices = #map1}]} {
    %mul3A = arith.constant 16 : i32
    %mul3A_0 = arith.muli %arg0, %mul3A : i32
    %add3A = arith.addi %mul3A_0, %arg1 : i32
    %mul3A_1 = arith.constant 80 : i32
    %mul3A_2 = arith.muli %add3A, %mul3A_1 : i32
    %sub3A = arith.constant 2500 : i32
    %sub3A_3 = arith.subi %sub3A, %mul3A_2 : i32
    %min3A = arith.constant 80 : i32
    %min3A_4 = arith.minsi %min3A, %sub3A_3 : i32
    %max3A = arith.constant 0 : i32
    %max3A_5 = arith.maxsi %max3A, %min3A_4 : i32
    %broadcast_in_dim3A = arith.constant 1.000000e+00 : f32
    %broadcast_in_dim3A_6 = vector.broadcast %broadcast_in_dim3A : f32 to vector<16xf32>
    %scan3A = arith.constant 0 : i32
    %scan3A_7 = arith.constant 0 : i32
    %scan3A_8 = arith.constant 128 : i32
    %scan3A_9 = arith.addi %scan3A_7, %scan3A_8 : i32
    %scan3A_10 = arith.constant 1 : i32
    %scan3A_11 = scf.for %scan3A_52 = %scan3A_7 to %scan3A_9 step %scan3A_10 iter_args(%scan3A_53 = %scan3A) -> (i32)  : i32 {
      %jit3A = arith.constant 1 : i32
      %div3A = arith.divsi %scan3A_52, %jit3A : i32
      %sign3A = arith.constant 0 : i32
      %sign3A_54 = arith.cmpi sgt, %scan3A_52, %sign3A : i32
      %sign3A_55 = arith.extui %sign3A_54 : i1 to i32
      %sign3A_56 = arith.constant 0 : i32
      %sign3A_57 = arith.cmpi slt, %scan3A_52, %sign3A_56 : i32
      %sign3A_58 = arith.extui %sign3A_57 : i1 to i32
      %sign3A_59 = arith.subi %sign3A_55, %sign3A_58 : i32
      %sign3A_60 = arith.constant 0 : i32
      %sign3A_61 = arith.cmpi sgt, %jit3A, %sign3A_60 : i32
      %sign3A_62 = arith.extui %sign3A_61 : i1 to i32
      %sign3A_63 = arith.constant 0 : i32
      %sign3A_64 = arith.cmpi slt, %jit3A, %sign3A_63 : i32
      %sign3A_65 = arith.extui %sign3A_64 : i1 to i32
      %sign3A_66 = arith.subi %sign3A_62, %sign3A_65 : i32
      %ne3A = arith.cmpi ne, %sign3A_59, %sign3A_66 : i32
      %rem3A = arith.remsi %scan3A_52, %jit3A : i32
      %ne3A_67 = arith.constant 0 : i32
      %ne3A_68 = arith.cmpi ne, %rem3A, %ne3A_67 : i32
      %and3A = arith.andi %ne3A, %ne3A_68 : i1
      %sub3A_69 = arith.constant 1 : i32
      %sub3A_70 = arith.subi %div3A, %sub3A_69 : i32
      %select_n3A = arith.select %and3A, %sub3A_70, %div3A : i32
      %jit3A_71 = arith.constant 1 : i32
      %eq3A = arith.constant 0 : i32
      %eq3A_72 = arith.cmpi eq, %jit3A_71, %eq3A : i32
      %jit3A_73 = arith.constant 1 : i32
      %select_n3A_74 = arith.select %eq3A_72, %jit3A_73, %jit3A_71 : i32
      %rem3A_75 = arith.remsi %scan3A_52, %select_n3A_74 : i32
      %ne3A_76 = arith.constant 0 : i32
      %ne3A_77 = arith.cmpi ne, %rem3A_75, %ne3A_76 : i32
      %lt3A = arith.constant 0 : i32
      %lt3A_78 = arith.cmpi slt, %rem3A_75, %lt3A : i32
      %lt3A_79 = arith.constant 0 : i32
      %lt3A_80 = arith.cmpi slt, %select_n3A_74, %lt3A_79 : i32
      %ne3A_81 = arith.xori %lt3A_78, %lt3A_80 : i1
      %and3A_82 = arith.andi %ne3A_81, %ne3A_77 : i1
      %add3A_83 = arith.addi %rem3A_75, %select_n3A_74 : i32
      %select_n3A_84 = arith.select %and3A_82, %add3A_83, %rem3A_75 : i32
      %mul3A_85 = arith.constant 16 : i32
      %mul3A_86 = arith.muli %select_n3A_84, %mul3A_85 : i32
      %swap3A = arith.index_cast %select_n3A : i32 to index
      %swap3A_87 = arith.index_cast %mul3A_86 : i32 to index
      %swap3A_88 = tpu.vector_load %arg9[%swap3A, %swap3A_87] {strides = array<i32>} : memref<128x16xf32, #tpu.memory_space<vmem>>, vector<1x16xf32>,
      %swap3A_89 = vector.shape_cast %swap3A_88 : vector<1x16xf32> to vector<16xf32>
      %swap3A_90 = vector.shape_cast %broadcast_in_dim3A_6 : vector<16xf32> to vector<1x16xf32>
      tpu.vector_store %arg9[%swap3A, %swap3A_87], %swap3A_90 {strides = array<i32>} : memref<128x16xf32, #tpu.memory_space<vmem>>, vector<1x16xf32>,
      %scan3A_91 = arith.constant 0 : i32
      scf.yield %scan3A_91 : i32
    }
    %scan3A_12 = arith.constant 128 : i32
    %mul3A_13 = arith.constant 640 : i32
    %mul3A_14 = arith.muli %arg1, %mul3A_13 : i32
    %mul3A_15 = arith.constant 80 : i32
    %mul3A_16 = arith.muli %add3A, %mul3A_15 : i32
    "tpu.region"() ({
      %run_scoped3A = tpu.sem_alloc : memref<!tpu.dma_semaphore, #tpu.memory_space<semaphore_mem>>
      %dma_start3A = arith.constant 0 : i32
      %dma_start3A_52 = tpu.memref_slice %arg2[%mul3A_16, %dma_start3A] : memref<2576x128xi32, #tpu.memory_space<hbm>> -> memref<80x128xi32, #tpu.memory_space<hbm>>
      %dma_start3A_53 = arith.constant 0 : i32
      %dma_start3A_54 = tpu.memref_slice %arg2[%mul3A_16, %dma_start3A_53] : memref<2576x128xi32, #tpu.memory_space<hbm>> -> memref<80x128xi32, #tpu.memory_space<hbm>>
      tpu.enqueue_dma source(%dma_start3A_54 : memref<80x128xi32, #tpu.memory_space<hbm>>) target(%arg7 : memref<80x128xi32, #tpu.memory_space<vmem>>) target_semaphore(%run_scoped3A : memref<!tpu.dma_semaphore, #tpu.memory_space<semaphore_mem>>)
      %dma_wait3A = arith.constant 0 : i32
      %dma_wait3A_55 = tpu.memref_slice %arg2[%mul3A_16, %dma_wait3A] : memref<2576x128xi32, #tpu.memory_space<hbm>> -> memref<80x128xi32, #tpu.memory_space<hbm>>
      %dma_wait3A_56 = arith.constant 0 : i32
      %dma_wait3A_57 = tpu.memref_slice %arg2[%mul3A_16, %dma_wait3A_56] : memref<2576x128xi32, #tpu.memory_space<hbm>> -> memref<80x128xi32, #tpu.memory_space<hbm>>
      tpu.wait_dma2 semaphore(%run_scoped3A : memref<!tpu.dma_semaphore, #tpu.memory_space<semaphore_mem>>) src(%dma_wait3A_57 : memref<80x128xi32, #tpu.memory_space<hbm>>) dst(%arg7 : memref<80x128xi32, #tpu.memory_space<vmem>>)
      tpu.yield
    }) : () -> ()
    %mul3A_17 = arith.constant 80 : i32
    %mul3A_18 = arith.muli %add3A, %mul3A_17 : i32
    "tpu.region"() ({
      %run_scoped3A = tpu.sem_alloc : memref<!tpu.dma_semaphore, #tpu.memory_space<semaphore_mem>>
      %dma_start3A = arith.constant 0 : i32
      %dma_start3A_52 = tpu.memref_slice %arg3[%mul3A_18, %dma_start3A] : memref<2576x128xi32, #tpu.memory_space<hbm>> -> memref<80x128xi32, #tpu.memory_space<hbm>>
      %dma_start3A_53 = arith.constant 0 : i32
      %dma_start3A_54 = tpu.memref_slice %arg3[%mul3A_18, %dma_start3A_53] : memref<2576x128xi32, #tpu.memory_space<hbm>> -> memref<80x128xi32, #tpu.memory_space<hbm>>
      tpu.enqueue_dma source(%dma_start3A_54 : memref<80x128xi32, #tpu.memory_space<hbm>>) target(%arg8 : memref<80x128xi32, #tpu.memory_space<vmem>>) target_semaphore(%run_scoped3A : memref<!tpu.dma_semaphore, #tpu.memory_space<semaphore_mem>>)
      %dma_wait3A = arith.constant 0 : i32
      %dma_wait3A_55 = tpu.memref_slice %arg3[%mul3A_18, %dma_wait3A] : memref<2576x128xi32, #tpu.memory_space<hbm>> -> memref<80x128xi32, #tpu.memory_space<hbm>>
      %dma_wait3A_56 = arith.constant 0 : i32
      %dma_wait3A_57 = tpu.memref_slice %arg3[%mul3A_18, %dma_wait3A_56] : memref<2576x128xi32, #tpu.memory_space<hbm>> -> memref<80x128xi32, #tpu.memory_space<hbm>>
      tpu.wait_dma2 semaphore(%run_scoped3A : memref<!tpu.dma_semaphore, #tpu.memory_space<semaphore_mem>>) src(%dma_wait3A_57 : memref<80x128xi32, #tpu.memory_space<hbm>>) dst(%arg8 : memref<80x128xi32, #tpu.memory_space<vmem>>)
      tpu.yield
    }) : () -> ()
    "tpu.region"() ({
      %run_scoped3A = tpu.sem_alloc : memref<!tpu.dma_semaphore, #tpu.memory_space<semaphore_mem>>
      %dma_start3A = arith.constant 0 : i32
      %dma_start3A_52 = tpu.memref_slice %arg10[%mul3A_14, %dma_start3A] : memref<10240x16xf32, #tpu.memory_space<vmem_shared>> -> memref<640x16xf32, #tpu.memory_space<vmem_shared>>
      tpu.enqueue_dma source(%arg4 : memref<640x16xf32, #tpu.memory_space<hbm>>) target(%dma_start3A_52 : memref<640x16xf32, #tpu.memory_space<vmem_shared>>) target_semaphore(%run_scoped3A : memref<!tpu.dma_semaphore, #tpu.memory_space<semaphore_mem>>)
      %dma_wait3A = arith.constant 0 : i32
      %dma_wait3A_53 = tpu.memref_slice %arg10[%mul3A_14, %dma_wait3A] : memref<10240x16xf32, #tpu.memory_space<vmem_shared>> -> memref<640x16xf32, #tpu.memory_space<vmem_shared>>
      tpu.wait_dma2 semaphore(%run_scoped3A : memref<!tpu.dma_semaphore, #tpu.memory_space<semaphore_mem>>) src(%arg4 : memref<640x16xf32, #tpu.memory_space<hbm>>) dst(%dma_wait3A_53 : memref<640x16xf32, #tpu.memory_space<vmem_shared>>)
      tpu.yield
    }) : () -> ()
    %barrier3A = arith.constant 0 : index
    tpu.barrier barrier_id(%barrier3A)
    %scan3A_19 = arith.constant 0 : i32
    %scan3A_20 = arith.constant 0 : i32
    %scan3A_21 = arith.constant 80 : i32
    %scan3A_22 = arith.addi %scan3A_20, %scan3A_21 : i32
    %scan3A_23 = arith.constant 1 : i32
    %scan3A_24 = scf.for %scan3A_52 = %scan3A_20 to %scan3A_22 step %scan3A_23 iter_args(%scan3A_53 = %scan3A_19) -> (i32)  : i32 {
      %lt3A = arith.cmpi slt, %scan3A_52, %max3A_5 : i32
      %convert_element_type3A = arith.extui %lt3A : i1 to i32
      %cond3A = arith.constant 0 : i32
      %cond3A_54 = arith.cmpi ne, %convert_element_type3A, %cond3A : i32
      scf.if %cond3A_54 {
        %dma_start3A = arith.constant 0 : i32
        %dma_start3A_56 = tpu.memref_slice %arg7[%scan3A_52, %dma_start3A] : memref<80x128xi32, #tpu.memory_space<vmem>> -> memref<1x128xi32, #tpu.memory_space<vmem>>
        %dma_start3A_57 = tpu.memref_squeeze %dma_start3A_56 : memref<1x128xi32, #tpu.memory_space<vmem>> -> memref<128xi32, #tpu.memory_space<vmem>>
        %dma_start3A_58 = arith.constant 0 : i32
        %dma_start3A_59 = arith.constant 0 : i32
        %dma_start3A_60 = tpu.memref_slice %arg10[%dma_start3A_58, %dma_start3A_59] : memref<10240x16xf32, #tpu.memory_space<vmem_shared>> -> memref<10240x16xf32, #tpu.memory_space<vmem_shared>>
        tpu.enqueue_indirect_dma source(%arg9 : memref<128x16xf32, #tpu.memory_space<vmem>>) target(%dma_start3A_60 : memref<10240x16xf32, #tpu.memory_space<vmem_shared>>) offsets(%dma_start3A_57 : memref<128xi32, #tpu.memory_space<vmem>>) semaphore(%arg11 : memref<!tpu.dma_semaphore, #tpu.memory_space<semaphore_mem>>) {add = true}
      } else {
      }
      %scan3A_55 = arith.constant 0 : i32
      scf.yield %scan3A_55 : i32
    }
    %scan3A_25 = arith.constant 80 : i32
    %scan3A_26 = arith.constant 0 : i32
    %scan3A_27 = arith.constant 0 : i32
    %scan3A_28 = arith.constant 80 : i32
    %scan3A_29 = arith.addi %scan3A_27, %scan3A_28 : i32
    %scan3A_30 = arith.constant 1 : i32
    %scan3A_31 = scf.for %scan3A_52 = %scan3A_27 to %scan3A_29 step %scan3A_30 iter_args(%scan3A_53 = %scan3A_26) -> (i32)  : i32 {
      %lt3A = arith.cmpi slt, %scan3A_52, %max3A_5 : i32
      %convert_element_type3A = arith.extui %lt3A : i1 to i32
      %cond3A = arith.constant 0 : i32
      %cond3A_54 = arith.cmpi ne, %convert_element_type3A, %cond3A : i32
      scf.if %cond3A_54 {
        %dma_wait3A = arith.constant 0 : i32
        %dma_wait3A_56 = arith.constant 0 : i32
        %dma_wait3A_57 = tpu.memref_slice %arg7[%dma_wait3A, %dma_wait3A_56] : memref<80x128xi32, #tpu.memory_space<vmem>> -> memref<1x128xi32, #tpu.memory_space<vmem>>
        %dma_wait3A_58 = tpu.memref_squeeze %dma_wait3A_57 : memref<1x128xi32, #tpu.memory_space<vmem>> -> memref<128xi32, #tpu.memory_space<vmem>>
        %dma_wait3A_59 = arith.constant 0 : i32
        %dma_wait3A_60 = arith.constant 0 : i32
        %dma_wait3A_61 = tpu.memref_slice %arg10[%dma_wait3A_59, %dma_wait3A_60] : memref<10240x16xf32, #tpu.memory_space<vmem_shared>> -> memref<10240x16xf32, #tpu.memory_space<vmem_shared>>
        tpu.wait_indirect_dma semaphore(%arg11 : memref<!tpu.dma_semaphore, #tpu.memory_space<semaphore_mem>>) src(%arg9 : memref<128x16xf32, #tpu.memory_space<vmem>>) dst(%dma_wait3A_61 : memref<10240x16xf32, #tpu.memory_space<vmem_shared>>)
      } else {
      }
      %scan3A_55 = arith.constant 0 : i32
      scf.yield %scan3A_55 : i32
    }
    %scan3A_32 = arith.constant 80 : i32
    %barrier3A_33 = arith.constant 0 : index
    tpu.barrier barrier_id(%barrier3A_33)
    "tpu.region"() ({
      %run_scoped3A = tpu.sem_alloc : memref<!tpu.dma_semaphore, #tpu.memory_space<semaphore_mem>>
      %dma_start3A = arith.constant 0 : i32
      %dma_start3A_52 = tpu.memref_slice %arg5[%arg0, %mul3A_14, %dma_start3A] : memref<2x10240x16xf32, #tpu.memory_space<hbm>> -> memref<1x640x16xf32, #tpu.memory_space<hbm>>
      %dma_start3A_53 = tpu.memref_squeeze %dma_start3A_52 : memref<1x640x16xf32, #tpu.memory_space<hbm>> -> memref<640x16xf32, #tpu.memory_space<hbm>>
      %dma_start3A_54 = arith.constant 0 : i32
      %dma_start3A_55 = tpu.memref_slice %arg10[%mul3A_14, %dma_start3A_54] : memref<10240x16xf32, #tpu.memory_space<vmem_shared>> -> memref<640x16xf32, #tpu.memory_space<vmem_shared>>
      tpu.enqueue_dma source(%dma_start3A_55 : memref<640x16xf32, #tpu.memory_space<vmem_shared>>) target(%dma_start3A_53 : memref<640x16xf32, #tpu.memory_space<hbm>>) target_semaphore(%run_scoped3A : memref<!tpu.dma_semaphore, #tpu.memory_space<semaphore_mem>>)
      %dma_wait3A = arith.constant 0 : i32
      %dma_wait3A_56 = tpu.memref_slice %arg5[%arg0, %mul3A_14, %dma_wait3A] : memref<2x10240x16xf32, #tpu.memory_space<hbm>> -> memref<1x640x16xf32, #tpu.memory_space<hbm>>
      %dma_wait3A_57 = tpu.memref_squeeze %dma_wait3A_56 : memref<1x640x16xf32, #tpu.memory_space<hbm>> -> memref<640x16xf32, #tpu.memory_space<hbm>>
      %dma_wait3A_58 = arith.constant 0 : i32
      %dma_wait3A_59 = tpu.memref_slice %arg10[%mul3A_14, %dma_wait3A_58] : memref<10240x16xf32, #tpu.memory_space<vmem_shared>> -> memref<640x16xf32, #tpu.memory_space<vmem_shared>>
      tpu.wait_dma2 semaphore(%run_scoped3A : memref<!tpu.dma_semaphore, #tpu.memory_space<semaphore_mem>>) src(%dma_wait3A_59 : memref<640x16xf32, #tpu.memory_space<vmem_shared>>) dst(%dma_wait3A_57 : memref<640x16xf32, #tpu.memory_space<hbm>>)
      tpu.yield
    }) : () -> ()
    %barrier3A_34 = arith.constant 0 : index
    tpu.barrier barrier_id(%barrier3A_34)
    "tpu.region"() ({
      %run_scoped3A = tpu.sem_alloc : memref<!tpu.dma_semaphore, #tpu.memory_space<semaphore_mem>>
      %dma_start3A = arith.constant 0 : i32
      %dma_start3A_52 = tpu.memref_slice %arg10[%mul3A_14, %dma_start3A] : memref<10240x16xf32, #tpu.memory_space<vmem_shared>> -> memref<640x16xf32, #tpu.memory_space<vmem_shared>>
      tpu.enqueue_dma source(%arg4 : memref<640x16xf32, #tpu.memory_space<hbm>>) target(%dma_start3A_52 : memref<640x16xf32, #tpu.memory_space<vmem_shared>>) target_semaphore(%run_scoped3A : memref<!tpu.dma_semaphore, #tpu.memory_space<semaphore_mem>>)
      %dma_wait3A = arith.constant 0 : i32
      %dma_wait3A_53 = tpu.memref_slice %arg10[%mul3A_14, %dma_wait3A] : memref<10240x16xf32, #tpu.memory_space<vmem_shared>> -> memref<640x16xf32, #tpu.memory_space<vmem_shared>>
      tpu.wait_dma2 semaphore(%run_scoped3A : memref<!tpu.dma_semaphore, #tpu.memory_space<semaphore_mem>>) src(%arg4 : memref<640x16xf32, #tpu.memory_space<hbm>>) dst(%dma_wait3A_53 : memref<640x16xf32, #tpu.memory_space<vmem_shared>>)
      tpu.yield
    }) : () -> ()
    %barrier3A_35 = arith.constant 0 : index
    tpu.barrier barrier_id(%barrier3A_35)
    %scan3A_36 = arith.constant 0 : i32
    %scan3A_37 = arith.constant 0 : i32
    %scan3A_38 = arith.constant 80 : i32
    %scan3A_39 = arith.addi %scan3A_37, %scan3A_38 : i32
    %scan3A_40 = arith.constant 1 : i32
    %scan3A_41 = scf.for %scan3A_52 = %scan3A_37 to %scan3A_39 step %scan3A_40 iter_args(%scan3A_53 = %scan3A_36) -> (i32)  : i32 {
      %lt3A = arith.cmpi slt, %scan3A_52, %max3A_5 : i32
      %convert_element_type3A = arith.extui %lt3A : i1 to i32
      %cond3A = arith.constant 0 : i32
      %cond3A_54 = arith.cmpi ne, %convert_element_type3A, %cond3A : i32
      scf.if %cond3A_54 {
        %dma_start3A = arith.constant 0 : i32
        %dma_start3A_56 = tpu.memref_slice %arg8[%scan3A_52, %dma_start3A] : memref<80x128xi32, #tpu.memory_space<vmem>> -> memref<1x128xi32, #tpu.memory_space<vmem>>
        %dma_start3A_57 = tpu.memref_squeeze %dma_start3A_56 : memref<1x128xi32, #tpu.memory_space<vmem>> -> memref<128xi32, #tpu.memory_space<vmem>>
        %dma_start3A_58 = arith.constant 0 : i32
        %dma_start3A_59 = arith.constant 0 : i32
        %dma_start3A_60 = tpu.memref_slice %arg10[%dma_start3A_58, %dma_start3A_59] : memref<10240x16xf32, #tpu.memory_space<vmem_shared>> -> memref<10240x16xf32, #tpu.memory_space<vmem_shared>>
        tpu.enqueue_indirect_dma source(%arg9 : memref<128x16xf32, #tpu.memory_space<vmem>>) target(%dma_start3A_60 : memref<10240x16xf32, #tpu.memory_space<vmem_shared>>) offsets(%dma_start3A_57 : memref<128xi32, #tpu.memory_space<vmem>>) semaphore(%arg11 : memref<!tpu.dma_semaphore, #tpu.memory_space<semaphore_mem>>) {add = true}
      } else {
      }
      %scan3A_55 = arith.constant 0 : i32
      scf.yield %scan3A_55 : i32
    }
    %scan3A_42 = arith.constant 80 : i32
    %scan3A_43 = arith.constant 0 : i32
    %scan3A_44 = arith.constant 0 : i32
    %scan3A_45 = arith.constant 80 : i32
    %scan3A_46 = arith.addi %scan3A_44, %scan3A_45 : i32
    %scan3A_47 = arith.constant 1 : i32
    %scan3A_48 = scf.for %scan3A_52 = %scan3A_44 to %scan3A_46 step %scan3A_47 iter_args(%scan3A_53 = %scan3A_43) -> (i32)  : i32 {
      %lt3A = arith.cmpi slt, %scan3A_52, %max3A_5 : i32
      %convert_element_type3A = arith.extui %lt3A : i1 to i32
      %cond3A = arith.constant 0 : i32
      %cond3A_54 = arith.cmpi ne, %convert_element_type3A, %cond3A : i32
      scf.if %cond3A_54 {
        %dma_wait3A = arith.constant 0 : i32
        %dma_wait3A_56 = arith.constant 0 : i32
        %dma_wait3A_57 = tpu.memref_slice %arg8[%dma_wait3A, %dma_wait3A_56] : memref<80x128xi32, #tpu.memory_space<vmem>> -> memref<1x128xi32, #tpu.memory_space<vmem>>
        %dma_wait3A_58 = tpu.memref_squeeze %dma_wait3A_57 : memref<1x128xi32, #tpu.memory_space<vmem>> -> memref<128xi32, #tpu.memory_space<vmem>>
        %dma_wait3A_59 = arith.constant 0 : i32
        %dma_wait3A_60 = arith.constant 0 : i32
        %dma_wait3A_61 = tpu.memref_slice %arg10[%dma_wait3A_59, %dma_wait3A_60] : memref<10240x16xf32, #tpu.memory_space<vmem_shared>> -> memref<10240x16xf32, #tpu.memory_space<vmem_shared>>
        tpu.wait_indirect_dma semaphore(%arg11 : memref<!tpu.dma_semaphore, #tpu.memory_space<semaphore_mem>>) src(%arg9 : memref<128x16xf32, #tpu.memory_space<vmem>>) dst(%dma_wait3A_61 : memref<10240x16xf32, #tpu.memory_space<vmem_shared>>)
      } else {
      }
      %scan3A_55 = arith.constant 0 : i32
      scf.yield %scan3A_55 : i32
    }
    %scan3A_49 = arith.constant 80 : i32
    %barrier3A_50 = arith.constant 0 : index
    tpu.barrier barrier_id(%barrier3A_50)
    "tpu.region"() ({
      %run_scoped3A = tpu.sem_alloc : memref<!tpu.dma_semaphore, #tpu.memory_space<semaphore_mem>>
      %dma_start3A = arith.constant 0 : i32
      %dma_start3A_52 = tpu.memref_slice %arg6[%arg0, %mul3A_14, %dma_start3A] : memref<2x10240x16xf32, #tpu.memory_space<hbm>> -> memref<1x640x16xf32, #tpu.memory_space<hbm>>
      %dma_start3A_53 = tpu.memref_squeeze %dma_start3A_52 : memref<1x640x16xf32, #tpu.memory_space<hbm>> -> memref<640x16xf32, #tpu.memory_space<hbm>>
      %dma_start3A_54 = arith.constant 0 : i32
      %dma_start3A_55 = tpu.memref_slice %arg10[%mul3A_14, %dma_start3A_54] : memref<10240x16xf32, #tpu.memory_space<vmem_shared>> -> memref<640x16xf32, #tpu.memory_space<vmem_shared>>
      tpu.enqueue_dma source(%dma_start3A_55 : memref<640x16xf32, #tpu.memory_space<vmem_shared>>) target(%dma_start3A_53 : memref<640x16xf32, #tpu.memory_space<hbm>>) target_semaphore(%run_scoped3A : memref<!tpu.dma_semaphore, #tpu.memory_space<semaphore_mem>>)
      %dma_wait3A = arith.constant 0 : i32
      %dma_wait3A_56 = tpu.memref_slice %arg6[%arg0, %mul3A_14, %dma_wait3A] : memref<2x10240x16xf32, #tpu.memory_space<hbm>> -> memref<1x640x16xf32, #tpu.memory_space<hbm>>
      %dma_wait3A_57 = tpu.memref_squeeze %dma_wait3A_56 : memref<1x640x16xf32, #tpu.memory_space<hbm>> -> memref<640x16xf32, #tpu.memory_space<hbm>>
      %dma_wait3A_58 = arith.constant 0 : i32
      %dma_wait3A_59 = tpu.memref_slice %arg10[%mul3A_14, %dma_wait3A_58] : memref<10240x16xf32, #tpu.memory_space<vmem_shared>> -> memref<640x16xf32, #tpu.memory_space<vmem_shared>>
      tpu.wait_dma2 semaphore(%run_scoped3A : memref<!tpu.dma_semaphore, #tpu.memory_space<semaphore_mem>>) src(%dma_wait3A_59 : memref<640x16xf32, #tpu.memory_space<vmem_shared>>) dst(%dma_wait3A_57 : memref<640x16xf32, #tpu.memory_space<hbm>>)
      tpu.yield
    }) : () -> ()
    %barrier3A_51 = arith.constant 0 : index
    tpu.barrier barrier_id(%barrier3A_51)
    return
  }
}

#map = affine_map<(d0, d1) -> (0, 0)>
#map1 = affine_map<(d0, d1) -> (0, 0, 0)>
module attributes {stable_mosaic.version = 14 : i64} {
  func.func @_prop_body(%arg0: i32, %arg1: i32, %arg2: memref<10240x128xf32, #tpu.memory_space<hbm>>, %arg3: memref<2576x128xi32, #tpu.memory_space<hbm>>, %arg4: memref<2576x128xi32, #tpu.memory_space<hbm>>, %arg5: memref<640x128xf32, #tpu.memory_space<hbm>>, %arg6: memref<2x10240x128xf32, #tpu.memory_space<hbm>>, %arg7: memref<16x128xi32, #tpu.memory_space<vmem>>, %arg8: memref<16x128xi32, #tpu.memory_space<vmem>>, %arg9: memref<2x128x128xf32, #tpu.memory_space<vmem>>, %arg10: memref<10240x128xf32, #tpu.memory_space<vmem_shared>>, %arg11: memref<2x!tpu.dma_semaphore, #tpu.memory_space<semaphore_mem>>, %arg12: memref<2x!tpu.dma_semaphore, #tpu.memory_space<semaphore_mem>>, %arg13: memref<2x!tpu.dma_semaphore, #tpu.memory_space<semaphore_mem>>, %arg14: memref<2x!tpu.dma_semaphore, #tpu.memory_space<semaphore_mem>>) attributes {dimension_semantics = [#tpu.dimension_semantics<core_parallel>, #tpu.dimension_semantics<subcore_parallel>], iteration_bounds = array<i64: 2, 16>, scalar_prefetch = 0 : i64, scratch_operands = 8 : i64, tpu.core_type = #tpu.core_type<sc_vector_subcore>, window_params = [{transform_indices = #map}, {transform_indices = #map}, {transform_indices = #map}, {transform_indices = #map}, {transform_indices = #map1}]} {
    %mul3A = arith.constant 16 : i32
    %mul3A_0 = arith.muli %arg0, %mul3A : i32
    %add3A = arith.addi %mul3A_0, %arg1 : i32
    %mul3A_1 = arith.constant 640 : i32
    %mul3A_2 = arith.muli %arg1, %mul3A_1 : i32
    %mul3A_3 = arith.constant 80 : i32
    %mul3A_4 = arith.muli %add3A, %mul3A_3 : i32
    %sub3A = arith.constant 2500 : i32
    %sub3A_5 = arith.subi %sub3A, %mul3A_4 : i32
    %min3A = arith.constant 80 : i32
    %min3A_6 = arith.minsi %min3A, %sub3A_5 : i32
    %max3A = arith.constant 0 : i32
    %max3A_7 = arith.maxsi %max3A, %min3A_6 : i32
    "tpu.region"() ({
      %run_scoped3A = tpu.sem_alloc : memref<!tpu.dma_semaphore, #tpu.memory_space<semaphore_mem>>
      %dma_start3A_81 = arith.constant 0 : i32
      %dma_start3A_82 = tpu.memref_slice %arg10[%mul3A_2, %dma_start3A_81] : memref<10240x128xf32, #tpu.memory_space<vmem_shared>> -> memref<640x128xf32, #tpu.memory_space<vmem_shared>>
      tpu.enqueue_dma source(%arg5 : memref<640x128xf32, #tpu.memory_space<hbm>>) target(%dma_start3A_82 : memref<640x128xf32, #tpu.memory_space<vmem_shared>>) target_semaphore(%run_scoped3A : memref<!tpu.dma_semaphore, #tpu.memory_space<semaphore_mem>>)
      %dma_wait3A_83 = arith.constant 0 : i32
      %dma_wait3A_84 = tpu.memref_slice %arg10[%mul3A_2, %dma_wait3A_83] : memref<10240x128xf32, #tpu.memory_space<vmem_shared>> -> memref<640x128xf32, #tpu.memory_space<vmem_shared>>
      tpu.wait_dma2 semaphore(%run_scoped3A : memref<!tpu.dma_semaphore, #tpu.memory_space<semaphore_mem>>) src(%arg5 : memref<640x128xf32, #tpu.memory_space<hbm>>) dst(%dma_wait3A_84 : memref<640x128xf32, #tpu.memory_space<vmem_shared>>)
      tpu.yield
    }) : () -> ()
    %barrier3A = arith.constant 0 : index
    tpu.barrier barrier_id(%barrier3A)
    %mul3A_8 = arith.constant 80 : i32
    %mul3A_9 = arith.muli %add3A, %mul3A_8 : i32
    %add3A_10 = arith.constant 0 : i32
    %add3A_11 = arith.addi %mul3A_9, %add3A_10 : i32
    %mul3A_12 = arith.constant 80 : i32
    %mul3A_13 = arith.muli %add3A, %mul3A_12 : i32
    %add3A_14 = arith.constant 0 : i32
    %add3A_15 = arith.addi %mul3A_13, %add3A_14 : i32
    "tpu.region"() ({
      %run_scoped3A = tpu.sem_alloc : memref<!tpu.dma_semaphore, #tpu.memory_space<semaphore_mem>>
      %dma_start3A_81 = arith.constant 0 : i32
      %dma_start3A_82 = arith.constant 0 : i32
      %dma_start3A_83 = tpu.memref_slice %arg7[%dma_start3A_81, %dma_start3A_82] : memref<16x128xi32, #tpu.memory_space<vmem>> -> memref<8x128xi32, #tpu.memory_space<vmem>>
      %dma_start3A_84 = arith.constant 0 : i32
      %dma_start3A_85 = tpu.memref_slice %arg3[%add3A_11, %dma_start3A_84] : memref<2576x128xi32, #tpu.memory_space<hbm>> -> memref<8x128xi32, #tpu.memory_space<hbm>>
      %dma_start3A_86 = arith.constant 0 : i32
      %dma_start3A_87 = arith.constant 0 : i32
      %dma_start3A_88 = tpu.memref_slice %arg7[%dma_start3A_86, %dma_start3A_87] : memref<16x128xi32, #tpu.memory_space<vmem>> -> memref<8x128xi32, #tpu.memory_space<vmem>>
      %dma_start3A_89 = arith.constant 0 : i32
      %dma_start3A_90 = tpu.memref_slice %arg3[%add3A_11, %dma_start3A_89] : memref<2576x128xi32, #tpu.memory_space<hbm>> -> memref<8x128xi32, #tpu.memory_space<hbm>>
      tpu.enqueue_dma source(%dma_start3A_90 : memref<8x128xi32, #tpu.memory_space<hbm>>) target(%dma_start3A_88 : memref<8x128xi32, #tpu.memory_space<vmem>>) target_semaphore(%run_scoped3A : memref<!tpu.dma_semaphore, #tpu.memory_space<semaphore_mem>>)
      %dma_wait3A_91 = arith.constant 0 : i32
      %dma_wait3A_92 = arith.constant 0 : i32
      %dma_wait3A_93 = tpu.memref_slice %arg7[%dma_wait3A_91, %dma_wait3A_92] : memref<16x128xi32, #tpu.memory_space<vmem>> -> memref<8x128xi32, #tpu.memory_space<vmem>>
      %dma_wait3A_94 = arith.constant 0 : i32
      %dma_wait3A_95 = tpu.memref_slice %arg3[%add3A_11, %dma_wait3A_94] : memref<2576x128xi32, #tpu.memory_space<hbm>> -> memref<8x128xi32, #tpu.memory_space<hbm>>
      %dma_wait3A_96 = arith.constant 0 : i32
      %dma_wait3A_97 = arith.constant 0 : i32
      %dma_wait3A_98 = tpu.memref_slice %arg7[%dma_wait3A_96, %dma_wait3A_97] : memref<16x128xi32, #tpu.memory_space<vmem>> -> memref<8x128xi32, #tpu.memory_space<vmem>>
      %dma_wait3A_99 = arith.constant 0 : i32
      %dma_wait3A_100 = tpu.memref_slice %arg3[%add3A_11, %dma_wait3A_99] : memref<2576x128xi32, #tpu.memory_space<hbm>> -> memref<8x128xi32, #tpu.memory_space<hbm>>
      tpu.wait_dma2 semaphore(%run_scoped3A : memref<!tpu.dma_semaphore, #tpu.memory_space<semaphore_mem>>) src(%dma_wait3A_100 : memref<8x128xi32, #tpu.memory_space<hbm>>) dst(%dma_wait3A_98 : memref<8x128xi32, #tpu.memory_space<vmem>>)
      tpu.yield
    }) : () -> ()
    "tpu.region"() ({
      %run_scoped3A = tpu.sem_alloc : memref<!tpu.dma_semaphore, #tpu.memory_space<semaphore_mem>>
      %dma_start3A_81 = arith.constant 0 : i32
      %dma_start3A_82 = arith.constant 0 : i32
      %dma_start3A_83 = tpu.memref_slice %arg8[%dma_start3A_81, %dma_start3A_82] : memref<16x128xi32, #tpu.memory_space<vmem>> -> memref<8x128xi32, #tpu.memory_space<vmem>>
      %dma_start3A_84 = arith.constant 0 : i32
      %dma_start3A_85 = tpu.memref_slice %arg4[%add3A_15, %dma_start3A_84] : memref<2576x128xi32, #tpu.memory_space<hbm>> -> memref<8x128xi32, #tpu.memory_space<hbm>>
      %dma_start3A_86 = arith.constant 0 : i32
      %dma_start3A_87 = arith.constant 0 : i32
      %dma_start3A_88 = tpu.memref_slice %arg8[%dma_start3A_86, %dma_start3A_87] : memref<16x128xi32, #tpu.memory_space<vmem>> -> memref<8x128xi32, #tpu.memory_space<vmem>>
      %dma_start3A_89 = arith.constant 0 : i32
      %dma_start3A_90 = tpu.memref_slice %arg4[%add3A_15, %dma_start3A_89] : memref<2576x128xi32, #tpu.memory_space<hbm>> -> memref<8x128xi32, #tpu.memory_space<hbm>>
      tpu.enqueue_dma source(%dma_start3A_90 : memref<8x128xi32, #tpu.memory_space<hbm>>) target(%dma_start3A_88 : memref<8x128xi32, #tpu.memory_space<vmem>>) target_semaphore(%run_scoped3A : memref<!tpu.dma_semaphore, #tpu.memory_space<semaphore_mem>>)
      %dma_wait3A_91 = arith.constant 0 : i32
      %dma_wait3A_92 = arith.constant 0 : i32
      %dma_wait3A_93 = tpu.memref_slice %arg8[%dma_wait3A_91, %dma_wait3A_92] : memref<16x128xi32, #tpu.memory_space<vmem>> -> memref<8x128xi32, #tpu.memory_space<vmem>>
      %dma_wait3A_94 = arith.constant 0 : i32
      %dma_wait3A_95 = tpu.memref_slice %arg4[%add3A_15, %dma_wait3A_94] : memref<2576x128xi32, #tpu.memory_space<hbm>> -> memref<8x128xi32, #tpu.memory_space<hbm>>
      %dma_wait3A_96 = arith.constant 0 : i32
      %dma_wait3A_97 = arith.constant 0 : i32
      %dma_wait3A_98 = tpu.memref_slice %arg8[%dma_wait3A_96, %dma_wait3A_97] : memref<16x128xi32, #tpu.memory_space<vmem>> -> memref<8x128xi32, #tpu.memory_space<vmem>>
      %dma_wait3A_99 = arith.constant 0 : i32
      %dma_wait3A_100 = tpu.memref_slice %arg4[%add3A_15, %dma_wait3A_99] : memref<2576x128xi32, #tpu.memory_space<hbm>> -> memref<8x128xi32, #tpu.memory_space<hbm>>
      tpu.wait_dma2 semaphore(%run_scoped3A : memref<!tpu.dma_semaphore, #tpu.memory_space<semaphore_mem>>) src(%dma_wait3A_100 : memref<8x128xi32, #tpu.memory_space<hbm>>) dst(%dma_wait3A_98 : memref<8x128xi32, #tpu.memory_space<vmem>>)
      tpu.yield
    }) : () -> ()
    %dma_start3A = arith.constant 0 : i32
    %dma_start3A_16 = arith.constant 0 : i32
    %dma_start3A_17 = arith.constant 0 : i32
    %dma_start3A_18 = arith.constant 0 : i32
    %dma_start3A_19 = arith.constant 0 : i32
    %dma_start3A_20 = tpu.memref_slice %arg9[%dma_start3A_16, %dma_start3A_18, %dma_start3A_19] : memref<2x128x128xf32, #tpu.memory_space<vmem>> -> memref<1x128x128xf32, #tpu.memory_space<vmem>>
    %dma_start3A_21 = tpu.memref_squeeze %dma_start3A_20 : memref<1x128x128xf32, #tpu.memory_space<vmem>> -> memref<128x128xf32, #tpu.memory_space<vmem>>
    %dma_start3A_22 = arith.constant 0 : i32
    %dma_start3A_23 = tpu.memref_slice %arg7[%dma_start3A, %dma_start3A_22] : memref<16x128xi32, #tpu.memory_space<vmem>> -> memref<1x128xi32, #tpu.memory_space<vmem>>
    %dma_start3A_24 = tpu.memref_squeeze %dma_start3A_23 : memref<1x128xi32, #tpu.memory_space<vmem>> -> memref<128xi32, #tpu.memory_space<vmem>>
    %dma_start3A_25 = arith.constant 0 : i32
    %dma_start3A_26 = arith.constant 0 : i32
    %dma_start3A_27 = tpu.memref_slice %arg2[%dma_start3A_25, %dma_start3A_26] : memref<10240x128xf32, #tpu.memory_space<hbm>> -> memref<10240x128xf32, #tpu.memory_space<hbm>>
    %dma_start3A_28 = tpu.memref_slice %arg11[%dma_start3A_17] : memref<2x!tpu.dma_semaphore, #tpu.memory_space<semaphore_mem>> -> memref<1x!tpu.dma_semaphore, #tpu.memory_space<semaphore_mem>>
    %dma_start3A_29 = tpu.memref_squeeze %dma_start3A_28 : memref<1x!tpu.dma_semaphore, #tpu.memory_space<semaphore_mem>> -> memref<!tpu.dma_semaphore, #tpu.memory_space<semaphore_mem>>
    tpu.enqueue_indirect_dma source(%dma_start3A_27 : memref<10240x128xf32, #tpu.memory_space<hbm>>) target(%dma_start3A_21 : memref<128x128xf32, #tpu.memory_space<vmem>>) offsets(%dma_start3A_24 : memref<128xi32, #tpu.memory_space<vmem>>) semaphore(%dma_start3A_29 : memref<!tpu.dma_semaphore, #tpu.memory_space<semaphore_mem>>)
    %dma_start3A_30 = arith.constant 1 : i32
    %dma_start3A_31 = arith.constant 1 : i32
    %dma_start3A_32 = arith.constant 1 : i32
    %dma_start3A_33 = arith.constant 0 : i32
    %dma_start3A_34 = arith.constant 0 : i32
    %dma_start3A_35 = tpu.memref_slice %arg9[%dma_start3A_31, %dma_start3A_33, %dma_start3A_34] : memref<2x128x128xf32, #tpu.memory_space<vmem>> -> memref<1x128x128xf32, #tpu.memory_space<vmem>>
    %dma_start3A_36 = tpu.memref_squeeze %dma_start3A_35 : memref<1x128x128xf32, #tpu.memory_space<vmem>> -> memref<128x128xf32, #tpu.memory_space<vmem>>
    %dma_start3A_37 = arith.constant 0 : i32
    %dma_start3A_38 = tpu.memref_slice %arg7[%dma_start3A_30, %dma_start3A_37] : memref<16x128xi32, #tpu.memory_space<vmem>> -> memref<1x128xi32, #tpu.memory_space<vmem>>
    %dma_start3A_39 = tpu.memref_squeeze %dma_start3A_38 : memref<1x128xi32, #tpu.memory_space<vmem>> -> memref<128xi32, #tpu.memory_space<vmem>>
    %dma_start3A_40 = arith.constant 0 : i32
    %dma_start3A_41 = arith.constant 0 : i32
    %dma_start3A_42 = tpu.memref_slice %arg2[%dma_start3A_40, %dma_start3A_41] : memref<10240x128xf32, #tpu.memory_space<hbm>> -> memref<10240x128xf32, #tpu.memory_space<hbm>>
    %dma_start3A_43 = tpu.memref_slice %arg11[%dma_start3A_32] : memref<2x!tpu.dma_semaphore, #tpu.memory_space<semaphore_mem>> -> memref<1x!tpu.dma_semaphore, #tpu.memory_space<semaphore_mem>>
    %dma_start3A_44 = tpu.memref_squeeze %dma_start3A_43 : memref<1x!tpu.dma_semaphore, #tpu.memory_space<semaphore_mem>> -> memref<!tpu.dma_semaphore, #tpu.memory_space<semaphore_mem>>
    tpu.enqueue_indirect_dma source(%dma_start3A_42 : memref<10240x128xf32, #tpu.memory_space<hbm>>) target(%dma_start3A_36 : memref<128x128xf32, #tpu.memory_space<vmem>>) offsets(%dma_start3A_39 : memref<128xi32, #tpu.memory_space<vmem>>) semaphore(%dma_start3A_44 : memref<!tpu.dma_semaphore, #tpu.memory_space<semaphore_mem>>)
    %scan3A = arith.constant 0 : i32
    %scan3A_45 = arith.constant 0 : i32
    %scan3A_46 = arith.constant 5 : i32
    %scan3A_47 = arith.addi %scan3A_45, %scan3A_46 : i32
    %scan3A_48 = arith.constant 1 : i32
    %scan3A_49 = scf.for %scan3A_81 = %scan3A_45 to %scan3A_47 step %scan3A_48 iter_args(%scan3A_82 = %scan3A) -> (i32)  : i32 {
      %mul3A_83 = arith.constant 2 : i32
      %mul3A_84 = arith.muli %mul3A_83, %scan3A_81 : i32
      %add3A_85 = arith.constant 0 : i32
      %add3A_86 = arith.addi %mul3A_84, %add3A_85 : i32
      %add3A_87 = arith.constant 1 : i32
      %add3A_88 = arith.addi %add3A_86, %add3A_87 : i32
      %mul3A_89 = arith.constant 80 : i32
      %mul3A_90 = arith.muli %add3A, %mul3A_89 : i32
      %mul3A_91 = arith.constant 8 : i32
      %mul3A_92 = arith.muli %add3A_88, %mul3A_91 : i32
      %add3A_93 = arith.addi %mul3A_90, %mul3A_92 : i32
      %mul3A_94 = arith.constant 80 : i32
      %mul3A_95 = arith.muli %add3A, %mul3A_94 : i32
      %mul3A_96 = arith.constant 8 : i32
      %mul3A_97 = arith.muli %add3A_88, %mul3A_96 : i32
      %add3A_98 = arith.addi %mul3A_95, %mul3A_97 : i32
      %dma_start3A_99 = arith.constant 1 : i32
      %dma_start3A_100 = arith.constant 8 : i32
      %dma_start3A_101 = arith.constant 0 : i32
      %dma_start3A_102 = tpu.memref_slice %arg7[%dma_start3A_100, %dma_start3A_101] : memref<16x128xi32, #tpu.memory_space<vmem>> -> memref<8x128xi32, #tpu.memory_space<vmem>>
      %dma_start3A_103 = arith.constant 0 : i32
      %dma_start3A_104 = tpu.memref_slice %arg3[%add3A_93, %dma_start3A_103] : memref<2576x128xi32, #tpu.memory_space<hbm>> -> memref<8x128xi32, #tpu.memory_space<hbm>>
      %dma_start3A_105 = tpu.memref_slice %arg13[%dma_start3A_99] : memref<2x!tpu.dma_semaphore, #tpu.memory_space<semaphore_mem>> -> memref<1x!tpu.dma_semaphore, #tpu.memory_space<semaphore_mem>>
      %dma_start3A_106 = tpu.memref_squeeze %dma_start3A_105 : memref<1x!tpu.dma_semaphore, #tpu.memory_space<semaphore_mem>> -> memref<!tpu.dma_semaphore, #tpu.memory_space<semaphore_mem>>
      %dma_start3A_107 = arith.constant 8 : i32
      %dma_start3A_108 = arith.constant 0 : i32
      %dma_start3A_109 = tpu.memref_slice %arg7[%dma_start3A_107, %dma_start3A_108] : memref<16x128xi32, #tpu.memory_space<vmem>> -> memref<8x128xi32, #tpu.memory_space<vmem>>
      %dma_start3A_110 = arith.constant 0 : i32
      %dma_start3A_111 = tpu.memref_slice %arg3[%add3A_93, %dma_start3A_110] : memref<2576x128xi32, #tpu.memory_space<hbm>> -> memref<8x128xi32, #tpu.memory_space<hbm>>
      tpu.enqueue_dma source(%dma_start3A_111 : memref<8x128xi32, #tpu.memory_space<hbm>>) target(%dma_start3A_109 : memref<8x128xi32, #tpu.memory_space<vmem>>) target_semaphore(%dma_start3A_106 : memref<!tpu.dma_semaphore, #tpu.memory_space<semaphore_mem>>)
      %dma_start3A_112 = arith.constant 1 : i32
      %dma_start3A_113 = arith.constant 8 : i32
      %dma_start3A_114 = arith.constant 0 : i32
      %dma_start3A_115 = tpu.memref_slice %arg8[%dma_start3A_113, %dma_start3A_114] : memref<16x128xi32, #tpu.memory_space<vmem>> -> memref<8x128xi32, #tpu.memory_space<vmem>>
      %dma_start3A_116 = arith.constant 0 : i32
      %dma_start3A_117 = tpu.memref_slice %arg4[%add3A_98, %dma_start3A_116] : memref<2576x128xi32, #tpu.memory_space<hbm>> -> memref<8x128xi32, #tpu.memory_space<hbm>>
      %dma_start3A_118 = tpu.memref_slice %arg14[%dma_start3A_112] : memref<2x!tpu.dma_semaphore, #tpu.memory_space<semaphore_mem>> -> memref<1x!tpu.dma_semaphore, #tpu.memory_space<semaphore_mem>>
      %dma_start3A_119 = tpu.memref_squeeze %dma_start3A_118 : memref<1x!tpu.dma_semaphore, #tpu.memory_space<semaphore_mem>> -> memref<!tpu.dma_semaphore, #tpu.memory_space<semaphore_mem>>
      %dma_start3A_120 = arith.constant 8 : i32
      %dma_start3A_121 = arith.constant 0 : i32
      %dma_start3A_122 = tpu.memref_slice %arg8[%dma_start3A_120, %dma_start3A_121] : memref<16x128xi32, #tpu.memory_space<vmem>> -> memref<8x128xi32, #tpu.memory_space<vmem>>
      %dma_start3A_123 = arith.constant 0 : i32
      %dma_start3A_124 = tpu.memref_slice %arg4[%add3A_98, %dma_start3A_123] : memref<2576x128xi32, #tpu.memory_space<hbm>> -> memref<8x128xi32, #tpu.memory_space<hbm>>
      tpu.enqueue_dma source(%dma_start3A_124 : memref<8x128xi32, #tpu.memory_space<hbm>>) target(%dma_start3A_122 : memref<8x128xi32, #tpu.memory_space<vmem>>) target_semaphore(%dma_start3A_119 : memref<!tpu.dma_semaphore, #tpu.memory_space<semaphore_mem>>)
      %dma_wait3A_125 = arith.constant 0 : i32
      %dma_wait3A_126 = arith.constant 0 : i32
      %dma_wait3A_127 = arith.constant 0 : i32
      %dma_wait3A_128 = arith.constant 0 : i32
      %dma_wait3A_129 = arith.constant 0 : i32
      %dma_wait3A_130 = tpu.memref_slice %arg9[%dma_wait3A_126, %dma_wait3A_128, %dma_wait3A_129] : memref<2x128x128xf32, #tpu.memory_space<vmem>> -> memref<1x128x128xf32, #tpu.memory_space<vmem>>
      %dma_wait3A_131 = tpu.memref_squeeze %dma_wait3A_130 : memref<1x128x128xf32, #tpu.memory_space<vmem>> -> memref<128x128xf32, #tpu.memory_space<vmem>>
      %dma_wait3A_132 = arith.constant 0 : i32
      %dma_wait3A_133 = tpu.memref_slice %arg7[%dma_wait3A_125, %dma_wait3A_132] : memref<16x128xi32, #tpu.memory_space<vmem>> -> memref<1x128xi32, #tpu.memory_space<vmem>>
      %dma_wait3A_134 = tpu.memref_squeeze %dma_wait3A_133 : memref<1x128xi32, #tpu.memory_space<vmem>> -> memref<128xi32, #tpu.memory_space<vmem>>
      %dma_wait3A_135 = arith.constant 0 : i32
      %dma_wait3A_136 = arith.constant 0 : i32
      %dma_wait3A_137 = tpu.memref_slice %arg2[%dma_wait3A_135, %dma_wait3A_136] : memref<10240x128xf32, #tpu.memory_space<hbm>> -> memref<10240x128xf32, #tpu.memory_space<hbm>>
      %dma_wait3A_138 = tpu.memref_slice %arg11[%dma_wait3A_127] : memref<2x!tpu.dma_semaphore, #tpu.memory_space<semaphore_mem>> -> memref<1x!tpu.dma_semaphore, #tpu.memory_space<semaphore_mem>>
      %dma_wait3A_139 = tpu.memref_squeeze %dma_wait3A_138 : memref<1x!tpu.dma_semaphore, #tpu.memory_space<semaphore_mem>> -> memref<!tpu.dma_semaphore, #tpu.memory_space<semaphore_mem>>
      tpu.wait_indirect_dma semaphore(%dma_wait3A_139 : memref<!tpu.dma_semaphore, #tpu.memory_space<semaphore_mem>>) src(%dma_wait3A_137 : memref<10240x128xf32, #tpu.memory_space<hbm>>) dst(%dma_wait3A_131 : memref<128x128xf32, #tpu.memory_space<vmem>>)
      %mul3A_140 = arith.constant 8 : i32
      %mul3A_141 = arith.muli %add3A_86, %mul3A_140 : i32
      %add3A_142 = arith.constant 0 : i32
      %add3A_143 = arith.addi %mul3A_141, %add3A_142 : i32
      %lt3A = arith.cmpi slt, %add3A_143, %max3A_7 : i32
      %convert_element_type3A = arith.extui %lt3A : i1 to i32
      %cond3A = arith.constant 0 : i32
      %cond3A_144 = arith.cmpi ne, %convert_element_type3A, %cond3A : i32
      scf.if %cond3A_144 {
        %dma_start3A_849 = arith.constant 0 : i32
        %dma_start3A_850 = arith.constant 0 : i32
        %dma_start3A_851 = arith.constant 0 : i32
        %dma_start3A_852 = arith.constant 0 : i32
        %dma_start3A_853 = arith.constant 0 : i32
        %dma_start3A_854 = tpu.memref_slice %arg9[%dma_start3A_849, %dma_start3A_852, %dma_start3A_853] : memref<2x128x128xf32, #tpu.memory_space<vmem>> -> memref<1x128x128xf32, #tpu.memory_space<vmem>>
        %dma_start3A_855 = tpu.memref_squeeze %dma_start3A_854 : memref<1x128x128xf32, #tpu.memory_space<vmem>> -> memref<128x128xf32, #tpu.memory_space<vmem>>
        %dma_start3A_856 = arith.constant 0 : i32
        %dma_start3A_857 = tpu.memref_slice %arg8[%dma_start3A_850, %dma_start3A_856] : memref<16x128xi32, #tpu.memory_space<vmem>> -> memref<1x128xi32, #tpu.memory_space<vmem>>
        %dma_start3A_858 = tpu.memref_squeeze %dma_start3A_857 : memref<1x128xi32, #tpu.memory_space<vmem>> -> memref<128xi32, #tpu.memory_space<vmem>>
        %dma_start3A_859 = arith.constant 0 : i32
        %dma_start3A_860 = arith.constant 0 : i32
        %dma_start3A_861 = tpu.memref_slice %arg10[%dma_start3A_859, %dma_start3A_860] : memref<10240x128xf32, #tpu.memory_space<vmem_shared>> -> memref<10240x128xf32, #tpu.memory_space<vmem_shared>>
        %dma_start3A_862 = tpu.memref_slice %arg12[%dma_start3A_851] : memref<2x!tpu.dma_semaphore, #tpu.memory_space<semaphore_mem>> -> memref<1x!tpu.dma_semaphore, #tpu.memory_space<semaphore_mem>>
        %dma_start3A_863 = tpu.memref_squeeze %dma_start3A_862 : memref<1x!tpu.dma_semaphore, #tpu.memory_space<semaphore_mem>> -> memref<!tpu.dma_semaphore, #tpu.memory_space<semaphore_mem>>
        tpu.enqueue_indirect_dma source(%dma_start3A_855 : memref<128x128xf32, #tpu.memory_space<vmem>>) target(%dma_start3A_861 : memref<10240x128xf32, #tpu.memory_space<vmem_shared>>) offsets(%dma_start3A_858 : memref<128xi32, #tpu.memory_space<vmem>>) semaphore(%dma_start3A_863 : memref<!tpu.dma_semaphore, #tpu.memory_space<semaphore_mem>>) {add = true}
        %dma_wait3A_864 = arith.constant 0 : i32
        %dma_wait3A_865 = arith.constant 0 : i32
        %dma_wait3A_866 = arith.constant 0 : i32
        %dma_wait3A_867 = arith.constant 0 : i32
        %dma_wait3A_868 = arith.constant 0 : i32
        %dma_wait3A_869 = tpu.memref_slice %arg9[%dma_wait3A_864, %dma_wait3A_867, %dma_wait3A_868] : memref<2x128x128xf32, #tpu.memory_space<vmem>> -> memref<1x128x128xf32, #tpu.memory_space<vmem>>
        %dma_wait3A_870 = tpu.memref_squeeze %dma_wait3A_869 : memref<1x128x128xf32, #tpu.memory_space<vmem>> -> memref<128x128xf32, #tpu.memory_space<vmem>>
        %dma_wait3A_871 = arith.constant 0 : i32
        %dma_wait3A_872 = tpu.memref_slice %arg8[%dma_wait3A_865, %dma_wait3A_871] : memref<16x128xi32, #tpu.memory_space<vmem>> -> memref<1x128xi32, #tpu.memory_space<vmem>>
        %dma_wait3A_873 = tpu.memref_squeeze %dma_wait3A_872 : memref<1x128xi32, #tpu.memory_space<vmem>> -> memref<128xi32, #tpu.memory_space<vmem>>
        %dma_wait3A_874 = arith.constant 0 : i32
        %dma_wait3A_875 = arith.constant 0 : i32
        %dma_wait3A_876 = tpu.memref_slice %arg10[%dma_wait3A_874, %dma_wait3A_875] : memref<10240x128xf32, #tpu.memory_space<vmem_shared>> -> memref<10240x128xf32, #tpu.memory_space<vmem_shared>>
        %dma_wait3A_877 = tpu.memref_slice %arg12[%dma_wait3A_866] : memref<2x!tpu.dma_semaphore, #tpu.memory_space<semaphore_mem>> -> memref<1x!tpu.dma_semaphore, #tpu.memory_space<semaphore_mem>>
        %dma_wait3A_878 = tpu.memref_squeeze %dma_wait3A_877 : memref<1x!tpu.dma_semaphore, #tpu.memory_space<semaphore_mem>> -> memref<!tpu.dma_semaphore, #tpu.memory_space<semaphore_mem>>
        tpu.wait_indirect_dma semaphore(%dma_wait3A_878 : memref<!tpu.dma_semaphore, #tpu.memory_space<semaphore_mem>>) src(%dma_wait3A_870 : memref<128x128xf32, #tpu.memory_space<vmem>>) dst(%dma_wait3A_876 : memref<10240x128xf32, #tpu.memory_space<vmem_shared>>)
      } else {
      }
      %dma_start3A_145 = arith.constant 2 : i32
      %dma_start3A_146 = arith.constant 0 : i32
      %dma_start3A_147 = arith.constant 0 : i32
      %dma_start3A_148 = arith.constant 0 : i32
      %dma_start3A_149 = arith.constant 0 : i32
      %dma_start3A_150 = tpu.memref_slice %arg9[%dma_start3A_146, %dma_start3A_148, %dma_start3A_149] : memref<2x128x128xf32, #tpu.memory_space<vmem>> -> memref<1x128x128xf32, #tpu.memory_space<vmem>>
      %dma_start3A_151 = tpu.memref_squeeze %dma_start3A_150 : memref<1x128x128xf32, #tpu.memory_space<vmem>> -> memref<128x128xf32, #tpu.memory_space<vmem>>
      %dma_start3A_152 = arith.constant 0 : i32
      %dma_start3A_153 = tpu.memref_slice %arg7[%dma_start3A_145, %dma_start3A_152] : memref<16x128xi32, #tpu.memory_space<vmem>> -> memref<1x128xi32, #tpu.memory_space<vmem>>
      %dma_start3A_154 = tpu.memref_squeeze %dma_start3A_153 : memref<1x128xi32, #tpu.memory_space<vmem>> -> memref<128xi32, #tpu.memory_space<vmem>>
      %dma_start3A_155 = arith.constant 0 : i32
      %dma_start3A_156 = arith.constant 0 : i32
      %dma_start3A_157 = tpu.memref_slice %arg2[%dma_start3A_155, %dma_start3A_156] : memref<10240x128xf32, #tpu.memory_space<hbm>> -> memref<10240x128xf32, #tpu.memory_space<hbm>>
      %dma_start3A_158 = tpu.memref_slice %arg11[%dma_start3A_147] : memref<2x!tpu.dma_semaphore, #tpu.memory_space<semaphore_mem>> -> memref<1x!tpu.dma_semaphore, #tpu.memory_space<semaphore_mem>>
      %dma_start3A_159 = tpu.memref_squeeze %dma_start3A_158 : memref<1x!tpu.dma_semaphore, #tpu.memory_space<semaphore_mem>> -> memref<!tpu.dma_semaphore, #tpu.memory_space<semaphore_mem>>
      tpu.enqueue_indirect_dma source(%dma_start3A_157 : memref<10240x128xf32, #tpu.memory_space<hbm>>) target(%dma_start3A_151 : memref<128x128xf32, #tpu.memory_space<vmem>>) offsets(%dma_start3A_154 : memref<128xi32, #tpu.memory_space<vmem>>) semaphore(%dma_start3A_159 : memref<!tpu.dma_semaphore, #tpu.memory_space<semaphore_mem>>)
      %dma_wait3A_160 = arith.constant 1 : i32
      %dma_wait3A_161 = arith.constant 1 : i32
      %dma_wait3A_162 = arith.constant 1 : i32
      %dma_wait3A_163 = arith.constant 0 : i32
      %dma_wait3A_164 = arith.constant 0 : i32
      %dma_wait3A_165 = tpu.memref_slice %arg9[%dma_wait3A_161, %dma_wait3A_163, %dma_wait3A_164] : memref<2x128x128xf32, #tpu.memory_space<vmem>> -> memref<1x128x128xf32, #tpu.memory_space<vmem>>
      %dma_wait3A_166 = tpu.memref_squeeze %dma_wait3A_165 : memref<1x128x128xf32, #tpu.memory_space<vmem>> -> memref<128x128xf32, #tpu.memory_space<vmem>>
      %dma_wait3A_167 = arith.constant 0 : i32
      %dma_wait3A_168 = tpu.memref_slice %arg7[%dma_wait3A_160, %dma_wait3A_167] : memref<16x128xi32, #tpu.memory_space<vmem>> -> memref<1x128xi32, #tpu.memory_space<vmem>>
      %dma_wait3A_169 = tpu.memref_squeeze %dma_wait3A_168 : memref<1x128xi32, #tpu.memory_space<vmem>> -> memref<128xi32, #tpu.memory_space<vmem>>
      %dma_wait3A_170 = arith.constant 0 : i32
      %dma_wait3A_171 = arith.constant 0 : i32
      %dma_wait3A_172 = tpu.memref_slice %arg2[%dma_wait3A_170, %dma_wait3A_171] : memref<10240x128xf32, #tpu.memory_space<hbm>> -> memref<10240x128xf32, #tpu.memory_space<hbm>>
      %dma_wait3A_173 = tpu.memref_slice %arg11[%dma_wait3A_162] : memref<2x!tpu.dma_semaphore, #tpu.memory_space<semaphore_mem>> -> memref<1x!tpu.dma_semaphore, #tpu.memory_space<semaphore_mem>>
      %dma_wait3A_174 = tpu.memref_squeeze %dma_wait3A_173 : memref<1x!tpu.dma_semaphore, #tpu.memory_space<semaphore_mem>> -> memref<!tpu.dma_semaphore, #tpu.memory_space<semaphore_mem>>
      tpu.wait_indirect_dma semaphore(%dma_wait3A_174 : memref<!tpu.dma_semaphore, #tpu.memory_space<semaphore_mem>>) src(%dma_wait3A_172 : memref<10240x128xf32, #tpu.memory_space<hbm>>) dst(%dma_wait3A_166 : memref<128x128xf32, #tpu.memory_space<vmem>>)
      %mul3A_175 = arith.constant 8 : i32
      %mul3A_176 = arith.muli %add3A_86, %mul3A_175 : i32
      %add3A_177 = arith.constant 1 : i32
      %add3A_178 = arith.addi %mul3A_176, %add3A_177 : i32
      %lt3A_179 = arith.cmpi slt, %add3A_178, %max3A_7 : i32
      %convert_element_type3A_180 = arith.extui %lt3A_179 : i1 to i32
      %cond3A_181 = arith.constant 0 : i32
      %cond3A_182 = arith.cmpi ne, %convert_element_type3A_180, %cond3A_181 : i32
      scf.if %cond3A_182 {
        %dma_start3A_849 = arith.constant 1 : i32
        %dma_start3A_850 = arith.constant 1 : i32
        %dma_start3A_851 = arith.constant 1 : i32
        %dma_start3A_852 = arith.constant 0 : i32
        %dma_start3A_853 = arith.constant 0 : i32
        %dma_start3A_854 = tpu.memref_slice %arg9[%dma_start3A_849, %dma_start3A_852, %dma_start3A_853] : memref<2x128x128xf32, #tpu.memory_space<vmem>> -> memref<1x128x128xf32, #tpu.memory_space<vmem>>
        %dma_start3A_855 = tpu.memref_squeeze %dma_start3A_854 : memref<1x128x128xf32, #tpu.memory_space<vmem>> -> memref<128x128xf32, #tpu.memory_space<vmem>>
        %dma_start3A_856 = arith.constant 0 : i32
        %dma_start3A_857 = tpu.memref_slice %arg8[%dma_start3A_850, %dma_start3A_856] : memref<16x128xi32, #tpu.memory_space<vmem>> -> memref<1x128xi32, #tpu.memory_space<vmem>>
        %dma_start3A_858 = tpu.memref_squeeze %dma_start3A_857 : memref<1x128xi32, #tpu.memory_space<vmem>> -> memref<128xi32, #tpu.memory_space<vmem>>
        %dma_start3A_859 = arith.constant 0 : i32
        %dma_start3A_860 = arith.constant 0 : i32
        %dma_start3A_861 = tpu.memref_slice %arg10[%dma_start3A_859, %dma_start3A_860] : memref<10240x128xf32, #tpu.memory_space<vmem_shared>> -> memref<10240x128xf32, #tpu.memory_space<vmem_shared>>
        %dma_start3A_862 = tpu.memref_slice %arg12[%dma_start3A_851] : memref<2x!tpu.dma_semaphore, #tpu.memory_space<semaphore_mem>> -> memref<1x!tpu.dma_semaphore, #tpu.memory_space<semaphore_mem>>
        %dma_start3A_863 = tpu.memref_squeeze %dma_start3A_862 : memref<1x!tpu.dma_semaphore, #tpu.memory_space<semaphore_mem>> -> memref<!tpu.dma_semaphore, #tpu.memory_space<semaphore_mem>>
        tpu.enqueue_indirect_dma source(%dma_start3A_855 : memref<128x128xf32, #tpu.memory_space<vmem>>) target(%dma_start3A_861 : memref<10240x128xf32, #tpu.memory_space<vmem_shared>>) offsets(%dma_start3A_858 : memref<128xi32, #tpu.memory_space<vmem>>) semaphore(%dma_start3A_863 : memref<!tpu.dma_semaphore, #tpu.memory_space<semaphore_mem>>) {add = true}
        %dma_wait3A_864 = arith.constant 1 : i32
        %dma_wait3A_865 = arith.constant 0 : i32
        %dma_wait3A_866 = arith.constant 1 : i32
        %dma_wait3A_867 = arith.constant 0 : i32
        %dma_wait3A_868 = arith.constant 0 : i32
        %dma_wait3A_869 = tpu.memref_slice %arg9[%dma_wait3A_864, %dma_wait3A_867, %dma_wait3A_868] : memref<2x128x128xf32, #tpu.memory_space<vmem>> -> memref<1x128x128xf32, #tpu.memory_space<vmem>>
        %dma_wait3A_870 = tpu.memref_squeeze %dma_wait3A_869 : memref<1x128x128xf32, #tpu.memory_space<vmem>> -> memref<128x128xf32, #tpu.memory_space<vmem>>
        %dma_wait3A_871 = arith.constant 0 : i32
        %dma_wait3A_872 = tpu.memref_slice %arg8[%dma_wait3A_865, %dma_wait3A_871] : memref<16x128xi32, #tpu.memory_space<vmem>> -> memref<1x128xi32, #tpu.memory_space<vmem>>
        %dma_wait3A_873 = tpu.memref_squeeze %dma_wait3A_872 : memref<1x128xi32, #tpu.memory_space<vmem>> -> memref<128xi32, #tpu.memory_space<vmem>>
        %dma_wait3A_874 = arith.constant 0 : i32
        %dma_wait3A_875 = arith.constant 0 : i32
        %dma_wait3A_876 = tpu.memref_slice %arg10[%dma_wait3A_874, %dma_wait3A_875] : memref<10240x128xf32, #tpu.memory_space<vmem_shared>> -> memref<10240x128xf32, #tpu.memory_space<vmem_shared>>
        %dma_wait3A_877 = tpu.memref_slice %arg12[%dma_wait3A_866] : memref<2x!tpu.dma_semaphore, #tpu.memory_space<semaphore_mem>> -> memref<1x!tpu.dma_semaphore, #tpu.memory_space<semaphore_mem>>
        %dma_wait3A_878 = tpu.memref_squeeze %dma_wait3A_877 : memref<1x!tpu.dma_semaphore, #tpu.memory_space<semaphore_mem>> -> memref<!tpu.dma_semaphore, #tpu.memory_space<semaphore_mem>>
        tpu.wait_indirect_dma semaphore(%dma_wait3A_878 : memref<!tpu.dma_semaphore, #tpu.memory_space<semaphore_mem>>) src(%dma_wait3A_870 : memref<128x128xf32, #tpu.memory_space<vmem>>) dst(%dma_wait3A_876 : memref<10240x128xf32, #tpu.memory_space<vmem_shared>>)
      } else {
      }
      %dma_start3A_183 = arith.constant 3 : i32
      %dma_start3A_184 = arith.constant 1 : i32
      %dma_start3A_185 = arith.constant 1 : i32
      %dma_start3A_186 = arith.constant 0 : i32
      %dma_start3A_187 = arith.constant 0 : i32
      %dma_start3A_188 = tpu.memref_slice %arg9[%dma_start3A_184, %dma_start3A_186, %dma_start3A_187] : memref<2x128x128xf32, #tpu.memory_space<vmem>> -> memref<1x128x128xf32, #tpu.memory_space<vmem>>
      %dma_start3A_189 = tpu.memref_squeeze %dma_start3A_188 : memref<1x128x128xf32, #tpu.memory_space<vmem>> -> memref<128x128xf32, #tpu.memory_space<vmem>>
      %dma_start3A_190 = arith.constant 0 : i32
      %dma_start3A_191 = tpu.memref_slice %arg7[%dma_start3A_183, %dma_start3A_190] : memref<16x128xi32, #tpu.memory_space<vmem>> -> memref<1x128xi32, #tpu.memory_space<vmem>>
      %dma_start3A_192 = tpu.memref_squeeze %dma_start3A_191 : memref<1x128xi32, #tpu.memory_space<vmem>> -> memref<128xi32, #tpu.memory_space<vmem>>
      %dma_start3A_193 = arith.constant 0 : i32
      %dma_start3A_194 = arith.constant 0 : i32
      %dma_start3A_195 = tpu.memref_slice %arg2[%dma_start3A_193, %dma_start3A_194] : memref<10240x128xf32, #tpu.memory_space<hbm>> -> memref<10240x128xf32, #tpu.memory_space<hbm>>
      %dma_start3A_196 = tpu.memref_slice %arg11[%dma_start3A_185] : memref<2x!tpu.dma_semaphore, #tpu.memory_space<semaphore_mem>> -> memref<1x!tpu.dma_semaphore, #tpu.memory_space<semaphore_mem>>
      %dma_start3A_197 = tpu.memref_squeeze %dma_start3A_196 : memref<1x!tpu.dma_semaphore, #tpu.memory_space<semaphore_mem>> -> memref<!tpu.dma_semaphore, #tpu.memory_space<semaphore_mem>>
      tpu.enqueue_indirect_dma source(%dma_start3A_195 : memref<10240x128xf32, #tpu.memory_space<hbm>>) target(%dma_start3A_189 : memref<128x128xf32, #tpu.memory_space<vmem>>) offsets(%dma_start3A_192 : memref<128xi32, #tpu.memory_space<vmem>>) semaphore(%dma_start3A_197 : memref<!tpu.dma_semaphore, #tpu.memory_space<semaphore_mem>>)
      %dma_wait3A_198 = arith.constant 2 : i32
      %dma_wait3A_199 = arith.constant 0 : i32
      %dma_wait3A_200 = arith.constant 0 : i32
      %dma_wait3A_201 = arith.constant 0 : i32
      %dma_wait3A_202 = arith.constant 0 : i32
      %dma_wait3A_203 = tpu.memref_slice %arg9[%dma_wait3A_199, %dma_wait3A_201, %dma_wait3A_202] : memref<2x128x128xf32, #tpu.memory_space<vmem>> -> memref<1x128x128xf32, #tpu.memory_space<vmem>>
      %dma_wait3A_204 = tpu.memref_squeeze %dma_wait3A_203 : memref<1x128x128xf32, #tpu.memory_space<vmem>> -> memref<128x128xf32, #tpu.memory_space<vmem>>
      %dma_wait3A_205 = arith.constant 0 : i32
      %dma_wait3A_206 = tpu.memref_slice %arg7[%dma_wait3A_198, %dma_wait3A_205] : memref<16x128xi32, #tpu.memory_space<vmem>> -> memref<1x128xi32, #tpu.memory_space<vmem>>
      %dma_wait3A_207 = tpu.memref_squeeze %dma_wait3A_206 : memref<1x128xi32, #tpu.memory_space<vmem>> -> memref<128xi32, #tpu.memory_space<vmem>>
      %dma_wait3A_208 = arith.constant 0 : i32
      %dma_wait3A_209 = arith.constant 0 : i32
      %dma_wait3A_210 = tpu.memref_slice %arg2[%dma_wait3A_208, %dma_wait3A_209] : memref<10240x128xf32, #tpu.memory_space<hbm>> -> memref<10240x128xf32, #tpu.memory_space<hbm>>
      %dma_wait3A_211 = tpu.memref_slice %arg11[%dma_wait3A_200] : memref<2x!tpu.dma_semaphore, #tpu.memory_space<semaphore_mem>> -> memref<1x!tpu.dma_semaphore, #tpu.memory_space<semaphore_mem>>
      %dma_wait3A_212 = tpu.memref_squeeze %dma_wait3A_211 : memref<1x!tpu.dma_semaphore, #tpu.memory_space<semaphore_mem>> -> memref<!tpu.dma_semaphore, #tpu.memory_space<semaphore_mem>>
      tpu.wait_indirect_dma semaphore(%dma_wait3A_212 : memref<!tpu.dma_semaphore, #tpu.memory_space<semaphore_mem>>) src(%dma_wait3A_210 : memref<10240x128xf32, #tpu.memory_space<hbm>>) dst(%dma_wait3A_204 : memref<128x128xf32, #tpu.memory_space<vmem>>)
      %mul3A_213 = arith.constant 8 : i32
      %mul3A_214 = arith.muli %add3A_86, %mul3A_213 : i32
      %add3A_215 = arith.constant 2 : i32
      %add3A_216 = arith.addi %mul3A_214, %add3A_215 : i32
      %lt3A_217 = arith.cmpi slt, %add3A_216, %max3A_7 : i32
      %convert_element_type3A_218 = arith.extui %lt3A_217 : i1 to i32
      %cond3A_219 = arith.constant 0 : i32
      %cond3A_220 = arith.cmpi ne, %convert_element_type3A_218, %cond3A_219 : i32
      scf.if %cond3A_220 {
        %dma_start3A_849 = arith.constant 0 : i32
        %dma_start3A_850 = arith.constant 2 : i32
        %dma_start3A_851 = arith.constant 0 : i32
        %dma_start3A_852 = arith.constant 0 : i32
        %dma_start3A_853 = arith.constant 0 : i32
        %dma_start3A_854 = tpu.memref_slice %arg9[%dma_start3A_849, %dma_start3A_852, %dma_start3A_853] : memref<2x128x128xf32, #tpu.memory_space<vmem>> -> memref<1x128x128xf32, #tpu.memory_space<vmem>>
        %dma_start3A_855 = tpu.memref_squeeze %dma_start3A_854 : memref<1x128x128xf32, #tpu.memory_space<vmem>> -> memref<128x128xf32, #tpu.memory_space<vmem>>
        %dma_start3A_856 = arith.constant 0 : i32
        %dma_start3A_857 = tpu.memref_slice %arg8[%dma_start3A_850, %dma_start3A_856] : memref<16x128xi32, #tpu.memory_space<vmem>> -> memref<1x128xi32, #tpu.memory_space<vmem>>
        %dma_start3A_858 = tpu.memref_squeeze %dma_start3A_857 : memref<1x128xi32, #tpu.memory_space<vmem>> -> memref<128xi32, #tpu.memory_space<vmem>>
        %dma_start3A_859 = arith.constant 0 : i32
        %dma_start3A_860 = arith.constant 0 : i32
        %dma_start3A_861 = tpu.memref_slice %arg10[%dma_start3A_859, %dma_start3A_860] : memref<10240x128xf32, #tpu.memory_space<vmem_shared>> -> memref<10240x128xf32, #tpu.memory_space<vmem_shared>>
        %dma_start3A_862 = tpu.memref_slice %arg12[%dma_start3A_851] : memref<2x!tpu.dma_semaphore, #tpu.memory_space<semaphore_mem>> -> memref<1x!tpu.dma_semaphore, #tpu.memory_space<semaphore_mem>>
        %dma_start3A_863 = tpu.memref_squeeze %dma_start3A_862 : memref<1x!tpu.dma_semaphore, #tpu.memory_space<semaphore_mem>> -> memref<!tpu.dma_semaphore, #tpu.memory_space<semaphore_mem>>
        tpu.enqueue_indirect_dma source(%dma_start3A_855 : memref<128x128xf32, #tpu.memory_space<vmem>>) target(%dma_start3A_861 : memref<10240x128xf32, #tpu.memory_space<vmem_shared>>) offsets(%dma_start3A_858 : memref<128xi32, #tpu.memory_space<vmem>>) semaphore(%dma_start3A_863 : memref<!tpu.dma_semaphore, #tpu.memory_space<semaphore_mem>>) {add = true}
        %dma_wait3A_864 = arith.constant 0 : i32
        %dma_wait3A_865 = arith.constant 0 : i32
        %dma_wait3A_866 = arith.constant 0 : i32
        %dma_wait3A_867 = arith.constant 0 : i32
        %dma_wait3A_868 = arith.constant 0 : i32
        %dma_wait3A_869 = tpu.memref_slice %arg9[%dma_wait3A_864, %dma_wait3A_867, %dma_wait3A_868] : memref<2x128x128xf32, #tpu.memory_space<vmem>> -> memref<1x128x128xf32, #tpu.memory_space<vmem>>
        %dma_wait3A_870 = tpu.memref_squeeze %dma_wait3A_869 : memref<1x128x128xf32, #tpu.memory_space<vmem>> -> memref<128x128xf32, #tpu.memory_space<vmem>>
        %dma_wait3A_871 = arith.constant 0 : i32
        %dma_wait3A_872 = tpu.memref_slice %arg8[%dma_wait3A_865, %dma_wait3A_871] : memref<16x128xi32, #tpu.memory_space<vmem>> -> memref<1x128xi32, #tpu.memory_space<vmem>>
        %dma_wait3A_873 = tpu.memref_squeeze %dma_wait3A_872 : memref<1x128xi32, #tpu.memory_space<vmem>> -> memref<128xi32, #tpu.memory_space<vmem>>
        %dma_wait3A_874 = arith.constant 0 : i32
        %dma_wait3A_875 = arith.constant 0 : i32
        %dma_wait3A_876 = tpu.memref_slice %arg10[%dma_wait3A_874, %dma_wait3A_875] : memref<10240x128xf32, #tpu.memory_space<vmem_shared>> -> memref<10240x128xf32, #tpu.memory_space<vmem_shared>>
        %dma_wait3A_877 = tpu.memref_slice %arg12[%dma_wait3A_866] : memref<2x!tpu.dma_semaphore, #tpu.memory_space<semaphore_mem>> -> memref<1x!tpu.dma_semaphore, #tpu.memory_space<semaphore_mem>>
        %dma_wait3A_878 = tpu.memref_squeeze %dma_wait3A_877 : memref<1x!tpu.dma_semaphore, #tpu.memory_space<semaphore_mem>> -> memref<!tpu.dma_semaphore, #tpu.memory_space<semaphore_mem>>
        tpu.wait_indirect_dma semaphore(%dma_wait3A_878 : memref<!tpu.dma_semaphore, #tpu.memory_space<semaphore_mem>>) src(%dma_wait3A_870 : memref<128x128xf32, #tpu.memory_space<vmem>>) dst(%dma_wait3A_876 : memref<10240x128xf32, #tpu.memory_space<vmem_shared>>)
      } else {
      }
      %dma_start3A_221 = arith.constant 4 : i32
      %dma_start3A_222 = arith.constant 0 : i32
      %dma_start3A_223 = arith.constant 0 : i32
      %dma_start3A_224 = arith.constant 0 : i32
      %dma_start3A_225 = arith.constant 0 : i32
      %dma_start3A_226 = tpu.memref_slice %arg9[%dma_start3A_222, %dma_start3A_224, %dma_start3A_225] : memref<2x128x128xf32, #tpu.memory_space<vmem>> -> memref<1x128x128xf32, #tpu.memory_space<vmem>>
      %dma_start3A_227 = tpu.memref_squeeze %dma_start3A_226 : memref<1x128x128xf32, #tpu.memory_space<vmem>> -> memref<128x128xf32, #tpu.memory_space<vmem>>
      %dma_start3A_228 = arith.constant 0 : i32
      %dma_start3A_229 = tpu.memref_slice %arg7[%dma_start3A_221, %dma_start3A_228] : memref<16x128xi32, #tpu.memory_space<vmem>> -> memref<1x128xi32, #tpu.memory_space<vmem>>
      %dma_start3A_230 = tpu.memref_squeeze %dma_start3A_229 : memref<1x128xi32, #tpu.memory_space<vmem>> -> memref<128xi32, #tpu.memory_space<vmem>>
      %dma_start3A_231 = arith.constant 0 : i32
      %dma_start3A_232 = arith.constant 0 : i32
      %dma_start3A_233 = tpu.memref_slice %arg2[%dma_start3A_231, %dma_start3A_232] : memref<10240x128xf32, #tpu.memory_space<hbm>> -> memref<10240x128xf32, #tpu.memory_space<hbm>>
      %dma_start3A_234 = tpu.memref_slice %arg11[%dma_start3A_223] : memref<2x!tpu.dma_semaphore, #tpu.memory_space<semaphore_mem>> -> memref<1x!tpu.dma_semaphore, #tpu.memory_space<semaphore_mem>>
      %dma_start3A_235 = tpu.memref_squeeze %dma_start3A_234 : memref<1x!tpu.dma_semaphore, #tpu.memory_space<semaphore_mem>> -> memref<!tpu.dma_semaphore, #tpu.memory_space<semaphore_mem>>
      tpu.enqueue_indirect_dma source(%dma_start3A_233 : memref<10240x128xf32, #tpu.memory_space<hbm>>) target(%dma_start3A_227 : memref<128x128xf32, #tpu.memory_space<vmem>>) offsets(%dma_start3A_230 : memref<128xi32, #tpu.memory_space<vmem>>) semaphore(%dma_start3A_235 : memref<!tpu.dma_semaphore, #tpu.memory_space<semaphore_mem>>)
      %dma_wait3A_236 = arith.constant 3 : i32
      %dma_wait3A_237 = arith.constant 1 : i32
      %dma_wait3A_238 = arith.constant 1 : i32
      %dma_wait3A_239 = arith.constant 0 : i32
      %dma_wait3A_240 = arith.constant 0 : i32
      %dma_wait3A_241 = tpu.memref_slice %arg9[%dma_wait3A_237, %dma_wait3A_239, %dma_wait3A_240] : memref<2x128x128xf32, #tpu.memory_space<vmem>> -> memref<1x128x128xf32, #tpu.memory_space<vmem>>
      %dma_wait3A_242 = tpu.memref_squeeze %dma_wait3A_241 : memref<1x128x128xf32, #tpu.memory_space<vmem>> -> memref<128x128xf32, #tpu.memory_space<vmem>>
      %dma_wait3A_243 = arith.constant 0 : i32
      %dma_wait3A_244 = tpu.memref_slice %arg7[%dma_wait3A_236, %dma_wait3A_243] : memref<16x128xi32, #tpu.memory_space<vmem>> -> memref<1x128xi32, #tpu.memory_space<vmem>>
      %dma_wait3A_245 = tpu.memref_squeeze %dma_wait3A_244 : memref<1x128xi32, #tpu.memory_space<vmem>> -> memref<128xi32, #tpu.memory_space<vmem>>
      %dma_wait3A_246 = arith.constant 0 : i32
      %dma_wait3A_247 = arith.constant 0 : i32
      %dma_wait3A_248 = tpu.memref_slice %arg2[%dma_wait3A_246, %dma_wait3A_247] : memref<10240x128xf32, #tpu.memory_space<hbm>> -> memref<10240x128xf32, #tpu.memory_space<hbm>>
      %dma_wait3A_249 = tpu.memref_slice %arg11[%dma_wait3A_238] : memref<2x!tpu.dma_semaphore, #tpu.memory_space<semaphore_mem>> -> memref<1x!tpu.dma_semaphore, #tpu.memory_space<semaphore_mem>>
      %dma_wait3A_250 = tpu.memref_squeeze %dma_wait3A_249 : memref<1x!tpu.dma_semaphore, #tpu.memory_space<semaphore_mem>> -> memref<!tpu.dma_semaphore, #tpu.memory_space<semaphore_mem>>
      tpu.wait_indirect_dma semaphore(%dma_wait3A_250 : memref<!tpu.dma_semaphore, #tpu.memory_space<semaphore_mem>>) src(%dma_wait3A_248 : memref<10240x128xf32, #tpu.memory_space<hbm>>) dst(%dma_wait3A_242 : memref<128x128xf32, #tpu.memory_space<vmem>>)
      %mul3A_251 = arith.constant 8 : i32
      %mul3A_252 = arith.muli %add3A_86, %mul3A_251 : i32
      %add3A_253 = arith.constant 3 : i32
      %add3A_254 = arith.addi %mul3A_252, %add3A_253 : i32
      %lt3A_255 = arith.cmpi slt, %add3A_254, %max3A_7 : i32
      %convert_element_type3A_256 = arith.extui %lt3A_255 : i1 to i32
      %cond3A_257 = arith.constant 0 : i32
      %cond3A_258 = arith.cmpi ne, %convert_element_type3A_256, %cond3A_257 : i32
      scf.if %cond3A_258 {
        %dma_start3A_849 = arith.constant 1 : i32
        %dma_start3A_850 = arith.constant 3 : i32
        %dma_start3A_851 = arith.constant 1 : i32
        %dma_start3A_852 = arith.constant 0 : i32
        %dma_start3A_853 = arith.constant 0 : i32
        %dma_start3A_854 = tpu.memref_slice %arg9[%dma_start3A_849, %dma_start3A_852, %dma_start3A_853] : memref<2x128x128xf32, #tpu.memory_space<vmem>> -> memref<1x128x128xf32, #tpu.memory_space<vmem>>
        %dma_start3A_855 = tpu.memref_squeeze %dma_start3A_854 : memref<1x128x128xf32, #tpu.memory_space<vmem>> -> memref<128x128xf32, #tpu.memory_space<vmem>>
        %dma_start3A_856 = arith.constant 0 : i32
        %dma_start3A_857 = tpu.memref_slice %arg8[%dma_start3A_850, %dma_start3A_856] : memref<16x128xi32, #tpu.memory_space<vmem>> -> memref<1x128xi32, #tpu.memory_space<vmem>>
        %dma_start3A_858 = tpu.memref_squeeze %dma_start3A_857 : memref<1x128xi32, #tpu.memory_space<vmem>> -> memref<128xi32, #tpu.memory_space<vmem>>
        %dma_start3A_859 = arith.constant 0 : i32
        %dma_start3A_860 = arith.constant 0 : i32
        %dma_start3A_861 = tpu.memref_slice %arg10[%dma_start3A_859, %dma_start3A_860] : memref<10240x128xf32, #tpu.memory_space<vmem_shared>> -> memref<10240x128xf32, #tpu.memory_space<vmem_shared>>
        %dma_start3A_862 = tpu.memref_slice %arg12[%dma_start3A_851] : memref<2x!tpu.dma_semaphore, #tpu.memory_space<semaphore_mem>> -> memref<1x!tpu.dma_semaphore, #tpu.memory_space<semaphore_mem>>
        %dma_start3A_863 = tpu.memref_squeeze %dma_start3A_862 : memref<1x!tpu.dma_semaphore, #tpu.memory_space<semaphore_mem>> -> memref<!tpu.dma_semaphore, #tpu.memory_space<semaphore_mem>>
        tpu.enqueue_indirect_dma source(%dma_start3A_855 : memref<128x128xf32, #tpu.memory_space<vmem>>) target(%dma_start3A_861 : memref<10240x128xf32, #tpu.memory_space<vmem_shared>>) offsets(%dma_start3A_858 : memref<128xi32, #tpu.memory_space<vmem>>) semaphore(%dma_start3A_863 : memref<!tpu.dma_semaphore, #tpu.memory_space<semaphore_mem>>) {add = true}
        %dma_wait3A_864 = arith.constant 1 : i32
        %dma_wait3A_865 = arith.constant 0 : i32
        %dma_wait3A_866 = arith.constant 1 : i32
        %dma_wait3A_867 = arith.constant 0 : i32
        %dma_wait3A_868 = arith.constant 0 : i32
        %dma_wait3A_869 = tpu.memref_slice %arg9[%dma_wait3A_864, %dma_wait3A_867, %dma_wait3A_868] : memref<2x128x128xf32, #tpu.memory_space<vmem>> -> memref<1x128x128xf32, #tpu.memory_space<vmem>>
        %dma_wait3A_870 = tpu.memref_squeeze %dma_wait3A_869 : memref<1x128x128xf32, #tpu.memory_space<vmem>> -> memref<128x128xf32, #tpu.memory_space<vmem>>
        %dma_wait3A_871 = arith.constant 0 : i32
        %dma_wait3A_872 = tpu.memref_slice %arg8[%dma_wait3A_865, %dma_wait3A_871] : memref<16x128xi32, #tpu.memory_space<vmem>> -> memref<1x128xi32, #tpu.memory_space<vmem>>
        %dma_wait3A_873 = tpu.memref_squeeze %dma_wait3A_872 : memref<1x128xi32, #tpu.memory_space<vmem>> -> memref<128xi32, #tpu.memory_space<vmem>>
        %dma_wait3A_874 = arith.constant 0 : i32
        %dma_wait3A_875 = arith.constant 0 : i32
        %dma_wait3A_876 = tpu.memref_slice %arg10[%dma_wait3A_874, %dma_wait3A_875] : memref<10240x128xf32, #tpu.memory_space<vmem_shared>> -> memref<10240x128xf32, #tpu.memory_space<vmem_shared>>
        %dma_wait3A_877 = tpu.memref_slice %arg12[%dma_wait3A_866] : memref<2x!tpu.dma_semaphore, #tpu.memory_space<semaphore_mem>> -> memref<1x!tpu.dma_semaphore, #tpu.memory_space<semaphore_mem>>
        %dma_wait3A_878 = tpu.memref_squeeze %dma_wait3A_877 : memref<1x!tpu.dma_semaphore, #tpu.memory_space<semaphore_mem>> -> memref<!tpu.dma_semaphore, #tpu.memory_space<semaphore_mem>>
        tpu.wait_indirect_dma semaphore(%dma_wait3A_878 : memref<!tpu.dma_semaphore, #tpu.memory_space<semaphore_mem>>) src(%dma_wait3A_870 : memref<128x128xf32, #tpu.memory_space<vmem>>) dst(%dma_wait3A_876 : memref<10240x128xf32, #tpu.memory_space<vmem_shared>>)
      } else {
      }
      %dma_start3A_259 = arith.constant 5 : i32
      %dma_start3A_260 = arith.constant 1 : i32
      %dma_start3A_261 = arith.constant 1 : i32
      %dma_start3A_262 = arith.constant 0 : i32
      %dma_start3A_263 = arith.constant 0 : i32
      %dma_start3A_264 = tpu.memref_slice %arg9[%dma_start3A_260, %dma_start3A_262, %dma_start3A_263] : memref<2x128x128xf32, #tpu.memory_space<vmem>> -> memref<1x128x128xf32, #tpu.memory_space<vmem>>
      %dma_start3A_265 = tpu.memref_squeeze %dma_start3A_264 : memref<1x128x128xf32, #tpu.memory_space<vmem>> -> memref<128x128xf32, #tpu.memory_space<vmem>>
      %dma_start3A_266 = arith.constant 0 : i32
      %dma_start3A_267 = tpu.memref_slice %arg7[%dma_start3A_259, %dma_start3A_266] : memref<16x128xi32, #tpu.memory_space<vmem>> -> memref<1x128xi32, #tpu.memory_space<vmem>>
      %dma_start3A_268 = tpu.memref_squeeze %dma_start3A_267 : memref<1x128xi32, #tpu.memory_space<vmem>> -> memref<128xi32, #tpu.memory_space<vmem>>
      %dma_start3A_269 = arith.constant 0 : i32
      %dma_start3A_270 = arith.constant 0 : i32
      %dma_start3A_271 = tpu.memref_slice %arg2[%dma_start3A_269, %dma_start3A_270] : memref<10240x128xf32, #tpu.memory_space<hbm>> -> memref<10240x128xf32, #tpu.memory_space<hbm>>
      %dma_start3A_272 = tpu.memref_slice %arg11[%dma_start3A_261] : memref<2x!tpu.dma_semaphore, #tpu.memory_space<semaphore_mem>> -> memref<1x!tpu.dma_semaphore, #tpu.memory_space<semaphore_mem>>
      %dma_start3A_273 = tpu.memref_squeeze %dma_start3A_272 : memref<1x!tpu.dma_semaphore, #tpu.memory_space<semaphore_mem>> -> memref<!tpu.dma_semaphore, #tpu.memory_space<semaphore_mem>>
      tpu.enqueue_indirect_dma source(%dma_start3A_271 : memref<10240x128xf32, #tpu.memory_space<hbm>>) target(%dma_start3A_265 : memref<128x128xf32, #tpu.memory_space<vmem>>) offsets(%dma_start3A_268 : memref<128xi32, #tpu.memory_space<vmem>>) semaphore(%dma_start3A_273 : memref<!tpu.dma_semaphore, #tpu.memory_space<semaphore_mem>>)
      %dma_wait3A_274 = arith.constant 4 : i32
      %dma_wait3A_275 = arith.constant 0 : i32
      %dma_wait3A_276 = arith.constant 0 : i32
      %dma_wait3A_277 = arith.constant 0 : i32
      %dma_wait3A_278 = arith.constant 0 : i32
      %dma_wait3A_279 = tpu.memref_slice %arg9[%dma_wait3A_275, %dma_wait3A_277, %dma_wait3A_278] : memref<2x128x128xf32, #tpu.memory_space<vmem>> -> memref<1x128x128xf32, #tpu.memory_space<vmem>>
      %dma_wait3A_280 = tpu.memref_squeeze %dma_wait3A_279 : memref<1x128x128xf32, #tpu.memory_space<vmem>> -> memref<128x128xf32, #tpu.memory_space<vmem>>
      %dma_wait3A_281 = arith.constant 0 : i32
      %dma_wait3A_282 = tpu.memref_slice %arg7[%dma_wait3A_274, %dma_wait3A_281] : memref<16x128xi32, #tpu.memory_space<vmem>> -> memref<1x128xi32, #tpu.memory_space<vmem>>
      %dma_wait3A_283 = tpu.memref_squeeze %dma_wait3A_282 : memref<1x128xi32, #tpu.memory_space<vmem>> -> memref<128xi32, #tpu.memory_space<vmem>>
      %dma_wait3A_284 = arith.constant 0 : i32
      %dma_wait3A_285 = arith.constant 0 : i32
      %dma_wait3A_286 = tpu.memref_slice %arg2[%dma_wait3A_284, %dma_wait3A_285] : memref<10240x128xf32, #tpu.memory_space<hbm>> -> memref<10240x128xf32, #tpu.memory_space<hbm>>
      %dma_wait3A_287 = tpu.memref_slice %arg11[%dma_wait3A_276] : memref<2x!tpu.dma_semaphore, #tpu.memory_space<semaphore_mem>> -> memref<1x!tpu.dma_semaphore, #tpu.memory_space<semaphore_mem>>
      %dma_wait3A_288 = tpu.memref_squeeze %dma_wait3A_287 : memref<1x!tpu.dma_semaphore, #tpu.memory_space<semaphore_mem>> -> memref<!tpu.dma_semaphore, #tpu.memory_space<semaphore_mem>>
      tpu.wait_indirect_dma semaphore(%dma_wait3A_288 : memref<!tpu.dma_semaphore, #tpu.memory_space<semaphore_mem>>) src(%dma_wait3A_286 : memref<10240x128xf32, #tpu.memory_space<hbm>>) dst(%dma_wait3A_280 : memref<128x128xf32, #tpu.memory_space<vmem>>)
      %mul3A_289 = arith.constant 8 : i32
      %mul3A_290 = arith.muli %add3A_86, %mul3A_289 : i32
      %add3A_291 = arith.constant 4 : i32
      %add3A_292 = arith.addi %mul3A_290, %add3A_291 : i32
      %lt3A_293 = arith.cmpi slt, %add3A_292, %max3A_7 : i32
      %convert_element_type3A_294 = arith.extui %lt3A_293 : i1 to i32
      %cond3A_295 = arith.constant 0 : i32
      %cond3A_296 = arith.cmpi ne, %convert_element_type3A_294, %cond3A_295 : i32
      scf.if %cond3A_296 {
        %dma_start3A_849 = arith.constant 0 : i32
        %dma_start3A_850 = arith.constant 4 : i32
        %dma_start3A_851 = arith.constant 0 : i32
        %dma_start3A_852 = arith.constant 0 : i32
        %dma_start3A_853 = arith.constant 0 : i32
        %dma_start3A_854 = tpu.memref_slice %arg9[%dma_start3A_849, %dma_start3A_852, %dma_start3A_853] : memref<2x128x128xf32, #tpu.memory_space<vmem>> -> memref<1x128x128xf32, #tpu.memory_space<vmem>>
        %dma_start3A_855 = tpu.memref_squeeze %dma_start3A_854 : memref<1x128x128xf32, #tpu.memory_space<vmem>> -> memref<128x128xf32, #tpu.memory_space<vmem>>
        %dma_start3A_856 = arith.constant 0 : i32
        %dma_start3A_857 = tpu.memref_slice %arg8[%dma_start3A_850, %dma_start3A_856] : memref<16x128xi32, #tpu.memory_space<vmem>> -> memref<1x128xi32, #tpu.memory_space<vmem>>
        %dma_start3A_858 = tpu.memref_squeeze %dma_start3A_857 : memref<1x128xi32, #tpu.memory_space<vmem>> -> memref<128xi32, #tpu.memory_space<vmem>>
        %dma_start3A_859 = arith.constant 0 : i32
        %dma_start3A_860 = arith.constant 0 : i32
        %dma_start3A_861 = tpu.memref_slice %arg10[%dma_start3A_859, %dma_start3A_860] : memref<10240x128xf32, #tpu.memory_space<vmem_shared>> -> memref<10240x128xf32, #tpu.memory_space<vmem_shared>>
        %dma_start3A_862 = tpu.memref_slice %arg12[%dma_start3A_851] : memref<2x!tpu.dma_semaphore, #tpu.memory_space<semaphore_mem>> -> memref<1x!tpu.dma_semaphore, #tpu.memory_space<semaphore_mem>>
        %dma_start3A_863 = tpu.memref_squeeze %dma_start3A_862 : memref<1x!tpu.dma_semaphore, #tpu.memory_space<semaphore_mem>> -> memref<!tpu.dma_semaphore, #tpu.memory_space<semaphore_mem>>
        tpu.enqueue_indirect_dma source(%dma_start3A_855 : memref<128x128xf32, #tpu.memory_space<vmem>>) target(%dma_start3A_861 : memref<10240x128xf32, #tpu.memory_space<vmem_shared>>) offsets(%dma_start3A_858 : memref<128xi32, #tpu.memory_space<vmem>>) semaphore(%dma_start3A_863 : memref<!tpu.dma_semaphore, #tpu.memory_space<semaphore_mem>>) {add = true}
        %dma_wait3A_864 = arith.constant 0 : i32
        %dma_wait3A_865 = arith.constant 0 : i32
        %dma_wait3A_866 = arith.constant 0 : i32
        %dma_wait3A_867 = arith.constant 0 : i32
        %dma_wait3A_868 = arith.constant 0 : i32
        %dma_wait3A_869 = tpu.memref_slice %arg9[%dma_wait3A_864, %dma_wait3A_867, %dma_wait3A_868] : memref<2x128x128xf32, #tpu.memory_space<vmem>> -> memref<1x128x128xf32, #tpu.memory_space<vmem>>
        %dma_wait3A_870 = tpu.memref_squeeze %dma_wait3A_869 : memref<1x128x128xf32, #tpu.memory_space<vmem>> -> memref<128x128xf32, #tpu.memory_space<vmem>>
        %dma_wait3A_871 = arith.constant 0 : i32
        %dma_wait3A_872 = tpu.memref_slice %arg8[%dma_wait3A_865, %dma_wait3A_871] : memref<16x128xi32, #tpu.memory_space<vmem>> -> memref<1x128xi32, #tpu.memory_space<vmem>>
        %dma_wait3A_873 = tpu.memref_squeeze %dma_wait3A_872 : memref<1x128xi32, #tpu.memory_space<vmem>> -> memref<128xi32, #tpu.memory_space<vmem>>
        %dma_wait3A_874 = arith.constant 0 : i32
        %dma_wait3A_875 = arith.constant 0 : i32
        %dma_wait3A_876 = tpu.memref_slice %arg10[%dma_wait3A_874, %dma_wait3A_875] : memref<10240x128xf32, #tpu.memory_space<vmem_shared>> -> memref<10240x128xf32, #tpu.memory_space<vmem_shared>>
        %dma_wait3A_877 = tpu.memref_slice %arg12[%dma_wait3A_866] : memref<2x!tpu.dma_semaphore, #tpu.memory_space<semaphore_mem>> -> memref<1x!tpu.dma_semaphore, #tpu.memory_space<semaphore_mem>>
        %dma_wait3A_878 = tpu.memref_squeeze %dma_wait3A_877 : memref<1x!tpu.dma_semaphore, #tpu.memory_space<semaphore_mem>> -> memref<!tpu.dma_semaphore, #tpu.memory_space<semaphore_mem>>
        tpu.wait_indirect_dma semaphore(%dma_wait3A_878 : memref<!tpu.dma_semaphore, #tpu.memory_space<semaphore_mem>>) src(%dma_wait3A_870 : memref<128x128xf32, #tpu.memory_space<vmem>>) dst(%dma_wait3A_876 : memref<10240x128xf32, #tpu.memory_space<vmem_shared>>)
      } else {
      }
      %dma_start3A_297 = arith.constant 6 : i32
      %dma_start3A_298 = arith.constant 0 : i32
      %dma_start3A_299 = arith.constant 0 : i32
      %dma_start3A_300 = arith.constant 0 : i32
      %dma_start3A_301 = arith.constant 0 : i32
      %dma_start3A_302 = tpu.memref_slice %arg9[%dma_start3A_298, %dma_start3A_300, %dma_start3A_301] : memref<2x128x128xf32, #tpu.memory_space<vmem>> -> memref<1x128x128xf32, #tpu.memory_space<vmem>>
      %dma_start3A_303 = tpu.memref_squeeze %dma_start3A_302 : memref<1x128x128xf32, #tpu.memory_space<vmem>> -> memref<128x128xf32, #tpu.memory_space<vmem>>
      %dma_start3A_304 = arith.constant 0 : i32
      %dma_start3A_305 = tpu.memref_slice %arg7[%dma_start3A_297, %dma_start3A_304] : memref<16x128xi32, #tpu.memory_space<vmem>> -> memref<1x128xi32, #tpu.memory_space<vmem>>
      %dma_start3A_306 = tpu.memref_squeeze %dma_start3A_305 : memref<1x128xi32, #tpu.memory_space<vmem>> -> memref<128xi32, #tpu.memory_space<vmem>>
      %dma_start3A_307 = arith.constant 0 : i32
      %dma_start3A_308 = arith.constant 0 : i32
      %dma_start3A_309 = tpu.memref_slice %arg2[%dma_start3A_307, %dma_start3A_308] : memref<10240x128xf32, #tpu.memory_space<hbm>> -> memref<10240x128xf32, #tpu.memory_space<hbm>>
      %dma_start3A_310 = tpu.memref_slice %arg11[%dma_start3A_299] : memref<2x!tpu.dma_semaphore, #tpu.memory_space<semaphore_mem>> -> memref<1x!tpu.dma_semaphore, #tpu.memory_space<semaphore_mem>>
      %dma_start3A_311 = tpu.memref_squeeze %dma_start3A_310 : memref<1x!tpu.dma_semaphore, #tpu.memory_space<semaphore_mem>> -> memref<!tpu.dma_semaphore, #tpu.memory_space<semaphore_mem>>
      tpu.enqueue_indirect_dma source(%dma_start3A_309 : memref<10240x128xf32, #tpu.memory_space<hbm>>) target(%dma_start3A_303 : memref<128x128xf32, #tpu.memory_space<vmem>>) offsets(%dma_start3A_306 : memref<128xi32, #tpu.memory_space<vmem>>) semaphore(%dma_start3A_311 : memref<!tpu.dma_semaphore, #tpu.memory_space<semaphore_mem>>)
      %dma_wait3A_312 = arith.constant 5 : i32
      %dma_wait3A_313 = arith.constant 1 : i32
      %dma_wait3A_314 = arith.constant 1 : i32
      %dma_wait3A_315 = arith.constant 0 : i32
      %dma_wait3A_316 = arith.constant 0 : i32
      %dma_wait3A_317 = tpu.memref_slice %arg9[%dma_wait3A_313, %dma_wait3A_315, %dma_wait3A_316] : memref<2x128x128xf32, #tpu.memory_space<vmem>> -> memref<1x128x128xf32, #tpu.memory_space<vmem>>
      %dma_wait3A_318 = tpu.memref_squeeze %dma_wait3A_317 : memref<1x128x128xf32, #tpu.memory_space<vmem>> -> memref<128x128xf32, #tpu.memory_space<vmem>>
      %dma_wait3A_319 = arith.constant 0 : i32
      %dma_wait3A_320 = tpu.memref_slice %arg7[%dma_wait3A_312, %dma_wait3A_319] : memref<16x128xi32, #tpu.memory_space<vmem>> -> memref<1x128xi32, #tpu.memory_space<vmem>>
      %dma_wait3A_321 = tpu.memref_squeeze %dma_wait3A_320 : memref<1x128xi32, #tpu.memory_space<vmem>> -> memref<128xi32, #tpu.memory_space<vmem>>
      %dma_wait3A_322 = arith.constant 0 : i32
      %dma_wait3A_323 = arith.constant 0 : i32
      %dma_wait3A_324 = tpu.memref_slice %arg2[%dma_wait3A_322, %dma_wait3A_323] : memref<10240x128xf32, #tpu.memory_space<hbm>> -> memref<10240x128xf32, #tpu.memory_space<hbm>>
      %dma_wait3A_325 = tpu.memref_slice %arg11[%dma_wait3A_314] : memref<2x!tpu.dma_semaphore, #tpu.memory_space<semaphore_mem>> -> memref<1x!tpu.dma_semaphore, #tpu.memory_space<semaphore_mem>>
      %dma_wait3A_326 = tpu.memref_squeeze %dma_wait3A_325 : memref<1x!tpu.dma_semaphore, #tpu.memory_space<semaphore_mem>> -> memref<!tpu.dma_semaphore, #tpu.memory_space<semaphore_mem>>
      tpu.wait_indirect_dma semaphore(%dma_wait3A_326 : memref<!tpu.dma_semaphore, #tpu.memory_space<semaphore_mem>>) src(%dma_wait3A_324 : memref<10240x128xf32, #tpu.memory_space<hbm>>) dst(%dma_wait3A_318 : memref<128x128xf32, #tpu.memory_space<vmem>>)
      %mul3A_327 = arith.constant 8 : i32
      %mul3A_328 = arith.muli %add3A_86, %mul3A_327 : i32
      %add3A_329 = arith.constant 5 : i32
      %add3A_330 = arith.addi %mul3A_328, %add3A_329 : i32
      %lt3A_331 = arith.cmpi slt, %add3A_330, %max3A_7 : i32
      %convert_element_type3A_332 = arith.extui %lt3A_331 : i1 to i32
      %cond3A_333 = arith.constant 0 : i32
      %cond3A_334 = arith.cmpi ne, %convert_element_type3A_332, %cond3A_333 : i32
      scf.if %cond3A_334 {
        %dma_start3A_849 = arith.constant 1 : i32
        %dma_start3A_850 = arith.constant 5 : i32
        %dma_start3A_851 = arith.constant 1 : i32
        %dma_start3A_852 = arith.constant 0 : i32
        %dma_start3A_853 = arith.constant 0 : i32
        %dma_start3A_854 = tpu.memref_slice %arg9[%dma_start3A_849, %dma_start3A_852, %dma_start3A_853] : memref<2x128x128xf32, #tpu.memory_space<vmem>> -> memref<1x128x128xf32, #tpu.memory_space<vmem>>
        %dma_start3A_855 = tpu.memref_squeeze %dma_start3A_854 : memref<1x128x128xf32, #tpu.memory_space<vmem>> -> memref<128x128xf32, #tpu.memory_space<vmem>>
        %dma_start3A_856 = arith.constant 0 : i32
        %dma_start3A_857 = tpu.memref_slice %arg8[%dma_start3A_850, %dma_start3A_856] : memref<16x128xi32, #tpu.memory_space<vmem>> -> memref<1x128xi32, #tpu.memory_space<vmem>>
        %dma_start3A_858 = tpu.memref_squeeze %dma_start3A_857 : memref<1x128xi32, #tpu.memory_space<vmem>> -> memref<128xi32, #tpu.memory_space<vmem>>
        %dma_start3A_859 = arith.constant 0 : i32
        %dma_start3A_860 = arith.constant 0 : i32
        %dma_start3A_861 = tpu.memref_slice %arg10[%dma_start3A_859, %dma_start3A_860] : memref<10240x128xf32, #tpu.memory_space<vmem_shared>> -> memref<10240x128xf32, #tpu.memory_space<vmem_shared>>
        %dma_start3A_862 = tpu.memref_slice %arg12[%dma_start3A_851] : memref<2x!tpu.dma_semaphore, #tpu.memory_space<semaphore_mem>> -> memref<1x!tpu.dma_semaphore, #tpu.memory_space<semaphore_mem>>
        %dma_start3A_863 = tpu.memref_squeeze %dma_start3A_862 : memref<1x!tpu.dma_semaphore, #tpu.memory_space<semaphore_mem>> -> memref<!tpu.dma_semaphore, #tpu.memory_space<semaphore_mem>>
        tpu.enqueue_indirect_dma source(%dma_start3A_855 : memref<128x128xf32, #tpu.memory_space<vmem>>) target(%dma_start3A_861 : memref<10240x128xf32, #tpu.memory_space<vmem_shared>>) offsets(%dma_start3A_858 : memref<128xi32, #tpu.memory_space<vmem>>) semaphore(%dma_start3A_863 : memref<!tpu.dma_semaphore, #tpu.memory_space<semaphore_mem>>) {add = true}
        %dma_wait3A_864 = arith.constant 1 : i32
        %dma_wait3A_865 = arith.constant 0 : i32
        %dma_wait3A_866 = arith.constant 1 : i32
        %dma_wait3A_867 = arith.constant 0 : i32
        %dma_wait3A_868 = arith.constant 0 : i32
        %dma_wait3A_869 = tpu.memref_slice %arg9[%dma_wait3A_864, %dma_wait3A_867, %dma_wait3A_868] : memref<2x128x128xf32, #tpu.memory_space<vmem>> -> memref<1x128x128xf32, #tpu.memory_space<vmem>>
        %dma_wait3A_870 = tpu.memref_squeeze %dma_wait3A_869 : memref<1x128x128xf32, #tpu.memory_space<vmem>> -> memref<128x128xf32, #tpu.memory_space<vmem>>
        %dma_wait3A_871 = arith.constant 0 : i32
        %dma_wait3A_872 = tpu.memref_slice %arg8[%dma_wait3A_865, %dma_wait3A_871] : memref<16x128xi32, #tpu.memory_space<vmem>> -> memref<1x128xi32, #tpu.memory_space<vmem>>
        %dma_wait3A_873 = tpu.memref_squeeze %dma_wait3A_872 : memref<1x128xi32, #tpu.memory_space<vmem>> -> memref<128xi32, #tpu.memory_space<vmem>>
        %dma_wait3A_874 = arith.constant 0 : i32
        %dma_wait3A_875 = arith.constant 0 : i32
        %dma_wait3A_876 = tpu.memref_slice %arg10[%dma_wait3A_874, %dma_wait3A_875] : memref<10240x128xf32, #tpu.memory_space<vmem_shared>> -> memref<10240x128xf32, #tpu.memory_space<vmem_shared>>
        %dma_wait3A_877 = tpu.memref_slice %arg12[%dma_wait3A_866] : memref<2x!tpu.dma_semaphore, #tpu.memory_space<semaphore_mem>> -> memref<1x!tpu.dma_semaphore, #tpu.memory_space<semaphore_mem>>
        %dma_wait3A_878 = tpu.memref_squeeze %dma_wait3A_877 : memref<1x!tpu.dma_semaphore, #tpu.memory_space<semaphore_mem>> -> memref<!tpu.dma_semaphore, #tpu.memory_space<semaphore_mem>>
        tpu.wait_indirect_dma semaphore(%dma_wait3A_878 : memref<!tpu.dma_semaphore, #tpu.memory_space<semaphore_mem>>) src(%dma_wait3A_870 : memref<128x128xf32, #tpu.memory_space<vmem>>) dst(%dma_wait3A_876 : memref<10240x128xf32, #tpu.memory_space<vmem_shared>>)
      } else {
      }
      %dma_start3A_335 = arith.constant 7 : i32
      %dma_start3A_336 = arith.constant 1 : i32
      %dma_start3A_337 = arith.constant 1 : i32
      %dma_start3A_338 = arith.constant 0 : i32
      %dma_start3A_339 = arith.constant 0 : i32
      %dma_start3A_340 = tpu.memref_slice %arg9[%dma_start3A_336, %dma_start3A_338, %dma_start3A_339] : memref<2x128x128xf32, #tpu.memory_space<vmem>> -> memref<1x128x128xf32, #tpu.memory_space<vmem>>
      %dma_start3A_341 = tpu.memref_squeeze %dma_start3A_340 : memref<1x128x128xf32, #tpu.memory_space<vmem>> -> memref<128x128xf32, #tpu.memory_space<vmem>>
      %dma_start3A_342 = arith.constant 0 : i32
      %dma_start3A_343 = tpu.memref_slice %arg7[%dma_start3A_335, %dma_start3A_342] : memref<16x128xi32, #tpu.memory_space<vmem>> -> memref<1x128xi32, #tpu.memory_space<vmem>>
      %dma_start3A_344 = tpu.memref_squeeze %dma_start3A_343 : memref<1x128xi32, #tpu.memory_space<vmem>> -> memref<128xi32, #tpu.memory_space<vmem>>
      %dma_start3A_345 = arith.constant 0 : i32
      %dma_start3A_346 = arith.constant 0 : i32
      %dma_start3A_347 = tpu.memref_slice %arg2[%dma_start3A_345, %dma_start3A_346] : memref<10240x128xf32, #tpu.memory_space<hbm>> -> memref<10240x128xf32, #tpu.memory_space<hbm>>
      %dma_start3A_348 = tpu.memref_slice %arg11[%dma_start3A_337] : memref<2x!tpu.dma_semaphore, #tpu.memory_space<semaphore_mem>> -> memref<1x!tpu.dma_semaphore, #tpu.memory_space<semaphore_mem>>
      %dma_start3A_349 = tpu.memref_squeeze %dma_start3A_348 : memref<1x!tpu.dma_semaphore, #tpu.memory_space<semaphore_mem>> -> memref<!tpu.dma_semaphore, #tpu.memory_space<semaphore_mem>>
      tpu.enqueue_indirect_dma source(%dma_start3A_347 : memref<10240x128xf32, #tpu.memory_space<hbm>>) target(%dma_start3A_341 : memref<128x128xf32, #tpu.memory_space<vmem>>) offsets(%dma_start3A_344 : memref<128xi32, #tpu.memory_space<vmem>>) semaphore(%dma_start3A_349 : memref<!tpu.dma_semaphore, #tpu.memory_space<semaphore_mem>>)
      %add3A_350 = arith.constant 1 : i32
      %add3A_351 = arith.addi %add3A_86, %add3A_350 : i32
      %mul3A_352 = arith.constant 80 : i32
      %mul3A_353 = arith.muli %add3A, %mul3A_352 : i32
      %mul3A_354 = arith.constant 8 : i32
      %mul3A_355 = arith.muli %add3A_351, %mul3A_354 : i32
      %add3A_356 = arith.addi %mul3A_353, %mul3A_355 : i32
      %dma_wait3A_357 = arith.constant 1 : i32
      %dma_wait3A_358 = arith.constant 8 : i32
      %dma_wait3A_359 = arith.constant 0 : i32
      %dma_wait3A_360 = tpu.memref_slice %arg7[%dma_wait3A_358, %dma_wait3A_359] : memref<16x128xi32, #tpu.memory_space<vmem>> -> memref<8x128xi32, #tpu.memory_space<vmem>>
      %dma_wait3A_361 = arith.constant 0 : i32
      %dma_wait3A_362 = tpu.memref_slice %arg3[%add3A_356, %dma_wait3A_361] : memref<2576x128xi32, #tpu.memory_space<hbm>> -> memref<8x128xi32, #tpu.memory_space<hbm>>
      %dma_wait3A_363 = tpu.memref_slice %arg13[%dma_wait3A_357] : memref<2x!tpu.dma_semaphore, #tpu.memory_space<semaphore_mem>> -> memref<1x!tpu.dma_semaphore, #tpu.memory_space<semaphore_mem>>
      %dma_wait3A_364 = tpu.memref_squeeze %dma_wait3A_363 : memref<1x!tpu.dma_semaphore, #tpu.memory_space<semaphore_mem>> -> memref<!tpu.dma_semaphore, #tpu.memory_space<semaphore_mem>>
      %dma_wait3A_365 = arith.constant 8 : i32
      %dma_wait3A_366 = arith.constant 0 : i32
      %dma_wait3A_367 = tpu.memref_slice %arg7[%dma_wait3A_365, %dma_wait3A_366] : memref<16x128xi32, #tpu.memory_space<vmem>> -> memref<8x128xi32, #tpu.memory_space<vmem>>
      %dma_wait3A_368 = arith.constant 0 : i32
      %dma_wait3A_369 = tpu.memref_slice %arg3[%add3A_356, %dma_wait3A_368] : memref<2576x128xi32, #tpu.memory_space<hbm>> -> memref<8x128xi32, #tpu.memory_space<hbm>>
      tpu.wait_dma2 semaphore(%dma_wait3A_364 : memref<!tpu.dma_semaphore, #tpu.memory_space<semaphore_mem>>) src(%dma_wait3A_369 : memref<8x128xi32, #tpu.memory_space<hbm>>) dst(%dma_wait3A_367 : memref<8x128xi32, #tpu.memory_space<vmem>>)
      %mul3A_370 = arith.constant 80 : i32
      %mul3A_371 = arith.muli %add3A, %mul3A_370 : i32
      %mul3A_372 = arith.constant 8 : i32
      %mul3A_373 = arith.muli %add3A_351, %mul3A_372 : i32
      %add3A_374 = arith.addi %mul3A_371, %mul3A_373 : i32
      %dma_wait3A_375 = arith.constant 1 : i32
      %dma_wait3A_376 = arith.constant 8 : i32
      %dma_wait3A_377 = arith.constant 0 : i32
      %dma_wait3A_378 = tpu.memref_slice %arg8[%dma_wait3A_376, %dma_wait3A_377] : memref<16x128xi32, #tpu.memory_space<vmem>> -> memref<8x128xi32, #tpu.memory_space<vmem>>
      %dma_wait3A_379 = arith.constant 0 : i32
      %dma_wait3A_380 = tpu.memref_slice %arg4[%add3A_374, %dma_wait3A_379] : memref<2576x128xi32, #tpu.memory_space<hbm>> -> memref<8x128xi32, #tpu.memory_space<hbm>>
      %dma_wait3A_381 = tpu.memref_slice %arg14[%dma_wait3A_375] : memref<2x!tpu.dma_semaphore, #tpu.memory_space<semaphore_mem>> -> memref<1x!tpu.dma_semaphore, #tpu.memory_space<semaphore_mem>>
      %dma_wait3A_382 = tpu.memref_squeeze %dma_wait3A_381 : memref<1x!tpu.dma_semaphore, #tpu.memory_space<semaphore_mem>> -> memref<!tpu.dma_semaphore, #tpu.memory_space<semaphore_mem>>
      %dma_wait3A_383 = arith.constant 8 : i32
      %dma_wait3A_384 = arith.constant 0 : i32
      %dma_wait3A_385 = tpu.memref_slice %arg8[%dma_wait3A_383, %dma_wait3A_384] : memref<16x128xi32, #tpu.memory_space<vmem>> -> memref<8x128xi32, #tpu.memory_space<vmem>>
      %dma_wait3A_386 = arith.constant 0 : i32
      %dma_wait3A_387 = tpu.memref_slice %arg4[%add3A_374, %dma_wait3A_386] : memref<2576x128xi32, #tpu.memory_space<hbm>> -> memref<8x128xi32, #tpu.memory_space<hbm>>
      tpu.wait_dma2 semaphore(%dma_wait3A_382 : memref<!tpu.dma_semaphore, #tpu.memory_space<semaphore_mem>>) src(%dma_wait3A_387 : memref<8x128xi32, #tpu.memory_space<hbm>>) dst(%dma_wait3A_385 : memref<8x128xi32, #tpu.memory_space<vmem>>)
      %dma_wait3A_388 = arith.constant 6 : i32
      %dma_wait3A_389 = arith.constant 0 : i32
      %dma_wait3A_390 = arith.constant 0 : i32
      %dma_wait3A_391 = arith.constant 0 : i32
      %dma_wait3A_392 = arith.constant 0 : i32
      %dma_wait3A_393 = tpu.memref_slice %arg9[%dma_wait3A_389, %dma_wait3A_391, %dma_wait3A_392] : memref<2x128x128xf32, #tpu.memory_space<vmem>> -> memref<1x128x128xf32, #tpu.memory_space<vmem>>
      %dma_wait3A_394 = tpu.memref_squeeze %dma_wait3A_393 : memref<1x128x128xf32, #tpu.memory_space<vmem>> -> memref<128x128xf32, #tpu.memory_space<vmem>>
      %dma_wait3A_395 = arith.constant 0 : i32
      %dma_wait3A_396 = tpu.memref_slice %arg7[%dma_wait3A_388, %dma_wait3A_395] : memref<16x128xi32, #tpu.memory_space<vmem>> -> memref<1x128xi32, #tpu.memory_space<vmem>>
      %dma_wait3A_397 = tpu.memref_squeeze %dma_wait3A_396 : memref<1x128xi32, #tpu.memory_space<vmem>> -> memref<128xi32, #tpu.memory_space<vmem>>
      %dma_wait3A_398 = arith.constant 0 : i32
      %dma_wait3A_399 = arith.constant 0 : i32
      %dma_wait3A_400 = tpu.memref_slice %arg2[%dma_wait3A_398, %dma_wait3A_399] : memref<10240x128xf32, #tpu.memory_space<hbm>> -> memref<10240x128xf32, #tpu.memory_space<hbm>>
      %dma_wait3A_401 = tpu.memref_slice %arg11[%dma_wait3A_390] : memref<2x!tpu.dma_semaphore, #tpu.memory_space<semaphore_mem>> -> memref<1x!tpu.dma_semaphore, #tpu.memory_space<semaphore_mem>>
      %dma_wait3A_402 = tpu.memref_squeeze %dma_wait3A_401 : memref<1x!tpu.dma_semaphore, #tpu.memory_space<semaphore_mem>> -> memref<!tpu.dma_semaphore, #tpu.memory_space<semaphore_mem>>
      tpu.wait_indirect_dma semaphore(%dma_wait3A_402 : memref<!tpu.dma_semaphore, #tpu.memory_space<semaphore_mem>>) src(%dma_wait3A_400 : memref<10240x128xf32, #tpu.memory_space<hbm>>) dst(%dma_wait3A_394 : memref<128x128xf32, #tpu.memory_space<vmem>>)
      %mul3A_403 = arith.constant 8 : i32
      %mul3A_404 = arith.muli %add3A_86, %mul3A_403 : i32
      %add3A_405 = arith.constant 6 : i32
      %add3A_406 = arith.addi %mul3A_404, %add3A_405 : i32
      %lt3A_407 = arith.cmpi slt, %add3A_406, %max3A_7 : i32
      %convert_element_type3A_408 = arith.extui %lt3A_407 : i1 to i32
      %cond3A_409 = arith.constant 0 : i32
      %cond3A_410 = arith.cmpi ne, %convert_element_type3A_408, %cond3A_409 : i32
      scf.if %cond3A_410 {
        %dma_start3A_849 = arith.constant 0 : i32
        %dma_start3A_850 = arith.constant 6 : i32
        %dma_start3A_851 = arith.constant 0 : i32
        %dma_start3A_852 = arith.constant 0 : i32
        %dma_start3A_853 = arith.constant 0 : i32
        %dma_start3A_854 = tpu.memref_slice %arg9[%dma_start3A_849, %dma_start3A_852, %dma_start3A_853] : memref<2x128x128xf32, #tpu.memory_space<vmem>> -> memref<1x128x128xf32, #tpu.memory_space<vmem>>
        %dma_start3A_855 = tpu.memref_squeeze %dma_start3A_854 : memref<1x128x128xf32, #tpu.memory_space<vmem>> -> memref<128x128xf32, #tpu.memory_space<vmem>>
        %dma_start3A_856 = arith.constant 0 : i32
        %dma_start3A_857 = tpu.memref_slice %arg8[%dma_start3A_850, %dma_start3A_856] : memref<16x128xi32, #tpu.memory_space<vmem>> -> memref<1x128xi32, #tpu.memory_space<vmem>>
        %dma_start3A_858 = tpu.memref_squeeze %dma_start3A_857 : memref<1x128xi32, #tpu.memory_space<vmem>> -> memref<128xi32, #tpu.memory_space<vmem>>
        %dma_start3A_859 = arith.constant 0 : i32
        %dma_start3A_860 = arith.constant 0 : i32
        %dma_start3A_861 = tpu.memref_slice %arg10[%dma_start3A_859, %dma_start3A_860] : memref<10240x128xf32, #tpu.memory_space<vmem_shared>> -> memref<10240x128xf32, #tpu.memory_space<vmem_shared>>
        %dma_start3A_862 = tpu.memref_slice %arg12[%dma_start3A_851] : memref<2x!tpu.dma_semaphore, #tpu.memory_space<semaphore_mem>> -> memref<1x!tpu.dma_semaphore, #tpu.memory_space<semaphore_mem>>
        %dma_start3A_863 = tpu.memref_squeeze %dma_start3A_862 : memref<1x!tpu.dma_semaphore, #tpu.memory_space<semaphore_mem>> -> memref<!tpu.dma_semaphore, #tpu.memory_space<semaphore_mem>>
        tpu.enqueue_indirect_dma source(%dma_start3A_855 : memref<128x128xf32, #tpu.memory_space<vmem>>) target(%dma_start3A_861 : memref<10240x128xf32, #tpu.memory_space<vmem_shared>>) offsets(%dma_start3A_858 : memref<128xi32, #tpu.memory_space<vmem>>) semaphore(%dma_start3A_863 : memref<!tpu.dma_semaphore, #tpu.memory_space<semaphore_mem>>) {add = true}
        %dma_wait3A_864 = arith.constant 0 : i32
        %dma_wait3A_865 = arith.constant 0 : i32
        %dma_wait3A_866 = arith.constant 0 : i32
        %dma_wait3A_867 = arith.constant 0 : i32
        %dma_wait3A_868 = arith.constant 0 : i32
        %dma_wait3A_869 = tpu.memref_slice %arg9[%dma_wait3A_864, %dma_wait3A_867, %dma_wait3A_868] : memref<2x128x128xf32, #tpu.memory_space<vmem>> -> memref<1x128x128xf32, #tpu.memory_space<vmem>>
        %dma_wait3A_870 = tpu.memref_squeeze %dma_wait3A_869 : memref<1x128x128xf32, #tpu.memory_space<vmem>> -> memref<128x128xf32, #tpu.memory_space<vmem>>
        %dma_wait3A_871 = arith.constant 0 : i32
        %dma_wait3A_872 = tpu.memref_slice %arg8[%dma_wait3A_865, %dma_wait3A_871] : memref<16x128xi32, #tpu.memory_space<vmem>> -> memref<1x128xi32, #tpu.memory_space<vmem>>
        %dma_wait3A_873 = tpu.memref_squeeze %dma_wait3A_872 : memref<1x128xi32, #tpu.memory_space<vmem>> -> memref<128xi32, #tpu.memory_space<vmem>>
        %dma_wait3A_874 = arith.constant 0 : i32
        %dma_wait3A_875 = arith.constant 0 : i32
        %dma_wait3A_876 = tpu.memref_slice %arg10[%dma_wait3A_874, %dma_wait3A_875] : memref<10240x128xf32, #tpu.memory_space<vmem_shared>> -> memref<10240x128xf32, #tpu.memory_space<vmem_shared>>
        %dma_wait3A_877 = tpu.memref_slice %arg12[%dma_wait3A_866] : memref<2x!tpu.dma_semaphore, #tpu.memory_space<semaphore_mem>> -> memref<1x!tpu.dma_semaphore, #tpu.memory_space<semaphore_mem>>
        %dma_wait3A_878 = tpu.memref_squeeze %dma_wait3A_877 : memref<1x!tpu.dma_semaphore, #tpu.memory_space<semaphore_mem>> -> memref<!tpu.dma_semaphore, #tpu.memory_space<semaphore_mem>>
        tpu.wait_indirect_dma semaphore(%dma_wait3A_878 : memref<!tpu.dma_semaphore, #tpu.memory_space<semaphore_mem>>) src(%dma_wait3A_870 : memref<128x128xf32, #tpu.memory_space<vmem>>) dst(%dma_wait3A_876 : memref<10240x128xf32, #tpu.memory_space<vmem_shared>>)
      } else {
      }
      %dma_start3A_411 = arith.constant 8 : i32
      %dma_start3A_412 = arith.constant 0 : i32
      %dma_start3A_413 = arith.constant 0 : i32
      %dma_start3A_414 = arith.constant 0 : i32
      %dma_start3A_415 = arith.constant 0 : i32
      %dma_start3A_416 = tpu.memref_slice %arg9[%dma_start3A_412, %dma_start3A_414, %dma_start3A_415] : memref<2x128x128xf32, #tpu.memory_space<vmem>> -> memref<1x128x128xf32, #tpu.memory_space<vmem>>
      %dma_start3A_417 = tpu.memref_squeeze %dma_start3A_416 : memref<1x128x128xf32, #tpu.memory_space<vmem>> -> memref<128x128xf32, #tpu.memory_space<vmem>>
      %dma_start3A_418 = arith.constant 0 : i32
      %dma_start3A_419 = tpu.memref_slice %arg7[%dma_start3A_411, %dma_start3A_418] : memref<16x128xi32, #tpu.memory_space<vmem>> -> memref<1x128xi32, #tpu.memory_space<vmem>>
      %dma_start3A_420 = tpu.memref_squeeze %dma_start3A_419 : memref<1x128xi32, #tpu.memory_space<vmem>> -> memref<128xi32, #tpu.memory_space<vmem>>
      %dma_start3A_421 = arith.constant 0 : i32
      %dma_start3A_422 = arith.constant 0 : i32
      %dma_start3A_423 = tpu.memref_slice %arg2[%dma_start3A_421, %dma_start3A_422] : memref<10240x128xf32, #tpu.memory_space<hbm>> -> memref<10240x128xf32, #tpu.memory_space<hbm>>
      %dma_start3A_424 = tpu.memref_slice %arg11[%dma_start3A_413] : memref<2x!tpu.dma_semaphore, #tpu.memory_space<semaphore_mem>> -> memref<1x!tpu.dma_semaphore, #tpu.memory_space<semaphore_mem>>
      %dma_start3A_425 = tpu.memref_squeeze %dma_start3A_424 : memref<1x!tpu.dma_semaphore, #tpu.memory_space<semaphore_mem>> -> memref<!tpu.dma_semaphore, #tpu.memory_space<semaphore_mem>>
      tpu.enqueue_indirect_dma source(%dma_start3A_423 : memref<10240x128xf32, #tpu.memory_space<hbm>>) target(%dma_start3A_417 : memref<128x128xf32, #tpu.memory_space<vmem>>) offsets(%dma_start3A_420 : memref<128xi32, #tpu.memory_space<vmem>>) semaphore(%dma_start3A_425 : memref<!tpu.dma_semaphore, #tpu.memory_space<semaphore_mem>>)
      %dma_wait3A_426 = arith.constant 7 : i32
      %dma_wait3A_427 = arith.constant 1 : i32
      %dma_wait3A_428 = arith.constant 1 : i32
      %dma_wait3A_429 = arith.constant 0 : i32
      %dma_wait3A_430 = arith.constant 0 : i32
      %dma_wait3A_431 = tpu.memref_slice %arg9[%dma_wait3A_427, %dma_wait3A_429, %dma_wait3A_430] : memref<2x128x128xf32, #tpu.memory_space<vmem>> -> memref<1x128x128xf32, #tpu.memory_space<vmem>>
      %dma_wait3A_432 = tpu.memref_squeeze %dma_wait3A_431 : memref<1x128x128xf32, #tpu.memory_space<vmem>> -> memref<128x128xf32, #tpu.memory_space<vmem>>
      %dma_wait3A_433 = arith.constant 0 : i32
      %dma_wait3A_434 = tpu.memref_slice %arg7[%dma_wait3A_426, %dma_wait3A_433] : memref<16x128xi32, #tpu.memory_space<vmem>> -> memref<1x128xi32, #tpu.memory_space<vmem>>
      %dma_wait3A_435 = tpu.memref_squeeze %dma_wait3A_434 : memref<1x128xi32, #tpu.memory_space<vmem>> -> memref<128xi32, #tpu.memory_space<vmem>>
      %dma_wait3A_436 = arith.constant 0 : i32
      %dma_wait3A_437 = arith.constant 0 : i32
      %dma_wait3A_438 = tpu.memref_slice %arg2[%dma_wait3A_436, %dma_wait3A_437] : memref<10240x128xf32, #tpu.memory_space<hbm>> -> memref<10240x128xf32, #tpu.memory_space<hbm>>
      %dma_wait3A_439 = tpu.memref_slice %arg11[%dma_wait3A_428] : memref<2x!tpu.dma_semaphore, #tpu.memory_space<semaphore_mem>> -> memref<1x!tpu.dma_semaphore, #tpu.memory_space<semaphore_mem>>
      %dma_wait3A_440 = tpu.memref_squeeze %dma_wait3A_439 : memref<1x!tpu.dma_semaphore, #tpu.memory_space<semaphore_mem>> -> memref<!tpu.dma_semaphore, #tpu.memory_space<semaphore_mem>>
      tpu.wait_indirect_dma semaphore(%dma_wait3A_440 : memref<!tpu.dma_semaphore, #tpu.memory_space<semaphore_mem>>) src(%dma_wait3A_438 : memref<10240x128xf32, #tpu.memory_space<hbm>>) dst(%dma_wait3A_432 : memref<128x128xf32, #tpu.memory_space<vmem>>)
      %mul3A_441 = arith.constant 8 : i32
      %mul3A_442 = arith.muli %add3A_86, %mul3A_441 : i32
      %add3A_443 = arith.constant 7 : i32
      %add3A_444 = arith.addi %mul3A_442, %add3A_443 : i32
      %lt3A_445 = arith.cmpi slt, %add3A_444, %max3A_7 : i32
      %convert_element_type3A_446 = arith.extui %lt3A_445 : i1 to i32
      %cond3A_447 = arith.constant 0 : i32
      %cond3A_448 = arith.cmpi ne, %convert_element_type3A_446, %cond3A_447 : i32
      scf.if %cond3A_448 {
        %dma_start3A_849 = arith.constant 1 : i32
        %dma_start3A_850 = arith.constant 7 : i32
        %dma_start3A_851 = arith.constant 1 : i32
        %dma_start3A_852 = arith.constant 0 : i32
        %dma_start3A_853 = arith.constant 0 : i32
        %dma_start3A_854 = tpu.memref_slice %arg9[%dma_start3A_849, %dma_start3A_852, %dma_start3A_853] : memref<2x128x128xf32, #tpu.memory_space<vmem>> -> memref<1x128x128xf32, #tpu.memory_space<vmem>>
        %dma_start3A_855 = tpu.memref_squeeze %dma_start3A_854 : memref<1x128x128xf32, #tpu.memory_space<vmem>> -> memref<128x128xf32, #tpu.memory_space<vmem>>
        %dma_start3A_856 = arith.constant 0 : i32
        %dma_start3A_857 = tpu.memref_slice %arg8[%dma_start3A_850, %dma_start3A_856] : memref<16x128xi32, #tpu.memory_space<vmem>> -> memref<1x128xi32, #tpu.memory_space<vmem>>
        %dma_start3A_858 = tpu.memref_squeeze %dma_start3A_857 : memref<1x128xi32, #tpu.memory_space<vmem>> -> memref<128xi32, #tpu.memory_space<vmem>>
        %dma_start3A_859 = arith.constant 0 : i32
        %dma_start3A_860 = arith.constant 0 : i32
        %dma_start3A_861 = tpu.memref_slice %arg10[%dma_start3A_859, %dma_start3A_860] : memref<10240x128xf32, #tpu.memory_space<vmem_shared>> -> memref<10240x128xf32, #tpu.memory_space<vmem_shared>>
        %dma_start3A_862 = tpu.memref_slice %arg12[%dma_start3A_851] : memref<2x!tpu.dma_semaphore, #tpu.memory_space<semaphore_mem>> -> memref<1x!tpu.dma_semaphore, #tpu.memory_space<semaphore_mem>>
        %dma_start3A_863 = tpu.memref_squeeze %dma_start3A_862 : memref<1x!tpu.dma_semaphore, #tpu.memory_space<semaphore_mem>> -> memref<!tpu.dma_semaphore, #tpu.memory_space<semaphore_mem>>
        tpu.enqueue_indirect_dma source(%dma_start3A_855 : memref<128x128xf32, #tpu.memory_space<vmem>>) target(%dma_start3A_861 : memref<10240x128xf32, #tpu.memory_space<vmem_shared>>) offsets(%dma_start3A_858 : memref<128xi32, #tpu.memory_space<vmem>>) semaphore(%dma_start3A_863 : memref<!tpu.dma_semaphore, #tpu.memory_space<semaphore_mem>>) {add = true}
        %dma_wait3A_864 = arith.constant 1 : i32
        %dma_wait3A_865 = arith.constant 0 : i32
        %dma_wait3A_866 = arith.constant 1 : i32
        %dma_wait3A_867 = arith.constant 0 : i32
        %dma_wait3A_868 = arith.constant 0 : i32
        %dma_wait3A_869 = tpu.memref_slice %arg9[%dma_wait3A_864, %dma_wait3A_867, %dma_wait3A_868] : memref<2x128x128xf32, #tpu.memory_space<vmem>> -> memref<1x128x128xf32, #tpu.memory_space<vmem>>
        %dma_wait3A_870 = tpu.memref_squeeze %dma_wait3A_869 : memref<1x128x128xf32, #tpu.memory_space<vmem>> -> memref<128x128xf32, #tpu.memory_space<vmem>>
        %dma_wait3A_871 = arith.constant 0 : i32
        %dma_wait3A_872 = tpu.memref_slice %arg8[%dma_wait3A_865, %dma_wait3A_871] : memref<16x128xi32, #tpu.memory_space<vmem>> -> memref<1x128xi32, #tpu.memory_space<vmem>>
        %dma_wait3A_873 = tpu.memref_squeeze %dma_wait3A_872 : memref<1x128xi32, #tpu.memory_space<vmem>> -> memref<128xi32, #tpu.memory_space<vmem>>
        %dma_wait3A_874 = arith.constant 0 : i32
        %dma_wait3A_875 = arith.constant 0 : i32
        %dma_wait3A_876 = tpu.memref_slice %arg10[%dma_wait3A_874, %dma_wait3A_875] : memref<10240x128xf32, #tpu.memory_space<vmem_shared>> -> memref<10240x128xf32, #tpu.memory_space<vmem_shared>>
        %dma_wait3A_877 = tpu.memref_slice %arg12[%dma_wait3A_866] : memref<2x!tpu.dma_semaphore, #tpu.memory_space<semaphore_mem>> -> memref<1x!tpu.dma_semaphore, #tpu.memory_space<semaphore_mem>>
        %dma_wait3A_878 = tpu.memref_squeeze %dma_wait3A_877 : memref<1x!tpu.dma_semaphore, #tpu.memory_space<semaphore_mem>> -> memref<!tpu.dma_semaphore, #tpu.memory_space<semaphore_mem>>
        tpu.wait_indirect_dma semaphore(%dma_wait3A_878 : memref<!tpu.dma_semaphore, #tpu.memory_space<semaphore_mem>>) src(%dma_wait3A_870 : memref<128x128xf32, #tpu.memory_space<vmem>>) dst(%dma_wait3A_876 : memref<10240x128xf32, #tpu.memory_space<vmem_shared>>)
      } else {
      }
      %dma_start3A_449 = arith.constant 9 : i32
      %dma_start3A_450 = arith.constant 1 : i32
      %dma_start3A_451 = arith.constant 1 : i32
      %dma_start3A_452 = arith.constant 0 : i32
      %dma_start3A_453 = arith.constant 0 : i32
      %dma_start3A_454 = tpu.memref_slice %arg9[%dma_start3A_450, %dma_start3A_452, %dma_start3A_453] : memref<2x128x128xf32, #tpu.memory_space<vmem>> -> memref<1x128x128xf32, #tpu.memory_space<vmem>>
      %dma_start3A_455 = tpu.memref_squeeze %dma_start3A_454 : memref<1x128x128xf32, #tpu.memory_space<vmem>> -> memref<128x128xf32, #tpu.memory_space<vmem>>
      %dma_start3A_456 = arith.constant 0 : i32
      %dma_start3A_457 = tpu.memref_slice %arg7[%dma_start3A_449, %dma_start3A_456] : memref<16x128xi32, #tpu.memory_space<vmem>> -> memref<1x128xi32, #tpu.memory_space<vmem>>
      %dma_start3A_458 = tpu.memref_squeeze %dma_start3A_457 : memref<1x128xi32, #tpu.memory_space<vmem>> -> memref<128xi32, #tpu.memory_space<vmem>>
      %dma_start3A_459 = arith.constant 0 : i32
      %dma_start3A_460 = arith.constant 0 : i32
      %dma_start3A_461 = tpu.memref_slice %arg2[%dma_start3A_459, %dma_start3A_460] : memref<10240x128xf32, #tpu.memory_space<hbm>> -> memref<10240x128xf32, #tpu.memory_space<hbm>>
      %dma_start3A_462 = tpu.memref_slice %arg11[%dma_start3A_451] : memref<2x!tpu.dma_semaphore, #tpu.memory_space<semaphore_mem>> -> memref<1x!tpu.dma_semaphore, #tpu.memory_space<semaphore_mem>>
      %dma_start3A_463 = tpu.memref_squeeze %dma_start3A_462 : memref<1x!tpu.dma_semaphore, #tpu.memory_space<semaphore_mem>> -> memref<!tpu.dma_semaphore, #tpu.memory_space<semaphore_mem>>
      tpu.enqueue_indirect_dma source(%dma_start3A_461 : memref<10240x128xf32, #tpu.memory_space<hbm>>) target(%dma_start3A_455 : memref<128x128xf32, #tpu.memory_space<vmem>>) offsets(%dma_start3A_458 : memref<128xi32, #tpu.memory_space<vmem>>) semaphore(%dma_start3A_463 : memref<!tpu.dma_semaphore, #tpu.memory_space<semaphore_mem>>)
      %mul3A_464 = arith.constant 2 : i32
      %mul3A_465 = arith.muli %mul3A_464, %scan3A_81 : i32
      %add3A_466 = arith.constant 1 : i32
      %add3A_467 = arith.addi %mul3A_465, %add3A_466 : i32
      %add3A_468 = arith.constant 1 : i32
      %add3A_469 = arith.addi %add3A_467, %add3A_468 : i32
      %mul3A_470 = arith.constant 80 : i32
      %mul3A_471 = arith.muli %add3A, %mul3A_470 : i32
      %mul3A_472 = arith.constant 8 : i32
      %mul3A_473 = arith.muli %add3A_469, %mul3A_472 : i32
      %add3A_474 = arith.addi %mul3A_471, %mul3A_473 : i32
      %mul3A_475 = arith.constant 80 : i32
      %mul3A_476 = arith.muli %add3A, %mul3A_475 : i32
      %mul3A_477 = arith.constant 8 : i32
      %mul3A_478 = arith.muli %add3A_469, %mul3A_477 : i32
      %add3A_479 = arith.addi %mul3A_476, %mul3A_478 : i32
      %dma_start3A_480 = arith.constant 0 : i32
      %dma_start3A_481 = arith.constant 0 : i32
      %dma_start3A_482 = arith.constant 0 : i32
      %dma_start3A_483 = tpu.memref_slice %arg7[%dma_start3A_481, %dma_start3A_482] : memref<16x128xi32, #tpu.memory_space<vmem>> -> memref<8x128xi32, #tpu.memory_space<vmem>>
      %dma_start3A_484 = arith.constant 0 : i32
      %dma_start3A_485 = tpu.memref_slice %arg3[%add3A_474, %dma_start3A_484] : memref<2576x128xi32, #tpu.memory_space<hbm>> -> memref<8x128xi32, #tpu.memory_space<hbm>>
      %dma_start3A_486 = tpu.memref_slice %arg13[%dma_start3A_480] : memref<2x!tpu.dma_semaphore, #tpu.memory_space<semaphore_mem>> -> memref<1x!tpu.dma_semaphore, #tpu.memory_space<semaphore_mem>>
      %dma_start3A_487 = tpu.memref_squeeze %dma_start3A_486 : memref<1x!tpu.dma_semaphore, #tpu.memory_space<semaphore_mem>> -> memref<!tpu.dma_semaphore, #tpu.memory_space<semaphore_mem>>
      %dma_start3A_488 = arith.constant 0 : i32
      %dma_start3A_489 = arith.constant 0 : i32
      %dma_start3A_490 = tpu.memref_slice %arg7[%dma_start3A_488, %dma_start3A_489] : memref<16x128xi32, #tpu.memory_space<vmem>> -> memref<8x128xi32, #tpu.memory_space<vmem>>
      %dma_start3A_491 = arith.constant 0 : i32
      %dma_start3A_492 = tpu.memref_slice %arg3[%add3A_474, %dma_start3A_491] : memref<2576x128xi32, #tpu.memory_space<hbm>> -> memref<8x128xi32, #tpu.memory_space<hbm>>
      tpu.enqueue_dma source(%dma_start3A_492 : memref<8x128xi32, #tpu.memory_space<hbm>>) target(%dma_start3A_490 : memref<8x128xi32, #tpu.memory_space<vmem>>) target_semaphore(%dma_start3A_487 : memref<!tpu.dma_semaphore, #tpu.memory_space<semaphore_mem>>)
      %dma_start3A_493 = arith.constant 0 : i32
      %dma_start3A_494 = arith.constant 0 : i32
      %dma_start3A_495 = arith.constant 0 : i32
      %dma_start3A_496 = tpu.memref_slice %arg8[%dma_start3A_494, %dma_start3A_495] : memref<16x128xi32, #tpu.memory_space<vmem>> -> memref<8x128xi32, #tpu.memory_space<vmem>>
      %dma_start3A_497 = arith.constant 0 : i32
      %dma_start3A_498 = tpu.memref_slice %arg4[%add3A_479, %dma_start3A_497] : memref<2576x128xi32, #tpu.memory_space<hbm>> -> memref<8x128xi32, #tpu.memory_space<hbm>>
      %dma_start3A_499 = tpu.memref_slice %arg14[%dma_start3A_493] : memref<2x!tpu.dma_semaphore, #tpu.memory_space<semaphore_mem>> -> memref<1x!tpu.dma_semaphore, #tpu.memory_space<semaphore_mem>>
      %dma_start3A_500 = tpu.memref_squeeze %dma_start3A_499 : memref<1x!tpu.dma_semaphore, #tpu.memory_space<semaphore_mem>> -> memref<!tpu.dma_semaphore, #tpu.memory_space<semaphore_mem>>
      %dma_start3A_501 = arith.constant 0 : i32
      %dma_start3A_502 = arith.constant 0 : i32
      %dma_start3A_503 = tpu.memref_slice %arg8[%dma_start3A_501, %dma_start3A_502] : memref<16x128xi32, #tpu.memory_space<vmem>> -> memref<8x128xi32, #tpu.memory_space<vmem>>
      %dma_start3A_504 = arith.constant 0 : i32
      %dma_start3A_505 = tpu.memref_slice %arg4[%add3A_479, %dma_start3A_504] : memref<2576x128xi32, #tpu.memory_space<hbm>> -> memref<8x128xi32, #tpu.memory_space<hbm>>
      tpu.enqueue_dma source(%dma_start3A_505 : memref<8x128xi32, #tpu.memory_space<hbm>>) target(%dma_start3A_503 : memref<8x128xi32, #tpu.memory_space<vmem>>) target_semaphore(%dma_start3A_500 : memref<!tpu.dma_semaphore, #tpu.memory_space<semaphore_mem>>)
      %dma_wait3A_506 = arith.constant 8 : i32
      %dma_wait3A_507 = arith.constant 0 : i32
      %dma_wait3A_508 = arith.constant 0 : i32
      %dma_wait3A_509 = arith.constant 0 : i32
      %dma_wait3A_510 = arith.constant 0 : i32
      %dma_wait3A_511 = tpu.memref_slice %arg9[%dma_wait3A_507, %dma_wait3A_509, %dma_wait3A_510] : memref<2x128x128xf32, #tpu.memory_space<vmem>> -> memref<1x128x128xf32, #tpu.memory_space<vmem>>
      %dma_wait3A_512 = tpu.memref_squeeze %dma_wait3A_511 : memref<1x128x128xf32, #tpu.memory_space<vmem>> -> memref<128x128xf32, #tpu.memory_space<vmem>>
      %dma_wait3A_513 = arith.constant 0 : i32
      %dma_wait3A_514 = tpu.memref_slice %arg7[%dma_wait3A_506, %dma_wait3A_513] : memref<16x128xi32, #tpu.memory_space<vmem>> -> memref<1x128xi32, #tpu.memory_space<vmem>>
      %dma_wait3A_515 = tpu.memref_squeeze %dma_wait3A_514 : memref<1x128xi32, #tpu.memory_space<vmem>> -> memref<128xi32, #tpu.memory_space<vmem>>
      %dma_wait3A_516 = arith.constant 0 : i32
      %dma_wait3A_517 = arith.constant 0 : i32
      %dma_wait3A_518 = tpu.memref_slice %arg2[%dma_wait3A_516, %dma_wait3A_517] : memref<10240x128xf32, #tpu.memory_space<hbm>> -> memref<10240x128xf32, #tpu.memory_space<hbm>>
      %dma_wait3A_519 = tpu.memref_slice %arg11[%dma_wait3A_508] : memref<2x!tpu.dma_semaphore, #tpu.memory_space<semaphore_mem>> -> memref<1x!tpu.dma_semaphore, #tpu.memory_space<semaphore_mem>>
      %dma_wait3A_520 = tpu.memref_squeeze %dma_wait3A_519 : memref<1x!tpu.dma_semaphore, #tpu.memory_space<semaphore_mem>> -> memref<!tpu.dma_semaphore, #tpu.memory_space<semaphore_mem>>
      tpu.wait_indirect_dma semaphore(%dma_wait3A_520 : memref<!tpu.dma_semaphore, #tpu.memory_space<semaphore_mem>>) src(%dma_wait3A_518 : memref<10240x128xf32, #tpu.memory_space<hbm>>) dst(%dma_wait3A_512 : memref<128x128xf32, #tpu.memory_space<vmem>>)
      %mul3A_521 = arith.constant 8 : i32
      %mul3A_522 = arith.muli %add3A_467, %mul3A_521 : i32
      %add3A_523 = arith.constant 0 : i32
      %add3A_524 = arith.addi %mul3A_522, %add3A_523 : i32
      %lt3A_525 = arith.cmpi slt, %add3A_524, %max3A_7 : i32
      %convert_element_type3A_526 = arith.extui %lt3A_525 : i1 to i32
      %cond3A_527 = arith.constant 0 : i32
      %cond3A_528 = arith.cmpi ne, %convert_element_type3A_526, %cond3A_527 : i32
      scf.if %cond3A_528 {
        %dma_start3A_849 = arith.constant 0 : i32
        %dma_start3A_850 = arith.constant 8 : i32
        %dma_start3A_851 = arith.constant 0 : i32
        %dma_start3A_852 = arith.constant 0 : i32
        %dma_start3A_853 = arith.constant 0 : i32
        %dma_start3A_854 = tpu.memref_slice %arg9[%dma_start3A_849, %dma_start3A_852, %dma_start3A_853] : memref<2x128x128xf32, #tpu.memory_space<vmem>> -> memref<1x128x128xf32, #tpu.memory_space<vmem>>
        %dma_start3A_855 = tpu.memref_squeeze %dma_start3A_854 : memref<1x128x128xf32, #tpu.memory_space<vmem>> -> memref<128x128xf32, #tpu.memory_space<vmem>>
        %dma_start3A_856 = arith.constant 0 : i32
        %dma_start3A_857 = tpu.memref_slice %arg8[%dma_start3A_850, %dma_start3A_856] : memref<16x128xi32, #tpu.memory_space<vmem>> -> memref<1x128xi32, #tpu.memory_space<vmem>>
        %dma_start3A_858 = tpu.memref_squeeze %dma_start3A_857 : memref<1x128xi32, #tpu.memory_space<vmem>> -> memref<128xi32, #tpu.memory_space<vmem>>
        %dma_start3A_859 = arith.constant 0 : i32
        %dma_start3A_860 = arith.constant 0 : i32
        %dma_start3A_861 = tpu.memref_slice %arg10[%dma_start3A_859, %dma_start3A_860] : memref<10240x128xf32, #tpu.memory_space<vmem_shared>> -> memref<10240x128xf32, #tpu.memory_space<vmem_shared>>
        %dma_start3A_862 = tpu.memref_slice %arg12[%dma_start3A_851] : memref<2x!tpu.dma_semaphore, #tpu.memory_space<semaphore_mem>> -> memref<1x!tpu.dma_semaphore, #tpu.memory_space<semaphore_mem>>
        %dma_start3A_863 = tpu.memref_squeeze %dma_start3A_862 : memref<1x!tpu.dma_semaphore, #tpu.memory_space<semaphore_mem>> -> memref<!tpu.dma_semaphore, #tpu.memory_space<semaphore_mem>>
        tpu.enqueue_indirect_dma source(%dma_start3A_855 : memref<128x128xf32, #tpu.memory_space<vmem>>) target(%dma_start3A_861 : memref<10240x128xf32, #tpu.memory_space<vmem_shared>>) offsets(%dma_start3A_858 : memref<128xi32, #tpu.memory_space<vmem>>) semaphore(%dma_start3A_863 : memref<!tpu.dma_semaphore, #tpu.memory_space<semaphore_mem>>) {add = true}
        %dma_wait3A_864 = arith.constant 0 : i32
        %dma_wait3A_865 = arith.constant 0 : i32
        %dma_wait3A_866 = arith.constant 0 : i32
        %dma_wait3A_867 = arith.constant 0 : i32
        %dma_wait3A_868 = arith.constant 0 : i32
        %dma_wait3A_869 = tpu.memref_slice %arg9[%dma_wait3A_864, %dma_wait3A_867, %dma_wait3A_868] : memref<2x128x128xf32, #tpu.memory_space<vmem>> -> memref<1x128x128xf32, #tpu.memory_space<vmem>>
        %dma_wait3A_870 = tpu.memref_squeeze %dma_wait3A_869 : memref<1x128x128xf32, #tpu.memory_space<vmem>> -> memref<128x128xf32, #tpu.memory_space<vmem>>
        %dma_wait3A_871 = arith.constant 0 : i32
        %dma_wait3A_872 = tpu.memref_slice %arg8[%dma_wait3A_865, %dma_wait3A_871] : memref<16x128xi32, #tpu.memory_space<vmem>> -> memref<1x128xi32, #tpu.memory_space<vmem>>
        %dma_wait3A_873 = tpu.memref_squeeze %dma_wait3A_872 : memref<1x128xi32, #tpu.memory_space<vmem>> -> memref<128xi32, #tpu.memory_space<vmem>>
        %dma_wait3A_874 = arith.constant 0 : i32
        %dma_wait3A_875 = arith.constant 0 : i32
        %dma_wait3A_876 = tpu.memref_slice %arg10[%dma_wait3A_874, %dma_wait3A_875] : memref<10240x128xf32, #tpu.memory_space<vmem_shared>> -> memref<10240x128xf32, #tpu.memory_space<vmem_shared>>
        %dma_wait3A_877 = tpu.memref_slice %arg12[%dma_wait3A_866] : memref<2x!tpu.dma_semaphore, #tpu.memory_space<semaphore_mem>> -> memref<1x!tpu.dma_semaphore, #tpu.memory_space<semaphore_mem>>
        %dma_wait3A_878 = tpu.memref_squeeze %dma_wait3A_877 : memref<1x!tpu.dma_semaphore, #tpu.memory_space<semaphore_mem>> -> memref<!tpu.dma_semaphore, #tpu.memory_space<semaphore_mem>>
        tpu.wait_indirect_dma semaphore(%dma_wait3A_878 : memref<!tpu.dma_semaphore, #tpu.memory_space<semaphore_mem>>) src(%dma_wait3A_870 : memref<128x128xf32, #tpu.memory_space<vmem>>) dst(%dma_wait3A_876 : memref<10240x128xf32, #tpu.memory_space<vmem_shared>>)
      } else {
      }
      %dma_start3A_529 = arith.constant 10 : i32
      %dma_start3A_530 = arith.constant 0 : i32
      %dma_start3A_531 = arith.constant 0 : i32
      %dma_start3A_532 = arith.constant 0 : i32
      %dma_start3A_533 = arith.constant 0 : i32
      %dma_start3A_534 = tpu.memref_slice %arg9[%dma_start3A_530, %dma_start3A_532, %dma_start3A_533] : memref<2x128x128xf32, #tpu.memory_space<vmem>> -> memref<1x128x128xf32, #tpu.memory_space<vmem>>
      %dma_start3A_535 = tpu.memref_squeeze %dma_start3A_534 : memref<1x128x128xf32, #tpu.memory_space<vmem>> -> memref<128x128xf32, #tpu.memory_space<vmem>>
      %dma_start3A_536 = arith.constant 0 : i32
      %dma_start3A_537 = tpu.memref_slice %arg7[%dma_start3A_529, %dma_start3A_536] : memref<16x128xi32, #tpu.memory_space<vmem>> -> memref<1x128xi32, #tpu.memory_space<vmem>>
      %dma_start3A_538 = tpu.memref_squeeze %dma_start3A_537 : memref<1x128xi32, #tpu.memory_space<vmem>> -> memref<128xi32, #tpu.memory_space<vmem>>
      %dma_start3A_539 = arith.constant 0 : i32
      %dma_start3A_540 = arith.constant 0 : i32
      %dma_start3A_541 = tpu.memref_slice %arg2[%dma_start3A_539, %dma_start3A_540] : memref<10240x128xf32, #tpu.memory_space<hbm>> -> memref<10240x128xf32, #tpu.memory_space<hbm>>
      %dma_start3A_542 = tpu.memref_slice %arg11[%dma_start3A_531] : memref<2x!tpu.dma_semaphore, #tpu.memory_space<semaphore_mem>> -> memref<1x!tpu.dma_semaphore, #tpu.memory_space<semaphore_mem>>
      %dma_start3A_543 = tpu.memref_squeeze %dma_start3A_542 : memref<1x!tpu.dma_semaphore, #tpu.memory_space<semaphore_mem>> -> memref<!tpu.dma_semaphore, #tpu.memory_space<semaphore_mem>>
      tpu.enqueue_indirect_dma source(%dma_start3A_541 : memref<10240x128xf32, #tpu.memory_space<hbm>>) target(%dma_start3A_535 : memref<128x128xf32, #tpu.memory_space<vmem>>) offsets(%dma_start3A_538 : memref<128xi32, #tpu.memory_space<vmem>>) semaphore(%dma_start3A_543 : memref<!tpu.dma_semaphore, #tpu.memory_space<semaphore_mem>>)
      %dma_wait3A_544 = arith.constant 9 : i32
      %dma_wait3A_545 = arith.constant 1 : i32
      %dma_wait3A_546 = arith.constant 1 : i32
      %dma_wait3A_547 = arith.constant 0 : i32
      %dma_wait3A_548 = arith.constant 0 : i32
      %dma_wait3A_549 = tpu.memref_slice %arg9[%dma_wait3A_545, %dma_wait3A_547, %dma_wait3A_548] : memref<2x128x128xf32, #tpu.memory_space<vmem>> -> memref<1x128x128xf32, #tpu.memory_space<vmem>>
      %dma_wait3A_550 = tpu.memref_squeeze %dma_wait3A_549 : memref<1x128x128xf32, #tpu.memory_space<vmem>> -> memref<128x128xf32, #tpu.memory_space<vmem>>
      %dma_wait3A_551 = arith.constant 0 : i32
      %dma_wait3A_552 = tpu.memref_slice %arg7[%dma_wait3A_544, %dma_wait3A_551] : memref<16x128xi32, #tpu.memory_space<vmem>> -> memref<1x128xi32, #tpu.memory_space<vmem>>
      %dma_wait3A_553 = tpu.memref_squeeze %dma_wait3A_552 : memref<1x128xi32, #tpu.memory_space<vmem>> -> memref<128xi32, #tpu.memory_space<vmem>>
      %dma_wait3A_554 = arith.constant 0 : i32
      %dma_wait3A_555 = arith.constant 0 : i32
      %dma_wait3A_556 = tpu.memref_slice %arg2[%dma_wait3A_554, %dma_wait3A_555] : memref<10240x128xf32, #tpu.memory_space<hbm>> -> memref<10240x128xf32, #tpu.memory_space<hbm>>
      %dma_wait3A_557 = tpu.memref_slice %arg11[%dma_wait3A_546] : memref<2x!tpu.dma_semaphore, #tpu.memory_space<semaphore_mem>> -> memref<1x!tpu.dma_semaphore, #tpu.memory_space<semaphore_mem>>
      %dma_wait3A_558 = tpu.memref_squeeze %dma_wait3A_557 : memref<1x!tpu.dma_semaphore, #tpu.memory_space<semaphore_mem>> -> memref<!tpu.dma_semaphore, #tpu.memory_space<semaphore_mem>>
      tpu.wait_indirect_dma semaphore(%dma_wait3A_558 : memref<!tpu.dma_semaphore, #tpu.memory_space<semaphore_mem>>) src(%dma_wait3A_556 : memref<10240x128xf32, #tpu.memory_space<hbm>>) dst(%dma_wait3A_550 : memref<128x128xf32, #tpu.memory_space<vmem>>)
      %mul3A_559 = arith.constant 8 : i32
      %mul3A_560 = arith.muli %add3A_467, %mul3A_559 : i32
      %add3A_561 = arith.constant 1 : i32
      %add3A_562 = arith.addi %mul3A_560, %add3A_561 : i32
      %lt3A_563 = arith.cmpi slt, %add3A_562, %max3A_7 : i32
      %convert_element_type3A_564 = arith.extui %lt3A_563 : i1 to i32
      %cond3A_565 = arith.constant 0 : i32
      %cond3A_566 = arith.cmpi ne, %convert_element_type3A_564, %cond3A_565 : i32
      scf.if %cond3A_566 {
        %dma_start3A_849 = arith.constant 1 : i32
        %dma_start3A_850 = arith.constant 9 : i32
        %dma_start3A_851 = arith.constant 1 : i32
        %dma_start3A_852 = arith.constant 0 : i32
        %dma_start3A_853 = arith.constant 0 : i32
        %dma_start3A_854 = tpu.memref_slice %arg9[%dma_start3A_849, %dma_start3A_852, %dma_start3A_853] : memref<2x128x128xf32, #tpu.memory_space<vmem>> -> memref<1x128x128xf32, #tpu.memory_space<vmem>>
        %dma_start3A_855 = tpu.memref_squeeze %dma_start3A_854 : memref<1x128x128xf32, #tpu.memory_space<vmem>> -> memref<128x128xf32, #tpu.memory_space<vmem>>
        %dma_start3A_856 = arith.constant 0 : i32
        %dma_start3A_857 = tpu.memref_slice %arg8[%dma_start3A_850, %dma_start3A_856] : memref<16x128xi32, #tpu.memory_space<vmem>> -> memref<1x128xi32, #tpu.memory_space<vmem>>
        %dma_start3A_858 = tpu.memref_squeeze %dma_start3A_857 : memref<1x128xi32, #tpu.memory_space<vmem>> -> memref<128xi32, #tpu.memory_space<vmem>>
        %dma_start3A_859 = arith.constant 0 : i32
        %dma_start3A_860 = arith.constant 0 : i32
        %dma_start3A_861 = tpu.memref_slice %arg10[%dma_start3A_859, %dma_start3A_860] : memref<10240x128xf32, #tpu.memory_space<vmem_shared>> -> memref<10240x128xf32, #tpu.memory_space<vmem_shared>>
        %dma_start3A_862 = tpu.memref_slice %arg12[%dma_start3A_851] : memref<2x!tpu.dma_semaphore, #tpu.memory_space<semaphore_mem>> -> memref<1x!tpu.dma_semaphore, #tpu.memory_space<semaphore_mem>>
        %dma_start3A_863 = tpu.memref_squeeze %dma_start3A_862 : memref<1x!tpu.dma_semaphore, #tpu.memory_space<semaphore_mem>> -> memref<!tpu.dma_semaphore, #tpu.memory_space<semaphore_mem>>
        tpu.enqueue_indirect_dma source(%dma_start3A_855 : memref<128x128xf32, #tpu.memory_space<vmem>>) target(%dma_start3A_861 : memref<10240x128xf32, #tpu.memory_space<vmem_shared>>) offsets(%dma_start3A_858 : memref<128xi32, #tpu.memory_space<vmem>>) semaphore(%dma_start3A_863 : memref<!tpu.dma_semaphore, #tpu.memory_space<semaphore_mem>>) {add = true}
        %dma_wait3A_864 = arith.constant 1 : i32
        %dma_wait3A_865 = arith.constant 0 : i32
        %dma_wait3A_866 = arith.constant 1 : i32
        %dma_wait3A_867 = arith.constant 0 : i32
        %dma_wait3A_868 = arith.constant 0 : i32
        %dma_wait3A_869 = tpu.memref_slice %arg9[%dma_wait3A_864, %dma_wait3A_867, %dma_wait3A_868] : memref<2x128x128xf32, #tpu.memory_space<vmem>> -> memref<1x128x128xf32, #tpu.memory_space<vmem>>
        %dma_wait3A_870 = tpu.memref_squeeze %dma_wait3A_869 : memref<1x128x128xf32, #tpu.memory_space<vmem>> -> memref<128x128xf32, #tpu.memory_space<vmem>>
        %dma_wait3A_871 = arith.constant 0 : i32
        %dma_wait3A_872 = tpu.memref_slice %arg8[%dma_wait3A_865, %dma_wait3A_871] : memref<16x128xi32, #tpu.memory_space<vmem>> -> memref<1x128xi32, #tpu.memory_space<vmem>>
        %dma_wait3A_873 = tpu.memref_squeeze %dma_wait3A_872 : memref<1x128xi32, #tpu.memory_space<vmem>> -> memref<128xi32, #tpu.memory_space<vmem>>
        %dma_wait3A_874 = arith.constant 0 : i32
        %dma_wait3A_875 = arith.constant 0 : i32
        %dma_wait3A_876 = tpu.memref_slice %arg10[%dma_wait3A_874, %dma_wait3A_875] : memref<10240x128xf32, #tpu.memory_space<vmem_shared>> -> memref<10240x128xf32, #tpu.memory_space<vmem_shared>>
        %dma_wait3A_877 = tpu.memref_slice %arg12[%dma_wait3A_866] : memref<2x!tpu.dma_semaphore, #tpu.memory_space<semaphore_mem>> -> memref<1x!tpu.dma_semaphore, #tpu.memory_space<semaphore_mem>>
        %dma_wait3A_878 = tpu.memref_squeeze %dma_wait3A_877 : memref<1x!tpu.dma_semaphore, #tpu.memory_space<semaphore_mem>> -> memref<!tpu.dma_semaphore, #tpu.memory_space<semaphore_mem>>
        tpu.wait_indirect_dma semaphore(%dma_wait3A_878 : memref<!tpu.dma_semaphore, #tpu.memory_space<semaphore_mem>>) src(%dma_wait3A_870 : memref<128x128xf32, #tpu.memory_space<vmem>>) dst(%dma_wait3A_876 : memref<10240x128xf32, #tpu.memory_space<vmem_shared>>)
      } else {
      }
      %dma_start3A_567 = arith.constant 11 : i32
      %dma_start3A_568 = arith.constant 1 : i32
      %dma_start3A_569 = arith.constant 1 : i32
      %dma_start3A_570 = arith.constant 0 : i32
      %dma_start3A_571 = arith.constant 0 : i32
      %dma_start3A_572 = tpu.memref_slice %arg9[%dma_start3A_568, %dma_start3A_570, %dma_start3A_571] : memref<2x128x128xf32, #tpu.memory_space<vmem>> -> memref<1x128x128xf32, #tpu.memory_space<vmem>>
      %dma_start3A_573 = tpu.memref_squeeze %dma_start3A_572 : memref<1x128x128xf32, #tpu.memory_space<vmem>> -> memref<128x128xf32, #tpu.memory_space<vmem>>
      %dma_start3A_574 = arith.constant 0 : i32
      %dma_start3A_575 = tpu.memref_slice %arg7[%dma_start3A_567, %dma_start3A_574] : memref<16x128xi32, #tpu.memory_space<vmem>> -> memref<1x128xi32, #tpu.memory_space<vmem>>
      %dma_start3A_576 = tpu.memref_squeeze %dma_start3A_575 : memref<1x128xi32, #tpu.memory_space<vmem>> -> memref<128xi32, #tpu.memory_space<vmem>>
      %dma_start3A_577 = arith.constant 0 : i32
      %dma_start3A_578 = arith.constant 0 : i32
      %dma_start3A_579 = tpu.memref_slice %arg2[%dma_start3A_577, %dma_start3A_578] : memref<10240x128xf32, #tpu.memory_space<hbm>> -> memref<10240x128xf32, #tpu.memory_space<hbm>>
      %dma_start3A_580 = tpu.memref_slice %arg11[%dma_start3A_569] : memref<2x!tpu.dma_semaphore, #tpu.memory_space<semaphore_mem>> -> memref<1x!tpu.dma_semaphore, #tpu.memory_space<semaphore_mem>>
      %dma_start3A_581 = tpu.memref_squeeze %dma_start3A_580 : memref<1x!tpu.dma_semaphore, #tpu.memory_space<semaphore_mem>> -> memref<!tpu.dma_semaphore, #tpu.memory_space<semaphore_mem>>
      tpu.enqueue_indirect_dma source(%dma_start3A_579 : memref<10240x128xf32, #tpu.memory_space<hbm>>) target(%dma_start3A_573 : memref<128x128xf32, #tpu.memory_space<vmem>>) offsets(%dma_start3A_576 : memref<128xi32, #tpu.memory_space<vmem>>) semaphore(%dma_start3A_581 : memref<!tpu.dma_semaphore, #tpu.memory_space<semaphore_mem>>)
      %dma_wait3A_582 = arith.constant 10 : i32
      %dma_wait3A_583 = arith.constant 0 : i32
      %dma_wait3A_584 = arith.constant 0 : i32
      %dma_wait3A_585 = arith.constant 0 : i32
      %dma_wait3A_586 = arith.constant 0 : i32
      %dma_wait3A_587 = tpu.memref_slice %arg9[%dma_wait3A_583, %dma_wait3A_585, %dma_wait3A_586] : memref<2x128x128xf32, #tpu.memory_space<vmem>> -> memref<1x128x128xf32, #tpu.memory_space<vmem>>
      %dma_wait3A_588 = tpu.memref_squeeze %dma_wait3A_587 : memref<1x128x128xf32, #tpu.memory_space<vmem>> -> memref<128x128xf32, #tpu.memory_space<vmem>>
      %dma_wait3A_589 = arith.constant 0 : i32
      %dma_wait3A_590 = tpu.memref_slice %arg7[%dma_wait3A_582, %dma_wait3A_589] : memref<16x128xi32, #tpu.memory_space<vmem>> -> memref<1x128xi32, #tpu.memory_space<vmem>>
      %dma_wait3A_591 = tpu.memref_squeeze %dma_wait3A_590 : memref<1x128xi32, #tpu.memory_space<vmem>> -> memref<128xi32, #tpu.memory_space<vmem>>
      %dma_wait3A_592 = arith.constant 0 : i32
      %dma_wait3A_593 = arith.constant 0 : i32
      %dma_wait3A_594 = tpu.memref_slice %arg2[%dma_wait3A_592, %dma_wait3A_593] : memref<10240x128xf32, #tpu.memory_space<hbm>> -> memref<10240x128xf32, #tpu.memory_space<hbm>>
      %dma_wait3A_595 = tpu.memref_slice %arg11[%dma_wait3A_584] : memref<2x!tpu.dma_semaphore, #tpu.memory_space<semaphore_mem>> -> memref<1x!tpu.dma_semaphore, #tpu.memory_space<semaphore_mem>>
      %dma_wait3A_596 = tpu.memref_squeeze %dma_wait3A_595 : memref<1x!tpu.dma_semaphore, #tpu.memory_space<semaphore_mem>> -> memref<!tpu.dma_semaphore, #tpu.memory_space<semaphore_mem>>
      tpu.wait_indirect_dma semaphore(%dma_wait3A_596 : memref<!tpu.dma_semaphore, #tpu.memory_space<semaphore_mem>>) src(%dma_wait3A_594 : memref<10240x128xf32, #tpu.memory_space<hbm>>) dst(%dma_wait3A_588 : memref<128x128xf32, #tpu.memory_space<vmem>>)
      %mul3A_597 = arith.constant 8 : i32
      %mul3A_598 = arith.muli %add3A_467, %mul3A_597 : i32
      %add3A_599 = arith.constant 2 : i32
      %add3A_600 = arith.addi %mul3A_598, %add3A_599 : i32
      %lt3A_601 = arith.cmpi slt, %add3A_600, %max3A_7 : i32
      %convert_element_type3A_602 = arith.extui %lt3A_601 : i1 to i32
      %cond3A_603 = arith.constant 0 : i32
      %cond3A_604 = arith.cmpi ne, %convert_element_type3A_602, %cond3A_603 : i32
      scf.if %cond3A_604 {
        %dma_start3A_849 = arith.constant 0 : i32
        %dma_start3A_850 = arith.constant 10 : i32
        %dma_start3A_851 = arith.constant 0 : i32
        %dma_start3A_852 = arith.constant 0 : i32
        %dma_start3A_853 = arith.constant 0 : i32
        %dma_start3A_854 = tpu.memref_slice %arg9[%dma_start3A_849, %dma_start3A_852, %dma_start3A_853] : memref<2x128x128xf32, #tpu.memory_space<vmem>> -> memref<1x128x128xf32, #tpu.memory_space<vmem>>
        %dma_start3A_855 = tpu.memref_squeeze %dma_start3A_854 : memref<1x128x128xf32, #tpu.memory_space<vmem>> -> memref<128x128xf32, #tpu.memory_space<vmem>>
        %dma_start3A_856 = arith.constant 0 : i32
        %dma_start3A_857 = tpu.memref_slice %arg8[%dma_start3A_850, %dma_start3A_856] : memref<16x128xi32, #tpu.memory_space<vmem>> -> memref<1x128xi32, #tpu.memory_space<vmem>>
        %dma_start3A_858 = tpu.memref_squeeze %dma_start3A_857 : memref<1x128xi32, #tpu.memory_space<vmem>> -> memref<128xi32, #tpu.memory_space<vmem>>
        %dma_start3A_859 = arith.constant 0 : i32
        %dma_start3A_860 = arith.constant 0 : i32
        %dma_start3A_861 = tpu.memref_slice %arg10[%dma_start3A_859, %dma_start3A_860] : memref<10240x128xf32, #tpu.memory_space<vmem_shared>> -> memref<10240x128xf32, #tpu.memory_space<vmem_shared>>
        %dma_start3A_862 = tpu.memref_slice %arg12[%dma_start3A_851] : memref<2x!tpu.dma_semaphore, #tpu.memory_space<semaphore_mem>> -> memref<1x!tpu.dma_semaphore, #tpu.memory_space<semaphore_mem>>
        %dma_start3A_863 = tpu.memref_squeeze %dma_start3A_862 : memref<1x!tpu.dma_semaphore, #tpu.memory_space<semaphore_mem>> -> memref<!tpu.dma_semaphore, #tpu.memory_space<semaphore_mem>>
        tpu.enqueue_indirect_dma source(%dma_start3A_855 : memref<128x128xf32, #tpu.memory_space<vmem>>) target(%dma_start3A_861 : memref<10240x128xf32, #tpu.memory_space<vmem_shared>>) offsets(%dma_start3A_858 : memref<128xi32, #tpu.memory_space<vmem>>) semaphore(%dma_start3A_863 : memref<!tpu.dma_semaphore, #tpu.memory_space<semaphore_mem>>) {add = true}
        %dma_wait3A_864 = arith.constant 0 : i32
        %dma_wait3A_865 = arith.constant 0 : i32
        %dma_wait3A_866 = arith.constant 0 : i32
        %dma_wait3A_867 = arith.constant 0 : i32
        %dma_wait3A_868 = arith.constant 0 : i32
        %dma_wait3A_869 = tpu.memref_slice %arg9[%dma_wait3A_864, %dma_wait3A_867, %dma_wait3A_868] : memref<2x128x128xf32, #tpu.memory_space<vmem>> -> memref<1x128x128xf32, #tpu.memory_space<vmem>>
        %dma_wait3A_870 = tpu.memref_squeeze %dma_wait3A_869 : memref<1x128x128xf32, #tpu.memory_space<vmem>> -> memref<128x128xf32, #tpu.memory_space<vmem>>
        %dma_wait3A_871 = arith.constant 0 : i32
        %dma_wait3A_872 = tpu.memref_slice %arg8[%dma_wait3A_865, %dma_wait3A_871] : memref<16x128xi32, #tpu.memory_space<vmem>> -> memref<1x128xi32, #tpu.memory_space<vmem>>
        %dma_wait3A_873 = tpu.memref_squeeze %dma_wait3A_872 : memref<1x128xi32, #tpu.memory_space<vmem>> -> memref<128xi32, #tpu.memory_space<vmem>>
        %dma_wait3A_874 = arith.constant 0 : i32
        %dma_wait3A_875 = arith.constant 0 : i32
        %dma_wait3A_876 = tpu.memref_slice %arg10[%dma_wait3A_874, %dma_wait3A_875] : memref<10240x128xf32, #tpu.memory_space<vmem_shared>> -> memref<10240x128xf32, #tpu.memory_space<vmem_shared>>
        %dma_wait3A_877 = tpu.memref_slice %arg12[%dma_wait3A_866] : memref<2x!tpu.dma_semaphore, #tpu.memory_space<semaphore_mem>> -> memref<1x!tpu.dma_semaphore, #tpu.memory_space<semaphore_mem>>
        %dma_wait3A_878 = tpu.memref_squeeze %dma_wait3A_877 : memref<1x!tpu.dma_semaphore, #tpu.memory_space<semaphore_mem>> -> memref<!tpu.dma_semaphore, #tpu.memory_space<semaphore_mem>>
        tpu.wait_indirect_dma semaphore(%dma_wait3A_878 : memref<!tpu.dma_semaphore, #tpu.memory_space<semaphore_mem>>) src(%dma_wait3A_870 : memref<128x128xf32, #tpu.memory_space<vmem>>) dst(%dma_wait3A_876 : memref<10240x128xf32, #tpu.memory_space<vmem_shared>>)
      } else {
      }
      %dma_start3A_605 = arith.constant 12 : i32
      %dma_start3A_606 = arith.constant 0 : i32
      %dma_start3A_607 = arith.constant 0 : i32
      %dma_start3A_608 = arith.constant 0 : i32
      %dma_start3A_609 = arith.constant 0 : i32
      %dma_start3A_610 = tpu.memref_slice %arg9[%dma_start3A_606, %dma_start3A_608, %dma_start3A_609] : memref<2x128x128xf32, #tpu.memory_space<vmem>> -> memref<1x128x128xf32, #tpu.memory_space<vmem>>
      %dma_start3A_611 = tpu.memref_squeeze %dma_start3A_610 : memref<1x128x128xf32, #tpu.memory_space<vmem>> -> memref<128x128xf32, #tpu.memory_space<vmem>>
      %dma_start3A_612 = arith.constant 0 : i32
      %dma_start3A_613 = tpu.memref_slice %arg7[%dma_start3A_605, %dma_start3A_612] : memref<16x128xi32, #tpu.memory_space<vmem>> -> memref<1x128xi32, #tpu.memory_space<vmem>>
      %dma_start3A_614 = tpu.memref_squeeze %dma_start3A_613 : memref<1x128xi32, #tpu.memory_space<vmem>> -> memref<128xi32, #tpu.memory_space<vmem>>
      %dma_start3A_615 = arith.constant 0 : i32
      %dma_start3A_616 = arith.constant 0 : i32
      %dma_start3A_617 = tpu.memref_slice %arg2[%dma_start3A_615, %dma_start3A_616] : memref<10240x128xf32, #tpu.memory_space<hbm>> -> memref<10240x128xf32, #tpu.memory_space<hbm>>
      %dma_start3A_618 = tpu.memref_slice %arg11[%dma_start3A_607] : memref<2x!tpu.dma_semaphore, #tpu.memory_space<semaphore_mem>> -> memref<1x!tpu.dma_semaphore, #tpu.memory_space<semaphore_mem>>
      %dma_start3A_619 = tpu.memref_squeeze %dma_start3A_618 : memref<1x!tpu.dma_semaphore, #tpu.memory_space<semaphore_mem>> -> memref<!tpu.dma_semaphore, #tpu.memory_space<semaphore_mem>>
      tpu.enqueue_indirect_dma source(%dma_start3A_617 : memref<10240x128xf32, #tpu.memory_space<hbm>>) target(%dma_start3A_611 : memref<128x128xf32, #tpu.memory_space<vmem>>) offsets(%dma_start3A_614 : memref<128xi32, #tpu.memory_space<vmem>>) semaphore(%dma_start3A_619 : memref<!tpu.dma_semaphore, #tpu.memory_space<semaphore_mem>>)
      %dma_wait3A_620 = arith.constant 11 : i32
      %dma_wait3A_621 = arith.constant 1 : i32
      %dma_wait3A_622 = arith.constant 1 : i32
      %dma_wait3A_623 = arith.constant 0 : i32
      %dma_wait3A_624 = arith.constant 0 : i32
      %dma_wait3A_625 = tpu.memref_slice %arg9[%dma_wait3A_621, %dma_wait3A_623, %dma_wait3A_624] : memref<2x128x128xf32, #tpu.memory_space<vmem>> -> memref<1x128x128xf32, #tpu.memory_space<vmem>>
      %dma_wait3A_626 = tpu.memref_squeeze %dma_wait3A_625 : memref<1x128x128xf32, #tpu.memory_space<vmem>> -> memref<128x128xf32, #tpu.memory_space<vmem>>
      %dma_wait3A_627 = arith.constant 0 : i32
      %dma_wait3A_628 = tpu.memref_slice %arg7[%dma_wait3A_620, %dma_wait3A_627] : memref<16x128xi32, #tpu.memory_space<vmem>> -> memref<1x128xi32, #tpu.memory_space<vmem>>
      %dma_wait3A_629 = tpu.memref_squeeze %dma_wait3A_628 : memref<1x128xi32, #tpu.memory_space<vmem>> -> memref<128xi32, #tpu.memory_space<vmem>>
      %dma_wait3A_630 = arith.constant 0 : i32
      %dma_wait3A_631 = arith.constant 0 : i32
      %dma_wait3A_632 = tpu.memref_slice %arg2[%dma_wait3A_630, %dma_wait3A_631] : memref<10240x128xf32, #tpu.memory_space<hbm>> -> memref<10240x128xf32, #tpu.memory_space<hbm>>
      %dma_wait3A_633 = tpu.memref_slice %arg11[%dma_wait3A_622] : memref<2x!tpu.dma_semaphore, #tpu.memory_space<semaphore_mem>> -> memref<1x!tpu.dma_semaphore, #tpu.memory_space<semaphore_mem>>
      %dma_wait3A_634 = tpu.memref_squeeze %dma_wait3A_633 : memref<1x!tpu.dma_semaphore, #tpu.memory_space<semaphore_mem>> -> memref<!tpu.dma_semaphore, #tpu.memory_space<semaphore_mem>>
      tpu.wait_indirect_dma semaphore(%dma_wait3A_634 : memref<!tpu.dma_semaphore, #tpu.memory_space<semaphore_mem>>) src(%dma_wait3A_632 : memref<10240x128xf32, #tpu.memory_space<hbm>>) dst(%dma_wait3A_626 : memref<128x128xf32, #tpu.memory_space<vmem>>)
      %mul3A_635 = arith.constant 8 : i32
      %mul3A_636 = arith.muli %add3A_467, %mul3A_635 : i32
      %add3A_637 = arith.constant 3 : i32
      %add3A_638 = arith.addi %mul3A_636, %add3A_637 : i32
      %lt3A_639 = arith.cmpi slt, %add3A_638, %max3A_7 : i32
      %convert_element_type3A_640 = arith.extui %lt3A_639 : i1 to i32
      %cond3A_641 = arith.constant 0 : i32
      %cond3A_642 = arith.cmpi ne, %convert_element_type3A_640, %cond3A_641 : i32
      scf.if %cond3A_642 {
        %dma_start3A_849 = arith.constant 1 : i32
        %dma_start3A_850 = arith.constant 11 : i32
        %dma_start3A_851 = arith.constant 1 : i32
        %dma_start3A_852 = arith.constant 0 : i32
        %dma_start3A_853 = arith.constant 0 : i32
        %dma_start3A_854 = tpu.memref_slice %arg9[%dma_start3A_849, %dma_start3A_852, %dma_start3A_853] : memref<2x128x128xf32, #tpu.memory_space<vmem>> -> memref<1x128x128xf32, #tpu.memory_space<vmem>>
        %dma_start3A_855 = tpu.memref_squeeze %dma_start3A_854 : memref<1x128x128xf32, #tpu.memory_space<vmem>> -> memref<128x128xf32, #tpu.memory_space<vmem>>
        %dma_start3A_856 = arith.constant 0 : i32
        %dma_start3A_857 = tpu.memref_slice %arg8[%dma_start3A_850, %dma_start3A_856] : memref<16x128xi32, #tpu.memory_space<vmem>> -> memref<1x128xi32, #tpu.memory_space<vmem>>
        %dma_start3A_858 = tpu.memref_squeeze %dma_start3A_857 : memref<1x128xi32, #tpu.memory_space<vmem>> -> memref<128xi32, #tpu.memory_space<vmem>>
        %dma_start3A_859 = arith.constant 0 : i32
        %dma_start3A_860 = arith.constant 0 : i32
        %dma_start3A_861 = tpu.memref_slice %arg10[%dma_start3A_859, %dma_start3A_860] : memref<10240x128xf32, #tpu.memory_space<vmem_shared>> -> memref<10240x128xf32, #tpu.memory_space<vmem_shared>>
        %dma_start3A_862 = tpu.memref_slice %arg12[%dma_start3A_851] : memref<2x!tpu.dma_semaphore, #tpu.memory_space<semaphore_mem>> -> memref<1x!tpu.dma_semaphore, #tpu.memory_space<semaphore_mem>>
        %dma_start3A_863 = tpu.memref_squeeze %dma_start3A_862 : memref<1x!tpu.dma_semaphore, #tpu.memory_space<semaphore_mem>> -> memref<!tpu.dma_semaphore, #tpu.memory_space<semaphore_mem>>
        tpu.enqueue_indirect_dma source(%dma_start3A_855 : memref<128x128xf32, #tpu.memory_space<vmem>>) target(%dma_start3A_861 : memref<10240x128xf32, #tpu.memory_space<vmem_shared>>) offsets(%dma_start3A_858 : memref<128xi32, #tpu.memory_space<vmem>>) semaphore(%dma_start3A_863 : memref<!tpu.dma_semaphore, #tpu.memory_space<semaphore_mem>>) {add = true}
        %dma_wait3A_864 = arith.constant 1 : i32
        %dma_wait3A_865 = arith.constant 0 : i32
        %dma_wait3A_866 = arith.constant 1 : i32
        %dma_wait3A_867 = arith.constant 0 : i32
        %dma_wait3A_868 = arith.constant 0 : i32
        %dma_wait3A_869 = tpu.memref_slice %arg9[%dma_wait3A_864, %dma_wait3A_867, %dma_wait3A_868] : memref<2x128x128xf32, #tpu.memory_space<vmem>> -> memref<1x128x128xf32, #tpu.memory_space<vmem>>
        %dma_wait3A_870 = tpu.memref_squeeze %dma_wait3A_869 : memref<1x128x128xf32, #tpu.memory_space<vmem>> -> memref<128x128xf32, #tpu.memory_space<vmem>>
        %dma_wait3A_871 = arith.constant 0 : i32
        %dma_wait3A_872 = tpu.memref_slice %arg8[%dma_wait3A_865, %dma_wait3A_871] : memref<16x128xi32, #tpu.memory_space<vmem>> -> memref<1x128xi32, #tpu.memory_space<vmem>>
        %dma_wait3A_873 = tpu.memref_squeeze %dma_wait3A_872 : memref<1x128xi32, #tpu.memory_space<vmem>> -> memref<128xi32, #tpu.memory_space<vmem>>
        %dma_wait3A_874 = arith.constant 0 : i32
        %dma_wait3A_875 = arith.constant 0 : i32
        %dma_wait3A_876 = tpu.memref_slice %arg10[%dma_wait3A_874, %dma_wait3A_875] : memref<10240x128xf32, #tpu.memory_space<vmem_shared>> -> memref<10240x128xf32, #tpu.memory_space<vmem_shared>>
        %dma_wait3A_877 = tpu.memref_slice %arg12[%dma_wait3A_866] : memref<2x!tpu.dma_semaphore, #tpu.memory_space<semaphore_mem>> -> memref<1x!tpu.dma_semaphore, #tpu.memory_space<semaphore_mem>>
        %dma_wait3A_878 = tpu.memref_squeeze %dma_wait3A_877 : memref<1x!tpu.dma_semaphore, #tpu.memory_space<semaphore_mem>> -> memref<!tpu.dma_semaphore, #tpu.memory_space<semaphore_mem>>
        tpu.wait_indirect_dma semaphore(%dma_wait3A_878 : memref<!tpu.dma_semaphore, #tpu.memory_space<semaphore_mem>>) src(%dma_wait3A_870 : memref<128x128xf32, #tpu.memory_space<vmem>>) dst(%dma_wait3A_876 : memref<10240x128xf32, #tpu.memory_space<vmem_shared>>)
      } else {
      }
      %dma_start3A_643 = arith.constant 13 : i32
      %dma_start3A_644 = arith.constant 1 : i32
      %dma_start3A_645 = arith.constant 1 : i32
      %dma_start3A_646 = arith.constant 0 : i32
      %dma_start3A_647 = arith.constant 0 : i32
      %dma_start3A_648 = tpu.memref_slice %arg9[%dma_start3A_644, %dma_start3A_646, %dma_start3A_647] : memref<2x128x128xf32, #tpu.memory_space<vmem>> -> memref<1x128x128xf32, #tpu.memory_space<vmem>>
      %dma_start3A_649 = tpu.memref_squeeze %dma_start3A_648 : memref<1x128x128xf32, #tpu.memory_space<vmem>> -> memref<128x128xf32, #tpu.memory_space<vmem>>
      %dma_start3A_650 = arith.constant 0 : i32
      %dma_start3A_651 = tpu.memref_slice %arg7[%dma_start3A_643, %dma_start3A_650] : memref<16x128xi32, #tpu.memory_space<vmem>> -> memref<1x128xi32, #tpu.memory_space<vmem>>
      %dma_start3A_652 = tpu.memref_squeeze %dma_start3A_651 : memref<1x128xi32, #tpu.memory_space<vmem>> -> memref<128xi32, #tpu.memory_space<vmem>>
      %dma_start3A_653 = arith.constant 0 : i32
      %dma_start3A_654 = arith.constant 0 : i32
      %dma_start3A_655 = tpu.memref_slice %arg2[%dma_start3A_653, %dma_start3A_654] : memref<10240x128xf32, #tpu.memory_space<hbm>> -> memref<10240x128xf32, #tpu.memory_space<hbm>>
      %dma_start3A_656 = tpu.memref_slice %arg11[%dma_start3A_645] : memref<2x!tpu.dma_semaphore, #tpu.memory_space<semaphore_mem>> -> memref<1x!tpu.dma_semaphore, #tpu.memory_space<semaphore_mem>>
      %dma_start3A_657 = tpu.memref_squeeze %dma_start3A_656 : memref<1x!tpu.dma_semaphore, #tpu.memory_space<semaphore_mem>> -> memref<!tpu.dma_semaphore, #tpu.memory_space<semaphore_mem>>
      tpu.enqueue_indirect_dma source(%dma_start3A_655 : memref<10240x128xf32, #tpu.memory_space<hbm>>) target(%dma_start3A_649 : memref<128x128xf32, #tpu.memory_space<vmem>>) offsets(%dma_start3A_652 : memref<128xi32, #tpu.memory_space<vmem>>) semaphore(%dma_start3A_657 : memref<!tpu.dma_semaphore, #tpu.memory_space<semaphore_mem>>)
      %dma_wait3A_658 = arith.constant 12 : i32
      %dma_wait3A_659 = arith.constant 0 : i32
      %dma_wait3A_660 = arith.constant 0 : i32
      %dma_wait3A_661 = arith.constant 0 : i32
      %dma_wait3A_662 = arith.constant 0 : i32
      %dma_wait3A_663 = tpu.memref_slice %arg9[%dma_wait3A_659, %dma_wait3A_661, %dma_wait3A_662] : memref<2x128x128xf32, #tpu.memory_space<vmem>> -> memref<1x128x128xf32, #tpu.memory_space<vmem>>
      %dma_wait3A_664 = tpu.memref_squeeze %dma_wait3A_663 : memref<1x128x128xf32, #tpu.memory_space<vmem>> -> memref<128x128xf32, #tpu.memory_space<vmem>>
      %dma_wait3A_665 = arith.constant 0 : i32
      %dma_wait3A_666 = tpu.memref_slice %arg7[%dma_wait3A_658, %dma_wait3A_665] : memref<16x128xi32, #tpu.memory_space<vmem>> -> memref<1x128xi32, #tpu.memory_space<vmem>>
      %dma_wait3A_667 = tpu.memref_squeeze %dma_wait3A_666 : memref<1x128xi32, #tpu.memory_space<vmem>> -> memref<128xi32, #tpu.memory_space<vmem>>
      %dma_wait3A_668 = arith.constant 0 : i32
      %dma_wait3A_669 = arith.constant 0 : i32
      %dma_wait3A_670 = tpu.memref_slice %arg2[%dma_wait3A_668, %dma_wait3A_669] : memref<10240x128xf32, #tpu.memory_space<hbm>> -> memref<10240x128xf32, #tpu.memory_space<hbm>>
      %dma_wait3A_671 = tpu.memref_slice %arg11[%dma_wait3A_660] : memref<2x!tpu.dma_semaphore, #tpu.memory_space<semaphore_mem>> -> memref<1x!tpu.dma_semaphore, #tpu.memory_space<semaphore_mem>>
      %dma_wait3A_672 = tpu.memref_squeeze %dma_wait3A_671 : memref<1x!tpu.dma_semaphore, #tpu.memory_space<semaphore_mem>> -> memref<!tpu.dma_semaphore, #tpu.memory_space<semaphore_mem>>
      tpu.wait_indirect_dma semaphore(%dma_wait3A_672 : memref<!tpu.dma_semaphore, #tpu.memory_space<semaphore_mem>>) src(%dma_wait3A_670 : memref<10240x128xf32, #tpu.memory_space<hbm>>) dst(%dma_wait3A_664 : memref<128x128xf32, #tpu.memory_space<vmem>>)
      %mul3A_673 = arith.constant 8 : i32
      %mul3A_674 = arith.muli %add3A_467, %mul3A_673 : i32
      %add3A_675 = arith.constant 4 : i32
      %add3A_676 = arith.addi %mul3A_674, %add3A_675 : i32
      %lt3A_677 = arith.cmpi slt, %add3A_676, %max3A_7 : i32
      %convert_element_type3A_678 = arith.extui %lt3A_677 : i1 to i32
      %cond3A_679 = arith.constant 0 : i32
      %cond3A_680 = arith.cmpi ne, %convert_element_type3A_678, %cond3A_679 : i32
      scf.if %cond3A_680 {
        %dma_start3A_849 = arith.constant 0 : i32
        %dma_start3A_850 = arith.constant 12 : i32
        %dma_start3A_851 = arith.constant 0 : i32
        %dma_start3A_852 = arith.constant 0 : i32
        %dma_start3A_853 = arith.constant 0 : i32
        %dma_start3A_854 = tpu.memref_slice %arg9[%dma_start3A_849, %dma_start3A_852, %dma_start3A_853] : memref<2x128x128xf32, #tpu.memory_space<vmem>> -> memref<1x128x128xf32, #tpu.memory_space<vmem>>
        %dma_start3A_855 = tpu.memref_squeeze %dma_start3A_854 : memref<1x128x128xf32, #tpu.memory_space<vmem>> -> memref<128x128xf32, #tpu.memory_space<vmem>>
        %dma_start3A_856 = arith.constant 0 : i32
        %dma_start3A_857 = tpu.memref_slice %arg8[%dma_start3A_850, %dma_start3A_856] : memref<16x128xi32, #tpu.memory_space<vmem>> -> memref<1x128xi32, #tpu.memory_space<vmem>>
        %dma_start3A_858 = tpu.memref_squeeze %dma_start3A_857 : memref<1x128xi32, #tpu.memory_space<vmem>> -> memref<128xi32, #tpu.memory_space<vmem>>
        %dma_start3A_859 = arith.constant 0 : i32
        %dma_start3A_860 = arith.constant 0 : i32
        %dma_start3A_861 = tpu.memref_slice %arg10[%dma_start3A_859, %dma_start3A_860] : memref<10240x128xf32, #tpu.memory_space<vmem_shared>> -> memref<10240x128xf32, #tpu.memory_space<vmem_shared>>
        %dma_start3A_862 = tpu.memref_slice %arg12[%dma_start3A_851] : memref<2x!tpu.dma_semaphore, #tpu.memory_space<semaphore_mem>> -> memref<1x!tpu.dma_semaphore, #tpu.memory_space<semaphore_mem>>
        %dma_start3A_863 = tpu.memref_squeeze %dma_start3A_862 : memref<1x!tpu.dma_semaphore, #tpu.memory_space<semaphore_mem>> -> memref<!tpu.dma_semaphore, #tpu.memory_space<semaphore_mem>>
        tpu.enqueue_indirect_dma source(%dma_start3A_855 : memref<128x128xf32, #tpu.memory_space<vmem>>) target(%dma_start3A_861 : memref<10240x128xf32, #tpu.memory_space<vmem_shared>>) offsets(%dma_start3A_858 : memref<128xi32, #tpu.memory_space<vmem>>) semaphore(%dma_start3A_863 : memref<!tpu.dma_semaphore, #tpu.memory_space<semaphore_mem>>) {add = true}
        %dma_wait3A_864 = arith.constant 0 : i32
        %dma_wait3A_865 = arith.constant 0 : i32
        %dma_wait3A_866 = arith.constant 0 : i32
        %dma_wait3A_867 = arith.constant 0 : i32
        %dma_wait3A_868 = arith.constant 0 : i32
        %dma_wait3A_869 = tpu.memref_slice %arg9[%dma_wait3A_864, %dma_wait3A_867, %dma_wait3A_868] : memref<2x128x128xf32, #tpu.memory_space<vmem>> -> memref<1x128x128xf32, #tpu.memory_space<vmem>>
        %dma_wait3A_870 = tpu.memref_squeeze %dma_wait3A_869 : memref<1x128x128xf32, #tpu.memory_space<vmem>> -> memref<128x128xf32, #tpu.memory_space<vmem>>
        %dma_wait3A_871 = arith.constant 0 : i32
        %dma_wait3A_872 = tpu.memref_slice %arg8[%dma_wait3A_865, %dma_wait3A_871] : memref<16x128xi32, #tpu.memory_space<vmem>> -> memref<1x128xi32, #tpu.memory_space<vmem>>
        %dma_wait3A_873 = tpu.memref_squeeze %dma_wait3A_872 : memref<1x128xi32, #tpu.memory_space<vmem>> -> memref<128xi32, #tpu.memory_space<vmem>>
        %dma_wait3A_874 = arith.constant 0 : i32
        %dma_wait3A_875 = arith.constant 0 : i32
        %dma_wait3A_876 = tpu.memref_slice %arg10[%dma_wait3A_874, %dma_wait3A_875] : memref<10240x128xf32, #tpu.memory_space<vmem_shared>> -> memref<10240x128xf32, #tpu.memory_space<vmem_shared>>
        %dma_wait3A_877 = tpu.memref_slice %arg12[%dma_wait3A_866] : memref<2x!tpu.dma_semaphore, #tpu.memory_space<semaphore_mem>> -> memref<1x!tpu.dma_semaphore, #tpu.memory_space<semaphore_mem>>
        %dma_wait3A_878 = tpu.memref_squeeze %dma_wait3A_877 : memref<1x!tpu.dma_semaphore, #tpu.memory_space<semaphore_mem>> -> memref<!tpu.dma_semaphore, #tpu.memory_space<semaphore_mem>>
        tpu.wait_indirect_dma semaphore(%dma_wait3A_878 : memref<!tpu.dma_semaphore, #tpu.memory_space<semaphore_mem>>) src(%dma_wait3A_870 : memref<128x128xf32, #tpu.memory_space<vmem>>) dst(%dma_wait3A_876 : memref<10240x128xf32, #tpu.memory_space<vmem_shared>>)
      } else {
      }
      %dma_start3A_681 = arith.constant 14 : i32
      %dma_start3A_682 = arith.constant 0 : i32
      %dma_start3A_683 = arith.constant 0 : i32
      %dma_start3A_684 = arith.constant 0 : i32
      %dma_start3A_685 = arith.constant 0 : i32
      %dma_start3A_686 = tpu.memref_slice %arg9[%dma_start3A_682, %dma_start3A_684, %dma_start3A_685] : memref<2x128x128xf32, #tpu.memory_space<vmem>> -> memref<1x128x128xf32, #tpu.memory_space<vmem>>
      %dma_start3A_687 = tpu.memref_squeeze %dma_start3A_686 : memref<1x128x128xf32, #tpu.memory_space<vmem>> -> memref<128x128xf32, #tpu.memory_space<vmem>>
      %dma_start3A_688 = arith.constant 0 : i32
      %dma_start3A_689 = tpu.memref_slice %arg7[%dma_start3A_681, %dma_start3A_688] : memref<16x128xi32, #tpu.memory_space<vmem>> -> memref<1x128xi32, #tpu.memory_space<vmem>>
      %dma_start3A_690 = tpu.memref_squeeze %dma_start3A_689 : memref<1x128xi32, #tpu.memory_space<vmem>> -> memref<128xi32, #tpu.memory_space<vmem>>
      %dma_start3A_691 = arith.constant 0 : i32
      %dma_start3A_692 = arith.constant 0 : i32
      %dma_start3A_693 = tpu.memref_slice %arg2[%dma_start3A_691, %dma_start3A_692] : memref<10240x128xf32, #tpu.memory_space<hbm>> -> memref<10240x128xf32, #tpu.memory_space<hbm>>
      %dma_start3A_694 = tpu.memref_slice %arg11[%dma_start3A_683] : memref<2x!tpu.dma_semaphore, #tpu.memory_space<semaphore_mem>> -> memref<1x!tpu.dma_semaphore, #tpu.memory_space<semaphore_mem>>
      %dma_start3A_695 = tpu.memref_squeeze %dma_start3A_694 : memref<1x!tpu.dma_semaphore, #tpu.memory_space<semaphore_mem>> -> memref<!tpu.dma_semaphore, #tpu.memory_space<semaphore_mem>>
      tpu.enqueue_indirect_dma source(%dma_start3A_693 : memref<10240x128xf32, #tpu.memory_space<hbm>>) target(%dma_start3A_687 : memref<128x128xf32, #tpu.memory_space<vmem>>) offsets(%dma_start3A_690 : memref<128xi32, #tpu.memory_space<vmem>>) semaphore(%dma_start3A_695 : memref<!tpu.dma_semaphore, #tpu.memory_space<semaphore_mem>>)
      %dma_wait3A_696 = arith.constant 13 : i32
      %dma_wait3A_697 = arith.constant 1 : i32
      %dma_wait3A_698 = arith.constant 1 : i32
      %dma_wait3A_699 = arith.constant 0 : i32
      %dma_wait3A_700 = arith.constant 0 : i32
      %dma_wait3A_701 = tpu.memref_slice %arg9[%dma_wait3A_697, %dma_wait3A_699, %dma_wait3A_700] : memref<2x128x128xf32, #tpu.memory_space<vmem>> -> memref<1x128x128xf32, #tpu.memory_space<vmem>>
      %dma_wait3A_702 = tpu.memref_squeeze %dma_wait3A_701 : memref<1x128x128xf32, #tpu.memory_space<vmem>> -> memref<128x128xf32, #tpu.memory_space<vmem>>
      %dma_wait3A_703 = arith.constant 0 : i32
      %dma_wait3A_704 = tpu.memref_slice %arg7[%dma_wait3A_696, %dma_wait3A_703] : memref<16x128xi32, #tpu.memory_space<vmem>> -> memref<1x128xi32, #tpu.memory_space<vmem>>
      %dma_wait3A_705 = tpu.memref_squeeze %dma_wait3A_704 : memref<1x128xi32, #tpu.memory_space<vmem>> -> memref<128xi32, #tpu.memory_space<vmem>>
      %dma_wait3A_706 = arith.constant 0 : i32
      %dma_wait3A_707 = arith.constant 0 : i32
      %dma_wait3A_708 = tpu.memref_slice %arg2[%dma_wait3A_706, %dma_wait3A_707] : memref<10240x128xf32, #tpu.memory_space<hbm>> -> memref<10240x128xf32, #tpu.memory_space<hbm>>
      %dma_wait3A_709 = tpu.memref_slice %arg11[%dma_wait3A_698] : memref<2x!tpu.dma_semaphore, #tpu.memory_space<semaphore_mem>> -> memref<1x!tpu.dma_semaphore, #tpu.memory_space<semaphore_mem>>
      %dma_wait3A_710 = tpu.memref_squeeze %dma_wait3A_709 : memref<1x!tpu.dma_semaphore, #tpu.memory_space<semaphore_mem>> -> memref<!tpu.dma_semaphore, #tpu.memory_space<semaphore_mem>>
      tpu.wait_indirect_dma semaphore(%dma_wait3A_710 : memref<!tpu.dma_semaphore, #tpu.memory_space<semaphore_mem>>) src(%dma_wait3A_708 : memref<10240x128xf32, #tpu.memory_space<hbm>>) dst(%dma_wait3A_702 : memref<128x128xf32, #tpu.memory_space<vmem>>)
      %mul3A_711 = arith.constant 8 : i32
      %mul3A_712 = arith.muli %add3A_467, %mul3A_711 : i32
      %add3A_713 = arith.constant 5 : i32
      %add3A_714 = arith.addi %mul3A_712, %add3A_713 : i32
      %lt3A_715 = arith.cmpi slt, %add3A_714, %max3A_7 : i32
      %convert_element_type3A_716 = arith.extui %lt3A_715 : i1 to i32
      %cond3A_717 = arith.constant 0 : i32
      %cond3A_718 = arith.cmpi ne, %convert_element_type3A_716, %cond3A_717 : i32
      scf.if %cond3A_718 {
        %dma_start3A_849 = arith.constant 1 : i32
        %dma_start3A_850 = arith.constant 13 : i32
        %dma_start3A_851 = arith.constant 1 : i32
        %dma_start3A_852 = arith.constant 0 : i32
        %dma_start3A_853 = arith.constant 0 : i32
        %dma_start3A_854 = tpu.memref_slice %arg9[%dma_start3A_849, %dma_start3A_852, %dma_start3A_853] : memref<2x128x128xf32, #tpu.memory_space<vmem>> -> memref<1x128x128xf32, #tpu.memory_space<vmem>>
        %dma_start3A_855 = tpu.memref_squeeze %dma_start3A_854 : memref<1x128x128xf32, #tpu.memory_space<vmem>> -> memref<128x128xf32, #tpu.memory_space<vmem>>
        %dma_start3A_856 = arith.constant 0 : i32
        %dma_start3A_857 = tpu.memref_slice %arg8[%dma_start3A_850, %dma_start3A_856] : memref<16x128xi32, #tpu.memory_space<vmem>> -> memref<1x128xi32, #tpu.memory_space<vmem>>
        %dma_start3A_858 = tpu.memref_squeeze %dma_start3A_857 : memref<1x128xi32, #tpu.memory_space<vmem>> -> memref<128xi32, #tpu.memory_space<vmem>>
        %dma_start3A_859 = arith.constant 0 : i32
        %dma_start3A_860 = arith.constant 0 : i32
        %dma_start3A_861 = tpu.memref_slice %arg10[%dma_start3A_859, %dma_start3A_860] : memref<10240x128xf32, #tpu.memory_space<vmem_shared>> -> memref<10240x128xf32, #tpu.memory_space<vmem_shared>>
        %dma_start3A_862 = tpu.memref_slice %arg12[%dma_start3A_851] : memref<2x!tpu.dma_semaphore, #tpu.memory_space<semaphore_mem>> -> memref<1x!tpu.dma_semaphore, #tpu.memory_space<semaphore_mem>>
        %dma_start3A_863 = tpu.memref_squeeze %dma_start3A_862 : memref<1x!tpu.dma_semaphore, #tpu.memory_space<semaphore_mem>> -> memref<!tpu.dma_semaphore, #tpu.memory_space<semaphore_mem>>
        tpu.enqueue_indirect_dma source(%dma_start3A_855 : memref<128x128xf32, #tpu.memory_space<vmem>>) target(%dma_start3A_861 : memref<10240x128xf32, #tpu.memory_space<vmem_shared>>) offsets(%dma_start3A_858 : memref<128xi32, #tpu.memory_space<vmem>>) semaphore(%dma_start3A_863 : memref<!tpu.dma_semaphore, #tpu.memory_space<semaphore_mem>>) {add = true}
        %dma_wait3A_864 = arith.constant 1 : i32
        %dma_wait3A_865 = arith.constant 0 : i32
        %dma_wait3A_866 = arith.constant 1 : i32
        %dma_wait3A_867 = arith.constant 0 : i32
        %dma_wait3A_868 = arith.constant 0 : i32
        %dma_wait3A_869 = tpu.memref_slice %arg9[%dma_wait3A_864, %dma_wait3A_867, %dma_wait3A_868] : memref<2x128x128xf32, #tpu.memory_space<vmem>> -> memref<1x128x128xf32, #tpu.memory_space<vmem>>
        %dma_wait3A_870 = tpu.memref_squeeze %dma_wait3A_869 : memref<1x128x128xf32, #tpu.memory_space<vmem>> -> memref<128x128xf32, #tpu.memory_space<vmem>>
        %dma_wait3A_871 = arith.constant 0 : i32
        %dma_wait3A_872 = tpu.memref_slice %arg8[%dma_wait3A_865, %dma_wait3A_871] : memref<16x128xi32, #tpu.memory_space<vmem>> -> memref<1x128xi32, #tpu.memory_space<vmem>>
        %dma_wait3A_873 = tpu.memref_squeeze %dma_wait3A_872 : memref<1x128xi32, #tpu.memory_space<vmem>> -> memref<128xi32, #tpu.memory_space<vmem>>
        %dma_wait3A_874 = arith.constant 0 : i32
        %dma_wait3A_875 = arith.constant 0 : i32
        %dma_wait3A_876 = tpu.memref_slice %arg10[%dma_wait3A_874, %dma_wait3A_875] : memref<10240x128xf32, #tpu.memory_space<vmem_shared>> -> memref<10240x128xf32, #tpu.memory_space<vmem_shared>>
        %dma_wait3A_877 = tpu.memref_slice %arg12[%dma_wait3A_866] : memref<2x!tpu.dma_semaphore, #tpu.memory_space<semaphore_mem>> -> memref<1x!tpu.dma_semaphore, #tpu.memory_space<semaphore_mem>>
        %dma_wait3A_878 = tpu.memref_squeeze %dma_wait3A_877 : memref<1x!tpu.dma_semaphore, #tpu.memory_space<semaphore_mem>> -> memref<!tpu.dma_semaphore, #tpu.memory_space<semaphore_mem>>
        tpu.wait_indirect_dma semaphore(%dma_wait3A_878 : memref<!tpu.dma_semaphore, #tpu.memory_space<semaphore_mem>>) src(%dma_wait3A_870 : memref<128x128xf32, #tpu.memory_space<vmem>>) dst(%dma_wait3A_876 : memref<10240x128xf32, #tpu.memory_space<vmem_shared>>)
      } else {
      }
      %dma_start3A_719 = arith.constant 15 : i32
      %dma_start3A_720 = arith.constant 1 : i32
      %dma_start3A_721 = arith.constant 1 : i32
      %dma_start3A_722 = arith.constant 0 : i32
      %dma_start3A_723 = arith.constant 0 : i32
      %dma_start3A_724 = tpu.memref_slice %arg9[%dma_start3A_720, %dma_start3A_722, %dma_start3A_723] : memref<2x128x128xf32, #tpu.memory_space<vmem>> -> memref<1x128x128xf32, #tpu.memory_space<vmem>>
      %dma_start3A_725 = tpu.memref_squeeze %dma_start3A_724 : memref<1x128x128xf32, #tpu.memory_space<vmem>> -> memref<128x128xf32, #tpu.memory_space<vmem>>
      %dma_start3A_726 = arith.constant 0 : i32
      %dma_start3A_727 = tpu.memref_slice %arg7[%dma_start3A_719, %dma_start3A_726] : memref<16x128xi32, #tpu.memory_space<vmem>> -> memref<1x128xi32, #tpu.memory_space<vmem>>
      %dma_start3A_728 = tpu.memref_squeeze %dma_start3A_727 : memref<1x128xi32, #tpu.memory_space<vmem>> -> memref<128xi32, #tpu.memory_space<vmem>>
      %dma_start3A_729 = arith.constant 0 : i32
      %dma_start3A_730 = arith.constant 0 : i32
      %dma_start3A_731 = tpu.memref_slice %arg2[%dma_start3A_729, %dma_start3A_730] : memref<10240x128xf32, #tpu.memory_space<hbm>> -> memref<10240x128xf32, #tpu.memory_space<hbm>>
      %dma_start3A_732 = tpu.memref_slice %arg11[%dma_start3A_721] : memref<2x!tpu.dma_semaphore, #tpu.memory_space<semaphore_mem>> -> memref<1x!tpu.dma_semaphore, #tpu.memory_space<semaphore_mem>>
      %dma_start3A_733 = tpu.memref_squeeze %dma_start3A_732 : memref<1x!tpu.dma_semaphore, #tpu.memory_space<semaphore_mem>> -> memref<!tpu.dma_semaphore, #tpu.memory_space<semaphore_mem>>
      tpu.enqueue_indirect_dma source(%dma_start3A_731 : memref<10240x128xf32, #tpu.memory_space<hbm>>) target(%dma_start3A_725 : memref<128x128xf32, #tpu.memory_space<vmem>>) offsets(%dma_start3A_728 : memref<128xi32, #tpu.memory_space<vmem>>) semaphore(%dma_start3A_733 : memref<!tpu.dma_semaphore, #tpu.memory_space<semaphore_mem>>)
      %add3A_734 = arith.constant 1 : i32
      %add3A_735 = arith.addi %add3A_467, %add3A_734 : i32
      %mul3A_736 = arith.constant 80 : i32
      %mul3A_737 = arith.muli %add3A, %mul3A_736 : i32
      %mul3A_738 = arith.constant 8 : i32
      %mul3A_739 = arith.muli %add3A_735, %mul3A_738 : i32
      %add3A_740 = arith.addi %mul3A_737, %mul3A_739 : i32
      %dma_wait3A_741 = arith.constant 0 : i32
      %dma_wait3A_742 = arith.constant 0 : i32
      %dma_wait3A_743 = arith.constant 0 : i32
      %dma_wait3A_744 = tpu.memref_slice %arg7[%dma_wait3A_742, %dma_wait3A_743] : memref<16x128xi32, #tpu.memory_space<vmem>> -> memref<8x128xi32, #tpu.memory_space<vmem>>
      %dma_wait3A_745 = arith.constant 0 : i32
      %dma_wait3A_746 = tpu.memref_slice %arg3[%add3A_740, %dma_wait3A_745] : memref<2576x128xi32, #tpu.memory_space<hbm>> -> memref<8x128xi32, #tpu.memory_space<hbm>>
      %dma_wait3A_747 = tpu.memref_slice %arg13[%dma_wait3A_741] : memref<2x!tpu.dma_semaphore, #tpu.memory_space<semaphore_mem>> -> memref<1x!tpu.dma_semaphore, #tpu.memory_space<semaphore_mem>>
      %dma_wait3A_748 = tpu.memref_squeeze %dma_wait3A_747 : memref<1x!tpu.dma_semaphore, #tpu.memory_space<semaphore_mem>> -> memref<!tpu.dma_semaphore, #tpu.memory_space<semaphore_mem>>
      %dma_wait3A_749 = arith.constant 0 : i32
      %dma_wait3A_750 = arith.constant 0 : i32
      %dma_wait3A_751 = tpu.memref_slice %arg7[%dma_wait3A_749, %dma_wait3A_750] : memref<16x128xi32, #tpu.memory_space<vmem>> -> memref<8x128xi32, #tpu.memory_space<vmem>>
      %dma_wait3A_752 = arith.constant 0 : i32
      %dma_wait3A_753 = tpu.memref_slice %arg3[%add3A_740, %dma_wait3A_752] : memref<2576x128xi32, #tpu.memory_space<hbm>> -> memref<8x128xi32, #tpu.memory_space<hbm>>
      tpu.wait_dma2 semaphore(%dma_wait3A_748 : memref<!tpu.dma_semaphore, #tpu.memory_space<semaphore_mem>>) src(%dma_wait3A_753 : memref<8x128xi32, #tpu.memory_space<hbm>>) dst(%dma_wait3A_751 : memref<8x128xi32, #tpu.memory_space<vmem>>)
      %mul3A_754 = arith.constant 80 : i32
      %mul3A_755 = arith.muli %add3A, %mul3A_754 : i32
      %mul3A_756 = arith.constant 8 : i32
      %mul3A_757 = arith.muli %add3A_735, %mul3A_756 : i32
      %add3A_758 = arith.addi %mul3A_755, %mul3A_757 : i32
      %dma_wait3A_759 = arith.constant 0 : i32
      %dma_wait3A_760 = arith.constant 0 : i32
      %dma_wait3A_761 = arith.constant 0 : i32
      %dma_wait3A_762 = tpu.memref_slice %arg8[%dma_wait3A_760, %dma_wait3A_761] : memref<16x128xi32, #tpu.memory_space<vmem>> -> memref<8x128xi32, #tpu.memory_space<vmem>>
      %dma_wait3A_763 = arith.constant 0 : i32
      %dma_wait3A_764 = tpu.memref_slice %arg4[%add3A_758, %dma_wait3A_763] : memref<2576x128xi32, #tpu.memory_space<hbm>> -> memref<8x128xi32, #tpu.memory_space<hbm>>
      %dma_wait3A_765 = tpu.memref_slice %arg14[%dma_wait3A_759] : memref<2x!tpu.dma_semaphore, #tpu.memory_space<semaphore_mem>> -> memref<1x!tpu.dma_semaphore, #tpu.memory_space<semaphore_mem>>
      %dma_wait3A_766 = tpu.memref_squeeze %dma_wait3A_765 : memref<1x!tpu.dma_semaphore, #tpu.memory_space<semaphore_mem>> -> memref<!tpu.dma_semaphore, #tpu.memory_space<semaphore_mem>>
      %dma_wait3A_767 = arith.constant 0 : i32
      %dma_wait3A_768 = arith.constant 0 : i32
      %dma_wait3A_769 = tpu.memref_slice %arg8[%dma_wait3A_767, %dma_wait3A_768] : memref<16x128xi32, #tpu.memory_space<vmem>> -> memref<8x128xi32, #tpu.memory_space<vmem>>
      %dma_wait3A_770 = arith.constant 0 : i32
      %dma_wait3A_771 = tpu.memref_slice %arg4[%add3A_758, %dma_wait3A_770] : memref<2576x128xi32, #tpu.memory_space<hbm>> -> memref<8x128xi32, #tpu.memory_space<hbm>>
      tpu.wait_dma2 semaphore(%dma_wait3A_766 : memref<!tpu.dma_semaphore, #tpu.memory_space<semaphore_mem>>) src(%dma_wait3A_771 : memref<8x128xi32, #tpu.memory_space<hbm>>) dst(%dma_wait3A_769 : memref<8x128xi32, #tpu.memory_space<vmem>>)
      %dma_wait3A_772 = arith.constant 14 : i32
      %dma_wait3A_773 = arith.constant 0 : i32
      %dma_wait3A_774 = arith.constant 0 : i32
      %dma_wait3A_775 = arith.constant 0 : i32
      %dma_wait3A_776 = arith.constant 0 : i32
      %dma_wait3A_777 = tpu.memref_slice %arg9[%dma_wait3A_773, %dma_wait3A_775, %dma_wait3A_776] : memref<2x128x128xf32, #tpu.memory_space<vmem>> -> memref<1x128x128xf32, #tpu.memory_space<vmem>>
      %dma_wait3A_778 = tpu.memref_squeeze %dma_wait3A_777 : memref<1x128x128xf32, #tpu.memory_space<vmem>> -> memref<128x128xf32, #tpu.memory_space<vmem>>
      %dma_wait3A_779 = arith.constant 0 : i32
      %dma_wait3A_780 = tpu.memref_slice %arg7[%dma_wait3A_772, %dma_wait3A_779] : memref<16x128xi32, #tpu.memory_space<vmem>> -> memref<1x128xi32, #tpu.memory_space<vmem>>
      %dma_wait3A_781 = tpu.memref_squeeze %dma_wait3A_780 : memref<1x128xi32, #tpu.memory_space<vmem>> -> memref<128xi32, #tpu.memory_space<vmem>>
      %dma_wait3A_782 = arith.constant 0 : i32
      %dma_wait3A_783 = arith.constant 0 : i32
      %dma_wait3A_784 = tpu.memref_slice %arg2[%dma_wait3A_782, %dma_wait3A_783] : memref<10240x128xf32, #tpu.memory_space<hbm>> -> memref<10240x128xf32, #tpu.memory_space<hbm>>
      %dma_wait3A_785 = tpu.memref_slice %arg11[%dma_wait3A_774] : memref<2x!tpu.dma_semaphore, #tpu.memory_space<semaphore_mem>> -> memref<1x!tpu.dma_semaphore, #tpu.memory_space<semaphore_mem>>
      %dma_wait3A_786 = tpu.memref_squeeze %dma_wait3A_785 : memref<1x!tpu.dma_semaphore, #tpu.memory_space<semaphore_mem>> -> memref<!tpu.dma_semaphore, #tpu.memory_space<semaphore_mem>>
      tpu.wait_indirect_dma semaphore(%dma_wait3A_786 : memref<!tpu.dma_semaphore, #tpu.memory_space<semaphore_mem>>) src(%dma_wait3A_784 : memref<10240x128xf32, #tpu.memory_space<hbm>>) dst(%dma_wait3A_778 : memref<128x128xf32, #tpu.memory_space<vmem>>)
      %mul3A_787 = arith.constant 8 : i32
      %mul3A_788 = arith.muli %add3A_467, %mul3A_787 : i32
      %add3A_789 = arith.constant 6 : i32
      %add3A_790 = arith.addi %mul3A_788, %add3A_789 : i32
      %lt3A_791 = arith.cmpi slt, %add3A_790, %max3A_7 : i32
      %convert_element_type3A_792 = arith.extui %lt3A_791 : i1 to i32
      %cond3A_793 = arith.constant 0 : i32
      %cond3A_794 = arith.cmpi ne, %convert_element_type3A_792, %cond3A_793 : i32
      scf.if %cond3A_794 {
        %dma_start3A_849 = arith.constant 0 : i32
        %dma_start3A_850 = arith.constant 14 : i32
        %dma_start3A_851 = arith.constant 0 : i32
        %dma_start3A_852 = arith.constant 0 : i32
        %dma_start3A_853 = arith.constant 0 : i32
        %dma_start3A_854 = tpu.memref_slice %arg9[%dma_start3A_849, %dma_start3A_852, %dma_start3A_853] : memref<2x128x128xf32, #tpu.memory_space<vmem>> -> memref<1x128x128xf32, #tpu.memory_space<vmem>>
        %dma_start3A_855 = tpu.memref_squeeze %dma_start3A_854 : memref<1x128x128xf32, #tpu.memory_space<vmem>> -> memref<128x128xf32, #tpu.memory_space<vmem>>
        %dma_start3A_856 = arith.constant 0 : i32
        %dma_start3A_857 = tpu.memref_slice %arg8[%dma_start3A_850, %dma_start3A_856] : memref<16x128xi32, #tpu.memory_space<vmem>> -> memref<1x128xi32, #tpu.memory_space<vmem>>
        %dma_start3A_858 = tpu.memref_squeeze %dma_start3A_857 : memref<1x128xi32, #tpu.memory_space<vmem>> -> memref<128xi32, #tpu.memory_space<vmem>>
        %dma_start3A_859 = arith.constant 0 : i32
        %dma_start3A_860 = arith.constant 0 : i32
        %dma_start3A_861 = tpu.memref_slice %arg10[%dma_start3A_859, %dma_start3A_860] : memref<10240x128xf32, #tpu.memory_space<vmem_shared>> -> memref<10240x128xf32, #tpu.memory_space<vmem_shared>>
        %dma_start3A_862 = tpu.memref_slice %arg12[%dma_start3A_851] : memref<2x!tpu.dma_semaphore, #tpu.memory_space<semaphore_mem>> -> memref<1x!tpu.dma_semaphore, #tpu.memory_space<semaphore_mem>>
        %dma_start3A_863 = tpu.memref_squeeze %dma_start3A_862 : memref<1x!tpu.dma_semaphore, #tpu.memory_space<semaphore_mem>> -> memref<!tpu.dma_semaphore, #tpu.memory_space<semaphore_mem>>
        tpu.enqueue_indirect_dma source(%dma_start3A_855 : memref<128x128xf32, #tpu.memory_space<vmem>>) target(%dma_start3A_861 : memref<10240x128xf32, #tpu.memory_space<vmem_shared>>) offsets(%dma_start3A_858 : memref<128xi32, #tpu.memory_space<vmem>>) semaphore(%dma_start3A_863 : memref<!tpu.dma_semaphore, #tpu.memory_space<semaphore_mem>>) {add = true}
        %dma_wait3A_864 = arith.constant 0 : i32
        %dma_wait3A_865 = arith.constant 0 : i32
        %dma_wait3A_866 = arith.constant 0 : i32
        %dma_wait3A_867 = arith.constant 0 : i32
        %dma_wait3A_868 = arith.constant 0 : i32
        %dma_wait3A_869 = tpu.memref_slice %arg9[%dma_wait3A_864, %dma_wait3A_867, %dma_wait3A_868] : memref<2x128x128xf32, #tpu.memory_space<vmem>> -> memref<1x128x128xf32, #tpu.memory_space<vmem>>
        %dma_wait3A_870 = tpu.memref_squeeze %dma_wait3A_869 : memref<1x128x128xf32, #tpu.memory_space<vmem>> -> memref<128x128xf32, #tpu.memory_space<vmem>>
        %dma_wait3A_871 = arith.constant 0 : i32
        %dma_wait3A_872 = tpu.memref_slice %arg8[%dma_wait3A_865, %dma_wait3A_871] : memref<16x128xi32, #tpu.memory_space<vmem>> -> memref<1x128xi32, #tpu.memory_space<vmem>>
        %dma_wait3A_873 = tpu.memref_squeeze %dma_wait3A_872 : memref<1x128xi32, #tpu.memory_space<vmem>> -> memref<128xi32, #tpu.memory_space<vmem>>
        %dma_wait3A_874 = arith.constant 0 : i32
        %dma_wait3A_875 = arith.constant 0 : i32
        %dma_wait3A_876 = tpu.memref_slice %arg10[%dma_wait3A_874, %dma_wait3A_875] : memref<10240x128xf32, #tpu.memory_space<vmem_shared>> -> memref<10240x128xf32, #tpu.memory_space<vmem_shared>>
        %dma_wait3A_877 = tpu.memref_slice %arg12[%dma_wait3A_866] : memref<2x!tpu.dma_semaphore, #tpu.memory_space<semaphore_mem>> -> memref<1x!tpu.dma_semaphore, #tpu.memory_space<semaphore_mem>>
        %dma_wait3A_878 = tpu.memref_squeeze %dma_wait3A_877 : memref<1x!tpu.dma_semaphore, #tpu.memory_space<semaphore_mem>> -> memref<!tpu.dma_semaphore, #tpu.memory_space<semaphore_mem>>
        tpu.wait_indirect_dma semaphore(%dma_wait3A_878 : memref<!tpu.dma_semaphore, #tpu.memory_space<semaphore_mem>>) src(%dma_wait3A_870 : memref<128x128xf32, #tpu.memory_space<vmem>>) dst(%dma_wait3A_876 : memref<10240x128xf32, #tpu.memory_space<vmem_shared>>)
      } else {
      }
      %dma_start3A_795 = arith.constant 0 : i32
      %dma_start3A_796 = arith.constant 0 : i32
      %dma_start3A_797 = arith.constant 0 : i32
      %dma_start3A_798 = arith.constant 0 : i32
      %dma_start3A_799 = arith.constant 0 : i32
      %dma_start3A_800 = tpu.memref_slice %arg9[%dma_start3A_796, %dma_start3A_798, %dma_start3A_799] : memref<2x128x128xf32, #tpu.memory_space<vmem>> -> memref<1x128x128xf32, #tpu.memory_space<vmem>>
      %dma_start3A_801 = tpu.memref_squeeze %dma_start3A_800 : memref<1x128x128xf32, #tpu.memory_space<vmem>> -> memref<128x128xf32, #tpu.memory_space<vmem>>
      %dma_start3A_802 = arith.constant 0 : i32
      %dma_start3A_803 = tpu.memref_slice %arg7[%dma_start3A_795, %dma_start3A_802] : memref<16x128xi32, #tpu.memory_space<vmem>> -> memref<1x128xi32, #tpu.memory_space<vmem>>
      %dma_start3A_804 = tpu.memref_squeeze %dma_start3A_803 : memref<1x128xi32, #tpu.memory_space<vmem>> -> memref<128xi32, #tpu.memory_space<vmem>>
      %dma_start3A_805 = arith.constant 0 : i32
      %dma_start3A_806 = arith.constant 0 : i32
      %dma_start3A_807 = tpu.memref_slice %arg2[%dma_start3A_805, %dma_start3A_806] : memref<10240x128xf32, #tpu.memory_space<hbm>> -> memref<10240x128xf32, #tpu.memory_space<hbm>>
      %dma_start3A_808 = tpu.memref_slice %arg11[%dma_start3A_797] : memref<2x!tpu.dma_semaphore, #tpu.memory_space<semaphore_mem>> -> memref<1x!tpu.dma_semaphore, #tpu.memory_space<semaphore_mem>>
      %dma_start3A_809 = tpu.memref_squeeze %dma_start3A_808 : memref<1x!tpu.dma_semaphore, #tpu.memory_space<semaphore_mem>> -> memref<!tpu.dma_semaphore, #tpu.memory_space<semaphore_mem>>
      tpu.enqueue_indirect_dma source(%dma_start3A_807 : memref<10240x128xf32, #tpu.memory_space<hbm>>) target(%dma_start3A_801 : memref<128x128xf32, #tpu.memory_space<vmem>>) offsets(%dma_start3A_804 : memref<128xi32, #tpu.memory_space<vmem>>) semaphore(%dma_start3A_809 : memref<!tpu.dma_semaphore, #tpu.memory_space<semaphore_mem>>)
      %dma_wait3A_810 = arith.constant 15 : i32
      %dma_wait3A_811 = arith.constant 1 : i32
      %dma_wait3A_812 = arith.constant 1 : i32
      %dma_wait3A_813 = arith.constant 0 : i32
      %dma_wait3A_814 = arith.constant 0 : i32
      %dma_wait3A_815 = tpu.memref_slice %arg9[%dma_wait3A_811, %dma_wait3A_813, %dma_wait3A_814] : memref<2x128x128xf32, #tpu.memory_space<vmem>> -> memref<1x128x128xf32, #tpu.memory_space<vmem>>
      %dma_wait3A_816 = tpu.memref_squeeze %dma_wait3A_815 : memref<1x128x128xf32, #tpu.memory_space<vmem>> -> memref<128x128xf32, #tpu.memory_space<vmem>>
      %dma_wait3A_817 = arith.constant 0 : i32
      %dma_wait3A_818 = tpu.memref_slice %arg7[%dma_wait3A_810, %dma_wait3A_817] : memref<16x128xi32, #tpu.memory_space<vmem>> -> memref<1x128xi32, #tpu.memory_space<vmem>>
      %dma_wait3A_819 = tpu.memref_squeeze %dma_wait3A_818 : memref<1x128xi32, #tpu.memory_space<vmem>> -> memref<128xi32, #tpu.memory_space<vmem>>
      %dma_wait3A_820 = arith.constant 0 : i32
      %dma_wait3A_821 = arith.constant 0 : i32
      %dma_wait3A_822 = tpu.memref_slice %arg2[%dma_wait3A_820, %dma_wait3A_821] : memref<10240x128xf32, #tpu.memory_space<hbm>> -> memref<10240x128xf32, #tpu.memory_space<hbm>>
      %dma_wait3A_823 = tpu.memref_slice %arg11[%dma_wait3A_812] : memref<2x!tpu.dma_semaphore, #tpu.memory_space<semaphore_mem>> -> memref<1x!tpu.dma_semaphore, #tpu.memory_space<semaphore_mem>>
      %dma_wait3A_824 = tpu.memref_squeeze %dma_wait3A_823 : memref<1x!tpu.dma_semaphore, #tpu.memory_space<semaphore_mem>> -> memref<!tpu.dma_semaphore, #tpu.memory_space<semaphore_mem>>
      tpu.wait_indirect_dma semaphore(%dma_wait3A_824 : memref<!tpu.dma_semaphore, #tpu.memory_space<semaphore_mem>>) src(%dma_wait3A_822 : memref<10240x128xf32, #tpu.memory_space<hbm>>) dst(%dma_wait3A_816 : memref<128x128xf32, #tpu.memory_space<vmem>>)
      %mul3A_825 = arith.constant 8 : i32
      %mul3A_826 = arith.muli %add3A_467, %mul3A_825 : i32
      %add3A_827 = arith.constant 7 : i32
      %add3A_828 = arith.addi %mul3A_826, %add3A_827 : i32
      %lt3A_829 = arith.cmpi slt, %add3A_828, %max3A_7 : i32
      %convert_element_type3A_830 = arith.extui %lt3A_829 : i1 to i32
      %cond3A_831 = arith.constant 0 : i32
      %cond3A_832 = arith.cmpi ne, %convert_element_type3A_830, %cond3A_831 : i32
      scf.if %cond3A_832 {
        %dma_start3A_849 = arith.constant 1 : i32
        %dma_start3A_850 = arith.constant 15 : i32
        %dma_start3A_851 = arith.constant 1 : i32
        %dma_start3A_852 = arith.constant 0 : i32
        %dma_start3A_853 = arith.constant 0 : i32
        %dma_start3A_854 = tpu.memref_slice %arg9[%dma_start3A_849, %dma_start3A_852, %dma_start3A_853] : memref<2x128x128xf32, #tpu.memory_space<vmem>> -> memref<1x128x128xf32, #tpu.memory_space<vmem>>
        %dma_start3A_855 = tpu.memref_squeeze %dma_start3A_854 : memref<1x128x128xf32, #tpu.memory_space<vmem>> -> memref<128x128xf32, #tpu.memory_space<vmem>>
        %dma_start3A_856 = arith.constant 0 : i32
        %dma_start3A_857 = tpu.memref_slice %arg8[%dma_start3A_850, %dma_start3A_856] : memref<16x128xi32, #tpu.memory_space<vmem>> -> memref<1x128xi32, #tpu.memory_space<vmem>>
        %dma_start3A_858 = tpu.memref_squeeze %dma_start3A_857 : memref<1x128xi32, #tpu.memory_space<vmem>> -> memref<128xi32, #tpu.memory_space<vmem>>
        %dma_start3A_859 = arith.constant 0 : i32
        %dma_start3A_860 = arith.constant 0 : i32
        %dma_start3A_861 = tpu.memref_slice %arg10[%dma_start3A_859, %dma_start3A_860] : memref<10240x128xf32, #tpu.memory_space<vmem_shared>> -> memref<10240x128xf32, #tpu.memory_space<vmem_shared>>
        %dma_start3A_862 = tpu.memref_slice %arg12[%dma_start3A_851] : memref<2x!tpu.dma_semaphore, #tpu.memory_space<semaphore_mem>> -> memref<1x!tpu.dma_semaphore, #tpu.memory_space<semaphore_mem>>
        %dma_start3A_863 = tpu.memref_squeeze %dma_start3A_862 : memref<1x!tpu.dma_semaphore, #tpu.memory_space<semaphore_mem>> -> memref<!tpu.dma_semaphore, #tpu.memory_space<semaphore_mem>>
        tpu.enqueue_indirect_dma source(%dma_start3A_855 : memref<128x128xf32, #tpu.memory_space<vmem>>) target(%dma_start3A_861 : memref<10240x128xf32, #tpu.memory_space<vmem_shared>>) offsets(%dma_start3A_858 : memref<128xi32, #tpu.memory_space<vmem>>) semaphore(%dma_start3A_863 : memref<!tpu.dma_semaphore, #tpu.memory_space<semaphore_mem>>) {add = true}
        %dma_wait3A_864 = arith.constant 1 : i32
        %dma_wait3A_865 = arith.constant 0 : i32
        %dma_wait3A_866 = arith.constant 1 : i32
        %dma_wait3A_867 = arith.constant 0 : i32
        %dma_wait3A_868 = arith.constant 0 : i32
        %dma_wait3A_869 = tpu.memref_slice %arg9[%dma_wait3A_864, %dma_wait3A_867, %dma_wait3A_868] : memref<2x128x128xf32, #tpu.memory_space<vmem>> -> memref<1x128x128xf32, #tpu.memory_space<vmem>>
        %dma_wait3A_870 = tpu.memref_squeeze %dma_wait3A_869 : memref<1x128x128xf32, #tpu.memory_space<vmem>> -> memref<128x128xf32, #tpu.memory_space<vmem>>
        %dma_wait3A_871 = arith.constant 0 : i32
        %dma_wait3A_872 = tpu.memref_slice %arg8[%dma_wait3A_865, %dma_wait3A_871] : memref<16x128xi32, #tpu.memory_space<vmem>> -> memref<1x128xi32, #tpu.memory_space<vmem>>
        %dma_wait3A_873 = tpu.memref_squeeze %dma_wait3A_872 : memref<1x128xi32, #tpu.memory_space<vmem>> -> memref<128xi32, #tpu.memory_space<vmem>>
        %dma_wait3A_874 = arith.constant 0 : i32
        %dma_wait3A_875 = arith.constant 0 : i32
        %dma_wait3A_876 = tpu.memref_slice %arg10[%dma_wait3A_874, %dma_wait3A_875] : memref<10240x128xf32, #tpu.memory_space<vmem_shared>> -> memref<10240x128xf32, #tpu.memory_space<vmem_shared>>
        %dma_wait3A_877 = tpu.memref_slice %arg12[%dma_wait3A_866] : memref<2x!tpu.dma_semaphore, #tpu.memory_space<semaphore_mem>> -> memref<1x!tpu.dma_semaphore, #tpu.memory_space<semaphore_mem>>
        %dma_wait3A_878 = tpu.memref_squeeze %dma_wait3A_877 : memref<1x!tpu.dma_semaphore, #tpu.memory_space<semaphore_mem>> -> memref<!tpu.dma_semaphore, #tpu.memory_space<semaphore_mem>>
        tpu.wait_indirect_dma semaphore(%dma_wait3A_878 : memref<!tpu.dma_semaphore, #tpu.memory_space<semaphore_mem>>) src(%dma_wait3A_870 : memref<128x128xf32, #tpu.memory_space<vmem>>) dst(%dma_wait3A_876 : memref<10240x128xf32, #tpu.memory_space<vmem_shared>>)
      } else {
      }
      %dma_start3A_833 = arith.constant 1 : i32
      %dma_start3A_834 = arith.constant 1 : i32
      %dma_start3A_835 = arith.constant 1 : i32
      %dma_start3A_836 = arith.constant 0 : i32
      %dma_start3A_837 = arith.constant 0 : i32
      %dma_start3A_838 = tpu.memref_slice %arg9[%dma_start3A_834, %dma_start3A_836, %dma_start3A_837] : memref<2x128x128xf32, #tpu.memory_space<vmem>> -> memref<1x128x128xf32, #tpu.memory_space<vmem>>
      %dma_start3A_839 = tpu.memref_squeeze %dma_start3A_838 : memref<1x128x128xf32, #tpu.memory_space<vmem>> -> memref<128x128xf32, #tpu.memory_space<vmem>>
      %dma_start3A_840 = arith.constant 0 : i32
      %dma_start3A_841 = tpu.memref_slice %arg7[%dma_start3A_833, %dma_start3A_840] : memref<16x128xi32, #tpu.memory_space<vmem>> -> memref<1x128xi32, #tpu.memory_space<vmem>>
      %dma_start3A_842 = tpu.memref_squeeze %dma_start3A_841 : memref<1x128xi32, #tpu.memory_space<vmem>> -> memref<128xi32, #tpu.memory_space<vmem>>
      %dma_start3A_843 = arith.constant 0 : i32
      %dma_start3A_844 = arith.constant 0 : i32
      %dma_start3A_845 = tpu.memref_slice %arg2[%dma_start3A_843, %dma_start3A_844] : memref<10240x128xf32, #tpu.memory_space<hbm>> -> memref<10240x128xf32, #tpu.memory_space<hbm>>
      %dma_start3A_846 = tpu.memref_slice %arg11[%dma_start3A_835] : memref<2x!tpu.dma_semaphore, #tpu.memory_space<semaphore_mem>> -> memref<1x!tpu.dma_semaphore, #tpu.memory_space<semaphore_mem>>
      %dma_start3A_847 = tpu.memref_squeeze %dma_start3A_846 : memref<1x!tpu.dma_semaphore, #tpu.memory_space<semaphore_mem>> -> memref<!tpu.dma_semaphore, #tpu.memory_space<semaphore_mem>>
      tpu.enqueue_indirect_dma source(%dma_start3A_845 : memref<10240x128xf32, #tpu.memory_space<hbm>>) target(%dma_start3A_839 : memref<128x128xf32, #tpu.memory_space<vmem>>) offsets(%dma_start3A_842 : memref<128xi32, #tpu.memory_space<vmem>>) semaphore(%dma_start3A_847 : memref<!tpu.dma_semaphore, #tpu.memory_space<semaphore_mem>>)
      %scan3A_848 = arith.constant 0 : i32
      scf.yield %scan3A_848 : i32
    }
    %scan3A_50 = arith.constant 5 : i32
    %dma_wait3A = arith.constant 0 : i32
    %dma_wait3A_51 = arith.constant 0 : i32
    %dma_wait3A_52 = arith.constant 0 : i32
    %dma_wait3A_53 = arith.constant 0 : i32
    %dma_wait3A_54 = arith.constant 0 : i32
    %dma_wait3A_55 = tpu.memref_slice %arg9[%dma_wait3A_51, %dma_wait3A_53, %dma_wait3A_54] : memref<2x128x128xf32, #tpu.memory_space<vmem>> -> memref<1x128x128xf32, #tpu.memory_space<vmem>>
    %dma_wait3A_56 = tpu.memref_squeeze %dma_wait3A_55 : memref<1x128x128xf32, #tpu.memory_space<vmem>> -> memref<128x128xf32, #tpu.memory_space<vmem>>
    %dma_wait3A_57 = arith.constant 0 : i32
    %dma_wait3A_58 = tpu.memref_slice %arg7[%dma_wait3A, %dma_wait3A_57] : memref<16x128xi32, #tpu.memory_space<vmem>> -> memref<1x128xi32, #tpu.memory_space<vmem>>
    %dma_wait3A_59 = tpu.memref_squeeze %dma_wait3A_58 : memref<1x128xi32, #tpu.memory_space<vmem>> -> memref<128xi32, #tpu.memory_space<vmem>>
    %dma_wait3A_60 = arith.constant 0 : i32
    %dma_wait3A_61 = arith.constant 0 : i32
    %dma_wait3A_62 = tpu.memref_slice %arg2[%dma_wait3A_60, %dma_wait3A_61] : memref<10240x128xf32, #tpu.memory_space<hbm>> -> memref<10240x128xf32, #tpu.memory_space<hbm>>
    %dma_wait3A_63 = tpu.memref_slice %arg11[%dma_wait3A_52] : memref<2x!tpu.dma_semaphore, #tpu.memory_space<semaphore_mem>> -> memref<1x!tpu.dma_semaphore, #tpu.memory_space<semaphore_mem>>
    %dma_wait3A_64 = tpu.memref_squeeze %dma_wait3A_63 : memref<1x!tpu.dma_semaphore, #tpu.memory_space<semaphore_mem>> -> memref<!tpu.dma_semaphore, #tpu.memory_space<semaphore_mem>>
    tpu.wait_indirect_dma semaphore(%dma_wait3A_64 : memref<!tpu.dma_semaphore, #tpu.memory_space<semaphore_mem>>) src(%dma_wait3A_62 : memref<10240x128xf32, #tpu.memory_space<hbm>>) dst(%dma_wait3A_56 : memref<128x128xf32, #tpu.memory_space<vmem>>)
    %dma_wait3A_65 = arith.constant 1 : i32
    %dma_wait3A_66 = arith.constant 1 : i32
    %dma_wait3A_67 = arith.constant 1 : i32
    %dma_wait3A_68 = arith.constant 0 : i32
    %dma_wait3A_69 = arith.constant 0 : i32
    %dma_wait3A_70 = tpu.memref_slice %arg9[%dma_wait3A_66, %dma_wait3A_68, %dma_wait3A_69] : memref<2x128x128xf32, #tpu.memory_space<vmem>> -> memref<1x128x128xf32, #tpu.memory_space<vmem>>
    %dma_wait3A_71 = tpu.memref_squeeze %dma_wait3A_70 : memref<1x128x128xf32, #tpu.memory_space<vmem>> -> memref<128x128xf32, #tpu.memory_space<vmem>>
    %dma_wait3A_72 = arith.constant 0 : i32
    %dma_wait3A_73 = tpu.memref_slice %arg7[%dma_wait3A_65, %dma_wait3A_72] : memref<16x128xi32, #tpu.memory_space<vmem>> -> memref<1x128xi32, #tpu.memory_space<vmem>>
    %dma_wait3A_74 = tpu.memref_squeeze %dma_wait3A_73 : memref<1x128xi32, #tpu.memory_space<vmem>> -> memref<128xi32, #tpu.memory_space<vmem>>
    %dma_wait3A_75 = arith.constant 0 : i32
    %dma_wait3A_76 = arith.constant 0 : i32
    %dma_wait3A_77 = tpu.memref_slice %arg2[%dma_wait3A_75, %dma_wait3A_76] : memref<10240x128xf32, #tpu.memory_space<hbm>> -> memref<10240x128xf32, #tpu.memory_space<hbm>>
    %dma_wait3A_78 = tpu.memref_slice %arg11[%dma_wait3A_67] : memref<2x!tpu.dma_semaphore, #tpu.memory_space<semaphore_mem>> -> memref<1x!tpu.dma_semaphore, #tpu.memory_space<semaphore_mem>>
    %dma_wait3A_79 = tpu.memref_squeeze %dma_wait3A_78 : memref<1x!tpu.dma_semaphore, #tpu.memory_space<semaphore_mem>> -> memref<!tpu.dma_semaphore, #tpu.memory_space<semaphore_mem>>
    tpu.wait_indirect_dma semaphore(%dma_wait3A_79 : memref<!tpu.dma_semaphore, #tpu.memory_space<semaphore_mem>>) src(%dma_wait3A_77 : memref<10240x128xf32, #tpu.memory_space<hbm>>) dst(%dma_wait3A_71 : memref<128x128xf32, #tpu.memory_space<vmem>>)
    %barrier3A_80 = arith.constant 0 : index
    tpu.barrier barrier_id(%barrier3A_80)
    "tpu.region"() ({
      %run_scoped3A = tpu.sem_alloc : memref<!tpu.dma_semaphore, #tpu.memory_space<semaphore_mem>>
      %dma_start3A_81 = arith.constant 0 : i32
      %dma_start3A_82 = tpu.memref_slice %arg6[%arg0, %mul3A_2, %dma_start3A_81] : memref<2x10240x128xf32, #tpu.memory_space<hbm>> -> memref<1x640x128xf32, #tpu.memory_space<hbm>>
      %dma_start3A_83 = tpu.memref_squeeze %dma_start3A_82 : memref<1x640x128xf32, #tpu.memory_space<hbm>> -> memref<640x128xf32, #tpu.memory_space<hbm>>
      %dma_start3A_84 = arith.constant 0 : i32
      %dma_start3A_85 = tpu.memref_slice %arg10[%mul3A_2, %dma_start3A_84] : memref<10240x128xf32, #tpu.memory_space<vmem_shared>> -> memref<640x128xf32, #tpu.memory_space<vmem_shared>>
      tpu.enqueue_dma source(%dma_start3A_85 : memref<640x128xf32, #tpu.memory_space<vmem_shared>>) target(%dma_start3A_83 : memref<640x128xf32, #tpu.memory_space<hbm>>) target_semaphore(%run_scoped3A : memref<!tpu.dma_semaphore, #tpu.memory_space<semaphore_mem>>)
      %dma_wait3A_86 = arith.constant 0 : i32
      %dma_wait3A_87 = tpu.memref_slice %arg6[%arg0, %mul3A_2, %dma_wait3A_86] : memref<2x10240x128xf32, #tpu.memory_space<hbm>> -> memref<1x640x128xf32, #tpu.memory_space<hbm>>
      %dma_wait3A_88 = tpu.memref_squeeze %dma_wait3A_87 : memref<1x640x128xf32, #tpu.memory_space<hbm>> -> memref<640x128xf32, #tpu.memory_space<hbm>>
      %dma_wait3A_89 = arith.constant 0 : i32
      %dma_wait3A_90 = tpu.memref_slice %arg10[%mul3A_2, %dma_wait3A_89] : memref<10240x128xf32, #tpu.memory_space<vmem_shared>> -> memref<640x128xf32, #tpu.memory_space<vmem_shared>>
      tpu.wait_dma2 semaphore(%run_scoped3A : memref<!tpu.dma_semaphore, #tpu.memory_space<semaphore_mem>>) src(%dma_wait3A_90 : memref<640x128xf32, #tpu.memory_space<vmem_shared>>) dst(%dma_wait3A_88 : memref<640x128xf32, #tpu.memory_space<hbm>>)
      tpu.yield
    }) : () -> ()
    return
  }
}

#map = affine_map<(d0, d1) -> (0, 0)>
#map1 = affine_map<(d0, d1) -> (0, 0, 0)>
module attributes {stable_mosaic.version = 14 : i64} {
  func.func @_prop_body(%arg0: i32, %arg1: i32, %arg2: memref<10240x128xf32, #tpu.memory_space<hbm>>, %arg3: memref<2576x128xi32, #tpu.memory_space<hbm>>, %arg4: memref<2576x128xi32, #tpu.memory_space<hbm>>, %arg5: memref<640x128xf32, #tpu.memory_space<hbm>>, %arg6: memref<2x10240x128xf32, #tpu.memory_space<hbm>>, %arg7: memref<16x128xi32, #tpu.memory_space<vmem>>, %arg8: memref<16x128xi32, #tpu.memory_space<vmem>>, %arg9: memref<2x128x128xf32, #tpu.memory_space<vmem>>, %arg10: memref<10240x128xf32, #tpu.memory_space<vmem_shared>>, %arg11: memref<2x!tpu.dma_semaphore, #tpu.memory_space<semaphore_mem>>, %arg12: memref<2x!tpu.dma_semaphore, #tpu.memory_space<semaphore_mem>>, %arg13: memref<2x!tpu.dma_semaphore, #tpu.memory_space<semaphore_mem>>, %arg14: memref<2x!tpu.dma_semaphore, #tpu.memory_space<semaphore_mem>>) attributes {dimension_semantics = [#tpu.dimension_semantics<core_parallel>, #tpu.dimension_semantics<subcore_parallel>], iteration_bounds = array<i64: 2, 16>, scalar_prefetch = 0 : i64, scratch_operands = 8 : i64, tpu.core_type = #tpu.core_type<sc_vector_subcore>, window_params = [{transform_indices = #map}, {transform_indices = #map}, {transform_indices = #map}, {transform_indices = #map}, {transform_indices = #map1}]} {
    %mul3A = arith.constant 16 : i32
    %mul3A_0 = arith.muli %arg0, %mul3A : i32
    %add3A = arith.addi %mul3A_0, %arg1 : i32
    %mul3A_1 = arith.constant 640 : i32
    %mul3A_2 = arith.muli %arg1, %mul3A_1 : i32
    %mul3A_3 = arith.constant 80 : i32
    %mul3A_4 = arith.muli %add3A, %mul3A_3 : i32
    %sub3A = arith.constant 2500 : i32
    %sub3A_5 = arith.subi %sub3A, %mul3A_4 : i32
    %min3A = arith.constant 80 : i32
    %min3A_6 = arith.minsi %min3A, %sub3A_5 : i32
    %max3A = arith.constant 0 : i32
    %max3A_7 = arith.maxsi %max3A, %min3A_6 : i32
    "tpu.region"() ({
      %run_scoped3A = tpu.sem_alloc : memref<!tpu.dma_semaphore, #tpu.memory_space<semaphore_mem>>
      %dma_start3A_81 = arith.constant 0 : i32
      %dma_start3A_82 = tpu.memref_slice %arg10[%mul3A_2, %dma_start3A_81] : memref<10240x128xf32, #tpu.memory_space<vmem_shared>> -> memref<640x128xf32, #tpu.memory_space<vmem_shared>>
      tpu.enqueue_dma source(%arg5 : memref<640x128xf32, #tpu.memory_space<hbm>>) target(%dma_start3A_82 : memref<640x128xf32, #tpu.memory_space<vmem_shared>>) target_semaphore(%run_scoped3A : memref<!tpu.dma_semaphore, #tpu.memory_space<semaphore_mem>>)
      %dma_wait3A_83 = arith.constant 0 : i32
      %dma_wait3A_84 = tpu.memref_slice %arg10[%mul3A_2, %dma_wait3A_83] : memref<10240x128xf32, #tpu.memory_space<vmem_shared>> -> memref<640x128xf32, #tpu.memory_space<vmem_shared>>
      tpu.wait_dma2 semaphore(%run_scoped3A : memref<!tpu.dma_semaphore, #tpu.memory_space<semaphore_mem>>) src(%arg5 : memref<640x128xf32, #tpu.memory_space<hbm>>) dst(%dma_wait3A_84 : memref<640x128xf32, #tpu.memory_space<vmem_shared>>)
      tpu.yield
    }) : () -> ()
    %barrier3A = arith.constant 0 : index
    tpu.barrier barrier_id(%barrier3A)
    %mul3A_8 = arith.constant 80 : i32
    %mul3A_9 = arith.muli %add3A, %mul3A_8 : i32
    %add3A_10 = arith.constant 0 : i32
    %add3A_11 = arith.addi %mul3A_9, %add3A_10 : i32
    %mul3A_12 = arith.constant 80 : i32
    %mul3A_13 = arith.muli %add3A, %mul3A_12 : i32
    %add3A_14 = arith.constant 0 : i32
    %add3A_15 = arith.addi %mul3A_13, %add3A_14 : i32
    "tpu.region"() ({
      %run_scoped3A = tpu.sem_alloc : memref<!tpu.dma_semaphore, #tpu.memory_space<semaphore_mem>>
      %dma_start3A_81 = arith.constant 0 : i32
      %dma_start3A_82 = arith.constant 0 : i32
      %dma_start3A_83 = tpu.memref_slice %arg7[%dma_start3A_81, %dma_start3A_82] : memref<16x128xi32, #tpu.memory_space<vmem>> -> memref<8x128xi32, #tpu.memory_space<vmem>>
      %dma_start3A_84 = arith.constant 0 : i32
      %dma_start3A_85 = tpu.memref_slice %arg3[%add3A_11, %dma_start3A_84] : memref<2576x128xi32, #tpu.memory_space<hbm>> -> memref<8x128xi32, #tpu.memory_space<hbm>>
      %dma_start3A_86 = arith.constant 0 : i32
      %dma_start3A_87 = arith.constant 0 : i32
      %dma_start3A_88 = tpu.memref_slice %arg7[%dma_start3A_86, %dma_start3A_87] : memref<16x128xi32, #tpu.memory_space<vmem>> -> memref<8x128xi32, #tpu.memory_space<vmem>>
      %dma_start3A_89 = arith.constant 0 : i32
      %dma_start3A_90 = tpu.memref_slice %arg3[%add3A_11, %dma_start3A_89] : memref<2576x128xi32, #tpu.memory_space<hbm>> -> memref<8x128xi32, #tpu.memory_space<hbm>>
      tpu.enqueue_dma source(%dma_start3A_90 : memref<8x128xi32, #tpu.memory_space<hbm>>) target(%dma_start3A_88 : memref<8x128xi32, #tpu.memory_space<vmem>>) target_semaphore(%run_scoped3A : memref<!tpu.dma_semaphore, #tpu.memory_space<semaphore_mem>>)
      %dma_wait3A_91 = arith.constant 0 : i32
      %dma_wait3A_92 = arith.constant 0 : i32
      %dma_wait3A_93 = tpu.memref_slice %arg7[%dma_wait3A_91, %dma_wait3A_92] : memref<16x128xi32, #tpu.memory_space<vmem>> -> memref<8x128xi32, #tpu.memory_space<vmem>>
      %dma_wait3A_94 = arith.constant 0 : i32
      %dma_wait3A_95 = tpu.memref_slice %arg3[%add3A_11, %dma_wait3A_94] : memref<2576x128xi32, #tpu.memory_space<hbm>> -> memref<8x128xi32, #tpu.memory_space<hbm>>
      %dma_wait3A_96 = arith.constant 0 : i32
      %dma_wait3A_97 = arith.constant 0 : i32
      %dma_wait3A_98 = tpu.memref_slice %arg7[%dma_wait3A_96, %dma_wait3A_97] : memref<16x128xi32, #tpu.memory_space<vmem>> -> memref<8x128xi32, #tpu.memory_space<vmem>>
      %dma_wait3A_99 = arith.constant 0 : i32
      %dma_wait3A_100 = tpu.memref_slice %arg3[%add3A_11, %dma_wait3A_99] : memref<2576x128xi32, #tpu.memory_space<hbm>> -> memref<8x128xi32, #tpu.memory_space<hbm>>
      tpu.wait_dma2 semaphore(%run_scoped3A : memref<!tpu.dma_semaphore, #tpu.memory_space<semaphore_mem>>) src(%dma_wait3A_100 : memref<8x128xi32, #tpu.memory_space<hbm>>) dst(%dma_wait3A_98 : memref<8x128xi32, #tpu.memory_space<vmem>>)
      tpu.yield
    }) : () -> ()
    "tpu.region"() ({
      %run_scoped3A = tpu.sem_alloc : memref<!tpu.dma_semaphore, #tpu.memory_space<semaphore_mem>>
      %dma_start3A_81 = arith.constant 0 : i32
      %dma_start3A_82 = arith.constant 0 : i32
      %dma_start3A_83 = tpu.memref_slice %arg8[%dma_start3A_81, %dma_start3A_82] : memref<16x128xi32, #tpu.memory_space<vmem>> -> memref<8x128xi32, #tpu.memory_space<vmem>>
      %dma_start3A_84 = arith.constant 0 : i32
      %dma_start3A_85 = tpu.memref_slice %arg4[%add3A_15, %dma_start3A_84] : memref<2576x128xi32, #tpu.memory_space<hbm>> -> memref<8x128xi32, #tpu.memory_space<hbm>>
      %dma_start3A_86 = arith.constant 0 : i32
      %dma_start3A_87 = arith.constant 0 : i32
      %dma_start3A_88 = tpu.memref_slice %arg8[%dma_start3A_86, %dma_start3A_87] : memref<16x128xi32, #tpu.memory_space<vmem>> -> memref<8x128xi32, #tpu.memory_space<vmem>>
      %dma_start3A_89 = arith.constant 0 : i32
      %dma_start3A_90 = tpu.memref_slice %arg4[%add3A_15, %dma_start3A_89] : memref<2576x128xi32, #tpu.memory_space<hbm>> -> memref<8x128xi32, #tpu.memory_space<hbm>>
      tpu.enqueue_dma source(%dma_start3A_90 : memref<8x128xi32, #tpu.memory_space<hbm>>) target(%dma_start3A_88 : memref<8x128xi32, #tpu.memory_space<vmem>>) target_semaphore(%run_scoped3A : memref<!tpu.dma_semaphore, #tpu.memory_space<semaphore_mem>>)
      %dma_wait3A_91 = arith.constant 0 : i32
      %dma_wait3A_92 = arith.constant 0 : i32
      %dma_wait3A_93 = tpu.memref_slice %arg8[%dma_wait3A_91, %dma_wait3A_92] : memref<16x128xi32, #tpu.memory_space<vmem>> -> memref<8x128xi32, #tpu.memory_space<vmem>>
      %dma_wait3A_94 = arith.constant 0 : i32
      %dma_wait3A_95 = tpu.memref_slice %arg4[%add3A_15, %dma_wait3A_94] : memref<2576x128xi32, #tpu.memory_space<hbm>> -> memref<8x128xi32, #tpu.memory_space<hbm>>
      %dma_wait3A_96 = arith.constant 0 : i32
      %dma_wait3A_97 = arith.constant 0 : i32
      %dma_wait3A_98 = tpu.memref_slice %arg8[%dma_wait3A_96, %dma_wait3A_97] : memref<16x128xi32, #tpu.memory_space<vmem>> -> memref<8x128xi32, #tpu.memory_space<vmem>>
      %dma_wait3A_99 = arith.constant 0 : i32
      %dma_wait3A_100 = tpu.memref_slice %arg4[%add3A_15, %dma_wait3A_99] : memref<2576x128xi32, #tpu.memory_space<hbm>> -> memref<8x128xi32, #tpu.memory_space<hbm>>
      tpu.wait_dma2 semaphore(%run_scoped3A : memref<!tpu.dma_semaphore, #tpu.memory_space<semaphore_mem>>) src(%dma_wait3A_100 : memref<8x128xi32, #tpu.memory_space<hbm>>) dst(%dma_wait3A_98 : memref<8x128xi32, #tpu.memory_space<vmem>>)
      tpu.yield
    }) : () -> ()
    %dma_start3A = arith.constant 0 : i32
    %dma_start3A_16 = arith.constant 0 : i32
    %dma_start3A_17 = arith.constant 0 : i32
    %dma_start3A_18 = arith.constant 0 : i32
    %dma_start3A_19 = arith.constant 0 : i32
    %dma_start3A_20 = tpu.memref_slice %arg9[%dma_start3A_16, %dma_start3A_18, %dma_start3A_19] : memref<2x128x128xf32, #tpu.memory_space<vmem>> -> memref<1x128x128xf32, #tpu.memory_space<vmem>>
    %dma_start3A_21 = tpu.memref_squeeze %dma_start3A_20 : memref<1x128x128xf32, #tpu.memory_space<vmem>> -> memref<128x128xf32, #tpu.memory_space<vmem>>
    %dma_start3A_22 = arith.constant 0 : i32
    %dma_start3A_23 = tpu.memref_slice %arg7[%dma_start3A, %dma_start3A_22] : memref<16x128xi32, #tpu.memory_space<vmem>> -> memref<1x128xi32, #tpu.memory_space<vmem>>
    %dma_start3A_24 = tpu.memref_squeeze %dma_start3A_23 : memref<1x128xi32, #tpu.memory_space<vmem>> -> memref<128xi32, #tpu.memory_space<vmem>>
    %dma_start3A_25 = arith.constant 0 : i32
    %dma_start3A_26 = arith.constant 0 : i32
    %dma_start3A_27 = tpu.memref_slice %arg2[%dma_start3A_25, %dma_start3A_26] : memref<10240x128xf32, #tpu.memory_space<hbm>> -> memref<10240x128xf32, #tpu.memory_space<hbm>>
    %dma_start3A_28 = tpu.memref_slice %arg11[%dma_start3A_17] : memref<2x!tpu.dma_semaphore, #tpu.memory_space<semaphore_mem>> -> memref<1x!tpu.dma_semaphore, #tpu.memory_space<semaphore_mem>>
    %dma_start3A_29 = tpu.memref_squeeze %dma_start3A_28 : memref<1x!tpu.dma_semaphore, #tpu.memory_space<semaphore_mem>> -> memref<!tpu.dma_semaphore, #tpu.memory_space<semaphore_mem>>
    tpu.enqueue_indirect_dma source(%dma_start3A_27 : memref<10240x128xf32, #tpu.memory_space<hbm>>) target(%dma_start3A_21 : memref<128x128xf32, #tpu.memory_space<vmem>>) offsets(%dma_start3A_24 : memref<128xi32, #tpu.memory_space<vmem>>) semaphore(%dma_start3A_29 : memref<!tpu.dma_semaphore, #tpu.memory_space<semaphore_mem>>)
    %dma_start3A_30 = arith.constant 1 : i32
    %dma_start3A_31 = arith.constant 1 : i32
    %dma_start3A_32 = arith.constant 1 : i32
    %dma_start3A_33 = arith.constant 0 : i32
    %dma_start3A_34 = arith.constant 0 : i32
    %dma_start3A_35 = tpu.memref_slice %arg9[%dma_start3A_31, %dma_start3A_33, %dma_start3A_34] : memref<2x128x128xf32, #tpu.memory_space<vmem>> -> memref<1x128x128xf32, #tpu.memory_space<vmem>>
    %dma_start3A_36 = tpu.memref_squeeze %dma_start3A_35 : memref<1x128x128xf32, #tpu.memory_space<vmem>> -> memref<128x128xf32, #tpu.memory_space<vmem>>
    %dma_start3A_37 = arith.constant 0 : i32
    %dma_start3A_38 = tpu.memref_slice %arg7[%dma_start3A_30, %dma_start3A_37] : memref<16x128xi32, #tpu.memory_space<vmem>> -> memref<1x128xi32, #tpu.memory_space<vmem>>
    %dma_start3A_39 = tpu.memref_squeeze %dma_start3A_38 : memref<1x128xi32, #tpu.memory_space<vmem>> -> memref<128xi32, #tpu.memory_space<vmem>>
    %dma_start3A_40 = arith.constant 0 : i32
    %dma_start3A_41 = arith.constant 0 : i32
    %dma_start3A_42 = tpu.memref_slice %arg2[%dma_start3A_40, %dma_start3A_41] : memref<10240x128xf32, #tpu.memory_space<hbm>> -> memref<10240x128xf32, #tpu.memory_space<hbm>>
    %dma_start3A_43 = tpu.memref_slice %arg11[%dma_start3A_32] : memref<2x!tpu.dma_semaphore, #tpu.memory_space<semaphore_mem>> -> memref<1x!tpu.dma_semaphore, #tpu.memory_space<semaphore_mem>>
    %dma_start3A_44 = tpu.memref_squeeze %dma_start3A_43 : memref<1x!tpu.dma_semaphore, #tpu.memory_space<semaphore_mem>> -> memref<!tpu.dma_semaphore, #tpu.memory_space<semaphore_mem>>
    tpu.enqueue_indirect_dma source(%dma_start3A_42 : memref<10240x128xf32, #tpu.memory_space<hbm>>) target(%dma_start3A_36 : memref<128x128xf32, #tpu.memory_space<vmem>>) offsets(%dma_start3A_39 : memref<128xi32, #tpu.memory_space<vmem>>) semaphore(%dma_start3A_44 : memref<!tpu.dma_semaphore, #tpu.memory_space<semaphore_mem>>)
    %scan3A = arith.constant 0 : i32
    %scan3A_45 = arith.constant 0 : i32
    %scan3A_46 = arith.constant 5 : i32
    %scan3A_47 = arith.addi %scan3A_45, %scan3A_46 : i32
    %scan3A_48 = arith.constant 1 : i32
    %scan3A_49 = scf.for %scan3A_81 = %scan3A_45 to %scan3A_47 step %scan3A_48 iter_args(%scan3A_82 = %scan3A) -> (i32)  : i32 {
      %mul3A_83 = arith.constant 2 : i32
      %mul3A_84 = arith.muli %mul3A_83, %scan3A_81 : i32
      %add3A_85 = arith.constant 0 : i32
      %add3A_86 = arith.addi %mul3A_84, %add3A_85 : i32
      %add3A_87 = arith.constant 1 : i32
      %add3A_88 = arith.addi %add3A_86, %add3A_87 : i32
      %mul3A_89 = arith.constant 80 : i32
      %mul3A_90 = arith.muli %add3A, %mul3A_89 : i32
      %mul3A_91 = arith.constant 8 : i32
      %mul3A_92 = arith.muli %add3A_88, %mul3A_91 : i32
      %add3A_93 = arith.addi %mul3A_90, %mul3A_92 : i32
      %mul3A_94 = arith.constant 80 : i32
      %mul3A_95 = arith.muli %add3A, %mul3A_94 : i32
      %mul3A_96 = arith.constant 8 : i32
      %mul3A_97 = arith.muli %add3A_88, %mul3A_96 : i32
      %add3A_98 = arith.addi %mul3A_95, %mul3A_97 : i32
      %dma_start3A_99 = arith.constant 1 : i32
      %dma_start3A_100 = arith.constant 8 : i32
      %dma_start3A_101 = arith.constant 0 : i32
      %dma_start3A_102 = tpu.memref_slice %arg7[%dma_start3A_100, %dma_start3A_101] : memref<16x128xi32, #tpu.memory_space<vmem>> -> memref<8x128xi32, #tpu.memory_space<vmem>>
      %dma_start3A_103 = arith.constant 0 : i32
      %dma_start3A_104 = tpu.memref_slice %arg3[%add3A_93, %dma_start3A_103] : memref<2576x128xi32, #tpu.memory_space<hbm>> -> memref<8x128xi32, #tpu.memory_space<hbm>>
      %dma_start3A_105 = tpu.memref_slice %arg13[%dma_start3A_99] : memref<2x!tpu.dma_semaphore, #tpu.memory_space<semaphore_mem>> -> memref<1x!tpu.dma_semaphore, #tpu.memory_space<semaphore_mem>>
      %dma_start3A_106 = tpu.memref_squeeze %dma_start3A_105 : memref<1x!tpu.dma_semaphore, #tpu.memory_space<semaphore_mem>> -> memref<!tpu.dma_semaphore, #tpu.memory_space<semaphore_mem>>
      %dma_start3A_107 = arith.constant 8 : i32
      %dma_start3A_108 = arith.constant 0 : i32
      %dma_start3A_109 = tpu.memref_slice %arg7[%dma_start3A_107, %dma_start3A_108] : memref<16x128xi32, #tpu.memory_space<vmem>> -> memref<8x128xi32, #tpu.memory_space<vmem>>
      %dma_start3A_110 = arith.constant 0 : i32
      %dma_start3A_111 = tpu.memref_slice %arg3[%add3A_93, %dma_start3A_110] : memref<2576x128xi32, #tpu.memory_space<hbm>> -> memref<8x128xi32, #tpu.memory_space<hbm>>
      tpu.enqueue_dma source(%dma_start3A_111 : memref<8x128xi32, #tpu.memory_space<hbm>>) target(%dma_start3A_109 : memref<8x128xi32, #tpu.memory_space<vmem>>) target_semaphore(%dma_start3A_106 : memref<!tpu.dma_semaphore, #tpu.memory_space<semaphore_mem>>)
      %dma_start3A_112 = arith.constant 1 : i32
      %dma_start3A_113 = arith.constant 8 : i32
      %dma_start3A_114 = arith.constant 0 : i32
      %dma_start3A_115 = tpu.memref_slice %arg8[%dma_start3A_113, %dma_start3A_114] : memref<16x128xi32, #tpu.memory_space<vmem>> -> memref<8x128xi32, #tpu.memory_space<vmem>>
      %dma_start3A_116 = arith.constant 0 : i32
      %dma_start3A_117 = tpu.memref_slice %arg4[%add3A_98, %dma_start3A_116] : memref<2576x128xi32, #tpu.memory_space<hbm>> -> memref<8x128xi32, #tpu.memory_space<hbm>>
      %dma_start3A_118 = tpu.memref_slice %arg14[%dma_start3A_112] : memref<2x!tpu.dma_semaphore, #tpu.memory_space<semaphore_mem>> -> memref<1x!tpu.dma_semaphore, #tpu.memory_space<semaphore_mem>>
      %dma_start3A_119 = tpu.memref_squeeze %dma_start3A_118 : memref<1x!tpu.dma_semaphore, #tpu.memory_space<semaphore_mem>> -> memref<!tpu.dma_semaphore, #tpu.memory_space<semaphore_mem>>
      %dma_start3A_120 = arith.constant 8 : i32
      %dma_start3A_121 = arith.constant 0 : i32
      %dma_start3A_122 = tpu.memref_slice %arg8[%dma_start3A_120, %dma_start3A_121] : memref<16x128xi32, #tpu.memory_space<vmem>> -> memref<8x128xi32, #tpu.memory_space<vmem>>
      %dma_start3A_123 = arith.constant 0 : i32
      %dma_start3A_124 = tpu.memref_slice %arg4[%add3A_98, %dma_start3A_123] : memref<2576x128xi32, #tpu.memory_space<hbm>> -> memref<8x128xi32, #tpu.memory_space<hbm>>
      tpu.enqueue_dma source(%dma_start3A_124 : memref<8x128xi32, #tpu.memory_space<hbm>>) target(%dma_start3A_122 : memref<8x128xi32, #tpu.memory_space<vmem>>) target_semaphore(%dma_start3A_119 : memref<!tpu.dma_semaphore, #tpu.memory_space<semaphore_mem>>)
      %dma_wait3A_125 = arith.constant 0 : i32
      %dma_wait3A_126 = arith.constant 0 : i32
      %dma_wait3A_127 = arith.constant 0 : i32
      %dma_wait3A_128 = arith.constant 0 : i32
      %dma_wait3A_129 = arith.constant 0 : i32
      %dma_wait3A_130 = tpu.memref_slice %arg9[%dma_wait3A_126, %dma_wait3A_128, %dma_wait3A_129] : memref<2x128x128xf32, #tpu.memory_space<vmem>> -> memref<1x128x128xf32, #tpu.memory_space<vmem>>
      %dma_wait3A_131 = tpu.memref_squeeze %dma_wait3A_130 : memref<1x128x128xf32, #tpu.memory_space<vmem>> -> memref<128x128xf32, #tpu.memory_space<vmem>>
      %dma_wait3A_132 = arith.constant 0 : i32
      %dma_wait3A_133 = tpu.memref_slice %arg7[%dma_wait3A_125, %dma_wait3A_132] : memref<16x128xi32, #tpu.memory_space<vmem>> -> memref<1x128xi32, #tpu.memory_space<vmem>>
      %dma_wait3A_134 = tpu.memref_squeeze %dma_wait3A_133 : memref<1x128xi32, #tpu.memory_space<vmem>> -> memref<128xi32, #tpu.memory_space<vmem>>
      %dma_wait3A_135 = arith.constant 0 : i32
      %dma_wait3A_136 = arith.constant 0 : i32
      %dma_wait3A_137 = tpu.memref_slice %arg2[%dma_wait3A_135, %dma_wait3A_136] : memref<10240x128xf32, #tpu.memory_space<hbm>> -> memref<10240x128xf32, #tpu.memory_space<hbm>>
      %dma_wait3A_138 = tpu.memref_slice %arg11[%dma_wait3A_127] : memref<2x!tpu.dma_semaphore, #tpu.memory_space<semaphore_mem>> -> memref<1x!tpu.dma_semaphore, #tpu.memory_space<semaphore_mem>>
      %dma_wait3A_139 = tpu.memref_squeeze %dma_wait3A_138 : memref<1x!tpu.dma_semaphore, #tpu.memory_space<semaphore_mem>> -> memref<!tpu.dma_semaphore, #tpu.memory_space<semaphore_mem>>
      tpu.wait_indirect_dma semaphore(%dma_wait3A_139 : memref<!tpu.dma_semaphore, #tpu.memory_space<semaphore_mem>>) src(%dma_wait3A_137 : memref<10240x128xf32, #tpu.memory_space<hbm>>) dst(%dma_wait3A_131 : memref<128x128xf32, #tpu.memory_space<vmem>>)
      %mul3A_140 = arith.constant 8 : i32
      %mul3A_141 = arith.muli %add3A_86, %mul3A_140 : i32
      %add3A_142 = arith.constant 0 : i32
      %add3A_143 = arith.addi %mul3A_141, %add3A_142 : i32
      %lt3A = arith.cmpi slt, %add3A_143, %max3A_7 : i32
      %convert_element_type3A = arith.extui %lt3A : i1 to i32
      %cond3A = arith.constant 0 : i32
      %cond3A_144 = arith.cmpi ne, %convert_element_type3A, %cond3A : i32
      scf.if %cond3A_144 {
        %dma_start3A_849 = arith.constant 0 : i32
        %dma_start3A_850 = arith.constant 0 : i32
        %dma_start3A_851 = arith.constant 0 : i32
        %dma_start3A_852 = arith.constant 0 : i32
        %dma_start3A_853 = arith.constant 0 : i32
        %dma_start3A_854 = tpu.memref_slice %arg9[%dma_start3A_849, %dma_start3A_852, %dma_start3A_853] : memref<2x128x128xf32, #tpu.memory_space<vmem>> -> memref<1x128x128xf32, #tpu.memory_space<vmem>>
        %dma_start3A_855 = tpu.memref_squeeze %dma_start3A_854 : memref<1x128x128xf32, #tpu.memory_space<vmem>> -> memref<128x128xf32, #tpu.memory_space<vmem>>
        %dma_start3A_856 = arith.constant 0 : i32
        %dma_start3A_857 = tpu.memref_slice %arg8[%dma_start3A_850, %dma_start3A_856] : memref<16x128xi32, #tpu.memory_space<vmem>> -> memref<1x128xi32, #tpu.memory_space<vmem>>
        %dma_start3A_858 = tpu.memref_squeeze %dma_start3A_857 : memref<1x128xi32, #tpu.memory_space<vmem>> -> memref<128xi32, #tpu.memory_space<vmem>>
        %dma_start3A_859 = arith.constant 0 : i32
        %dma_start3A_860 = arith.constant 0 : i32
        %dma_start3A_861 = tpu.memref_slice %arg10[%dma_start3A_859, %dma_start3A_860] : memref<10240x128xf32, #tpu.memory_space<vmem_shared>> -> memref<10240x128xf32, #tpu.memory_space<vmem_shared>>
        %dma_start3A_862 = tpu.memref_slice %arg12[%dma_start3A_851] : memref<2x!tpu.dma_semaphore, #tpu.memory_space<semaphore_mem>> -> memref<1x!tpu.dma_semaphore, #tpu.memory_space<semaphore_mem>>
        %dma_start3A_863 = tpu.memref_squeeze %dma_start3A_862 : memref<1x!tpu.dma_semaphore, #tpu.memory_space<semaphore_mem>> -> memref<!tpu.dma_semaphore, #tpu.memory_space<semaphore_mem>>
        tpu.enqueue_indirect_dma source(%dma_start3A_855 : memref<128x128xf32, #tpu.memory_space<vmem>>) target(%dma_start3A_861 : memref<10240x128xf32, #tpu.memory_space<vmem_shared>>) offsets(%dma_start3A_858 : memref<128xi32, #tpu.memory_space<vmem>>) semaphore(%dma_start3A_863 : memref<!tpu.dma_semaphore, #tpu.memory_space<semaphore_mem>>) {add = true}
        %dma_wait3A_864 = arith.constant 0 : i32
        %dma_wait3A_865 = arith.constant 0 : i32
        %dma_wait3A_866 = arith.constant 0 : i32
        %dma_wait3A_867 = arith.constant 0 : i32
        %dma_wait3A_868 = arith.constant 0 : i32
        %dma_wait3A_869 = tpu.memref_slice %arg9[%dma_wait3A_864, %dma_wait3A_867, %dma_wait3A_868] : memref<2x128x128xf32, #tpu.memory_space<vmem>> -> memref<1x128x128xf32, #tpu.memory_space<vmem>>
        %dma_wait3A_870 = tpu.memref_squeeze %dma_wait3A_869 : memref<1x128x128xf32, #tpu.memory_space<vmem>> -> memref<128x128xf32, #tpu.memory_space<vmem>>
        %dma_wait3A_871 = arith.constant 0 : i32
        %dma_wait3A_872 = tpu.memref_slice %arg8[%dma_wait3A_865, %dma_wait3A_871] : memref<16x128xi32, #tpu.memory_space<vmem>> -> memref<1x128xi32, #tpu.memory_space<vmem>>
        %dma_wait3A_873 = tpu.memref_squeeze %dma_wait3A_872 : memref<1x128xi32, #tpu.memory_space<vmem>> -> memref<128xi32, #tpu.memory_space<vmem>>
        %dma_wait3A_874 = arith.constant 0 : i32
        %dma_wait3A_875 = arith.constant 0 : i32
        %dma_wait3A_876 = tpu.memref_slice %arg10[%dma_wait3A_874, %dma_wait3A_875] : memref<10240x128xf32, #tpu.memory_space<vmem_shared>> -> memref<10240x128xf32, #tpu.memory_space<vmem_shared>>
        %dma_wait3A_877 = tpu.memref_slice %arg12[%dma_wait3A_866] : memref<2x!tpu.dma_semaphore, #tpu.memory_space<semaphore_mem>> -> memref<1x!tpu.dma_semaphore, #tpu.memory_space<semaphore_mem>>
        %dma_wait3A_878 = tpu.memref_squeeze %dma_wait3A_877 : memref<1x!tpu.dma_semaphore, #tpu.memory_space<semaphore_mem>> -> memref<!tpu.dma_semaphore, #tpu.memory_space<semaphore_mem>>
        tpu.wait_indirect_dma semaphore(%dma_wait3A_878 : memref<!tpu.dma_semaphore, #tpu.memory_space<semaphore_mem>>) src(%dma_wait3A_870 : memref<128x128xf32, #tpu.memory_space<vmem>>) dst(%dma_wait3A_876 : memref<10240x128xf32, #tpu.memory_space<vmem_shared>>)
      } else {
      }
      %dma_start3A_145 = arith.constant 2 : i32
      %dma_start3A_146 = arith.constant 0 : i32
      %dma_start3A_147 = arith.constant 0 : i32
      %dma_start3A_148 = arith.constant 0 : i32
      %dma_start3A_149 = arith.constant 0 : i32
      %dma_start3A_150 = tpu.memref_slice %arg9[%dma_start3A_146, %dma_start3A_148, %dma_start3A_149] : memref<2x128x128xf32, #tpu.memory_space<vmem>> -> memref<1x128x128xf32, #tpu.memory_space<vmem>>
      %dma_start3A_151 = tpu.memref_squeeze %dma_start3A_150 : memref<1x128x128xf32, #tpu.memory_space<vmem>> -> memref<128x128xf32, #tpu.memory_space<vmem>>
      %dma_start3A_152 = arith.constant 0 : i32
      %dma_start3A_153 = tpu.memref_slice %arg7[%dma_start3A_145, %dma_start3A_152] : memref<16x128xi32, #tpu.memory_space<vmem>> -> memref<1x128xi32, #tpu.memory_space<vmem>>
      %dma_start3A_154 = tpu.memref_squeeze %dma_start3A_153 : memref<1x128xi32, #tpu.memory_space<vmem>> -> memref<128xi32, #tpu.memory_space<vmem>>
      %dma_start3A_155 = arith.constant 0 : i32
      %dma_start3A_156 = arith.constant 0 : i32
      %dma_start3A_157 = tpu.memref_slice %arg2[%dma_start3A_155, %dma_start3A_156] : memref<10240x128xf32, #tpu.memory_space<hbm>> -> memref<10240x128xf32, #tpu.memory_space<hbm>>
      %dma_start3A_158 = tpu.memref_slice %arg11[%dma_start3A_147] : memref<2x!tpu.dma_semaphore, #tpu.memory_space<semaphore_mem>> -> memref<1x!tpu.dma_semaphore, #tpu.memory_space<semaphore_mem>>
      %dma_start3A_159 = tpu.memref_squeeze %dma_start3A_158 : memref<1x!tpu.dma_semaphore, #tpu.memory_space<semaphore_mem>> -> memref<!tpu.dma_semaphore, #tpu.memory_space<semaphore_mem>>
      tpu.enqueue_indirect_dma source(%dma_start3A_157 : memref<10240x128xf32, #tpu.memory_space<hbm>>) target(%dma_start3A_151 : memref<128x128xf32, #tpu.memory_space<vmem>>) offsets(%dma_start3A_154 : memref<128xi32, #tpu.memory_space<vmem>>) semaphore(%dma_start3A_159 : memref<!tpu.dma_semaphore, #tpu.memory_space<semaphore_mem>>)
      %dma_wait3A_160 = arith.constant 1 : i32
      %dma_wait3A_161 = arith.constant 1 : i32
      %dma_wait3A_162 = arith.constant 1 : i32
      %dma_wait3A_163 = arith.constant 0 : i32
      %dma_wait3A_164 = arith.constant 0 : i32
      %dma_wait3A_165 = tpu.memref_slice %arg9[%dma_wait3A_161, %dma_wait3A_163, %dma_wait3A_164] : memref<2x128x128xf32, #tpu.memory_space<vmem>> -> memref<1x128x128xf32, #tpu.memory_space<vmem>>
      %dma_wait3A_166 = tpu.memref_squeeze %dma_wait3A_165 : memref<1x128x128xf32, #tpu.memory_space<vmem>> -> memref<128x128xf32, #tpu.memory_space<vmem>>
      %dma_wait3A_167 = arith.constant 0 : i32
      %dma_wait3A_168 = tpu.memref_slice %arg7[%dma_wait3A_160, %dma_wait3A_167] : memref<16x128xi32, #tpu.memory_space<vmem>> -> memref<1x128xi32, #tpu.memory_space<vmem>>
      %dma_wait3A_169 = tpu.memref_squeeze %dma_wait3A_168 : memref<1x128xi32, #tpu.memory_space<vmem>> -> memref<128xi32, #tpu.memory_space<vmem>>
      %dma_wait3A_170 = arith.constant 0 : i32
      %dma_wait3A_171 = arith.constant 0 : i32
      %dma_wait3A_172 = tpu.memref_slice %arg2[%dma_wait3A_170, %dma_wait3A_171] : memref<10240x128xf32, #tpu.memory_space<hbm>> -> memref<10240x128xf32, #tpu.memory_space<hbm>>
      %dma_wait3A_173 = tpu.memref_slice %arg11[%dma_wait3A_162] : memref<2x!tpu.dma_semaphore, #tpu.memory_space<semaphore_mem>> -> memref<1x!tpu.dma_semaphore, #tpu.memory_space<semaphore_mem>>
      %dma_wait3A_174 = tpu.memref_squeeze %dma_wait3A_173 : memref<1x!tpu.dma_semaphore, #tpu.memory_space<semaphore_mem>> -> memref<!tpu.dma_semaphore, #tpu.memory_space<semaphore_mem>>
      tpu.wait_indirect_dma semaphore(%dma_wait3A_174 : memref<!tpu.dma_semaphore, #tpu.memory_space<semaphore_mem>>) src(%dma_wait3A_172 : memref<10240x128xf32, #tpu.memory_space<hbm>>) dst(%dma_wait3A_166 : memref<128x128xf32, #tpu.memory_space<vmem>>)
      %mul3A_175 = arith.constant 8 : i32
      %mul3A_176 = arith.muli %add3A_86, %mul3A_175 : i32
      %add3A_177 = arith.constant 1 : i32
      %add3A_178 = arith.addi %mul3A_176, %add3A_177 : i32
      %lt3A_179 = arith.cmpi slt, %add3A_178, %max3A_7 : i32
      %convert_element_type3A_180 = arith.extui %lt3A_179 : i1 to i32
      %cond3A_181 = arith.constant 0 : i32
      %cond3A_182 = arith.cmpi ne, %convert_element_type3A_180, %cond3A_181 : i32
      scf.if %cond3A_182 {
        %dma_start3A_849 = arith.constant 1 : i32
        %dma_start3A_850 = arith.constant 1 : i32
        %dma_start3A_851 = arith.constant 1 : i32
        %dma_start3A_852 = arith.constant 0 : i32
        %dma_start3A_853 = arith.constant 0 : i32
        %dma_start3A_854 = tpu.memref_slice %arg9[%dma_start3A_849, %dma_start3A_852, %dma_start3A_853] : memref<2x128x128xf32, #tpu.memory_space<vmem>> -> memref<1x128x128xf32, #tpu.memory_space<vmem>>
        %dma_start3A_855 = tpu.memref_squeeze %dma_start3A_854 : memref<1x128x128xf32, #tpu.memory_space<vmem>> -> memref<128x128xf32, #tpu.memory_space<vmem>>
        %dma_start3A_856 = arith.constant 0 : i32
        %dma_start3A_857 = tpu.memref_slice %arg8[%dma_start3A_850, %dma_start3A_856] : memref<16x128xi32, #tpu.memory_space<vmem>> -> memref<1x128xi32, #tpu.memory_space<vmem>>
        %dma_start3A_858 = tpu.memref_squeeze %dma_start3A_857 : memref<1x128xi32, #tpu.memory_space<vmem>> -> memref<128xi32, #tpu.memory_space<vmem>>
        %dma_start3A_859 = arith.constant 0 : i32
        %dma_start3A_860 = arith.constant 0 : i32
        %dma_start3A_861 = tpu.memref_slice %arg10[%dma_start3A_859, %dma_start3A_860] : memref<10240x128xf32, #tpu.memory_space<vmem_shared>> -> memref<10240x128xf32, #tpu.memory_space<vmem_shared>>
        %dma_start3A_862 = tpu.memref_slice %arg12[%dma_start3A_851] : memref<2x!tpu.dma_semaphore, #tpu.memory_space<semaphore_mem>> -> memref<1x!tpu.dma_semaphore, #tpu.memory_space<semaphore_mem>>
        %dma_start3A_863 = tpu.memref_squeeze %dma_start3A_862 : memref<1x!tpu.dma_semaphore, #tpu.memory_space<semaphore_mem>> -> memref<!tpu.dma_semaphore, #tpu.memory_space<semaphore_mem>>
        tpu.enqueue_indirect_dma source(%dma_start3A_855 : memref<128x128xf32, #tpu.memory_space<vmem>>) target(%dma_start3A_861 : memref<10240x128xf32, #tpu.memory_space<vmem_shared>>) offsets(%dma_start3A_858 : memref<128xi32, #tpu.memory_space<vmem>>) semaphore(%dma_start3A_863 : memref<!tpu.dma_semaphore, #tpu.memory_space<semaphore_mem>>) {add = true}
        %dma_wait3A_864 = arith.constant 1 : i32
        %dma_wait3A_865 = arith.constant 0 : i32
        %dma_wait3A_866 = arith.constant 1 : i32
        %dma_wait3A_867 = arith.constant 0 : i32
        %dma_wait3A_868 = arith.constant 0 : i32
        %dma_wait3A_869 = tpu.memref_slice %arg9[%dma_wait3A_864, %dma_wait3A_867, %dma_wait3A_868] : memref<2x128x128xf32, #tpu.memory_space<vmem>> -> memref<1x128x128xf32, #tpu.memory_space<vmem>>
        %dma_wait3A_870 = tpu.memref_squeeze %dma_wait3A_869 : memref<1x128x128xf32, #tpu.memory_space<vmem>> -> memref<128x128xf32, #tpu.memory_space<vmem>>
        %dma_wait3A_871 = arith.constant 0 : i32
        %dma_wait3A_872 = tpu.memref_slice %arg8[%dma_wait3A_865, %dma_wait3A_871] : memref<16x128xi32, #tpu.memory_space<vmem>> -> memref<1x128xi32, #tpu.memory_space<vmem>>
        %dma_wait3A_873 = tpu.memref_squeeze %dma_wait3A_872 : memref<1x128xi32, #tpu.memory_space<vmem>> -> memref<128xi32, #tpu.memory_space<vmem>>
        %dma_wait3A_874 = arith.constant 0 : i32
        %dma_wait3A_875 = arith.constant 0 : i32
        %dma_wait3A_876 = tpu.memref_slice %arg10[%dma_wait3A_874, %dma_wait3A_875] : memref<10240x128xf32, #tpu.memory_space<vmem_shared>> -> memref<10240x128xf32, #tpu.memory_space<vmem_shared>>
        %dma_wait3A_877 = tpu.memref_slice %arg12[%dma_wait3A_866] : memref<2x!tpu.dma_semaphore, #tpu.memory_space<semaphore_mem>> -> memref<1x!tpu.dma_semaphore, #tpu.memory_space<semaphore_mem>>
        %dma_wait3A_878 = tpu.memref_squeeze %dma_wait3A_877 : memref<1x!tpu.dma_semaphore, #tpu.memory_space<semaphore_mem>> -> memref<!tpu.dma_semaphore, #tpu.memory_space<semaphore_mem>>
        tpu.wait_indirect_dma semaphore(%dma_wait3A_878 : memref<!tpu.dma_semaphore, #tpu.memory_space<semaphore_mem>>) src(%dma_wait3A_870 : memref<128x128xf32, #tpu.memory_space<vmem>>) dst(%dma_wait3A_876 : memref<10240x128xf32, #tpu.memory_space<vmem_shared>>)
      } else {
      }
      %dma_start3A_183 = arith.constant 3 : i32
      %dma_start3A_184 = arith.constant 1 : i32
      %dma_start3A_185 = arith.constant 1 : i32
      %dma_start3A_186 = arith.constant 0 : i32
      %dma_start3A_187 = arith.constant 0 : i32
      %dma_start3A_188 = tpu.memref_slice %arg9[%dma_start3A_184, %dma_start3A_186, %dma_start3A_187] : memref<2x128x128xf32, #tpu.memory_space<vmem>> -> memref<1x128x128xf32, #tpu.memory_space<vmem>>
      %dma_start3A_189 = tpu.memref_squeeze %dma_start3A_188 : memref<1x128x128xf32, #tpu.memory_space<vmem>> -> memref<128x128xf32, #tpu.memory_space<vmem>>
      %dma_start3A_190 = arith.constant 0 : i32
      %dma_start3A_191 = tpu.memref_slice %arg7[%dma_start3A_183, %dma_start3A_190] : memref<16x128xi32, #tpu.memory_space<vmem>> -> memref<1x128xi32, #tpu.memory_space<vmem>>
      %dma_start3A_192 = tpu.memref_squeeze %dma_start3A_191 : memref<1x128xi32, #tpu.memory_space<vmem>> -> memref<128xi32, #tpu.memory_space<vmem>>
      %dma_start3A_193 = arith.constant 0 : i32
      %dma_start3A_194 = arith.constant 0 : i32
      %dma_start3A_195 = tpu.memref_slice %arg2[%dma_start3A_193, %dma_start3A_194] : memref<10240x128xf32, #tpu.memory_space<hbm>> -> memref<10240x128xf32, #tpu.memory_space<hbm>>
      %dma_start3A_196 = tpu.memref_slice %arg11[%dma_start3A_185] : memref<2x!tpu.dma_semaphore, #tpu.memory_space<semaphore_mem>> -> memref<1x!tpu.dma_semaphore, #tpu.memory_space<semaphore_mem>>
      %dma_start3A_197 = tpu.memref_squeeze %dma_start3A_196 : memref<1x!tpu.dma_semaphore, #tpu.memory_space<semaphore_mem>> -> memref<!tpu.dma_semaphore, #tpu.memory_space<semaphore_mem>>
      tpu.enqueue_indirect_dma source(%dma_start3A_195 : memref<10240x128xf32, #tpu.memory_space<hbm>>) target(%dma_start3A_189 : memref<128x128xf32, #tpu.memory_space<vmem>>) offsets(%dma_start3A_192 : memref<128xi32, #tpu.memory_space<vmem>>) semaphore(%dma_start3A_197 : memref<!tpu.dma_semaphore, #tpu.memory_space<semaphore_mem>>)
      %dma_wait3A_198 = arith.constant 2 : i32
      %dma_wait3A_199 = arith.constant 0 : i32
      %dma_wait3A_200 = arith.constant 0 : i32
      %dma_wait3A_201 = arith.constant 0 : i32
      %dma_wait3A_202 = arith.constant 0 : i32
      %dma_wait3A_203 = tpu.memref_slice %arg9[%dma_wait3A_199, %dma_wait3A_201, %dma_wait3A_202] : memref<2x128x128xf32, #tpu.memory_space<vmem>> -> memref<1x128x128xf32, #tpu.memory_space<vmem>>
      %dma_wait3A_204 = tpu.memref_squeeze %dma_wait3A_203 : memref<1x128x128xf32, #tpu.memory_space<vmem>> -> memref<128x128xf32, #tpu.memory_space<vmem>>
      %dma_wait3A_205 = arith.constant 0 : i32
      %dma_wait3A_206 = tpu.memref_slice %arg7[%dma_wait3A_198, %dma_wait3A_205] : memref<16x128xi32, #tpu.memory_space<vmem>> -> memref<1x128xi32, #tpu.memory_space<vmem>>
      %dma_wait3A_207 = tpu.memref_squeeze %dma_wait3A_206 : memref<1x128xi32, #tpu.memory_space<vmem>> -> memref<128xi32, #tpu.memory_space<vmem>>
      %dma_wait3A_208 = arith.constant 0 : i32
      %dma_wait3A_209 = arith.constant 0 : i32
      %dma_wait3A_210 = tpu.memref_slice %arg2[%dma_wait3A_208, %dma_wait3A_209] : memref<10240x128xf32, #tpu.memory_space<hbm>> -> memref<10240x128xf32, #tpu.memory_space<hbm>>
      %dma_wait3A_211 = tpu.memref_slice %arg11[%dma_wait3A_200] : memref<2x!tpu.dma_semaphore, #tpu.memory_space<semaphore_mem>> -> memref<1x!tpu.dma_semaphore, #tpu.memory_space<semaphore_mem>>
      %dma_wait3A_212 = tpu.memref_squeeze %dma_wait3A_211 : memref<1x!tpu.dma_semaphore, #tpu.memory_space<semaphore_mem>> -> memref<!tpu.dma_semaphore, #tpu.memory_space<semaphore_mem>>
      tpu.wait_indirect_dma semaphore(%dma_wait3A_212 : memref<!tpu.dma_semaphore, #tpu.memory_space<semaphore_mem>>) src(%dma_wait3A_210 : memref<10240x128xf32, #tpu.memory_space<hbm>>) dst(%dma_wait3A_204 : memref<128x128xf32, #tpu.memory_space<vmem>>)
      %mul3A_213 = arith.constant 8 : i32
      %mul3A_214 = arith.muli %add3A_86, %mul3A_213 : i32
      %add3A_215 = arith.constant 2 : i32
      %add3A_216 = arith.addi %mul3A_214, %add3A_215 : i32
      %lt3A_217 = arith.cmpi slt, %add3A_216, %max3A_7 : i32
      %convert_element_type3A_218 = arith.extui %lt3A_217 : i1 to i32
      %cond3A_219 = arith.constant 0 : i32
      %cond3A_220 = arith.cmpi ne, %convert_element_type3A_218, %cond3A_219 : i32
      scf.if %cond3A_220 {
        %dma_start3A_849 = arith.constant 0 : i32
        %dma_start3A_850 = arith.constant 2 : i32
        %dma_start3A_851 = arith.constant 0 : i32
        %dma_start3A_852 = arith.constant 0 : i32
        %dma_start3A_853 = arith.constant 0 : i32
        %dma_start3A_854 = tpu.memref_slice %arg9[%dma_start3A_849, %dma_start3A_852, %dma_start3A_853] : memref<2x128x128xf32, #tpu.memory_space<vmem>> -> memref<1x128x128xf32, #tpu.memory_space<vmem>>
        %dma_start3A_855 = tpu.memref_squeeze %dma_start3A_854 : memref<1x128x128xf32, #tpu.memory_space<vmem>> -> memref<128x128xf32, #tpu.memory_space<vmem>>
        %dma_start3A_856 = arith.constant 0 : i32
        %dma_start3A_857 = tpu.memref_slice %arg8[%dma_start3A_850, %dma_start3A_856] : memref<16x128xi32, #tpu.memory_space<vmem>> -> memref<1x128xi32, #tpu.memory_space<vmem>>
        %dma_start3A_858 = tpu.memref_squeeze %dma_start3A_857 : memref<1x128xi32, #tpu.memory_space<vmem>> -> memref<128xi32, #tpu.memory_space<vmem>>
        %dma_start3A_859 = arith.constant 0 : i32
        %dma_start3A_860 = arith.constant 0 : i32
        %dma_start3A_861 = tpu.memref_slice %arg10[%dma_start3A_859, %dma_start3A_860] : memref<10240x128xf32, #tpu.memory_space<vmem_shared>> -> memref<10240x128xf32, #tpu.memory_space<vmem_shared>>
        %dma_start3A_862 = tpu.memref_slice %arg12[%dma_start3A_851] : memref<2x!tpu.dma_semaphore, #tpu.memory_space<semaphore_mem>> -> memref<1x!tpu.dma_semaphore, #tpu.memory_space<semaphore_mem>>
        %dma_start3A_863 = tpu.memref_squeeze %dma_start3A_862 : memref<1x!tpu.dma_semaphore, #tpu.memory_space<semaphore_mem>> -> memref<!tpu.dma_semaphore, #tpu.memory_space<semaphore_mem>>
        tpu.enqueue_indirect_dma source(%dma_start3A_855 : memref<128x128xf32, #tpu.memory_space<vmem>>) target(%dma_start3A_861 : memref<10240x128xf32, #tpu.memory_space<vmem_shared>>) offsets(%dma_start3A_858 : memref<128xi32, #tpu.memory_space<vmem>>) semaphore(%dma_start3A_863 : memref<!tpu.dma_semaphore, #tpu.memory_space<semaphore_mem>>) {add = true}
        %dma_wait3A_864 = arith.constant 0 : i32
        %dma_wait3A_865 = arith.constant 0 : i32
        %dma_wait3A_866 = arith.constant 0 : i32
        %dma_wait3A_867 = arith.constant 0 : i32
        %dma_wait3A_868 = arith.constant 0 : i32
        %dma_wait3A_869 = tpu.memref_slice %arg9[%dma_wait3A_864, %dma_wait3A_867, %dma_wait3A_868] : memref<2x128x128xf32, #tpu.memory_space<vmem>> -> memref<1x128x128xf32, #tpu.memory_space<vmem>>
        %dma_wait3A_870 = tpu.memref_squeeze %dma_wait3A_869 : memref<1x128x128xf32, #tpu.memory_space<vmem>> -> memref<128x128xf32, #tpu.memory_space<vmem>>
        %dma_wait3A_871 = arith.constant 0 : i32
        %dma_wait3A_872 = tpu.memref_slice %arg8[%dma_wait3A_865, %dma_wait3A_871] : memref<16x128xi32, #tpu.memory_space<vmem>> -> memref<1x128xi32, #tpu.memory_space<vmem>>
        %dma_wait3A_873 = tpu.memref_squeeze %dma_wait3A_872 : memref<1x128xi32, #tpu.memory_space<vmem>> -> memref<128xi32, #tpu.memory_space<vmem>>
        %dma_wait3A_874 = arith.constant 0 : i32
        %dma_wait3A_875 = arith.constant 0 : i32
        %dma_wait3A_876 = tpu.memref_slice %arg10[%dma_wait3A_874, %dma_wait3A_875] : memref<10240x128xf32, #tpu.memory_space<vmem_shared>> -> memref<10240x128xf32, #tpu.memory_space<vmem_shared>>
        %dma_wait3A_877 = tpu.memref_slice %arg12[%dma_wait3A_866] : memref<2x!tpu.dma_semaphore, #tpu.memory_space<semaphore_mem>> -> memref<1x!tpu.dma_semaphore, #tpu.memory_space<semaphore_mem>>
        %dma_wait3A_878 = tpu.memref_squeeze %dma_wait3A_877 : memref<1x!tpu.dma_semaphore, #tpu.memory_space<semaphore_mem>> -> memref<!tpu.dma_semaphore, #tpu.memory_space<semaphore_mem>>
        tpu.wait_indirect_dma semaphore(%dma_wait3A_878 : memref<!tpu.dma_semaphore, #tpu.memory_space<semaphore_mem>>) src(%dma_wait3A_870 : memref<128x128xf32, #tpu.memory_space<vmem>>) dst(%dma_wait3A_876 : memref<10240x128xf32, #tpu.memory_space<vmem_shared>>)
      } else {
      }
      %dma_start3A_221 = arith.constant 4 : i32
      %dma_start3A_222 = arith.constant 0 : i32
      %dma_start3A_223 = arith.constant 0 : i32
      %dma_start3A_224 = arith.constant 0 : i32
      %dma_start3A_225 = arith.constant 0 : i32
      %dma_start3A_226 = tpu.memref_slice %arg9[%dma_start3A_222, %dma_start3A_224, %dma_start3A_225] : memref<2x128x128xf32, #tpu.memory_space<vmem>> -> memref<1x128x128xf32, #tpu.memory_space<vmem>>
      %dma_start3A_227 = tpu.memref_squeeze %dma_start3A_226 : memref<1x128x128xf32, #tpu.memory_space<vmem>> -> memref<128x128xf32, #tpu.memory_space<vmem>>
      %dma_start3A_228 = arith.constant 0 : i32
      %dma_start3A_229 = tpu.memref_slice %arg7[%dma_start3A_221, %dma_start3A_228] : memref<16x128xi32, #tpu.memory_space<vmem>> -> memref<1x128xi32, #tpu.memory_space<vmem>>
      %dma_start3A_230 = tpu.memref_squeeze %dma_start3A_229 : memref<1x128xi32, #tpu.memory_space<vmem>> -> memref<128xi32, #tpu.memory_space<vmem>>
      %dma_start3A_231 = arith.constant 0 : i32
      %dma_start3A_232 = arith.constant 0 : i32
      %dma_start3A_233 = tpu.memref_slice %arg2[%dma_start3A_231, %dma_start3A_232] : memref<10240x128xf32, #tpu.memory_space<hbm>> -> memref<10240x128xf32, #tpu.memory_space<hbm>>
      %dma_start3A_234 = tpu.memref_slice %arg11[%dma_start3A_223] : memref<2x!tpu.dma_semaphore, #tpu.memory_space<semaphore_mem>> -> memref<1x!tpu.dma_semaphore, #tpu.memory_space<semaphore_mem>>
      %dma_start3A_235 = tpu.memref_squeeze %dma_start3A_234 : memref<1x!tpu.dma_semaphore, #tpu.memory_space<semaphore_mem>> -> memref<!tpu.dma_semaphore, #tpu.memory_space<semaphore_mem>>
      tpu.enqueue_indirect_dma source(%dma_start3A_233 : memref<10240x128xf32, #tpu.memory_space<hbm>>) target(%dma_start3A_227 : memref<128x128xf32, #tpu.memory_space<vmem>>) offsets(%dma_start3A_230 : memref<128xi32, #tpu.memory_space<vmem>>) semaphore(%dma_start3A_235 : memref<!tpu.dma_semaphore, #tpu.memory_space<semaphore_mem>>)
      %dma_wait3A_236 = arith.constant 3 : i32
      %dma_wait3A_237 = arith.constant 1 : i32
      %dma_wait3A_238 = arith.constant 1 : i32
      %dma_wait3A_239 = arith.constant 0 : i32
      %dma_wait3A_240 = arith.constant 0 : i32
      %dma_wait3A_241 = tpu.memref_slice %arg9[%dma_wait3A_237, %dma_wait3A_239, %dma_wait3A_240] : memref<2x128x128xf32, #tpu.memory_space<vmem>> -> memref<1x128x128xf32, #tpu.memory_space<vmem>>
      %dma_wait3A_242 = tpu.memref_squeeze %dma_wait3A_241 : memref<1x128x128xf32, #tpu.memory_space<vmem>> -> memref<128x128xf32, #tpu.memory_space<vmem>>
      %dma_wait3A_243 = arith.constant 0 : i32
      %dma_wait3A_244 = tpu.memref_slice %arg7[%dma_wait3A_236, %dma_wait3A_243] : memref<16x128xi32, #tpu.memory_space<vmem>> -> memref<1x128xi32, #tpu.memory_space<vmem>>
      %dma_wait3A_245 = tpu.memref_squeeze %dma_wait3A_244 : memref<1x128xi32, #tpu.memory_space<vmem>> -> memref<128xi32, #tpu.memory_space<vmem>>
      %dma_wait3A_246 = arith.constant 0 : i32
      %dma_wait3A_247 = arith.constant 0 : i32
      %dma_wait3A_248 = tpu.memref_slice %arg2[%dma_wait3A_246, %dma_wait3A_247] : memref<10240x128xf32, #tpu.memory_space<hbm>> -> memref<10240x128xf32, #tpu.memory_space<hbm>>
      %dma_wait3A_249 = tpu.memref_slice %arg11[%dma_wait3A_238] : memref<2x!tpu.dma_semaphore, #tpu.memory_space<semaphore_mem>> -> memref<1x!tpu.dma_semaphore, #tpu.memory_space<semaphore_mem>>
      %dma_wait3A_250 = tpu.memref_squeeze %dma_wait3A_249 : memref<1x!tpu.dma_semaphore, #tpu.memory_space<semaphore_mem>> -> memref<!tpu.dma_semaphore, #tpu.memory_space<semaphore_mem>>
      tpu.wait_indirect_dma semaphore(%dma_wait3A_250 : memref<!tpu.dma_semaphore, #tpu.memory_space<semaphore_mem>>) src(%dma_wait3A_248 : memref<10240x128xf32, #tpu.memory_space<hbm>>) dst(%dma_wait3A_242 : memref<128x128xf32, #tpu.memory_space<vmem>>)
      %mul3A_251 = arith.constant 8 : i32
      %mul3A_252 = arith.muli %add3A_86, %mul3A_251 : i32
      %add3A_253 = arith.constant 3 : i32
      %add3A_254 = arith.addi %mul3A_252, %add3A_253 : i32
      %lt3A_255 = arith.cmpi slt, %add3A_254, %max3A_7 : i32
      %convert_element_type3A_256 = arith.extui %lt3A_255 : i1 to i32
      %cond3A_257 = arith.constant 0 : i32
      %cond3A_258 = arith.cmpi ne, %convert_element_type3A_256, %cond3A_257 : i32
      scf.if %cond3A_258 {
        %dma_start3A_849 = arith.constant 1 : i32
        %dma_start3A_850 = arith.constant 3 : i32
        %dma_start3A_851 = arith.constant 1 : i32
        %dma_start3A_852 = arith.constant 0 : i32
        %dma_start3A_853 = arith.constant 0 : i32
        %dma_start3A_854 = tpu.memref_slice %arg9[%dma_start3A_849, %dma_start3A_852, %dma_start3A_853] : memref<2x128x128xf32, #tpu.memory_space<vmem>> -> memref<1x128x128xf32, #tpu.memory_space<vmem>>
        %dma_start3A_855 = tpu.memref_squeeze %dma_start3A_854 : memref<1x128x128xf32, #tpu.memory_space<vmem>> -> memref<128x128xf32, #tpu.memory_space<vmem>>
        %dma_start3A_856 = arith.constant 0 : i32
        %dma_start3A_857 = tpu.memref_slice %arg8[%dma_start3A_850, %dma_start3A_856] : memref<16x128xi32, #tpu.memory_space<vmem>> -> memref<1x128xi32, #tpu.memory_space<vmem>>
        %dma_start3A_858 = tpu.memref_squeeze %dma_start3A_857 : memref<1x128xi32, #tpu.memory_space<vmem>> -> memref<128xi32, #tpu.memory_space<vmem>>
        %dma_start3A_859 = arith.constant 0 : i32
        %dma_start3A_860 = arith.constant 0 : i32
        %dma_start3A_861 = tpu.memref_slice %arg10[%dma_start3A_859, %dma_start3A_860] : memref<10240x128xf32, #tpu.memory_space<vmem_shared>> -> memref<10240x128xf32, #tpu.memory_space<vmem_shared>>
        %dma_start3A_862 = tpu.memref_slice %arg12[%dma_start3A_851] : memref<2x!tpu.dma_semaphore, #tpu.memory_space<semaphore_mem>> -> memref<1x!tpu.dma_semaphore, #tpu.memory_space<semaphore_mem>>
        %dma_start3A_863 = tpu.memref_squeeze %dma_start3A_862 : memref<1x!tpu.dma_semaphore, #tpu.memory_space<semaphore_mem>> -> memref<!tpu.dma_semaphore, #tpu.memory_space<semaphore_mem>>
        tpu.enqueue_indirect_dma source(%dma_start3A_855 : memref<128x128xf32, #tpu.memory_space<vmem>>) target(%dma_start3A_861 : memref<10240x128xf32, #tpu.memory_space<vmem_shared>>) offsets(%dma_start3A_858 : memref<128xi32, #tpu.memory_space<vmem>>) semaphore(%dma_start3A_863 : memref<!tpu.dma_semaphore, #tpu.memory_space<semaphore_mem>>) {add = true}
        %dma_wait3A_864 = arith.constant 1 : i32
        %dma_wait3A_865 = arith.constant 0 : i32
        %dma_wait3A_866 = arith.constant 1 : i32
        %dma_wait3A_867 = arith.constant 0 : i32
        %dma_wait3A_868 = arith.constant 0 : i32
        %dma_wait3A_869 = tpu.memref_slice %arg9[%dma_wait3A_864, %dma_wait3A_867, %dma_wait3A_868] : memref<2x128x128xf32, #tpu.memory_space<vmem>> -> memref<1x128x128xf32, #tpu.memory_space<vmem>>
        %dma_wait3A_870 = tpu.memref_squeeze %dma_wait3A_869 : memref<1x128x128xf32, #tpu.memory_space<vmem>> -> memref<128x128xf32, #tpu.memory_space<vmem>>
        %dma_wait3A_871 = arith.constant 0 : i32
        %dma_wait3A_872 = tpu.memref_slice %arg8[%dma_wait3A_865, %dma_wait3A_871] : memref<16x128xi32, #tpu.memory_space<vmem>> -> memref<1x128xi32, #tpu.memory_space<vmem>>
        %dma_wait3A_873 = tpu.memref_squeeze %dma_wait3A_872 : memref<1x128xi32, #tpu.memory_space<vmem>> -> memref<128xi32, #tpu.memory_space<vmem>>
        %dma_wait3A_874 = arith.constant 0 : i32
        %dma_wait3A_875 = arith.constant 0 : i32
        %dma_wait3A_876 = tpu.memref_slice %arg10[%dma_wait3A_874, %dma_wait3A_875] : memref<10240x128xf32, #tpu.memory_space<vmem_shared>> -> memref<10240x128xf32, #tpu.memory_space<vmem_shared>>
        %dma_wait3A_877 = tpu.memref_slice %arg12[%dma_wait3A_866] : memref<2x!tpu.dma_semaphore, #tpu.memory_space<semaphore_mem>> -> memref<1x!tpu.dma_semaphore, #tpu.memory_space<semaphore_mem>>
        %dma_wait3A_878 = tpu.memref_squeeze %dma_wait3A_877 : memref<1x!tpu.dma_semaphore, #tpu.memory_space<semaphore_mem>> -> memref<!tpu.dma_semaphore, #tpu.memory_space<semaphore_mem>>
        tpu.wait_indirect_dma semaphore(%dma_wait3A_878 : memref<!tpu.dma_semaphore, #tpu.memory_space<semaphore_mem>>) src(%dma_wait3A_870 : memref<128x128xf32, #tpu.memory_space<vmem>>) dst(%dma_wait3A_876 : memref<10240x128xf32, #tpu.memory_space<vmem_shared>>)
      } else {
      }
      %dma_start3A_259 = arith.constant 5 : i32
      %dma_start3A_260 = arith.constant 1 : i32
      %dma_start3A_261 = arith.constant 1 : i32
      %dma_start3A_262 = arith.constant 0 : i32
      %dma_start3A_263 = arith.constant 0 : i32
      %dma_start3A_264 = tpu.memref_slice %arg9[%dma_start3A_260, %dma_start3A_262, %dma_start3A_263] : memref<2x128x128xf32, #tpu.memory_space<vmem>> -> memref<1x128x128xf32, #tpu.memory_space<vmem>>
      %dma_start3A_265 = tpu.memref_squeeze %dma_start3A_264 : memref<1x128x128xf32, #tpu.memory_space<vmem>> -> memref<128x128xf32, #tpu.memory_space<vmem>>
      %dma_start3A_266 = arith.constant 0 : i32
      %dma_start3A_267 = tpu.memref_slice %arg7[%dma_start3A_259, %dma_start3A_266] : memref<16x128xi32, #tpu.memory_space<vmem>> -> memref<1x128xi32, #tpu.memory_space<vmem>>
      %dma_start3A_268 = tpu.memref_squeeze %dma_start3A_267 : memref<1x128xi32, #tpu.memory_space<vmem>> -> memref<128xi32, #tpu.memory_space<vmem>>
      %dma_start3A_269 = arith.constant 0 : i32
      %dma_start3A_270 = arith.constant 0 : i32
      %dma_start3A_271 = tpu.memref_slice %arg2[%dma_start3A_269, %dma_start3A_270] : memref<10240x128xf32, #tpu.memory_space<hbm>> -> memref<10240x128xf32, #tpu.memory_space<hbm>>
      %dma_start3A_272 = tpu.memref_slice %arg11[%dma_start3A_261] : memref<2x!tpu.dma_semaphore, #tpu.memory_space<semaphore_mem>> -> memref<1x!tpu.dma_semaphore, #tpu.memory_space<semaphore_mem>>
      %dma_start3A_273 = tpu.memref_squeeze %dma_start3A_272 : memref<1x!tpu.dma_semaphore, #tpu.memory_space<semaphore_mem>> -> memref<!tpu.dma_semaphore, #tpu.memory_space<semaphore_mem>>
      tpu.enqueue_indirect_dma source(%dma_start3A_271 : memref<10240x128xf32, #tpu.memory_space<hbm>>) target(%dma_start3A_265 : memref<128x128xf32, #tpu.memory_space<vmem>>) offsets(%dma_start3A_268 : memref<128xi32, #tpu.memory_space<vmem>>) semaphore(%dma_start3A_273 : memref<!tpu.dma_semaphore, #tpu.memory_space<semaphore_mem>>)
      %dma_wait3A_274 = arith.constant 4 : i32
      %dma_wait3A_275 = arith.constant 0 : i32
      %dma_wait3A_276 = arith.constant 0 : i32
      %dma_wait3A_277 = arith.constant 0 : i32
      %dma_wait3A_278 = arith.constant 0 : i32
      %dma_wait3A_279 = tpu.memref_slice %arg9[%dma_wait3A_275, %dma_wait3A_277, %dma_wait3A_278] : memref<2x128x128xf32, #tpu.memory_space<vmem>> -> memref<1x128x128xf32, #tpu.memory_space<vmem>>
      %dma_wait3A_280 = tpu.memref_squeeze %dma_wait3A_279 : memref<1x128x128xf32, #tpu.memory_space<vmem>> -> memref<128x128xf32, #tpu.memory_space<vmem>>
      %dma_wait3A_281 = arith.constant 0 : i32
      %dma_wait3A_282 = tpu.memref_slice %arg7[%dma_wait3A_274, %dma_wait3A_281] : memref<16x128xi32, #tpu.memory_space<vmem>> -> memref<1x128xi32, #tpu.memory_space<vmem>>
      %dma_wait3A_283 = tpu.memref_squeeze %dma_wait3A_282 : memref<1x128xi32, #tpu.memory_space<vmem>> -> memref<128xi32, #tpu.memory_space<vmem>>
      %dma_wait3A_284 = arith.constant 0 : i32
      %dma_wait3A_285 = arith.constant 0 : i32
      %dma_wait3A_286 = tpu.memref_slice %arg2[%dma_wait3A_284, %dma_wait3A_285] : memref<10240x128xf32, #tpu.memory_space<hbm>> -> memref<10240x128xf32, #tpu.memory_space<hbm>>
      %dma_wait3A_287 = tpu.memref_slice %arg11[%dma_wait3A_276] : memref<2x!tpu.dma_semaphore, #tpu.memory_space<semaphore_mem>> -> memref<1x!tpu.dma_semaphore, #tpu.memory_space<semaphore_mem>>
      %dma_wait3A_288 = tpu.memref_squeeze %dma_wait3A_287 : memref<1x!tpu.dma_semaphore, #tpu.memory_space<semaphore_mem>> -> memref<!tpu.dma_semaphore, #tpu.memory_space<semaphore_mem>>
      tpu.wait_indirect_dma semaphore(%dma_wait3A_288 : memref<!tpu.dma_semaphore, #tpu.memory_space<semaphore_mem>>) src(%dma_wait3A_286 : memref<10240x128xf32, #tpu.memory_space<hbm>>) dst(%dma_wait3A_280 : memref<128x128xf32, #tpu.memory_space<vmem>>)
      %mul3A_289 = arith.constant 8 : i32
      %mul3A_290 = arith.muli %add3A_86, %mul3A_289 : i32
      %add3A_291 = arith.constant 4 : i32
      %add3A_292 = arith.addi %mul3A_290, %add3A_291 : i32
      %lt3A_293 = arith.cmpi slt, %add3A_292, %max3A_7 : i32
      %convert_element_type3A_294 = arith.extui %lt3A_293 : i1 to i32
      %cond3A_295 = arith.constant 0 : i32
      %cond3A_296 = arith.cmpi ne, %convert_element_type3A_294, %cond3A_295 : i32
      scf.if %cond3A_296 {
        %dma_start3A_849 = arith.constant 0 : i32
        %dma_start3A_850 = arith.constant 4 : i32
        %dma_start3A_851 = arith.constant 0 : i32
        %dma_start3A_852 = arith.constant 0 : i32
        %dma_start3A_853 = arith.constant 0 : i32
        %dma_start3A_854 = tpu.memref_slice %arg9[%dma_start3A_849, %dma_start3A_852, %dma_start3A_853] : memref<2x128x128xf32, #tpu.memory_space<vmem>> -> memref<1x128x128xf32, #tpu.memory_space<vmem>>
        %dma_start3A_855 = tpu.memref_squeeze %dma_start3A_854 : memref<1x128x128xf32, #tpu.memory_space<vmem>> -> memref<128x128xf32, #tpu.memory_space<vmem>>
        %dma_start3A_856 = arith.constant 0 : i32
        %dma_start3A_857 = tpu.memref_slice %arg8[%dma_start3A_850, %dma_start3A_856] : memref<16x128xi32, #tpu.memory_space<vmem>> -> memref<1x128xi32, #tpu.memory_space<vmem>>
        %dma_start3A_858 = tpu.memref_squeeze %dma_start3A_857 : memref<1x128xi32, #tpu.memory_space<vmem>> -> memref<128xi32, #tpu.memory_space<vmem>>
        %dma_start3A_859 = arith.constant 0 : i32
        %dma_start3A_860 = arith.constant 0 : i32
        %dma_start3A_861 = tpu.memref_slice %arg10[%dma_start3A_859, %dma_start3A_860] : memref<10240x128xf32, #tpu.memory_space<vmem_shared>> -> memref<10240x128xf32, #tpu.memory_space<vmem_shared>>
        %dma_start3A_862 = tpu.memref_slice %arg12[%dma_start3A_851] : memref<2x!tpu.dma_semaphore, #tpu.memory_space<semaphore_mem>> -> memref<1x!tpu.dma_semaphore, #tpu.memory_space<semaphore_mem>>
        %dma_start3A_863 = tpu.memref_squeeze %dma_start3A_862 : memref<1x!tpu.dma_semaphore, #tpu.memory_space<semaphore_mem>> -> memref<!tpu.dma_semaphore, #tpu.memory_space<semaphore_mem>>
        tpu.enqueue_indirect_dma source(%dma_start3A_855 : memref<128x128xf32, #tpu.memory_space<vmem>>) target(%dma_start3A_861 : memref<10240x128xf32, #tpu.memory_space<vmem_shared>>) offsets(%dma_start3A_858 : memref<128xi32, #tpu.memory_space<vmem>>) semaphore(%dma_start3A_863 : memref<!tpu.dma_semaphore, #tpu.memory_space<semaphore_mem>>) {add = true}
        %dma_wait3A_864 = arith.constant 0 : i32
        %dma_wait3A_865 = arith.constant 0 : i32
        %dma_wait3A_866 = arith.constant 0 : i32
        %dma_wait3A_867 = arith.constant 0 : i32
        %dma_wait3A_868 = arith.constant 0 : i32
        %dma_wait3A_869 = tpu.memref_slice %arg9[%dma_wait3A_864, %dma_wait3A_867, %dma_wait3A_868] : memref<2x128x128xf32, #tpu.memory_space<vmem>> -> memref<1x128x128xf32, #tpu.memory_space<vmem>>
        %dma_wait3A_870 = tpu.memref_squeeze %dma_wait3A_869 : memref<1x128x128xf32, #tpu.memory_space<vmem>> -> memref<128x128xf32, #tpu.memory_space<vmem>>
        %dma_wait3A_871 = arith.constant 0 : i32
        %dma_wait3A_872 = tpu.memref_slice %arg8[%dma_wait3A_865, %dma_wait3A_871] : memref<16x128xi32, #tpu.memory_space<vmem>> -> memref<1x128xi32, #tpu.memory_space<vmem>>
        %dma_wait3A_873 = tpu.memref_squeeze %dma_wait3A_872 : memref<1x128xi32, #tpu.memory_space<vmem>> -> memref<128xi32, #tpu.memory_space<vmem>>
        %dma_wait3A_874 = arith.constant 0 : i32
        %dma_wait3A_875 = arith.constant 0 : i32
        %dma_wait3A_876 = tpu.memref_slice %arg10[%dma_wait3A_874, %dma_wait3A_875] : memref<10240x128xf32, #tpu.memory_space<vmem_shared>> -> memref<10240x128xf32, #tpu.memory_space<vmem_shared>>
        %dma_wait3A_877 = tpu.memref_slice %arg12[%dma_wait3A_866] : memref<2x!tpu.dma_semaphore, #tpu.memory_space<semaphore_mem>> -> memref<1x!tpu.dma_semaphore, #tpu.memory_space<semaphore_mem>>
        %dma_wait3A_878 = tpu.memref_squeeze %dma_wait3A_877 : memref<1x!tpu.dma_semaphore, #tpu.memory_space<semaphore_mem>> -> memref<!tpu.dma_semaphore, #tpu.memory_space<semaphore_mem>>
        tpu.wait_indirect_dma semaphore(%dma_wait3A_878 : memref<!tpu.dma_semaphore, #tpu.memory_space<semaphore_mem>>) src(%dma_wait3A_870 : memref<128x128xf32, #tpu.memory_space<vmem>>) dst(%dma_wait3A_876 : memref<10240x128xf32, #tpu.memory_space<vmem_shared>>)
      } else {
      }
      %dma_start3A_297 = arith.constant 6 : i32
      %dma_start3A_298 = arith.constant 0 : i32
      %dma_start3A_299 = arith.constant 0 : i32
      %dma_start3A_300 = arith.constant 0 : i32
      %dma_start3A_301 = arith.constant 0 : i32
      %dma_start3A_302 = tpu.memref_slice %arg9[%dma_start3A_298, %dma_start3A_300, %dma_start3A_301] : memref<2x128x128xf32, #tpu.memory_space<vmem>> -> memref<1x128x128xf32, #tpu.memory_space<vmem>>
      %dma_start3A_303 = tpu.memref_squeeze %dma_start3A_302 : memref<1x128x128xf32, #tpu.memory_space<vmem>> -> memref<128x128xf32, #tpu.memory_space<vmem>>
      %dma_start3A_304 = arith.constant 0 : i32
      %dma_start3A_305 = tpu.memref_slice %arg7[%dma_start3A_297, %dma_start3A_304] : memref<16x128xi32, #tpu.memory_space<vmem>> -> memref<1x128xi32, #tpu.memory_space<vmem>>
      %dma_start3A_306 = tpu.memref_squeeze %dma_start3A_305 : memref<1x128xi32, #tpu.memory_space<vmem>> -> memref<128xi32, #tpu.memory_space<vmem>>
      %dma_start3A_307 = arith.constant 0 : i32
      %dma_start3A_308 = arith.constant 0 : i32
      %dma_start3A_309 = tpu.memref_slice %arg2[%dma_start3A_307, %dma_start3A_308] : memref<10240x128xf32, #tpu.memory_space<hbm>> -> memref<10240x128xf32, #tpu.memory_space<hbm>>
      %dma_start3A_310 = tpu.memref_slice %arg11[%dma_start3A_299] : memref<2x!tpu.dma_semaphore, #tpu.memory_space<semaphore_mem>> -> memref<1x!tpu.dma_semaphore, #tpu.memory_space<semaphore_mem>>
      %dma_start3A_311 = tpu.memref_squeeze %dma_start3A_310 : memref<1x!tpu.dma_semaphore, #tpu.memory_space<semaphore_mem>> -> memref<!tpu.dma_semaphore, #tpu.memory_space<semaphore_mem>>
      tpu.enqueue_indirect_dma source(%dma_start3A_309 : memref<10240x128xf32, #tpu.memory_space<hbm>>) target(%dma_start3A_303 : memref<128x128xf32, #tpu.memory_space<vmem>>) offsets(%dma_start3A_306 : memref<128xi32, #tpu.memory_space<vmem>>) semaphore(%dma_start3A_311 : memref<!tpu.dma_semaphore, #tpu.memory_space<semaphore_mem>>)
      %dma_wait3A_312 = arith.constant 5 : i32
      %dma_wait3A_313 = arith.constant 1 : i32
      %dma_wait3A_314 = arith.constant 1 : i32
      %dma_wait3A_315 = arith.constant 0 : i32
      %dma_wait3A_316 = arith.constant 0 : i32
      %dma_wait3A_317 = tpu.memref_slice %arg9[%dma_wait3A_313, %dma_wait3A_315, %dma_wait3A_316] : memref<2x128x128xf32, #tpu.memory_space<vmem>> -> memref<1x128x128xf32, #tpu.memory_space<vmem>>
      %dma_wait3A_318 = tpu.memref_squeeze %dma_wait3A_317 : memref<1x128x128xf32, #tpu.memory_space<vmem>> -> memref<128x128xf32, #tpu.memory_space<vmem>>
      %dma_wait3A_319 = arith.constant 0 : i32
      %dma_wait3A_320 = tpu.memref_slice %arg7[%dma_wait3A_312, %dma_wait3A_319] : memref<16x128xi32, #tpu.memory_space<vmem>> -> memref<1x128xi32, #tpu.memory_space<vmem>>
      %dma_wait3A_321 = tpu.memref_squeeze %dma_wait3A_320 : memref<1x128xi32, #tpu.memory_space<vmem>> -> memref<128xi32, #tpu.memory_space<vmem>>
      %dma_wait3A_322 = arith.constant 0 : i32
      %dma_wait3A_323 = arith.constant 0 : i32
      %dma_wait3A_324 = tpu.memref_slice %arg2[%dma_wait3A_322, %dma_wait3A_323] : memref<10240x128xf32, #tpu.memory_space<hbm>> -> memref<10240x128xf32, #tpu.memory_space<hbm>>
      %dma_wait3A_325 = tpu.memref_slice %arg11[%dma_wait3A_314] : memref<2x!tpu.dma_semaphore, #tpu.memory_space<semaphore_mem>> -> memref<1x!tpu.dma_semaphore, #tpu.memory_space<semaphore_mem>>
      %dma_wait3A_326 = tpu.memref_squeeze %dma_wait3A_325 : memref<1x!tpu.dma_semaphore, #tpu.memory_space<semaphore_mem>> -> memref<!tpu.dma_semaphore, #tpu.memory_space<semaphore_mem>>
      tpu.wait_indirect_dma semaphore(%dma_wait3A_326 : memref<!tpu.dma_semaphore, #tpu.memory_space<semaphore_mem>>) src(%dma_wait3A_324 : memref<10240x128xf32, #tpu.memory_space<hbm>>) dst(%dma_wait3A_318 : memref<128x128xf32, #tpu.memory_space<vmem>>)
      %mul3A_327 = arith.constant 8 : i32
      %mul3A_328 = arith.muli %add3A_86, %mul3A_327 : i32
      %add3A_329 = arith.constant 5 : i32
      %add3A_330 = arith.addi %mul3A_328, %add3A_329 : i32
      %lt3A_331 = arith.cmpi slt, %add3A_330, %max3A_7 : i32
      %convert_element_type3A_332 = arith.extui %lt3A_331 : i1 to i32
      %cond3A_333 = arith.constant 0 : i32
      %cond3A_334 = arith.cmpi ne, %convert_element_type3A_332, %cond3A_333 : i32
      scf.if %cond3A_334 {
        %dma_start3A_849 = arith.constant 1 : i32
        %dma_start3A_850 = arith.constant 5 : i32
        %dma_start3A_851 = arith.constant 1 : i32
        %dma_start3A_852 = arith.constant 0 : i32
        %dma_start3A_853 = arith.constant 0 : i32
        %dma_start3A_854 = tpu.memref_slice %arg9[%dma_start3A_849, %dma_start3A_852, %dma_start3A_853] : memref<2x128x128xf32, #tpu.memory_space<vmem>> -> memref<1x128x128xf32, #tpu.memory_space<vmem>>
        %dma_start3A_855 = tpu.memref_squeeze %dma_start3A_854 : memref<1x128x128xf32, #tpu.memory_space<vmem>> -> memref<128x128xf32, #tpu.memory_space<vmem>>
        %dma_start3A_856 = arith.constant 0 : i32
        %dma_start3A_857 = tpu.memref_slice %arg8[%dma_start3A_850, %dma_start3A_856] : memref<16x128xi32, #tpu.memory_space<vmem>> -> memref<1x128xi32, #tpu.memory_space<vmem>>
        %dma_start3A_858 = tpu.memref_squeeze %dma_start3A_857 : memref<1x128xi32, #tpu.memory_space<vmem>> -> memref<128xi32, #tpu.memory_space<vmem>>
        %dma_start3A_859 = arith.constant 0 : i32
        %dma_start3A_860 = arith.constant 0 : i32
        %dma_start3A_861 = tpu.memref_slice %arg10[%dma_start3A_859, %dma_start3A_860] : memref<10240x128xf32, #tpu.memory_space<vmem_shared>> -> memref<10240x128xf32, #tpu.memory_space<vmem_shared>>
        %dma_start3A_862 = tpu.memref_slice %arg12[%dma_start3A_851] : memref<2x!tpu.dma_semaphore, #tpu.memory_space<semaphore_mem>> -> memref<1x!tpu.dma_semaphore, #tpu.memory_space<semaphore_mem>>
        %dma_start3A_863 = tpu.memref_squeeze %dma_start3A_862 : memref<1x!tpu.dma_semaphore, #tpu.memory_space<semaphore_mem>> -> memref<!tpu.dma_semaphore, #tpu.memory_space<semaphore_mem>>
        tpu.enqueue_indirect_dma source(%dma_start3A_855 : memref<128x128xf32, #tpu.memory_space<vmem>>) target(%dma_start3A_861 : memref<10240x128xf32, #tpu.memory_space<vmem_shared>>) offsets(%dma_start3A_858 : memref<128xi32, #tpu.memory_space<vmem>>) semaphore(%dma_start3A_863 : memref<!tpu.dma_semaphore, #tpu.memory_space<semaphore_mem>>) {add = true}
        %dma_wait3A_864 = arith.constant 1 : i32
        %dma_wait3A_865 = arith.constant 0 : i32
        %dma_wait3A_866 = arith.constant 1 : i32
        %dma_wait3A_867 = arith.constant 0 : i32
        %dma_wait3A_868 = arith.constant 0 : i32
        %dma_wait3A_869 = tpu.memref_slice %arg9[%dma_wait3A_864, %dma_wait3A_867, %dma_wait3A_868] : memref<2x128x128xf32, #tpu.memory_space<vmem>> -> memref<1x128x128xf32, #tpu.memory_space<vmem>>
        %dma_wait3A_870 = tpu.memref_squeeze %dma_wait3A_869 : memref<1x128x128xf32, #tpu.memory_space<vmem>> -> memref<128x128xf32, #tpu.memory_space<vmem>>
        %dma_wait3A_871 = arith.constant 0 : i32
        %dma_wait3A_872 = tpu.memref_slice %arg8[%dma_wait3A_865, %dma_wait3A_871] : memref<16x128xi32, #tpu.memory_space<vmem>> -> memref<1x128xi32, #tpu.memory_space<vmem>>
        %dma_wait3A_873 = tpu.memref_squeeze %dma_wait3A_872 : memref<1x128xi32, #tpu.memory_space<vmem>> -> memref<128xi32, #tpu.memory_space<vmem>>
        %dma_wait3A_874 = arith.constant 0 : i32
        %dma_wait3A_875 = arith.constant 0 : i32
        %dma_wait3A_876 = tpu.memref_slice %arg10[%dma_wait3A_874, %dma_wait3A_875] : memref<10240x128xf32, #tpu.memory_space<vmem_shared>> -> memref<10240x128xf32, #tpu.memory_space<vmem_shared>>
        %dma_wait3A_877 = tpu.memref_slice %arg12[%dma_wait3A_866] : memref<2x!tpu.dma_semaphore, #tpu.memory_space<semaphore_mem>> -> memref<1x!tpu.dma_semaphore, #tpu.memory_space<semaphore_mem>>
        %dma_wait3A_878 = tpu.memref_squeeze %dma_wait3A_877 : memref<1x!tpu.dma_semaphore, #tpu.memory_space<semaphore_mem>> -> memref<!tpu.dma_semaphore, #tpu.memory_space<semaphore_mem>>
        tpu.wait_indirect_dma semaphore(%dma_wait3A_878 : memref<!tpu.dma_semaphore, #tpu.memory_space<semaphore_mem>>) src(%dma_wait3A_870 : memref<128x128xf32, #tpu.memory_space<vmem>>) dst(%dma_wait3A_876 : memref<10240x128xf32, #tpu.memory_space<vmem_shared>>)
      } else {
      }
      %dma_start3A_335 = arith.constant 7 : i32
      %dma_start3A_336 = arith.constant 1 : i32
      %dma_start3A_337 = arith.constant 1 : i32
      %dma_start3A_338 = arith.constant 0 : i32
      %dma_start3A_339 = arith.constant 0 : i32
      %dma_start3A_340 = tpu.memref_slice %arg9[%dma_start3A_336, %dma_start3A_338, %dma_start3A_339] : memref<2x128x128xf32, #tpu.memory_space<vmem>> -> memref<1x128x128xf32, #tpu.memory_space<vmem>>
      %dma_start3A_341 = tpu.memref_squeeze %dma_start3A_340 : memref<1x128x128xf32, #tpu.memory_space<vmem>> -> memref<128x128xf32, #tpu.memory_space<vmem>>
      %dma_start3A_342 = arith.constant 0 : i32
      %dma_start3A_343 = tpu.memref_slice %arg7[%dma_start3A_335, %dma_start3A_342] : memref<16x128xi32, #tpu.memory_space<vmem>> -> memref<1x128xi32, #tpu.memory_space<vmem>>
      %dma_start3A_344 = tpu.memref_squeeze %dma_start3A_343 : memref<1x128xi32, #tpu.memory_space<vmem>> -> memref<128xi32, #tpu.memory_space<vmem>>
      %dma_start3A_345 = arith.constant 0 : i32
      %dma_start3A_346 = arith.constant 0 : i32
      %dma_start3A_347 = tpu.memref_slice %arg2[%dma_start3A_345, %dma_start3A_346] : memref<10240x128xf32, #tpu.memory_space<hbm>> -> memref<10240x128xf32, #tpu.memory_space<hbm>>
      %dma_start3A_348 = tpu.memref_slice %arg11[%dma_start3A_337] : memref<2x!tpu.dma_semaphore, #tpu.memory_space<semaphore_mem>> -> memref<1x!tpu.dma_semaphore, #tpu.memory_space<semaphore_mem>>
      %dma_start3A_349 = tpu.memref_squeeze %dma_start3A_348 : memref<1x!tpu.dma_semaphore, #tpu.memory_space<semaphore_mem>> -> memref<!tpu.dma_semaphore, #tpu.memory_space<semaphore_mem>>
      tpu.enqueue_indirect_dma source(%dma_start3A_347 : memref<10240x128xf32, #tpu.memory_space<hbm>>) target(%dma_start3A_341 : memref<128x128xf32, #tpu.memory_space<vmem>>) offsets(%dma_start3A_344 : memref<128xi32, #tpu.memory_space<vmem>>) semaphore(%dma_start3A_349 : memref<!tpu.dma_semaphore, #tpu.memory_space<semaphore_mem>>)
      %add3A_350 = arith.constant 1 : i32
      %add3A_351 = arith.addi %add3A_86, %add3A_350 : i32
      %mul3A_352 = arith.constant 80 : i32
      %mul3A_353 = arith.muli %add3A, %mul3A_352 : i32
      %mul3A_354 = arith.constant 8 : i32
      %mul3A_355 = arith.muli %add3A_351, %mul3A_354 : i32
      %add3A_356 = arith.addi %mul3A_353, %mul3A_355 : i32
      %dma_wait3A_357 = arith.constant 1 : i32
      %dma_wait3A_358 = arith.constant 8 : i32
      %dma_wait3A_359 = arith.constant 0 : i32
      %dma_wait3A_360 = tpu.memref_slice %arg7[%dma_wait3A_358, %dma_wait3A_359] : memref<16x128xi32, #tpu.memory_space<vmem>> -> memref<8x128xi32, #tpu.memory_space<vmem>>
      %dma_wait3A_361 = arith.constant 0 : i32
      %dma_wait3A_362 = tpu.memref_slice %arg3[%add3A_356, %dma_wait3A_361] : memref<2576x128xi32, #tpu.memory_space<hbm>> -> memref<8x128xi32, #tpu.memory_space<hbm>>
      %dma_wait3A_363 = tpu.memref_slice %arg13[%dma_wait3A_357] : memref<2x!tpu.dma_semaphore, #tpu.memory_space<semaphore_mem>> -> memref<1x!tpu.dma_semaphore, #tpu.memory_space<semaphore_mem>>
      %dma_wait3A_364 = tpu.memref_squeeze %dma_wait3A_363 : memref<1x!tpu.dma_semaphore, #tpu.memory_space<semaphore_mem>> -> memref<!tpu.dma_semaphore, #tpu.memory_space<semaphore_mem>>
      %dma_wait3A_365 = arith.constant 8 : i32
      %dma_wait3A_366 = arith.constant 0 : i32
      %dma_wait3A_367 = tpu.memref_slice %arg7[%dma_wait3A_365, %dma_wait3A_366] : memref<16x128xi32, #tpu.memory_space<vmem>> -> memref<8x128xi32, #tpu.memory_space<vmem>>
      %dma_wait3A_368 = arith.constant 0 : i32
      %dma_wait3A_369 = tpu.memref_slice %arg3[%add3A_356, %dma_wait3A_368] : memref<2576x128xi32, #tpu.memory_space<hbm>> -> memref<8x128xi32, #tpu.memory_space<hbm>>
      tpu.wait_dma2 semaphore(%dma_wait3A_364 : memref<!tpu.dma_semaphore, #tpu.memory_space<semaphore_mem>>) src(%dma_wait3A_369 : memref<8x128xi32, #tpu.memory_space<hbm>>) dst(%dma_wait3A_367 : memref<8x128xi32, #tpu.memory_space<vmem>>)
      %mul3A_370 = arith.constant 80 : i32
      %mul3A_371 = arith.muli %add3A, %mul3A_370 : i32
      %mul3A_372 = arith.constant 8 : i32
      %mul3A_373 = arith.muli %add3A_351, %mul3A_372 : i32
      %add3A_374 = arith.addi %mul3A_371, %mul3A_373 : i32
      %dma_wait3A_375 = arith.constant 1 : i32
      %dma_wait3A_376 = arith.constant 8 : i32
      %dma_wait3A_377 = arith.constant 0 : i32
      %dma_wait3A_378 = tpu.memref_slice %arg8[%dma_wait3A_376, %dma_wait3A_377] : memref<16x128xi32, #tpu.memory_space<vmem>> -> memref<8x128xi32, #tpu.memory_space<vmem>>
      %dma_wait3A_379 = arith.constant 0 : i32
      %dma_wait3A_380 = tpu.memref_slice %arg4[%add3A_374, %dma_wait3A_379] : memref<2576x128xi32, #tpu.memory_space<hbm>> -> memref<8x128xi32, #tpu.memory_space<hbm>>
      %dma_wait3A_381 = tpu.memref_slice %arg14[%dma_wait3A_375] : memref<2x!tpu.dma_semaphore, #tpu.memory_space<semaphore_mem>> -> memref<1x!tpu.dma_semaphore, #tpu.memory_space<semaphore_mem>>
      %dma_wait3A_382 = tpu.memref_squeeze %dma_wait3A_381 : memref<1x!tpu.dma_semaphore, #tpu.memory_space<semaphore_mem>> -> memref<!tpu.dma_semaphore, #tpu.memory_space<semaphore_mem>>
      %dma_wait3A_383 = arith.constant 8 : i32
      %dma_wait3A_384 = arith.constant 0 : i32
      %dma_wait3A_385 = tpu.memref_slice %arg8[%dma_wait3A_383, %dma_wait3A_384] : memref<16x128xi32, #tpu.memory_space<vmem>> -> memref<8x128xi32, #tpu.memory_space<vmem>>
      %dma_wait3A_386 = arith.constant 0 : i32
      %dma_wait3A_387 = tpu.memref_slice %arg4[%add3A_374, %dma_wait3A_386] : memref<2576x128xi32, #tpu.memory_space<hbm>> -> memref<8x128xi32, #tpu.memory_space<hbm>>
      tpu.wait_dma2 semaphore(%dma_wait3A_382 : memref<!tpu.dma_semaphore, #tpu.memory_space<semaphore_mem>>) src(%dma_wait3A_387 : memref<8x128xi32, #tpu.memory_space<hbm>>) dst(%dma_wait3A_385 : memref<8x128xi32, #tpu.memory_space<vmem>>)
      %dma_wait3A_388 = arith.constant 6 : i32
      %dma_wait3A_389 = arith.constant 0 : i32
      %dma_wait3A_390 = arith.constant 0 : i32
      %dma_wait3A_391 = arith.constant 0 : i32
      %dma_wait3A_392 = arith.constant 0 : i32
      %dma_wait3A_393 = tpu.memref_slice %arg9[%dma_wait3A_389, %dma_wait3A_391, %dma_wait3A_392] : memref<2x128x128xf32, #tpu.memory_space<vmem>> -> memref<1x128x128xf32, #tpu.memory_space<vmem>>
      %dma_wait3A_394 = tpu.memref_squeeze %dma_wait3A_393 : memref<1x128x128xf32, #tpu.memory_space<vmem>> -> memref<128x128xf32, #tpu.memory_space<vmem>>
      %dma_wait3A_395 = arith.constant 0 : i32
      %dma_wait3A_396 = tpu.memref_slice %arg7[%dma_wait3A_388, %dma_wait3A_395] : memref<16x128xi32, #tpu.memory_space<vmem>> -> memref<1x128xi32, #tpu.memory_space<vmem>>
      %dma_wait3A_397 = tpu.memref_squeeze %dma_wait3A_396 : memref<1x128xi32, #tpu.memory_space<vmem>> -> memref<128xi32, #tpu.memory_space<vmem>>
      %dma_wait3A_398 = arith.constant 0 : i32
      %dma_wait3A_399 = arith.constant 0 : i32
      %dma_wait3A_400 = tpu.memref_slice %arg2[%dma_wait3A_398, %dma_wait3A_399] : memref<10240x128xf32, #tpu.memory_space<hbm>> -> memref<10240x128xf32, #tpu.memory_space<hbm>>
      %dma_wait3A_401 = tpu.memref_slice %arg11[%dma_wait3A_390] : memref<2x!tpu.dma_semaphore, #tpu.memory_space<semaphore_mem>> -> memref<1x!tpu.dma_semaphore, #tpu.memory_space<semaphore_mem>>
      %dma_wait3A_402 = tpu.memref_squeeze %dma_wait3A_401 : memref<1x!tpu.dma_semaphore, #tpu.memory_space<semaphore_mem>> -> memref<!tpu.dma_semaphore, #tpu.memory_space<semaphore_mem>>
      tpu.wait_indirect_dma semaphore(%dma_wait3A_402 : memref<!tpu.dma_semaphore, #tpu.memory_space<semaphore_mem>>) src(%dma_wait3A_400 : memref<10240x128xf32, #tpu.memory_space<hbm>>) dst(%dma_wait3A_394 : memref<128x128xf32, #tpu.memory_space<vmem>>)
      %mul3A_403 = arith.constant 8 : i32
      %mul3A_404 = arith.muli %add3A_86, %mul3A_403 : i32
      %add3A_405 = arith.constant 6 : i32
      %add3A_406 = arith.addi %mul3A_404, %add3A_405 : i32
      %lt3A_407 = arith.cmpi slt, %add3A_406, %max3A_7 : i32
      %convert_element_type3A_408 = arith.extui %lt3A_407 : i1 to i32
      %cond3A_409 = arith.constant 0 : i32
      %cond3A_410 = arith.cmpi ne, %convert_element_type3A_408, %cond3A_409 : i32
      scf.if %cond3A_410 {
        %dma_start3A_849 = arith.constant 0 : i32
        %dma_start3A_850 = arith.constant 6 : i32
        %dma_start3A_851 = arith.constant 0 : i32
        %dma_start3A_852 = arith.constant 0 : i32
        %dma_start3A_853 = arith.constant 0 : i32
        %dma_start3A_854 = tpu.memref_slice %arg9[%dma_start3A_849, %dma_start3A_852, %dma_start3A_853] : memref<2x128x128xf32, #tpu.memory_space<vmem>> -> memref<1x128x128xf32, #tpu.memory_space<vmem>>
        %dma_start3A_855 = tpu.memref_squeeze %dma_start3A_854 : memref<1x128x128xf32, #tpu.memory_space<vmem>> -> memref<128x128xf32, #tpu.memory_space<vmem>>
        %dma_start3A_856 = arith.constant 0 : i32
        %dma_start3A_857 = tpu.memref_slice %arg8[%dma_start3A_850, %dma_start3A_856] : memref<16x128xi32, #tpu.memory_space<vmem>> -> memref<1x128xi32, #tpu.memory_space<vmem>>
        %dma_start3A_858 = tpu.memref_squeeze %dma_start3A_857 : memref<1x128xi32, #tpu.memory_space<vmem>> -> memref<128xi32, #tpu.memory_space<vmem>>
        %dma_start3A_859 = arith.constant 0 : i32
        %dma_start3A_860 = arith.constant 0 : i32
        %dma_start3A_861 = tpu.memref_slice %arg10[%dma_start3A_859, %dma_start3A_860] : memref<10240x128xf32, #tpu.memory_space<vmem_shared>> -> memref<10240x128xf32, #tpu.memory_space<vmem_shared>>
        %dma_start3A_862 = tpu.memref_slice %arg12[%dma_start3A_851] : memref<2x!tpu.dma_semaphore, #tpu.memory_space<semaphore_mem>> -> memref<1x!tpu.dma_semaphore, #tpu.memory_space<semaphore_mem>>
        %dma_start3A_863 = tpu.memref_squeeze %dma_start3A_862 : memref<1x!tpu.dma_semaphore, #tpu.memory_space<semaphore_mem>> -> memref<!tpu.dma_semaphore, #tpu.memory_space<semaphore_mem>>
        tpu.enqueue_indirect_dma source(%dma_start3A_855 : memref<128x128xf32, #tpu.memory_space<vmem>>) target(%dma_start3A_861 : memref<10240x128xf32, #tpu.memory_space<vmem_shared>>) offsets(%dma_start3A_858 : memref<128xi32, #tpu.memory_space<vmem>>) semaphore(%dma_start3A_863 : memref<!tpu.dma_semaphore, #tpu.memory_space<semaphore_mem>>) {add = true}
        %dma_wait3A_864 = arith.constant 0 : i32
        %dma_wait3A_865 = arith.constant 0 : i32
        %dma_wait3A_866 = arith.constant 0 : i32
        %dma_wait3A_867 = arith.constant 0 : i32
        %dma_wait3A_868 = arith.constant 0 : i32
        %dma_wait3A_869 = tpu.memref_slice %arg9[%dma_wait3A_864, %dma_wait3A_867, %dma_wait3A_868] : memref<2x128x128xf32, #tpu.memory_space<vmem>> -> memref<1x128x128xf32, #tpu.memory_space<vmem>>
        %dma_wait3A_870 = tpu.memref_squeeze %dma_wait3A_869 : memref<1x128x128xf32, #tpu.memory_space<vmem>> -> memref<128x128xf32, #tpu.memory_space<vmem>>
        %dma_wait3A_871 = arith.constant 0 : i32
        %dma_wait3A_872 = tpu.memref_slice %arg8[%dma_wait3A_865, %dma_wait3A_871] : memref<16x128xi32, #tpu.memory_space<vmem>> -> memref<1x128xi32, #tpu.memory_space<vmem>>
        %dma_wait3A_873 = tpu.memref_squeeze %dma_wait3A_872 : memref<1x128xi32, #tpu.memory_space<vmem>> -> memref<128xi32, #tpu.memory_space<vmem>>
        %dma_wait3A_874 = arith.constant 0 : i32
        %dma_wait3A_875 = arith.constant 0 : i32
        %dma_wait3A_876 = tpu.memref_slice %arg10[%dma_wait3A_874, %dma_wait3A_875] : memref<10240x128xf32, #tpu.memory_space<vmem_shared>> -> memref<10240x128xf32, #tpu.memory_space<vmem_shared>>
        %dma_wait3A_877 = tpu.memref_slice %arg12[%dma_wait3A_866] : memref<2x!tpu.dma_semaphore, #tpu.memory_space<semaphore_mem>> -> memref<1x!tpu.dma_semaphore, #tpu.memory_space<semaphore_mem>>
        %dma_wait3A_878 = tpu.memref_squeeze %dma_wait3A_877 : memref<1x!tpu.dma_semaphore, #tpu.memory_space<semaphore_mem>> -> memref<!tpu.dma_semaphore, #tpu.memory_space<semaphore_mem>>
        tpu.wait_indirect_dma semaphore(%dma_wait3A_878 : memref<!tpu.dma_semaphore, #tpu.memory_space<semaphore_mem>>) src(%dma_wait3A_870 : memref<128x128xf32, #tpu.memory_space<vmem>>) dst(%dma_wait3A_876 : memref<10240x128xf32, #tpu.memory_space<vmem_shared>>)
      } else {
      }
      %dma_start3A_411 = arith.constant 8 : i32
      %dma_start3A_412 = arith.constant 0 : i32
      %dma_start3A_413 = arith.constant 0 : i32
      %dma_start3A_414 = arith.constant 0 : i32
      %dma_start3A_415 = arith.constant 0 : i32
      %dma_start3A_416 = tpu.memref_slice %arg9[%dma_start3A_412, %dma_start3A_414, %dma_start3A_415] : memref<2x128x128xf32, #tpu.memory_space<vmem>> -> memref<1x128x128xf32, #tpu.memory_space<vmem>>
      %dma_start3A_417 = tpu.memref_squeeze %dma_start3A_416 : memref<1x128x128xf32, #tpu.memory_space<vmem>> -> memref<128x128xf32, #tpu.memory_space<vmem>>
      %dma_start3A_418 = arith.constant 0 : i32
      %dma_start3A_419 = tpu.memref_slice %arg7[%dma_start3A_411, %dma_start3A_418] : memref<16x128xi32, #tpu.memory_space<vmem>> -> memref<1x128xi32, #tpu.memory_space<vmem>>
      %dma_start3A_420 = tpu.memref_squeeze %dma_start3A_419 : memref<1x128xi32, #tpu.memory_space<vmem>> -> memref<128xi32, #tpu.memory_space<vmem>>
      %dma_start3A_421 = arith.constant 0 : i32
      %dma_start3A_422 = arith.constant 0 : i32
      %dma_start3A_423 = tpu.memref_slice %arg2[%dma_start3A_421, %dma_start3A_422] : memref<10240x128xf32, #tpu.memory_space<hbm>> -> memref<10240x128xf32, #tpu.memory_space<hbm>>
      %dma_start3A_424 = tpu.memref_slice %arg11[%dma_start3A_413] : memref<2x!tpu.dma_semaphore, #tpu.memory_space<semaphore_mem>> -> memref<1x!tpu.dma_semaphore, #tpu.memory_space<semaphore_mem>>
      %dma_start3A_425 = tpu.memref_squeeze %dma_start3A_424 : memref<1x!tpu.dma_semaphore, #tpu.memory_space<semaphore_mem>> -> memref<!tpu.dma_semaphore, #tpu.memory_space<semaphore_mem>>
      tpu.enqueue_indirect_dma source(%dma_start3A_423 : memref<10240x128xf32, #tpu.memory_space<hbm>>) target(%dma_start3A_417 : memref<128x128xf32, #tpu.memory_space<vmem>>) offsets(%dma_start3A_420 : memref<128xi32, #tpu.memory_space<vmem>>) semaphore(%dma_start3A_425 : memref<!tpu.dma_semaphore, #tpu.memory_space<semaphore_mem>>)
      %dma_wait3A_426 = arith.constant 7 : i32
      %dma_wait3A_427 = arith.constant 1 : i32
      %dma_wait3A_428 = arith.constant 1 : i32
      %dma_wait3A_429 = arith.constant 0 : i32
      %dma_wait3A_430 = arith.constant 0 : i32
      %dma_wait3A_431 = tpu.memref_slice %arg9[%dma_wait3A_427, %dma_wait3A_429, %dma_wait3A_430] : memref<2x128x128xf32, #tpu.memory_space<vmem>> -> memref<1x128x128xf32, #tpu.memory_space<vmem>>
      %dma_wait3A_432 = tpu.memref_squeeze %dma_wait3A_431 : memref<1x128x128xf32, #tpu.memory_space<vmem>> -> memref<128x128xf32, #tpu.memory_space<vmem>>
      %dma_wait3A_433 = arith.constant 0 : i32
      %dma_wait3A_434 = tpu.memref_slice %arg7[%dma_wait3A_426, %dma_wait3A_433] : memref<16x128xi32, #tpu.memory_space<vmem>> -> memref<1x128xi32, #tpu.memory_space<vmem>>
      %dma_wait3A_435 = tpu.memref_squeeze %dma_wait3A_434 : memref<1x128xi32, #tpu.memory_space<vmem>> -> memref<128xi32, #tpu.memory_space<vmem>>
      %dma_wait3A_436 = arith.constant 0 : i32
      %dma_wait3A_437 = arith.constant 0 : i32
      %dma_wait3A_438 = tpu.memref_slice %arg2[%dma_wait3A_436, %dma_wait3A_437] : memref<10240x128xf32, #tpu.memory_space<hbm>> -> memref<10240x128xf32, #tpu.memory_space<hbm>>
      %dma_wait3A_439 = tpu.memref_slice %arg11[%dma_wait3A_428] : memref<2x!tpu.dma_semaphore, #tpu.memory_space<semaphore_mem>> -> memref<1x!tpu.dma_semaphore, #tpu.memory_space<semaphore_mem>>
      %dma_wait3A_440 = tpu.memref_squeeze %dma_wait3A_439 : memref<1x!tpu.dma_semaphore, #tpu.memory_space<semaphore_mem>> -> memref<!tpu.dma_semaphore, #tpu.memory_space<semaphore_mem>>
      tpu.wait_indirect_dma semaphore(%dma_wait3A_440 : memref<!tpu.dma_semaphore, #tpu.memory_space<semaphore_mem>>) src(%dma_wait3A_438 : memref<10240x128xf32, #tpu.memory_space<hbm>>) dst(%dma_wait3A_432 : memref<128x128xf32, #tpu.memory_space<vmem>>)
      %mul3A_441 = arith.constant 8 : i32
      %mul3A_442 = arith.muli %add3A_86, %mul3A_441 : i32
      %add3A_443 = arith.constant 7 : i32
      %add3A_444 = arith.addi %mul3A_442, %add3A_443 : i32
      %lt3A_445 = arith.cmpi slt, %add3A_444, %max3A_7 : i32
      %convert_element_type3A_446 = arith.extui %lt3A_445 : i1 to i32
      %cond3A_447 = arith.constant 0 : i32
      %cond3A_448 = arith.cmpi ne, %convert_element_type3A_446, %cond3A_447 : i32
      scf.if %cond3A_448 {
        %dma_start3A_849 = arith.constant 1 : i32
        %dma_start3A_850 = arith.constant 7 : i32
        %dma_start3A_851 = arith.constant 1 : i32
        %dma_start3A_852 = arith.constant 0 : i32
        %dma_start3A_853 = arith.constant 0 : i32
        %dma_start3A_854 = tpu.memref_slice %arg9[%dma_start3A_849, %dma_start3A_852, %dma_start3A_853] : memref<2x128x128xf32, #tpu.memory_space<vmem>> -> memref<1x128x128xf32, #tpu.memory_space<vmem>>
        %dma_start3A_855 = tpu.memref_squeeze %dma_start3A_854 : memref<1x128x128xf32, #tpu.memory_space<vmem>> -> memref<128x128xf32, #tpu.memory_space<vmem>>
        %dma_start3A_856 = arith.constant 0 : i32
        %dma_start3A_857 = tpu.memref_slice %arg8[%dma_start3A_850, %dma_start3A_856] : memref<16x128xi32, #tpu.memory_space<vmem>> -> memref<1x128xi32, #tpu.memory_space<vmem>>
        %dma_start3A_858 = tpu.memref_squeeze %dma_start3A_857 : memref<1x128xi32, #tpu.memory_space<vmem>> -> memref<128xi32, #tpu.memory_space<vmem>>
        %dma_start3A_859 = arith.constant 0 : i32
        %dma_start3A_860 = arith.constant 0 : i32
        %dma_start3A_861 = tpu.memref_slice %arg10[%dma_start3A_859, %dma_start3A_860] : memref<10240x128xf32, #tpu.memory_space<vmem_shared>> -> memref<10240x128xf32, #tpu.memory_space<vmem_shared>>
        %dma_start3A_862 = tpu.memref_slice %arg12[%dma_start3A_851] : memref<2x!tpu.dma_semaphore, #tpu.memory_space<semaphore_mem>> -> memref<1x!tpu.dma_semaphore, #tpu.memory_space<semaphore_mem>>
        %dma_start3A_863 = tpu.memref_squeeze %dma_start3A_862 : memref<1x!tpu.dma_semaphore, #tpu.memory_space<semaphore_mem>> -> memref<!tpu.dma_semaphore, #tpu.memory_space<semaphore_mem>>
        tpu.enqueue_indirect_dma source(%dma_start3A_855 : memref<128x128xf32, #tpu.memory_space<vmem>>) target(%dma_start3A_861 : memref<10240x128xf32, #tpu.memory_space<vmem_shared>>) offsets(%dma_start3A_858 : memref<128xi32, #tpu.memory_space<vmem>>) semaphore(%dma_start3A_863 : memref<!tpu.dma_semaphore, #tpu.memory_space<semaphore_mem>>) {add = true}
        %dma_wait3A_864 = arith.constant 1 : i32
        %dma_wait3A_865 = arith.constant 0 : i32
        %dma_wait3A_866 = arith.constant 1 : i32
        %dma_wait3A_867 = arith.constant 0 : i32
        %dma_wait3A_868 = arith.constant 0 : i32
        %dma_wait3A_869 = tpu.memref_slice %arg9[%dma_wait3A_864, %dma_wait3A_867, %dma_wait3A_868] : memref<2x128x128xf32, #tpu.memory_space<vmem>> -> memref<1x128x128xf32, #tpu.memory_space<vmem>>
        %dma_wait3A_870 = tpu.memref_squeeze %dma_wait3A_869 : memref<1x128x128xf32, #tpu.memory_space<vmem>> -> memref<128x128xf32, #tpu.memory_space<vmem>>
        %dma_wait3A_871 = arith.constant 0 : i32
        %dma_wait3A_872 = tpu.memref_slice %arg8[%dma_wait3A_865, %dma_wait3A_871] : memref<16x128xi32, #tpu.memory_space<vmem>> -> memref<1x128xi32, #tpu.memory_space<vmem>>
        %dma_wait3A_873 = tpu.memref_squeeze %dma_wait3A_872 : memref<1x128xi32, #tpu.memory_space<vmem>> -> memref<128xi32, #tpu.memory_space<vmem>>
        %dma_wait3A_874 = arith.constant 0 : i32
        %dma_wait3A_875 = arith.constant 0 : i32
        %dma_wait3A_876 = tpu.memref_slice %arg10[%dma_wait3A_874, %dma_wait3A_875] : memref<10240x128xf32, #tpu.memory_space<vmem_shared>> -> memref<10240x128xf32, #tpu.memory_space<vmem_shared>>
        %dma_wait3A_877 = tpu.memref_slice %arg12[%dma_wait3A_866] : memref<2x!tpu.dma_semaphore, #tpu.memory_space<semaphore_mem>> -> memref<1x!tpu.dma_semaphore, #tpu.memory_space<semaphore_mem>>
        %dma_wait3A_878 = tpu.memref_squeeze %dma_wait3A_877 : memref<1x!tpu.dma_semaphore, #tpu.memory_space<semaphore_mem>> -> memref<!tpu.dma_semaphore, #tpu.memory_space<semaphore_mem>>
        tpu.wait_indirect_dma semaphore(%dma_wait3A_878 : memref<!tpu.dma_semaphore, #tpu.memory_space<semaphore_mem>>) src(%dma_wait3A_870 : memref<128x128xf32, #tpu.memory_space<vmem>>) dst(%dma_wait3A_876 : memref<10240x128xf32, #tpu.memory_space<vmem_shared>>)
      } else {
      }
      %dma_start3A_449 = arith.constant 9 : i32
      %dma_start3A_450 = arith.constant 1 : i32
      %dma_start3A_451 = arith.constant 1 : i32
      %dma_start3A_452 = arith.constant 0 : i32
      %dma_start3A_453 = arith.constant 0 : i32
      %dma_start3A_454 = tpu.memref_slice %arg9[%dma_start3A_450, %dma_start3A_452, %dma_start3A_453] : memref<2x128x128xf32, #tpu.memory_space<vmem>> -> memref<1x128x128xf32, #tpu.memory_space<vmem>>
      %dma_start3A_455 = tpu.memref_squeeze %dma_start3A_454 : memref<1x128x128xf32, #tpu.memory_space<vmem>> -> memref<128x128xf32, #tpu.memory_space<vmem>>
      %dma_start3A_456 = arith.constant 0 : i32
      %dma_start3A_457 = tpu.memref_slice %arg7[%dma_start3A_449, %dma_start3A_456] : memref<16x128xi32, #tpu.memory_space<vmem>> -> memref<1x128xi32, #tpu.memory_space<vmem>>
      %dma_start3A_458 = tpu.memref_squeeze %dma_start3A_457 : memref<1x128xi32, #tpu.memory_space<vmem>> -> memref<128xi32, #tpu.memory_space<vmem>>
      %dma_start3A_459 = arith.constant 0 : i32
      %dma_start3A_460 = arith.constant 0 : i32
      %dma_start3A_461 = tpu.memref_slice %arg2[%dma_start3A_459, %dma_start3A_460] : memref<10240x128xf32, #tpu.memory_space<hbm>> -> memref<10240x128xf32, #tpu.memory_space<hbm>>
      %dma_start3A_462 = tpu.memref_slice %arg11[%dma_start3A_451] : memref<2x!tpu.dma_semaphore, #tpu.memory_space<semaphore_mem>> -> memref<1x!tpu.dma_semaphore, #tpu.memory_space<semaphore_mem>>
      %dma_start3A_463 = tpu.memref_squeeze %dma_start3A_462 : memref<1x!tpu.dma_semaphore, #tpu.memory_space<semaphore_mem>> -> memref<!tpu.dma_semaphore, #tpu.memory_space<semaphore_mem>>
      tpu.enqueue_indirect_dma source(%dma_start3A_461 : memref<10240x128xf32, #tpu.memory_space<hbm>>) target(%dma_start3A_455 : memref<128x128xf32, #tpu.memory_space<vmem>>) offsets(%dma_start3A_458 : memref<128xi32, #tpu.memory_space<vmem>>) semaphore(%dma_start3A_463 : memref<!tpu.dma_semaphore, #tpu.memory_space<semaphore_mem>>)
      %mul3A_464 = arith.constant 2 : i32
      %mul3A_465 = arith.muli %mul3A_464, %scan3A_81 : i32
      %add3A_466 = arith.constant 1 : i32
      %add3A_467 = arith.addi %mul3A_465, %add3A_466 : i32
      %add3A_468 = arith.constant 1 : i32
      %add3A_469 = arith.addi %add3A_467, %add3A_468 : i32
      %mul3A_470 = arith.constant 80 : i32
      %mul3A_471 = arith.muli %add3A, %mul3A_470 : i32
      %mul3A_472 = arith.constant 8 : i32
      %mul3A_473 = arith.muli %add3A_469, %mul3A_472 : i32
      %add3A_474 = arith.addi %mul3A_471, %mul3A_473 : i32
      %mul3A_475 = arith.constant 80 : i32
      %mul3A_476 = arith.muli %add3A, %mul3A_475 : i32
      %mul3A_477 = arith.constant 8 : i32
      %mul3A_478 = arith.muli %add3A_469, %mul3A_477 : i32
      %add3A_479 = arith.addi %mul3A_476, %mul3A_478 : i32
      %dma_start3A_480 = arith.constant 0 : i32
      %dma_start3A_481 = arith.constant 0 : i32
      %dma_start3A_482 = arith.constant 0 : i32
      %dma_start3A_483 = tpu.memref_slice %arg7[%dma_start3A_481, %dma_start3A_482] : memref<16x128xi32, #tpu.memory_space<vmem>> -> memref<8x128xi32, #tpu.memory_space<vmem>>
      %dma_start3A_484 = arith.constant 0 : i32
      %dma_start3A_485 = tpu.memref_slice %arg3[%add3A_474, %dma_start3A_484] : memref<2576x128xi32, #tpu.memory_space<hbm>> -> memref<8x128xi32, #tpu.memory_space<hbm>>
      %dma_start3A_486 = tpu.memref_slice %arg13[%dma_start3A_480] : memref<2x!tpu.dma_semaphore, #tpu.memory_space<semaphore_mem>> -> memref<1x!tpu.dma_semaphore, #tpu.memory_space<semaphore_mem>>
      %dma_start3A_487 = tpu.memref_squeeze %dma_start3A_486 : memref<1x!tpu.dma_semaphore, #tpu.memory_space<semaphore_mem>> -> memref<!tpu.dma_semaphore, #tpu.memory_space<semaphore_mem>>
      %dma_start3A_488 = arith.constant 0 : i32
      %dma_start3A_489 = arith.constant 0 : i32
      %dma_start3A_490 = tpu.memref_slice %arg7[%dma_start3A_488, %dma_start3A_489] : memref<16x128xi32, #tpu.memory_space<vmem>> -> memref<8x128xi32, #tpu.memory_space<vmem>>
      %dma_start3A_491 = arith.constant 0 : i32
      %dma_start3A_492 = tpu.memref_slice %arg3[%add3A_474, %dma_start3A_491] : memref<2576x128xi32, #tpu.memory_space<hbm>> -> memref<8x128xi32, #tpu.memory_space<hbm>>
      tpu.enqueue_dma source(%dma_start3A_492 : memref<8x128xi32, #tpu.memory_space<hbm>>) target(%dma_start3A_490 : memref<8x128xi32, #tpu.memory_space<vmem>>) target_semaphore(%dma_start3A_487 : memref<!tpu.dma_semaphore, #tpu.memory_space<semaphore_mem>>)
      %dma_start3A_493 = arith.constant 0 : i32
      %dma_start3A_494 = arith.constant 0 : i32
      %dma_start3A_495 = arith.constant 0 : i32
      %dma_start3A_496 = tpu.memref_slice %arg8[%dma_start3A_494, %dma_start3A_495] : memref<16x128xi32, #tpu.memory_space<vmem>> -> memref<8x128xi32, #tpu.memory_space<vmem>>
      %dma_start3A_497 = arith.constant 0 : i32
      %dma_start3A_498 = tpu.memref_slice %arg4[%add3A_479, %dma_start3A_497] : memref<2576x128xi32, #tpu.memory_space<hbm>> -> memref<8x128xi32, #tpu.memory_space<hbm>>
      %dma_start3A_499 = tpu.memref_slice %arg14[%dma_start3A_493] : memref<2x!tpu.dma_semaphore, #tpu.memory_space<semaphore_mem>> -> memref<1x!tpu.dma_semaphore, #tpu.memory_space<semaphore_mem>>
      %dma_start3A_500 = tpu.memref_squeeze %dma_start3A_499 : memref<1x!tpu.dma_semaphore, #tpu.memory_space<semaphore_mem>> -> memref<!tpu.dma_semaphore, #tpu.memory_space<semaphore_mem>>
      %dma_start3A_501 = arith.constant 0 : i32
      %dma_start3A_502 = arith.constant 0 : i32
      %dma_start3A_503 = tpu.memref_slice %arg8[%dma_start3A_501, %dma_start3A_502] : memref<16x128xi32, #tpu.memory_space<vmem>> -> memref<8x128xi32, #tpu.memory_space<vmem>>
      %dma_start3A_504 = arith.constant 0 : i32
      %dma_start3A_505 = tpu.memref_slice %arg4[%add3A_479, %dma_start3A_504] : memref<2576x128xi32, #tpu.memory_space<hbm>> -> memref<8x128xi32, #tpu.memory_space<hbm>>
      tpu.enqueue_dma source(%dma_start3A_505 : memref<8x128xi32, #tpu.memory_space<hbm>>) target(%dma_start3A_503 : memref<8x128xi32, #tpu.memory_space<vmem>>) target_semaphore(%dma_start3A_500 : memref<!tpu.dma_semaphore, #tpu.memory_space<semaphore_mem>>)
      %dma_wait3A_506 = arith.constant 8 : i32
      %dma_wait3A_507 = arith.constant 0 : i32
      %dma_wait3A_508 = arith.constant 0 : i32
      %dma_wait3A_509 = arith.constant 0 : i32
      %dma_wait3A_510 = arith.constant 0 : i32
      %dma_wait3A_511 = tpu.memref_slice %arg9[%dma_wait3A_507, %dma_wait3A_509, %dma_wait3A_510] : memref<2x128x128xf32, #tpu.memory_space<vmem>> -> memref<1x128x128xf32, #tpu.memory_space<vmem>>
      %dma_wait3A_512 = tpu.memref_squeeze %dma_wait3A_511 : memref<1x128x128xf32, #tpu.memory_space<vmem>> -> memref<128x128xf32, #tpu.memory_space<vmem>>
      %dma_wait3A_513 = arith.constant 0 : i32
      %dma_wait3A_514 = tpu.memref_slice %arg7[%dma_wait3A_506, %dma_wait3A_513] : memref<16x128xi32, #tpu.memory_space<vmem>> -> memref<1x128xi32, #tpu.memory_space<vmem>>
      %dma_wait3A_515 = tpu.memref_squeeze %dma_wait3A_514 : memref<1x128xi32, #tpu.memory_space<vmem>> -> memref<128xi32, #tpu.memory_space<vmem>>
      %dma_wait3A_516 = arith.constant 0 : i32
      %dma_wait3A_517 = arith.constant 0 : i32
      %dma_wait3A_518 = tpu.memref_slice %arg2[%dma_wait3A_516, %dma_wait3A_517] : memref<10240x128xf32, #tpu.memory_space<hbm>> -> memref<10240x128xf32, #tpu.memory_space<hbm>>
      %dma_wait3A_519 = tpu.memref_slice %arg11[%dma_wait3A_508] : memref<2x!tpu.dma_semaphore, #tpu.memory_space<semaphore_mem>> -> memref<1x!tpu.dma_semaphore, #tpu.memory_space<semaphore_mem>>
      %dma_wait3A_520 = tpu.memref_squeeze %dma_wait3A_519 : memref<1x!tpu.dma_semaphore, #tpu.memory_space<semaphore_mem>> -> memref<!tpu.dma_semaphore, #tpu.memory_space<semaphore_mem>>
      tpu.wait_indirect_dma semaphore(%dma_wait3A_520 : memref<!tpu.dma_semaphore, #tpu.memory_space<semaphore_mem>>) src(%dma_wait3A_518 : memref<10240x128xf32, #tpu.memory_space<hbm>>) dst(%dma_wait3A_512 : memref<128x128xf32, #tpu.memory_space<vmem>>)
      %mul3A_521 = arith.constant 8 : i32
      %mul3A_522 = arith.muli %add3A_467, %mul3A_521 : i32
      %add3A_523 = arith.constant 0 : i32
      %add3A_524 = arith.addi %mul3A_522, %add3A_523 : i32
      %lt3A_525 = arith.cmpi slt, %add3A_524, %max3A_7 : i32
      %convert_element_type3A_526 = arith.extui %lt3A_525 : i1 to i32
      %cond3A_527 = arith.constant 0 : i32
      %cond3A_528 = arith.cmpi ne, %convert_element_type3A_526, %cond3A_527 : i32
      scf.if %cond3A_528 {
        %dma_start3A_849 = arith.constant 0 : i32
        %dma_start3A_850 = arith.constant 8 : i32
        %dma_start3A_851 = arith.constant 0 : i32
        %dma_start3A_852 = arith.constant 0 : i32
        %dma_start3A_853 = arith.constant 0 : i32
        %dma_start3A_854 = tpu.memref_slice %arg9[%dma_start3A_849, %dma_start3A_852, %dma_start3A_853] : memref<2x128x128xf32, #tpu.memory_space<vmem>> -> memref<1x128x128xf32, #tpu.memory_space<vmem>>
        %dma_start3A_855 = tpu.memref_squeeze %dma_start3A_854 : memref<1x128x128xf32, #tpu.memory_space<vmem>> -> memref<128x128xf32, #tpu.memory_space<vmem>>
        %dma_start3A_856 = arith.constant 0 : i32
        %dma_start3A_857 = tpu.memref_slice %arg8[%dma_start3A_850, %dma_start3A_856] : memref<16x128xi32, #tpu.memory_space<vmem>> -> memref<1x128xi32, #tpu.memory_space<vmem>>
        %dma_start3A_858 = tpu.memref_squeeze %dma_start3A_857 : memref<1x128xi32, #tpu.memory_space<vmem>> -> memref<128xi32, #tpu.memory_space<vmem>>
        %dma_start3A_859 = arith.constant 0 : i32
        %dma_start3A_860 = arith.constant 0 : i32
        %dma_start3A_861 = tpu.memref_slice %arg10[%dma_start3A_859, %dma_start3A_860] : memref<10240x128xf32, #tpu.memory_space<vmem_shared>> -> memref<10240x128xf32, #tpu.memory_space<vmem_shared>>
        %dma_start3A_862 = tpu.memref_slice %arg12[%dma_start3A_851] : memref<2x!tpu.dma_semaphore, #tpu.memory_space<semaphore_mem>> -> memref<1x!tpu.dma_semaphore, #tpu.memory_space<semaphore_mem>>
        %dma_start3A_863 = tpu.memref_squeeze %dma_start3A_862 : memref<1x!tpu.dma_semaphore, #tpu.memory_space<semaphore_mem>> -> memref<!tpu.dma_semaphore, #tpu.memory_space<semaphore_mem>>
        tpu.enqueue_indirect_dma source(%dma_start3A_855 : memref<128x128xf32, #tpu.memory_space<vmem>>) target(%dma_start3A_861 : memref<10240x128xf32, #tpu.memory_space<vmem_shared>>) offsets(%dma_start3A_858 : memref<128xi32, #tpu.memory_space<vmem>>) semaphore(%dma_start3A_863 : memref<!tpu.dma_semaphore, #tpu.memory_space<semaphore_mem>>) {add = true}
        %dma_wait3A_864 = arith.constant 0 : i32
        %dma_wait3A_865 = arith.constant 0 : i32
        %dma_wait3A_866 = arith.constant 0 : i32
        %dma_wait3A_867 = arith.constant 0 : i32
        %dma_wait3A_868 = arith.constant 0 : i32
        %dma_wait3A_869 = tpu.memref_slice %arg9[%dma_wait3A_864, %dma_wait3A_867, %dma_wait3A_868] : memref<2x128x128xf32, #tpu.memory_space<vmem>> -> memref<1x128x128xf32, #tpu.memory_space<vmem>>
        %dma_wait3A_870 = tpu.memref_squeeze %dma_wait3A_869 : memref<1x128x128xf32, #tpu.memory_space<vmem>> -> memref<128x128xf32, #tpu.memory_space<vmem>>
        %dma_wait3A_871 = arith.constant 0 : i32
        %dma_wait3A_872 = tpu.memref_slice %arg8[%dma_wait3A_865, %dma_wait3A_871] : memref<16x128xi32, #tpu.memory_space<vmem>> -> memref<1x128xi32, #tpu.memory_space<vmem>>
        %dma_wait3A_873 = tpu.memref_squeeze %dma_wait3A_872 : memref<1x128xi32, #tpu.memory_space<vmem>> -> memref<128xi32, #tpu.memory_space<vmem>>
        %dma_wait3A_874 = arith.constant 0 : i32
        %dma_wait3A_875 = arith.constant 0 : i32
        %dma_wait3A_876 = tpu.memref_slice %arg10[%dma_wait3A_874, %dma_wait3A_875] : memref<10240x128xf32, #tpu.memory_space<vmem_shared>> -> memref<10240x128xf32, #tpu.memory_space<vmem_shared>>
        %dma_wait3A_877 = tpu.memref_slice %arg12[%dma_wait3A_866] : memref<2x!tpu.dma_semaphore, #tpu.memory_space<semaphore_mem>> -> memref<1x!tpu.dma_semaphore, #tpu.memory_space<semaphore_mem>>
        %dma_wait3A_878 = tpu.memref_squeeze %dma_wait3A_877 : memref<1x!tpu.dma_semaphore, #tpu.memory_space<semaphore_mem>> -> memref<!tpu.dma_semaphore, #tpu.memory_space<semaphore_mem>>
        tpu.wait_indirect_dma semaphore(%dma_wait3A_878 : memref<!tpu.dma_semaphore, #tpu.memory_space<semaphore_mem>>) src(%dma_wait3A_870 : memref<128x128xf32, #tpu.memory_space<vmem>>) dst(%dma_wait3A_876 : memref<10240x128xf32, #tpu.memory_space<vmem_shared>>)
      } else {
      }
      %dma_start3A_529 = arith.constant 10 : i32
      %dma_start3A_530 = arith.constant 0 : i32
      %dma_start3A_531 = arith.constant 0 : i32
      %dma_start3A_532 = arith.constant 0 : i32
      %dma_start3A_533 = arith.constant 0 : i32
      %dma_start3A_534 = tpu.memref_slice %arg9[%dma_start3A_530, %dma_start3A_532, %dma_start3A_533] : memref<2x128x128xf32, #tpu.memory_space<vmem>> -> memref<1x128x128xf32, #tpu.memory_space<vmem>>
      %dma_start3A_535 = tpu.memref_squeeze %dma_start3A_534 : memref<1x128x128xf32, #tpu.memory_space<vmem>> -> memref<128x128xf32, #tpu.memory_space<vmem>>
      %dma_start3A_536 = arith.constant 0 : i32
      %dma_start3A_537 = tpu.memref_slice %arg7[%dma_start3A_529, %dma_start3A_536] : memref<16x128xi32, #tpu.memory_space<vmem>> -> memref<1x128xi32, #tpu.memory_space<vmem>>
      %dma_start3A_538 = tpu.memref_squeeze %dma_start3A_537 : memref<1x128xi32, #tpu.memory_space<vmem>> -> memref<128xi32, #tpu.memory_space<vmem>>
      %dma_start3A_539 = arith.constant 0 : i32
      %dma_start3A_540 = arith.constant 0 : i32
      %dma_start3A_541 = tpu.memref_slice %arg2[%dma_start3A_539, %dma_start3A_540] : memref<10240x128xf32, #tpu.memory_space<hbm>> -> memref<10240x128xf32, #tpu.memory_space<hbm>>
      %dma_start3A_542 = tpu.memref_slice %arg11[%dma_start3A_531] : memref<2x!tpu.dma_semaphore, #tpu.memory_space<semaphore_mem>> -> memref<1x!tpu.dma_semaphore, #tpu.memory_space<semaphore_mem>>
      %dma_start3A_543 = tpu.memref_squeeze %dma_start3A_542 : memref<1x!tpu.dma_semaphore, #tpu.memory_space<semaphore_mem>> -> memref<!tpu.dma_semaphore, #tpu.memory_space<semaphore_mem>>
      tpu.enqueue_indirect_dma source(%dma_start3A_541 : memref<10240x128xf32, #tpu.memory_space<hbm>>) target(%dma_start3A_535 : memref<128x128xf32, #tpu.memory_space<vmem>>) offsets(%dma_start3A_538 : memref<128xi32, #tpu.memory_space<vmem>>) semaphore(%dma_start3A_543 : memref<!tpu.dma_semaphore, #tpu.memory_space<semaphore_mem>>)
      %dma_wait3A_544 = arith.constant 9 : i32
      %dma_wait3A_545 = arith.constant 1 : i32
      %dma_wait3A_546 = arith.constant 1 : i32
      %dma_wait3A_547 = arith.constant 0 : i32
      %dma_wait3A_548 = arith.constant 0 : i32
      %dma_wait3A_549 = tpu.memref_slice %arg9[%dma_wait3A_545, %dma_wait3A_547, %dma_wait3A_548] : memref<2x128x128xf32, #tpu.memory_space<vmem>> -> memref<1x128x128xf32, #tpu.memory_space<vmem>>
      %dma_wait3A_550 = tpu.memref_squeeze %dma_wait3A_549 : memref<1x128x128xf32, #tpu.memory_space<vmem>> -> memref<128x128xf32, #tpu.memory_space<vmem>>
      %dma_wait3A_551 = arith.constant 0 : i32
      %dma_wait3A_552 = tpu.memref_slice %arg7[%dma_wait3A_544, %dma_wait3A_551] : memref<16x128xi32, #tpu.memory_space<vmem>> -> memref<1x128xi32, #tpu.memory_space<vmem>>
      %dma_wait3A_553 = tpu.memref_squeeze %dma_wait3A_552 : memref<1x128xi32, #tpu.memory_space<vmem>> -> memref<128xi32, #tpu.memory_space<vmem>>
      %dma_wait3A_554 = arith.constant 0 : i32
      %dma_wait3A_555 = arith.constant 0 : i32
      %dma_wait3A_556 = tpu.memref_slice %arg2[%dma_wait3A_554, %dma_wait3A_555] : memref<10240x128xf32, #tpu.memory_space<hbm>> -> memref<10240x128xf32, #tpu.memory_space<hbm>>
      %dma_wait3A_557 = tpu.memref_slice %arg11[%dma_wait3A_546] : memref<2x!tpu.dma_semaphore, #tpu.memory_space<semaphore_mem>> -> memref<1x!tpu.dma_semaphore, #tpu.memory_space<semaphore_mem>>
      %dma_wait3A_558 = tpu.memref_squeeze %dma_wait3A_557 : memref<1x!tpu.dma_semaphore, #tpu.memory_space<semaphore_mem>> -> memref<!tpu.dma_semaphore, #tpu.memory_space<semaphore_mem>>
      tpu.wait_indirect_dma semaphore(%dma_wait3A_558 : memref<!tpu.dma_semaphore, #tpu.memory_space<semaphore_mem>>) src(%dma_wait3A_556 : memref<10240x128xf32, #tpu.memory_space<hbm>>) dst(%dma_wait3A_550 : memref<128x128xf32, #tpu.memory_space<vmem>>)
      %mul3A_559 = arith.constant 8 : i32
      %mul3A_560 = arith.muli %add3A_467, %mul3A_559 : i32
      %add3A_561 = arith.constant 1 : i32
      %add3A_562 = arith.addi %mul3A_560, %add3A_561 : i32
      %lt3A_563 = arith.cmpi slt, %add3A_562, %max3A_7 : i32
      %convert_element_type3A_564 = arith.extui %lt3A_563 : i1 to i32
      %cond3A_565 = arith.constant 0 : i32
      %cond3A_566 = arith.cmpi ne, %convert_element_type3A_564, %cond3A_565 : i32
      scf.if %cond3A_566 {
        %dma_start3A_849 = arith.constant 1 : i32
        %dma_start3A_850 = arith.constant 9 : i32
        %dma_start3A_851 = arith.constant 1 : i32
        %dma_start3A_852 = arith.constant 0 : i32
        %dma_start3A_853 = arith.constant 0 : i32
        %dma_start3A_854 = tpu.memref_slice %arg9[%dma_start3A_849, %dma_start3A_852, %dma_start3A_853] : memref<2x128x128xf32, #tpu.memory_space<vmem>> -> memref<1x128x128xf32, #tpu.memory_space<vmem>>
        %dma_start3A_855 = tpu.memref_squeeze %dma_start3A_854 : memref<1x128x128xf32, #tpu.memory_space<vmem>> -> memref<128x128xf32, #tpu.memory_space<vmem>>
        %dma_start3A_856 = arith.constant 0 : i32
        %dma_start3A_857 = tpu.memref_slice %arg8[%dma_start3A_850, %dma_start3A_856] : memref<16x128xi32, #tpu.memory_space<vmem>> -> memref<1x128xi32, #tpu.memory_space<vmem>>
        %dma_start3A_858 = tpu.memref_squeeze %dma_start3A_857 : memref<1x128xi32, #tpu.memory_space<vmem>> -> memref<128xi32, #tpu.memory_space<vmem>>
        %dma_start3A_859 = arith.constant 0 : i32
        %dma_start3A_860 = arith.constant 0 : i32
        %dma_start3A_861 = tpu.memref_slice %arg10[%dma_start3A_859, %dma_start3A_860] : memref<10240x128xf32, #tpu.memory_space<vmem_shared>> -> memref<10240x128xf32, #tpu.memory_space<vmem_shared>>
        %dma_start3A_862 = tpu.memref_slice %arg12[%dma_start3A_851] : memref<2x!tpu.dma_semaphore, #tpu.memory_space<semaphore_mem>> -> memref<1x!tpu.dma_semaphore, #tpu.memory_space<semaphore_mem>>
        %dma_start3A_863 = tpu.memref_squeeze %dma_start3A_862 : memref<1x!tpu.dma_semaphore, #tpu.memory_space<semaphore_mem>> -> memref<!tpu.dma_semaphore, #tpu.memory_space<semaphore_mem>>
        tpu.enqueue_indirect_dma source(%dma_start3A_855 : memref<128x128xf32, #tpu.memory_space<vmem>>) target(%dma_start3A_861 : memref<10240x128xf32, #tpu.memory_space<vmem_shared>>) offsets(%dma_start3A_858 : memref<128xi32, #tpu.memory_space<vmem>>) semaphore(%dma_start3A_863 : memref<!tpu.dma_semaphore, #tpu.memory_space<semaphore_mem>>) {add = true}
        %dma_wait3A_864 = arith.constant 1 : i32
        %dma_wait3A_865 = arith.constant 0 : i32
        %dma_wait3A_866 = arith.constant 1 : i32
        %dma_wait3A_867 = arith.constant 0 : i32
        %dma_wait3A_868 = arith.constant 0 : i32
        %dma_wait3A_869 = tpu.memref_slice %arg9[%dma_wait3A_864, %dma_wait3A_867, %dma_wait3A_868] : memref<2x128x128xf32, #tpu.memory_space<vmem>> -> memref<1x128x128xf32, #tpu.memory_space<vmem>>
        %dma_wait3A_870 = tpu.memref_squeeze %dma_wait3A_869 : memref<1x128x128xf32, #tpu.memory_space<vmem>> -> memref<128x128xf32, #tpu.memory_space<vmem>>
        %dma_wait3A_871 = arith.constant 0 : i32
        %dma_wait3A_872 = tpu.memref_slice %arg8[%dma_wait3A_865, %dma_wait3A_871] : memref<16x128xi32, #tpu.memory_space<vmem>> -> memref<1x128xi32, #tpu.memory_space<vmem>>
        %dma_wait3A_873 = tpu.memref_squeeze %dma_wait3A_872 : memref<1x128xi32, #tpu.memory_space<vmem>> -> memref<128xi32, #tpu.memory_space<vmem>>
        %dma_wait3A_874 = arith.constant 0 : i32
        %dma_wait3A_875 = arith.constant 0 : i32
        %dma_wait3A_876 = tpu.memref_slice %arg10[%dma_wait3A_874, %dma_wait3A_875] : memref<10240x128xf32, #tpu.memory_space<vmem_shared>> -> memref<10240x128xf32, #tpu.memory_space<vmem_shared>>
        %dma_wait3A_877 = tpu.memref_slice %arg12[%dma_wait3A_866] : memref<2x!tpu.dma_semaphore, #tpu.memory_space<semaphore_mem>> -> memref<1x!tpu.dma_semaphore, #tpu.memory_space<semaphore_mem>>
        %dma_wait3A_878 = tpu.memref_squeeze %dma_wait3A_877 : memref<1x!tpu.dma_semaphore, #tpu.memory_space<semaphore_mem>> -> memref<!tpu.dma_semaphore, #tpu.memory_space<semaphore_mem>>
        tpu.wait_indirect_dma semaphore(%dma_wait3A_878 : memref<!tpu.dma_semaphore, #tpu.memory_space<semaphore_mem>>) src(%dma_wait3A_870 : memref<128x128xf32, #tpu.memory_space<vmem>>) dst(%dma_wait3A_876 : memref<10240x128xf32, #tpu.memory_space<vmem_shared>>)
      } else {
      }
      %dma_start3A_567 = arith.constant 11 : i32
      %dma_start3A_568 = arith.constant 1 : i32
      %dma_start3A_569 = arith.constant 1 : i32
      %dma_start3A_570 = arith.constant 0 : i32
      %dma_start3A_571 = arith.constant 0 : i32
      %dma_start3A_572 = tpu.memref_slice %arg9[%dma_start3A_568, %dma_start3A_570, %dma_start3A_571] : memref<2x128x128xf32, #tpu.memory_space<vmem>> -> memref<1x128x128xf32, #tpu.memory_space<vmem>>
      %dma_start3A_573 = tpu.memref_squeeze %dma_start3A_572 : memref<1x128x128xf32, #tpu.memory_space<vmem>> -> memref<128x128xf32, #tpu.memory_space<vmem>>
      %dma_start3A_574 = arith.constant 0 : i32
      %dma_start3A_575 = tpu.memref_slice %arg7[%dma_start3A_567, %dma_start3A_574] : memref<16x128xi32, #tpu.memory_space<vmem>> -> memref<1x128xi32, #tpu.memory_space<vmem>>
      %dma_start3A_576 = tpu.memref_squeeze %dma_start3A_575 : memref<1x128xi32, #tpu.memory_space<vmem>> -> memref<128xi32, #tpu.memory_space<vmem>>
      %dma_start3A_577 = arith.constant 0 : i32
      %dma_start3A_578 = arith.constant 0 : i32
      %dma_start3A_579 = tpu.memref_slice %arg2[%dma_start3A_577, %dma_start3A_578] : memref<10240x128xf32, #tpu.memory_space<hbm>> -> memref<10240x128xf32, #tpu.memory_space<hbm>>
      %dma_start3A_580 = tpu.memref_slice %arg11[%dma_start3A_569] : memref<2x!tpu.dma_semaphore, #tpu.memory_space<semaphore_mem>> -> memref<1x!tpu.dma_semaphore, #tpu.memory_space<semaphore_mem>>
      %dma_start3A_581 = tpu.memref_squeeze %dma_start3A_580 : memref<1x!tpu.dma_semaphore, #tpu.memory_space<semaphore_mem>> -> memref<!tpu.dma_semaphore, #tpu.memory_space<semaphore_mem>>
      tpu.enqueue_indirect_dma source(%dma_start3A_579 : memref<10240x128xf32, #tpu.memory_space<hbm>>) target(%dma_start3A_573 : memref<128x128xf32, #tpu.memory_space<vmem>>) offsets(%dma_start3A_576 : memref<128xi32, #tpu.memory_space<vmem>>) semaphore(%dma_start3A_581 : memref<!tpu.dma_semaphore, #tpu.memory_space<semaphore_mem>>)
      %dma_wait3A_582 = arith.constant 10 : i32
      %dma_wait3A_583 = arith.constant 0 : i32
      %dma_wait3A_584 = arith.constant 0 : i32
      %dma_wait3A_585 = arith.constant 0 : i32
      %dma_wait3A_586 = arith.constant 0 : i32
      %dma_wait3A_587 = tpu.memref_slice %arg9[%dma_wait3A_583, %dma_wait3A_585, %dma_wait3A_586] : memref<2x128x128xf32, #tpu.memory_space<vmem>> -> memref<1x128x128xf32, #tpu.memory_space<vmem>>
      %dma_wait3A_588 = tpu.memref_squeeze %dma_wait3A_587 : memref<1x128x128xf32, #tpu.memory_space<vmem>> -> memref<128x128xf32, #tpu.memory_space<vmem>>
      %dma_wait3A_589 = arith.constant 0 : i32
      %dma_wait3A_590 = tpu.memref_slice %arg7[%dma_wait3A_582, %dma_wait3A_589] : memref<16x128xi32, #tpu.memory_space<vmem>> -> memref<1x128xi32, #tpu.memory_space<vmem>>
      %dma_wait3A_591 = tpu.memref_squeeze %dma_wait3A_590 : memref<1x128xi32, #tpu.memory_space<vmem>> -> memref<128xi32, #tpu.memory_space<vmem>>
      %dma_wait3A_592 = arith.constant 0 : i32
      %dma_wait3A_593 = arith.constant 0 : i32
      %dma_wait3A_594 = tpu.memref_slice %arg2[%dma_wait3A_592, %dma_wait3A_593] : memref<10240x128xf32, #tpu.memory_space<hbm>> -> memref<10240x128xf32, #tpu.memory_space<hbm>>
      %dma_wait3A_595 = tpu.memref_slice %arg11[%dma_wait3A_584] : memref<2x!tpu.dma_semaphore, #tpu.memory_space<semaphore_mem>> -> memref<1x!tpu.dma_semaphore, #tpu.memory_space<semaphore_mem>>
      %dma_wait3A_596 = tpu.memref_squeeze %dma_wait3A_595 : memref<1x!tpu.dma_semaphore, #tpu.memory_space<semaphore_mem>> -> memref<!tpu.dma_semaphore, #tpu.memory_space<semaphore_mem>>
      tpu.wait_indirect_dma semaphore(%dma_wait3A_596 : memref<!tpu.dma_semaphore, #tpu.memory_space<semaphore_mem>>) src(%dma_wait3A_594 : memref<10240x128xf32, #tpu.memory_space<hbm>>) dst(%dma_wait3A_588 : memref<128x128xf32, #tpu.memory_space<vmem>>)
      %mul3A_597 = arith.constant 8 : i32
      %mul3A_598 = arith.muli %add3A_467, %mul3A_597 : i32
      %add3A_599 = arith.constant 2 : i32
      %add3A_600 = arith.addi %mul3A_598, %add3A_599 : i32
      %lt3A_601 = arith.cmpi slt, %add3A_600, %max3A_7 : i32
      %convert_element_type3A_602 = arith.extui %lt3A_601 : i1 to i32
      %cond3A_603 = arith.constant 0 : i32
      %cond3A_604 = arith.cmpi ne, %convert_element_type3A_602, %cond3A_603 : i32
      scf.if %cond3A_604 {
        %dma_start3A_849 = arith.constant 0 : i32
        %dma_start3A_850 = arith.constant 10 : i32
        %dma_start3A_851 = arith.constant 0 : i32
        %dma_start3A_852 = arith.constant 0 : i32
        %dma_start3A_853 = arith.constant 0 : i32
        %dma_start3A_854 = tpu.memref_slice %arg9[%dma_start3A_849, %dma_start3A_852, %dma_start3A_853] : memref<2x128x128xf32, #tpu.memory_space<vmem>> -> memref<1x128x128xf32, #tpu.memory_space<vmem>>
        %dma_start3A_855 = tpu.memref_squeeze %dma_start3A_854 : memref<1x128x128xf32, #tpu.memory_space<vmem>> -> memref<128x128xf32, #tpu.memory_space<vmem>>
        %dma_start3A_856 = arith.constant 0 : i32
        %dma_start3A_857 = tpu.memref_slice %arg8[%dma_start3A_850, %dma_start3A_856] : memref<16x128xi32, #tpu.memory_space<vmem>> -> memref<1x128xi32, #tpu.memory_space<vmem>>
        %dma_start3A_858 = tpu.memref_squeeze %dma_start3A_857 : memref<1x128xi32, #tpu.memory_space<vmem>> -> memref<128xi32, #tpu.memory_space<vmem>>
        %dma_start3A_859 = arith.constant 0 : i32
        %dma_start3A_860 = arith.constant 0 : i32
        %dma_start3A_861 = tpu.memref_slice %arg10[%dma_start3A_859, %dma_start3A_860] : memref<10240x128xf32, #tpu.memory_space<vmem_shared>> -> memref<10240x128xf32, #tpu.memory_space<vmem_shared>>
        %dma_start3A_862 = tpu.memref_slice %arg12[%dma_start3A_851] : memref<2x!tpu.dma_semaphore, #tpu.memory_space<semaphore_mem>> -> memref<1x!tpu.dma_semaphore, #tpu.memory_space<semaphore_mem>>
        %dma_start3A_863 = tpu.memref_squeeze %dma_start3A_862 : memref<1x!tpu.dma_semaphore, #tpu.memory_space<semaphore_mem>> -> memref<!tpu.dma_semaphore, #tpu.memory_space<semaphore_mem>>
        tpu.enqueue_indirect_dma source(%dma_start3A_855 : memref<128x128xf32, #tpu.memory_space<vmem>>) target(%dma_start3A_861 : memref<10240x128xf32, #tpu.memory_space<vmem_shared>>) offsets(%dma_start3A_858 : memref<128xi32, #tpu.memory_space<vmem>>) semaphore(%dma_start3A_863 : memref<!tpu.dma_semaphore, #tpu.memory_space<semaphore_mem>>) {add = true}
        %dma_wait3A_864 = arith.constant 0 : i32
        %dma_wait3A_865 = arith.constant 0 : i32
        %dma_wait3A_866 = arith.constant 0 : i32
        %dma_wait3A_867 = arith.constant 0 : i32
        %dma_wait3A_868 = arith.constant 0 : i32
        %dma_wait3A_869 = tpu.memref_slice %arg9[%dma_wait3A_864, %dma_wait3A_867, %dma_wait3A_868] : memref<2x128x128xf32, #tpu.memory_space<vmem>> -> memref<1x128x128xf32, #tpu.memory_space<vmem>>
        %dma_wait3A_870 = tpu.memref_squeeze %dma_wait3A_869 : memref<1x128x128xf32, #tpu.memory_space<vmem>> -> memref<128x128xf32, #tpu.memory_space<vmem>>
        %dma_wait3A_871 = arith.constant 0 : i32
        %dma_wait3A_872 = tpu.memref_slice %arg8[%dma_wait3A_865, %dma_wait3A_871] : memref<16x128xi32, #tpu.memory_space<vmem>> -> memref<1x128xi32, #tpu.memory_space<vmem>>
        %dma_wait3A_873 = tpu.memref_squeeze %dma_wait3A_872 : memref<1x128xi32, #tpu.memory_space<vmem>> -> memref<128xi32, #tpu.memory_space<vmem>>
        %dma_wait3A_874 = arith.constant 0 : i32
        %dma_wait3A_875 = arith.constant 0 : i32
        %dma_wait3A_876 = tpu.memref_slice %arg10[%dma_wait3A_874, %dma_wait3A_875] : memref<10240x128xf32, #tpu.memory_space<vmem_shared>> -> memref<10240x128xf32, #tpu.memory_space<vmem_shared>>
        %dma_wait3A_877 = tpu.memref_slice %arg12[%dma_wait3A_866] : memref<2x!tpu.dma_semaphore, #tpu.memory_space<semaphore_mem>> -> memref<1x!tpu.dma_semaphore, #tpu.memory_space<semaphore_mem>>
        %dma_wait3A_878 = tpu.memref_squeeze %dma_wait3A_877 : memref<1x!tpu.dma_semaphore, #tpu.memory_space<semaphore_mem>> -> memref<!tpu.dma_semaphore, #tpu.memory_space<semaphore_mem>>
        tpu.wait_indirect_dma semaphore(%dma_wait3A_878 : memref<!tpu.dma_semaphore, #tpu.memory_space<semaphore_mem>>) src(%dma_wait3A_870 : memref<128x128xf32, #tpu.memory_space<vmem>>) dst(%dma_wait3A_876 : memref<10240x128xf32, #tpu.memory_space<vmem_shared>>)
      } else {
      }
      %dma_start3A_605 = arith.constant 12 : i32
      %dma_start3A_606 = arith.constant 0 : i32
      %dma_start3A_607 = arith.constant 0 : i32
      %dma_start3A_608 = arith.constant 0 : i32
      %dma_start3A_609 = arith.constant 0 : i32
      %dma_start3A_610 = tpu.memref_slice %arg9[%dma_start3A_606, %dma_start3A_608, %dma_start3A_609] : memref<2x128x128xf32, #tpu.memory_space<vmem>> -> memref<1x128x128xf32, #tpu.memory_space<vmem>>
      %dma_start3A_611 = tpu.memref_squeeze %dma_start3A_610 : memref<1x128x128xf32, #tpu.memory_space<vmem>> -> memref<128x128xf32, #tpu.memory_space<vmem>>
      %dma_start3A_612 = arith.constant 0 : i32
      %dma_start3A_613 = tpu.memref_slice %arg7[%dma_start3A_605, %dma_start3A_612] : memref<16x128xi32, #tpu.memory_space<vmem>> -> memref<1x128xi32, #tpu.memory_space<vmem>>
      %dma_start3A_614 = tpu.memref_squeeze %dma_start3A_613 : memref<1x128xi32, #tpu.memory_space<vmem>> -> memref<128xi32, #tpu.memory_space<vmem>>
      %dma_start3A_615 = arith.constant 0 : i32
      %dma_start3A_616 = arith.constant 0 : i32
      %dma_start3A_617 = tpu.memref_slice %arg2[%dma_start3A_615, %dma_start3A_616] : memref<10240x128xf32, #tpu.memory_space<hbm>> -> memref<10240x128xf32, #tpu.memory_space<hbm>>
      %dma_start3A_618 = tpu.memref_slice %arg11[%dma_start3A_607] : memref<2x!tpu.dma_semaphore, #tpu.memory_space<semaphore_mem>> -> memref<1x!tpu.dma_semaphore, #tpu.memory_space<semaphore_mem>>
      %dma_start3A_619 = tpu.memref_squeeze %dma_start3A_618 : memref<1x!tpu.dma_semaphore, #tpu.memory_space<semaphore_mem>> -> memref<!tpu.dma_semaphore, #tpu.memory_space<semaphore_mem>>
      tpu.enqueue_indirect_dma source(%dma_start3A_617 : memref<10240x128xf32, #tpu.memory_space<hbm>>) target(%dma_start3A_611 : memref<128x128xf32, #tpu.memory_space<vmem>>) offsets(%dma_start3A_614 : memref<128xi32, #tpu.memory_space<vmem>>) semaphore(%dma_start3A_619 : memref<!tpu.dma_semaphore, #tpu.memory_space<semaphore_mem>>)
      %dma_wait3A_620 = arith.constant 11 : i32
      %dma_wait3A_621 = arith.constant 1 : i32
      %dma_wait3A_622 = arith.constant 1 : i32
      %dma_wait3A_623 = arith.constant 0 : i32
      %dma_wait3A_624 = arith.constant 0 : i32
      %dma_wait3A_625 = tpu.memref_slice %arg9[%dma_wait3A_621, %dma_wait3A_623, %dma_wait3A_624] : memref<2x128x128xf32, #tpu.memory_space<vmem>> -> memref<1x128x128xf32, #tpu.memory_space<vmem>>
      %dma_wait3A_626 = tpu.memref_squeeze %dma_wait3A_625 : memref<1x128x128xf32, #tpu.memory_space<vmem>> -> memref<128x128xf32, #tpu.memory_space<vmem>>
      %dma_wait3A_627 = arith.constant 0 : i32
      %dma_wait3A_628 = tpu.memref_slice %arg7[%dma_wait3A_620, %dma_wait3A_627] : memref<16x128xi32, #tpu.memory_space<vmem>> -> memref<1x128xi32, #tpu.memory_space<vmem>>
      %dma_wait3A_629 = tpu.memref_squeeze %dma_wait3A_628 : memref<1x128xi32, #tpu.memory_space<vmem>> -> memref<128xi32, #tpu.memory_space<vmem>>
      %dma_wait3A_630 = arith.constant 0 : i32
      %dma_wait3A_631 = arith.constant 0 : i32
      %dma_wait3A_632 = tpu.memref_slice %arg2[%dma_wait3A_630, %dma_wait3A_631] : memref<10240x128xf32, #tpu.memory_space<hbm>> -> memref<10240x128xf32, #tpu.memory_space<hbm>>
      %dma_wait3A_633 = tpu.memref_slice %arg11[%dma_wait3A_622] : memref<2x!tpu.dma_semaphore, #tpu.memory_space<semaphore_mem>> -> memref<1x!tpu.dma_semaphore, #tpu.memory_space<semaphore_mem>>
      %dma_wait3A_634 = tpu.memref_squeeze %dma_wait3A_633 : memref<1x!tpu.dma_semaphore, #tpu.memory_space<semaphore_mem>> -> memref<!tpu.dma_semaphore, #tpu.memory_space<semaphore_mem>>
      tpu.wait_indirect_dma semaphore(%dma_wait3A_634 : memref<!tpu.dma_semaphore, #tpu.memory_space<semaphore_mem>>) src(%dma_wait3A_632 : memref<10240x128xf32, #tpu.memory_space<hbm>>) dst(%dma_wait3A_626 : memref<128x128xf32, #tpu.memory_space<vmem>>)
      %mul3A_635 = arith.constant 8 : i32
      %mul3A_636 = arith.muli %add3A_467, %mul3A_635 : i32
      %add3A_637 = arith.constant 3 : i32
      %add3A_638 = arith.addi %mul3A_636, %add3A_637 : i32
      %lt3A_639 = arith.cmpi slt, %add3A_638, %max3A_7 : i32
      %convert_element_type3A_640 = arith.extui %lt3A_639 : i1 to i32
      %cond3A_641 = arith.constant 0 : i32
      %cond3A_642 = arith.cmpi ne, %convert_element_type3A_640, %cond3A_641 : i32
      scf.if %cond3A_642 {
        %dma_start3A_849 = arith.constant 1 : i32
        %dma_start3A_850 = arith.constant 11 : i32
        %dma_start3A_851 = arith.constant 1 : i32
        %dma_start3A_852 = arith.constant 0 : i32
        %dma_start3A_853 = arith.constant 0 : i32
        %dma_start3A_854 = tpu.memref_slice %arg9[%dma_start3A_849, %dma_start3A_852, %dma_start3A_853] : memref<2x128x128xf32, #tpu.memory_space<vmem>> -> memref<1x128x128xf32, #tpu.memory_space<vmem>>
        %dma_start3A_855 = tpu.memref_squeeze %dma_start3A_854 : memref<1x128x128xf32, #tpu.memory_space<vmem>> -> memref<128x128xf32, #tpu.memory_space<vmem>>
        %dma_start3A_856 = arith.constant 0 : i32
        %dma_start3A_857 = tpu.memref_slice %arg8[%dma_start3A_850, %dma_start3A_856] : memref<16x128xi32, #tpu.memory_space<vmem>> -> memref<1x128xi32, #tpu.memory_space<vmem>>
        %dma_start3A_858 = tpu.memref_squeeze %dma_start3A_857 : memref<1x128xi32, #tpu.memory_space<vmem>> -> memref<128xi32, #tpu.memory_space<vmem>>
        %dma_start3A_859 = arith.constant 0 : i32
        %dma_start3A_860 = arith.constant 0 : i32
        %dma_start3A_861 = tpu.memref_slice %arg10[%dma_start3A_859, %dma_start3A_860] : memref<10240x128xf32, #tpu.memory_space<vmem_shared>> -> memref<10240x128xf32, #tpu.memory_space<vmem_shared>>
        %dma_start3A_862 = tpu.memref_slice %arg12[%dma_start3A_851] : memref<2x!tpu.dma_semaphore, #tpu.memory_space<semaphore_mem>> -> memref<1x!tpu.dma_semaphore, #tpu.memory_space<semaphore_mem>>
        %dma_start3A_863 = tpu.memref_squeeze %dma_start3A_862 : memref<1x!tpu.dma_semaphore, #tpu.memory_space<semaphore_mem>> -> memref<!tpu.dma_semaphore, #tpu.memory_space<semaphore_mem>>
        tpu.enqueue_indirect_dma source(%dma_start3A_855 : memref<128x128xf32, #tpu.memory_space<vmem>>) target(%dma_start3A_861 : memref<10240x128xf32, #tpu.memory_space<vmem_shared>>) offsets(%dma_start3A_858 : memref<128xi32, #tpu.memory_space<vmem>>) semaphore(%dma_start3A_863 : memref<!tpu.dma_semaphore, #tpu.memory_space<semaphore_mem>>) {add = true}
        %dma_wait3A_864 = arith.constant 1 : i32
        %dma_wait3A_865 = arith.constant 0 : i32
        %dma_wait3A_866 = arith.constant 1 : i32
        %dma_wait3A_867 = arith.constant 0 : i32
        %dma_wait3A_868 = arith.constant 0 : i32
        %dma_wait3A_869 = tpu.memref_slice %arg9[%dma_wait3A_864, %dma_wait3A_867, %dma_wait3A_868] : memref<2x128x128xf32, #tpu.memory_space<vmem>> -> memref<1x128x128xf32, #tpu.memory_space<vmem>>
        %dma_wait3A_870 = tpu.memref_squeeze %dma_wait3A_869 : memref<1x128x128xf32, #tpu.memory_space<vmem>> -> memref<128x128xf32, #tpu.memory_space<vmem>>
        %dma_wait3A_871 = arith.constant 0 : i32
        %dma_wait3A_872 = tpu.memref_slice %arg8[%dma_wait3A_865, %dma_wait3A_871] : memref<16x128xi32, #tpu.memory_space<vmem>> -> memref<1x128xi32, #tpu.memory_space<vmem>>
        %dma_wait3A_873 = tpu.memref_squeeze %dma_wait3A_872 : memref<1x128xi32, #tpu.memory_space<vmem>> -> memref<128xi32, #tpu.memory_space<vmem>>
        %dma_wait3A_874 = arith.constant 0 : i32
        %dma_wait3A_875 = arith.constant 0 : i32
        %dma_wait3A_876 = tpu.memref_slice %arg10[%dma_wait3A_874, %dma_wait3A_875] : memref<10240x128xf32, #tpu.memory_space<vmem_shared>> -> memref<10240x128xf32, #tpu.memory_space<vmem_shared>>
        %dma_wait3A_877 = tpu.memref_slice %arg12[%dma_wait3A_866] : memref<2x!tpu.dma_semaphore, #tpu.memory_space<semaphore_mem>> -> memref<1x!tpu.dma_semaphore, #tpu.memory_space<semaphore_mem>>
        %dma_wait3A_878 = tpu.memref_squeeze %dma_wait3A_877 : memref<1x!tpu.dma_semaphore, #tpu.memory_space<semaphore_mem>> -> memref<!tpu.dma_semaphore, #tpu.memory_space<semaphore_mem>>
        tpu.wait_indirect_dma semaphore(%dma_wait3A_878 : memref<!tpu.dma_semaphore, #tpu.memory_space<semaphore_mem>>) src(%dma_wait3A_870 : memref<128x128xf32, #tpu.memory_space<vmem>>) dst(%dma_wait3A_876 : memref<10240x128xf32, #tpu.memory_space<vmem_shared>>)
      } else {
      }
      %dma_start3A_643 = arith.constant 13 : i32
      %dma_start3A_644 = arith.constant 1 : i32
      %dma_start3A_645 = arith.constant 1 : i32
      %dma_start3A_646 = arith.constant 0 : i32
      %dma_start3A_647 = arith.constant 0 : i32
      %dma_start3A_648 = tpu.memref_slice %arg9[%dma_start3A_644, %dma_start3A_646, %dma_start3A_647] : memref<2x128x128xf32, #tpu.memory_space<vmem>> -> memref<1x128x128xf32, #tpu.memory_space<vmem>>
      %dma_start3A_649 = tpu.memref_squeeze %dma_start3A_648 : memref<1x128x128xf32, #tpu.memory_space<vmem>> -> memref<128x128xf32, #tpu.memory_space<vmem>>
      %dma_start3A_650 = arith.constant 0 : i32
      %dma_start3A_651 = tpu.memref_slice %arg7[%dma_start3A_643, %dma_start3A_650] : memref<16x128xi32, #tpu.memory_space<vmem>> -> memref<1x128xi32, #tpu.memory_space<vmem>>
      %dma_start3A_652 = tpu.memref_squeeze %dma_start3A_651 : memref<1x128xi32, #tpu.memory_space<vmem>> -> memref<128xi32, #tpu.memory_space<vmem>>
      %dma_start3A_653 = arith.constant 0 : i32
      %dma_start3A_654 = arith.constant 0 : i32
      %dma_start3A_655 = tpu.memref_slice %arg2[%dma_start3A_653, %dma_start3A_654] : memref<10240x128xf32, #tpu.memory_space<hbm>> -> memref<10240x128xf32, #tpu.memory_space<hbm>>
      %dma_start3A_656 = tpu.memref_slice %arg11[%dma_start3A_645] : memref<2x!tpu.dma_semaphore, #tpu.memory_space<semaphore_mem>> -> memref<1x!tpu.dma_semaphore, #tpu.memory_space<semaphore_mem>>
      %dma_start3A_657 = tpu.memref_squeeze %dma_start3A_656 : memref<1x!tpu.dma_semaphore, #tpu.memory_space<semaphore_mem>> -> memref<!tpu.dma_semaphore, #tpu.memory_space<semaphore_mem>>
      tpu.enqueue_indirect_dma source(%dma_start3A_655 : memref<10240x128xf32, #tpu.memory_space<hbm>>) target(%dma_start3A_649 : memref<128x128xf32, #tpu.memory_space<vmem>>) offsets(%dma_start3A_652 : memref<128xi32, #tpu.memory_space<vmem>>) semaphore(%dma_start3A_657 : memref<!tpu.dma_semaphore, #tpu.memory_space<semaphore_mem>>)
      %dma_wait3A_658 = arith.constant 12 : i32
      %dma_wait3A_659 = arith.constant 0 : i32
      %dma_wait3A_660 = arith.constant 0 : i32
      %dma_wait3A_661 = arith.constant 0 : i32
      %dma_wait3A_662 = arith.constant 0 : i32
      %dma_wait3A_663 = tpu.memref_slice %arg9[%dma_wait3A_659, %dma_wait3A_661, %dma_wait3A_662] : memref<2x128x128xf32, #tpu.memory_space<vmem>> -> memref<1x128x128xf32, #tpu.memory_space<vmem>>
      %dma_wait3A_664 = tpu.memref_squeeze %dma_wait3A_663 : memref<1x128x128xf32, #tpu.memory_space<vmem>> -> memref<128x128xf32, #tpu.memory_space<vmem>>
      %dma_wait3A_665 = arith.constant 0 : i32
      %dma_wait3A_666 = tpu.memref_slice %arg7[%dma_wait3A_658, %dma_wait3A_665] : memref<16x128xi32, #tpu.memory_space<vmem>> -> memref<1x128xi32, #tpu.memory_space<vmem>>
      %dma_wait3A_667 = tpu.memref_squeeze %dma_wait3A_666 : memref<1x128xi32, #tpu.memory_space<vmem>> -> memref<128xi32, #tpu.memory_space<vmem>>
      %dma_wait3A_668 = arith.constant 0 : i32
      %dma_wait3A_669 = arith.constant 0 : i32
      %dma_wait3A_670 = tpu.memref_slice %arg2[%dma_wait3A_668, %dma_wait3A_669] : memref<10240x128xf32, #tpu.memory_space<hbm>> -> memref<10240x128xf32, #tpu.memory_space<hbm>>
      %dma_wait3A_671 = tpu.memref_slice %arg11[%dma_wait3A_660] : memref<2x!tpu.dma_semaphore, #tpu.memory_space<semaphore_mem>> -> memref<1x!tpu.dma_semaphore, #tpu.memory_space<semaphore_mem>>
      %dma_wait3A_672 = tpu.memref_squeeze %dma_wait3A_671 : memref<1x!tpu.dma_semaphore, #tpu.memory_space<semaphore_mem>> -> memref<!tpu.dma_semaphore, #tpu.memory_space<semaphore_mem>>
      tpu.wait_indirect_dma semaphore(%dma_wait3A_672 : memref<!tpu.dma_semaphore, #tpu.memory_space<semaphore_mem>>) src(%dma_wait3A_670 : memref<10240x128xf32, #tpu.memory_space<hbm>>) dst(%dma_wait3A_664 : memref<128x128xf32, #tpu.memory_space<vmem>>)
      %mul3A_673 = arith.constant 8 : i32
      %mul3A_674 = arith.muli %add3A_467, %mul3A_673 : i32
      %add3A_675 = arith.constant 4 : i32
      %add3A_676 = arith.addi %mul3A_674, %add3A_675 : i32
      %lt3A_677 = arith.cmpi slt, %add3A_676, %max3A_7 : i32
      %convert_element_type3A_678 = arith.extui %lt3A_677 : i1 to i32
      %cond3A_679 = arith.constant 0 : i32
      %cond3A_680 = arith.cmpi ne, %convert_element_type3A_678, %cond3A_679 : i32
      scf.if %cond3A_680 {
        %dma_start3A_849 = arith.constant 0 : i32
        %dma_start3A_850 = arith.constant 12 : i32
        %dma_start3A_851 = arith.constant 0 : i32
        %dma_start3A_852 = arith.constant 0 : i32
        %dma_start3A_853 = arith.constant 0 : i32
        %dma_start3A_854 = tpu.memref_slice %arg9[%dma_start3A_849, %dma_start3A_852, %dma_start3A_853] : memref<2x128x128xf32, #tpu.memory_space<vmem>> -> memref<1x128x128xf32, #tpu.memory_space<vmem>>
        %dma_start3A_855 = tpu.memref_squeeze %dma_start3A_854 : memref<1x128x128xf32, #tpu.memory_space<vmem>> -> memref<128x128xf32, #tpu.memory_space<vmem>>
        %dma_start3A_856 = arith.constant 0 : i32
        %dma_start3A_857 = tpu.memref_slice %arg8[%dma_start3A_850, %dma_start3A_856] : memref<16x128xi32, #tpu.memory_space<vmem>> -> memref<1x128xi32, #tpu.memory_space<vmem>>
        %dma_start3A_858 = tpu.memref_squeeze %dma_start3A_857 : memref<1x128xi32, #tpu.memory_space<vmem>> -> memref<128xi32, #tpu.memory_space<vmem>>
        %dma_start3A_859 = arith.constant 0 : i32
        %dma_start3A_860 = arith.constant 0 : i32
        %dma_start3A_861 = tpu.memref_slice %arg10[%dma_start3A_859, %dma_start3A_860] : memref<10240x128xf32, #tpu.memory_space<vmem_shared>> -> memref<10240x128xf32, #tpu.memory_space<vmem_shared>>
        %dma_start3A_862 = tpu.memref_slice %arg12[%dma_start3A_851] : memref<2x!tpu.dma_semaphore, #tpu.memory_space<semaphore_mem>> -> memref<1x!tpu.dma_semaphore, #tpu.memory_space<semaphore_mem>>
        %dma_start3A_863 = tpu.memref_squeeze %dma_start3A_862 : memref<1x!tpu.dma_semaphore, #tpu.memory_space<semaphore_mem>> -> memref<!tpu.dma_semaphore, #tpu.memory_space<semaphore_mem>>
        tpu.enqueue_indirect_dma source(%dma_start3A_855 : memref<128x128xf32, #tpu.memory_space<vmem>>) target(%dma_start3A_861 : memref<10240x128xf32, #tpu.memory_space<vmem_shared>>) offsets(%dma_start3A_858 : memref<128xi32, #tpu.memory_space<vmem>>) semaphore(%dma_start3A_863 : memref<!tpu.dma_semaphore, #tpu.memory_space<semaphore_mem>>) {add = true}
        %dma_wait3A_864 = arith.constant 0 : i32
        %dma_wait3A_865 = arith.constant 0 : i32
        %dma_wait3A_866 = arith.constant 0 : i32
        %dma_wait3A_867 = arith.constant 0 : i32
        %dma_wait3A_868 = arith.constant 0 : i32
        %dma_wait3A_869 = tpu.memref_slice %arg9[%dma_wait3A_864, %dma_wait3A_867, %dma_wait3A_868] : memref<2x128x128xf32, #tpu.memory_space<vmem>> -> memref<1x128x128xf32, #tpu.memory_space<vmem>>
        %dma_wait3A_870 = tpu.memref_squeeze %dma_wait3A_869 : memref<1x128x128xf32, #tpu.memory_space<vmem>> -> memref<128x128xf32, #tpu.memory_space<vmem>>
        %dma_wait3A_871 = arith.constant 0 : i32
        %dma_wait3A_872 = tpu.memref_slice %arg8[%dma_wait3A_865, %dma_wait3A_871] : memref<16x128xi32, #tpu.memory_space<vmem>> -> memref<1x128xi32, #tpu.memory_space<vmem>>
        %dma_wait3A_873 = tpu.memref_squeeze %dma_wait3A_872 : memref<1x128xi32, #tpu.memory_space<vmem>> -> memref<128xi32, #tpu.memory_space<vmem>>
        %dma_wait3A_874 = arith.constant 0 : i32
        %dma_wait3A_875 = arith.constant 0 : i32
        %dma_wait3A_876 = tpu.memref_slice %arg10[%dma_wait3A_874, %dma_wait3A_875] : memref<10240x128xf32, #tpu.memory_space<vmem_shared>> -> memref<10240x128xf32, #tpu.memory_space<vmem_shared>>
        %dma_wait3A_877 = tpu.memref_slice %arg12[%dma_wait3A_866] : memref<2x!tpu.dma_semaphore, #tpu.memory_space<semaphore_mem>> -> memref<1x!tpu.dma_semaphore, #tpu.memory_space<semaphore_mem>>
        %dma_wait3A_878 = tpu.memref_squeeze %dma_wait3A_877 : memref<1x!tpu.dma_semaphore, #tpu.memory_space<semaphore_mem>> -> memref<!tpu.dma_semaphore, #tpu.memory_space<semaphore_mem>>
        tpu.wait_indirect_dma semaphore(%dma_wait3A_878 : memref<!tpu.dma_semaphore, #tpu.memory_space<semaphore_mem>>) src(%dma_wait3A_870 : memref<128x128xf32, #tpu.memory_space<vmem>>) dst(%dma_wait3A_876 : memref<10240x128xf32, #tpu.memory_space<vmem_shared>>)
      } else {
      }
      %dma_start3A_681 = arith.constant 14 : i32
      %dma_start3A_682 = arith.constant 0 : i32
      %dma_start3A_683 = arith.constant 0 : i32
      %dma_start3A_684 = arith.constant 0 : i32
      %dma_start3A_685 = arith.constant 0 : i32
      %dma_start3A_686 = tpu.memref_slice %arg9[%dma_start3A_682, %dma_start3A_684, %dma_start3A_685] : memref<2x128x128xf32, #tpu.memory_space<vmem>> -> memref<1x128x128xf32, #tpu.memory_space<vmem>>
      %dma_start3A_687 = tpu.memref_squeeze %dma_start3A_686 : memref<1x128x128xf32, #tpu.memory_space<vmem>> -> memref<128x128xf32, #tpu.memory_space<vmem>>
      %dma_start3A_688 = arith.constant 0 : i32
      %dma_start3A_689 = tpu.memref_slice %arg7[%dma_start3A_681, %dma_start3A_688] : memref<16x128xi32, #tpu.memory_space<vmem>> -> memref<1x128xi32, #tpu.memory_space<vmem>>
      %dma_start3A_690 = tpu.memref_squeeze %dma_start3A_689 : memref<1x128xi32, #tpu.memory_space<vmem>> -> memref<128xi32, #tpu.memory_space<vmem>>
      %dma_start3A_691 = arith.constant 0 : i32
      %dma_start3A_692 = arith.constant 0 : i32
      %dma_start3A_693 = tpu.memref_slice %arg2[%dma_start3A_691, %dma_start3A_692] : memref<10240x128xf32, #tpu.memory_space<hbm>> -> memref<10240x128xf32, #tpu.memory_space<hbm>>
      %dma_start3A_694 = tpu.memref_slice %arg11[%dma_start3A_683] : memref<2x!tpu.dma_semaphore, #tpu.memory_space<semaphore_mem>> -> memref<1x!tpu.dma_semaphore, #tpu.memory_space<semaphore_mem>>
      %dma_start3A_695 = tpu.memref_squeeze %dma_start3A_694 : memref<1x!tpu.dma_semaphore, #tpu.memory_space<semaphore_mem>> -> memref<!tpu.dma_semaphore, #tpu.memory_space<semaphore_mem>>
      tpu.enqueue_indirect_dma source(%dma_start3A_693 : memref<10240x128xf32, #tpu.memory_space<hbm>>) target(%dma_start3A_687 : memref<128x128xf32, #tpu.memory_space<vmem>>) offsets(%dma_start3A_690 : memref<128xi32, #tpu.memory_space<vmem>>) semaphore(%dma_start3A_695 : memref<!tpu.dma_semaphore, #tpu.memory_space<semaphore_mem>>)
      %dma_wait3A_696 = arith.constant 13 : i32
      %dma_wait3A_697 = arith.constant 1 : i32
      %dma_wait3A_698 = arith.constant 1 : i32
      %dma_wait3A_699 = arith.constant 0 : i32
      %dma_wait3A_700 = arith.constant 0 : i32
      %dma_wait3A_701 = tpu.memref_slice %arg9[%dma_wait3A_697, %dma_wait3A_699, %dma_wait3A_700] : memref<2x128x128xf32, #tpu.memory_space<vmem>> -> memref<1x128x128xf32, #tpu.memory_space<vmem>>
      %dma_wait3A_702 = tpu.memref_squeeze %dma_wait3A_701 : memref<1x128x128xf32, #tpu.memory_space<vmem>> -> memref<128x128xf32, #tpu.memory_space<vmem>>
      %dma_wait3A_703 = arith.constant 0 : i32
      %dma_wait3A_704 = tpu.memref_slice %arg7[%dma_wait3A_696, %dma_wait3A_703] : memref<16x128xi32, #tpu.memory_space<vmem>> -> memref<1x128xi32, #tpu.memory_space<vmem>>
      %dma_wait3A_705 = tpu.memref_squeeze %dma_wait3A_704 : memref<1x128xi32, #tpu.memory_space<vmem>> -> memref<128xi32, #tpu.memory_space<vmem>>
      %dma_wait3A_706 = arith.constant 0 : i32
      %dma_wait3A_707 = arith.constant 0 : i32
      %dma_wait3A_708 = tpu.memref_slice %arg2[%dma_wait3A_706, %dma_wait3A_707] : memref<10240x128xf32, #tpu.memory_space<hbm>> -> memref<10240x128xf32, #tpu.memory_space<hbm>>
      %dma_wait3A_709 = tpu.memref_slice %arg11[%dma_wait3A_698] : memref<2x!tpu.dma_semaphore, #tpu.memory_space<semaphore_mem>> -> memref<1x!tpu.dma_semaphore, #tpu.memory_space<semaphore_mem>>
      %dma_wait3A_710 = tpu.memref_squeeze %dma_wait3A_709 : memref<1x!tpu.dma_semaphore, #tpu.memory_space<semaphore_mem>> -> memref<!tpu.dma_semaphore, #tpu.memory_space<semaphore_mem>>
      tpu.wait_indirect_dma semaphore(%dma_wait3A_710 : memref<!tpu.dma_semaphore, #tpu.memory_space<semaphore_mem>>) src(%dma_wait3A_708 : memref<10240x128xf32, #tpu.memory_space<hbm>>) dst(%dma_wait3A_702 : memref<128x128xf32, #tpu.memory_space<vmem>>)
      %mul3A_711 = arith.constant 8 : i32
      %mul3A_712 = arith.muli %add3A_467, %mul3A_711 : i32
      %add3A_713 = arith.constant 5 : i32
      %add3A_714 = arith.addi %mul3A_712, %add3A_713 : i32
      %lt3A_715 = arith.cmpi slt, %add3A_714, %max3A_7 : i32
      %convert_element_type3A_716 = arith.extui %lt3A_715 : i1 to i32
      %cond3A_717 = arith.constant 0 : i32
      %cond3A_718 = arith.cmpi ne, %convert_element_type3A_716, %cond3A_717 : i32
      scf.if %cond3A_718 {
        %dma_start3A_849 = arith.constant 1 : i32
        %dma_start3A_850 = arith.constant 13 : i32
        %dma_start3A_851 = arith.constant 1 : i32
        %dma_start3A_852 = arith.constant 0 : i32
        %dma_start3A_853 = arith.constant 0 : i32
        %dma_start3A_854 = tpu.memref_slice %arg9[%dma_start3A_849, %dma_start3A_852, %dma_start3A_853] : memref<2x128x128xf32, #tpu.memory_space<vmem>> -> memref<1x128x128xf32, #tpu.memory_space<vmem>>
        %dma_start3A_855 = tpu.memref_squeeze %dma_start3A_854 : memref<1x128x128xf32, #tpu.memory_space<vmem>> -> memref<128x128xf32, #tpu.memory_space<vmem>>
        %dma_start3A_856 = arith.constant 0 : i32
        %dma_start3A_857 = tpu.memref_slice %arg8[%dma_start3A_850, %dma_start3A_856] : memref<16x128xi32, #tpu.memory_space<vmem>> -> memref<1x128xi32, #tpu.memory_space<vmem>>
        %dma_start3A_858 = tpu.memref_squeeze %dma_start3A_857 : memref<1x128xi32, #tpu.memory_space<vmem>> -> memref<128xi32, #tpu.memory_space<vmem>>
        %dma_start3A_859 = arith.constant 0 : i32
        %dma_start3A_860 = arith.constant 0 : i32
        %dma_start3A_861 = tpu.memref_slice %arg10[%dma_start3A_859, %dma_start3A_860] : memref<10240x128xf32, #tpu.memory_space<vmem_shared>> -> memref<10240x128xf32, #tpu.memory_space<vmem_shared>>
        %dma_start3A_862 = tpu.memref_slice %arg12[%dma_start3A_851] : memref<2x!tpu.dma_semaphore, #tpu.memory_space<semaphore_mem>> -> memref<1x!tpu.dma_semaphore, #tpu.memory_space<semaphore_mem>>
        %dma_start3A_863 = tpu.memref_squeeze %dma_start3A_862 : memref<1x!tpu.dma_semaphore, #tpu.memory_space<semaphore_mem>> -> memref<!tpu.dma_semaphore, #tpu.memory_space<semaphore_mem>>
        tpu.enqueue_indirect_dma source(%dma_start3A_855 : memref<128x128xf32, #tpu.memory_space<vmem>>) target(%dma_start3A_861 : memref<10240x128xf32, #tpu.memory_space<vmem_shared>>) offsets(%dma_start3A_858 : memref<128xi32, #tpu.memory_space<vmem>>) semaphore(%dma_start3A_863 : memref<!tpu.dma_semaphore, #tpu.memory_space<semaphore_mem>>) {add = true}
        %dma_wait3A_864 = arith.constant 1 : i32
        %dma_wait3A_865 = arith.constant 0 : i32
        %dma_wait3A_866 = arith.constant 1 : i32
        %dma_wait3A_867 = arith.constant 0 : i32
        %dma_wait3A_868 = arith.constant 0 : i32
        %dma_wait3A_869 = tpu.memref_slice %arg9[%dma_wait3A_864, %dma_wait3A_867, %dma_wait3A_868] : memref<2x128x128xf32, #tpu.memory_space<vmem>> -> memref<1x128x128xf32, #tpu.memory_space<vmem>>
        %dma_wait3A_870 = tpu.memref_squeeze %dma_wait3A_869 : memref<1x128x128xf32, #tpu.memory_space<vmem>> -> memref<128x128xf32, #tpu.memory_space<vmem>>
        %dma_wait3A_871 = arith.constant 0 : i32
        %dma_wait3A_872 = tpu.memref_slice %arg8[%dma_wait3A_865, %dma_wait3A_871] : memref<16x128xi32, #tpu.memory_space<vmem>> -> memref<1x128xi32, #tpu.memory_space<vmem>>
        %dma_wait3A_873 = tpu.memref_squeeze %dma_wait3A_872 : memref<1x128xi32, #tpu.memory_space<vmem>> -> memref<128xi32, #tpu.memory_space<vmem>>
        %dma_wait3A_874 = arith.constant 0 : i32
        %dma_wait3A_875 = arith.constant 0 : i32
        %dma_wait3A_876 = tpu.memref_slice %arg10[%dma_wait3A_874, %dma_wait3A_875] : memref<10240x128xf32, #tpu.memory_space<vmem_shared>> -> memref<10240x128xf32, #tpu.memory_space<vmem_shared>>
        %dma_wait3A_877 = tpu.memref_slice %arg12[%dma_wait3A_866] : memref<2x!tpu.dma_semaphore, #tpu.memory_space<semaphore_mem>> -> memref<1x!tpu.dma_semaphore, #tpu.memory_space<semaphore_mem>>
        %dma_wait3A_878 = tpu.memref_squeeze %dma_wait3A_877 : memref<1x!tpu.dma_semaphore, #tpu.memory_space<semaphore_mem>> -> memref<!tpu.dma_semaphore, #tpu.memory_space<semaphore_mem>>
        tpu.wait_indirect_dma semaphore(%dma_wait3A_878 : memref<!tpu.dma_semaphore, #tpu.memory_space<semaphore_mem>>) src(%dma_wait3A_870 : memref<128x128xf32, #tpu.memory_space<vmem>>) dst(%dma_wait3A_876 : memref<10240x128xf32, #tpu.memory_space<vmem_shared>>)
      } else {
      }
      %dma_start3A_719 = arith.constant 15 : i32
      %dma_start3A_720 = arith.constant 1 : i32
      %dma_start3A_721 = arith.constant 1 : i32
      %dma_start3A_722 = arith.constant 0 : i32
      %dma_start3A_723 = arith.constant 0 : i32
      %dma_start3A_724 = tpu.memref_slice %arg9[%dma_start3A_720, %dma_start3A_722, %dma_start3A_723] : memref<2x128x128xf32, #tpu.memory_space<vmem>> -> memref<1x128x128xf32, #tpu.memory_space<vmem>>
      %dma_start3A_725 = tpu.memref_squeeze %dma_start3A_724 : memref<1x128x128xf32, #tpu.memory_space<vmem>> -> memref<128x128xf32, #tpu.memory_space<vmem>>
      %dma_start3A_726 = arith.constant 0 : i32
      %dma_start3A_727 = tpu.memref_slice %arg7[%dma_start3A_719, %dma_start3A_726] : memref<16x128xi32, #tpu.memory_space<vmem>> -> memref<1x128xi32, #tpu.memory_space<vmem>>
      %dma_start3A_728 = tpu.memref_squeeze %dma_start3A_727 : memref<1x128xi32, #tpu.memory_space<vmem>> -> memref<128xi32, #tpu.memory_space<vmem>>
      %dma_start3A_729 = arith.constant 0 : i32
      %dma_start3A_730 = arith.constant 0 : i32
      %dma_start3A_731 = tpu.memref_slice %arg2[%dma_start3A_729, %dma_start3A_730] : memref<10240x128xf32, #tpu.memory_space<hbm>> -> memref<10240x128xf32, #tpu.memory_space<hbm>>
      %dma_start3A_732 = tpu.memref_slice %arg11[%dma_start3A_721] : memref<2x!tpu.dma_semaphore, #tpu.memory_space<semaphore_mem>> -> memref<1x!tpu.dma_semaphore, #tpu.memory_space<semaphore_mem>>
      %dma_start3A_733 = tpu.memref_squeeze %dma_start3A_732 : memref<1x!tpu.dma_semaphore, #tpu.memory_space<semaphore_mem>> -> memref<!tpu.dma_semaphore, #tpu.memory_space<semaphore_mem>>
      tpu.enqueue_indirect_dma source(%dma_start3A_731 : memref<10240x128xf32, #tpu.memory_space<hbm>>) target(%dma_start3A_725 : memref<128x128xf32, #tpu.memory_space<vmem>>) offsets(%dma_start3A_728 : memref<128xi32, #tpu.memory_space<vmem>>) semaphore(%dma_start3A_733 : memref<!tpu.dma_semaphore, #tpu.memory_space<semaphore_mem>>)
      %add3A_734 = arith.constant 1 : i32
      %add3A_735 = arith.addi %add3A_467, %add3A_734 : i32
      %mul3A_736 = arith.constant 80 : i32
      %mul3A_737 = arith.muli %add3A, %mul3A_736 : i32
      %mul3A_738 = arith.constant 8 : i32
      %mul3A_739 = arith.muli %add3A_735, %mul3A_738 : i32
      %add3A_740 = arith.addi %mul3A_737, %mul3A_739 : i32
      %dma_wait3A_741 = arith.constant 0 : i32
      %dma_wait3A_742 = arith.constant 0 : i32
      %dma_wait3A_743 = arith.constant 0 : i32
      %dma_wait3A_744 = tpu.memref_slice %arg7[%dma_wait3A_742, %dma_wait3A_743] : memref<16x128xi32, #tpu.memory_space<vmem>> -> memref<8x128xi32, #tpu.memory_space<vmem>>
      %dma_wait3A_745 = arith.constant 0 : i32
      %dma_wait3A_746 = tpu.memref_slice %arg3[%add3A_740, %dma_wait3A_745] : memref<2576x128xi32, #tpu.memory_space<hbm>> -> memref<8x128xi32, #tpu.memory_space<hbm>>
      %dma_wait3A_747 = tpu.memref_slice %arg13[%dma_wait3A_741] : memref<2x!tpu.dma_semaphore, #tpu.memory_space<semaphore_mem>> -> memref<1x!tpu.dma_semaphore, #tpu.memory_space<semaphore_mem>>
      %dma_wait3A_748 = tpu.memref_squeeze %dma_wait3A_747 : memref<1x!tpu.dma_semaphore, #tpu.memory_space<semaphore_mem>> -> memref<!tpu.dma_semaphore, #tpu.memory_space<semaphore_mem>>
      %dma_wait3A_749 = arith.constant 0 : i32
      %dma_wait3A_750 = arith.constant 0 : i32
      %dma_wait3A_751 = tpu.memref_slice %arg7[%dma_wait3A_749, %dma_wait3A_750] : memref<16x128xi32, #tpu.memory_space<vmem>> -> memref<8x128xi32, #tpu.memory_space<vmem>>
      %dma_wait3A_752 = arith.constant 0 : i32
      %dma_wait3A_753 = tpu.memref_slice %arg3[%add3A_740, %dma_wait3A_752] : memref<2576x128xi32, #tpu.memory_space<hbm>> -> memref<8x128xi32, #tpu.memory_space<hbm>>
      tpu.wait_dma2 semaphore(%dma_wait3A_748 : memref<!tpu.dma_semaphore, #tpu.memory_space<semaphore_mem>>) src(%dma_wait3A_753 : memref<8x128xi32, #tpu.memory_space<hbm>>) dst(%dma_wait3A_751 : memref<8x128xi32, #tpu.memory_space<vmem>>)
      %mul3A_754 = arith.constant 80 : i32
      %mul3A_755 = arith.muli %add3A, %mul3A_754 : i32
      %mul3A_756 = arith.constant 8 : i32
      %mul3A_757 = arith.muli %add3A_735, %mul3A_756 : i32
      %add3A_758 = arith.addi %mul3A_755, %mul3A_757 : i32
      %dma_wait3A_759 = arith.constant 0 : i32
      %dma_wait3A_760 = arith.constant 0 : i32
      %dma_wait3A_761 = arith.constant 0 : i32
      %dma_wait3A_762 = tpu.memref_slice %arg8[%dma_wait3A_760, %dma_wait3A_761] : memref<16x128xi32, #tpu.memory_space<vmem>> -> memref<8x128xi32, #tpu.memory_space<vmem>>
      %dma_wait3A_763 = arith.constant 0 : i32
      %dma_wait3A_764 = tpu.memref_slice %arg4[%add3A_758, %dma_wait3A_763] : memref<2576x128xi32, #tpu.memory_space<hbm>> -> memref<8x128xi32, #tpu.memory_space<hbm>>
      %dma_wait3A_765 = tpu.memref_slice %arg14[%dma_wait3A_759] : memref<2x!tpu.dma_semaphore, #tpu.memory_space<semaphore_mem>> -> memref<1x!tpu.dma_semaphore, #tpu.memory_space<semaphore_mem>>
      %dma_wait3A_766 = tpu.memref_squeeze %dma_wait3A_765 : memref<1x!tpu.dma_semaphore, #tpu.memory_space<semaphore_mem>> -> memref<!tpu.dma_semaphore, #tpu.memory_space<semaphore_mem>>
      %dma_wait3A_767 = arith.constant 0 : i32
      %dma_wait3A_768 = arith.constant 0 : i32
      %dma_wait3A_769 = tpu.memref_slice %arg8[%dma_wait3A_767, %dma_wait3A_768] : memref<16x128xi32, #tpu.memory_space<vmem>> -> memref<8x128xi32, #tpu.memory_space<vmem>>
      %dma_wait3A_770 = arith.constant 0 : i32
      %dma_wait3A_771 = tpu.memref_slice %arg4[%add3A_758, %dma_wait3A_770] : memref<2576x128xi32, #tpu.memory_space<hbm>> -> memref<8x128xi32, #tpu.memory_space<hbm>>
      tpu.wait_dma2 semaphore(%dma_wait3A_766 : memref<!tpu.dma_semaphore, #tpu.memory_space<semaphore_mem>>) src(%dma_wait3A_771 : memref<8x128xi32, #tpu.memory_space<hbm>>) dst(%dma_wait3A_769 : memref<8x128xi32, #tpu.memory_space<vmem>>)
      %dma_wait3A_772 = arith.constant 14 : i32
      %dma_wait3A_773 = arith.constant 0 : i32
      %dma_wait3A_774 = arith.constant 0 : i32
      %dma_wait3A_775 = arith.constant 0 : i32
      %dma_wait3A_776 = arith.constant 0 : i32
      %dma_wait3A_777 = tpu.memref_slice %arg9[%dma_wait3A_773, %dma_wait3A_775, %dma_wait3A_776] : memref<2x128x128xf32, #tpu.memory_space<vmem>> -> memref<1x128x128xf32, #tpu.memory_space<vmem>>
      %dma_wait3A_778 = tpu.memref_squeeze %dma_wait3A_777 : memref<1x128x128xf32, #tpu.memory_space<vmem>> -> memref<128x128xf32, #tpu.memory_space<vmem>>
      %dma_wait3A_779 = arith.constant 0 : i32
      %dma_wait3A_780 = tpu.memref_slice %arg7[%dma_wait3A_772, %dma_wait3A_779] : memref<16x128xi32, #tpu.memory_space<vmem>> -> memref<1x128xi32, #tpu.memory_space<vmem>>
      %dma_wait3A_781 = tpu.memref_squeeze %dma_wait3A_780 : memref<1x128xi32, #tpu.memory_space<vmem>> -> memref<128xi32, #tpu.memory_space<vmem>>
      %dma_wait3A_782 = arith.constant 0 : i32
      %dma_wait3A_783 = arith.constant 0 : i32
      %dma_wait3A_784 = tpu.memref_slice %arg2[%dma_wait3A_782, %dma_wait3A_783] : memref<10240x128xf32, #tpu.memory_space<hbm>> -> memref<10240x128xf32, #tpu.memory_space<hbm>>
      %dma_wait3A_785 = tpu.memref_slice %arg11[%dma_wait3A_774] : memref<2x!tpu.dma_semaphore, #tpu.memory_space<semaphore_mem>> -> memref<1x!tpu.dma_semaphore, #tpu.memory_space<semaphore_mem>>
      %dma_wait3A_786 = tpu.memref_squeeze %dma_wait3A_785 : memref<1x!tpu.dma_semaphore, #tpu.memory_space<semaphore_mem>> -> memref<!tpu.dma_semaphore, #tpu.memory_space<semaphore_mem>>
      tpu.wait_indirect_dma semaphore(%dma_wait3A_786 : memref<!tpu.dma_semaphore, #tpu.memory_space<semaphore_mem>>) src(%dma_wait3A_784 : memref<10240x128xf32, #tpu.memory_space<hbm>>) dst(%dma_wait3A_778 : memref<128x128xf32, #tpu.memory_space<vmem>>)
      %mul3A_787 = arith.constant 8 : i32
      %mul3A_788 = arith.muli %add3A_467, %mul3A_787 : i32
      %add3A_789 = arith.constant 6 : i32
      %add3A_790 = arith.addi %mul3A_788, %add3A_789 : i32
      %lt3A_791 = arith.cmpi slt, %add3A_790, %max3A_7 : i32
      %convert_element_type3A_792 = arith.extui %lt3A_791 : i1 to i32
      %cond3A_793 = arith.constant 0 : i32
      %cond3A_794 = arith.cmpi ne, %convert_element_type3A_792, %cond3A_793 : i32
      scf.if %cond3A_794 {
        %dma_start3A_849 = arith.constant 0 : i32
        %dma_start3A_850 = arith.constant 14 : i32
        %dma_start3A_851 = arith.constant 0 : i32
        %dma_start3A_852 = arith.constant 0 : i32
        %dma_start3A_853 = arith.constant 0 : i32
        %dma_start3A_854 = tpu.memref_slice %arg9[%dma_start3A_849, %dma_start3A_852, %dma_start3A_853] : memref<2x128x128xf32, #tpu.memory_space<vmem>> -> memref<1x128x128xf32, #tpu.memory_space<vmem>>
        %dma_start3A_855 = tpu.memref_squeeze %dma_start3A_854 : memref<1x128x128xf32, #tpu.memory_space<vmem>> -> memref<128x128xf32, #tpu.memory_space<vmem>>
        %dma_start3A_856 = arith.constant 0 : i32
        %dma_start3A_857 = tpu.memref_slice %arg8[%dma_start3A_850, %dma_start3A_856] : memref<16x128xi32, #tpu.memory_space<vmem>> -> memref<1x128xi32, #tpu.memory_space<vmem>>
        %dma_start3A_858 = tpu.memref_squeeze %dma_start3A_857 : memref<1x128xi32, #tpu.memory_space<vmem>> -> memref<128xi32, #tpu.memory_space<vmem>>
        %dma_start3A_859 = arith.constant 0 : i32
        %dma_start3A_860 = arith.constant 0 : i32
        %dma_start3A_861 = tpu.memref_slice %arg10[%dma_start3A_859, %dma_start3A_860] : memref<10240x128xf32, #tpu.memory_space<vmem_shared>> -> memref<10240x128xf32, #tpu.memory_space<vmem_shared>>
        %dma_start3A_862 = tpu.memref_slice %arg12[%dma_start3A_851] : memref<2x!tpu.dma_semaphore, #tpu.memory_space<semaphore_mem>> -> memref<1x!tpu.dma_semaphore, #tpu.memory_space<semaphore_mem>>
        %dma_start3A_863 = tpu.memref_squeeze %dma_start3A_862 : memref<1x!tpu.dma_semaphore, #tpu.memory_space<semaphore_mem>> -> memref<!tpu.dma_semaphore, #tpu.memory_space<semaphore_mem>>
        tpu.enqueue_indirect_dma source(%dma_start3A_855 : memref<128x128xf32, #tpu.memory_space<vmem>>) target(%dma_start3A_861 : memref<10240x128xf32, #tpu.memory_space<vmem_shared>>) offsets(%dma_start3A_858 : memref<128xi32, #tpu.memory_space<vmem>>) semaphore(%dma_start3A_863 : memref<!tpu.dma_semaphore, #tpu.memory_space<semaphore_mem>>) {add = true}
        %dma_wait3A_864 = arith.constant 0 : i32
        %dma_wait3A_865 = arith.constant 0 : i32
        %dma_wait3A_866 = arith.constant 0 : i32
        %dma_wait3A_867 = arith.constant 0 : i32
        %dma_wait3A_868 = arith.constant 0 : i32
        %dma_wait3A_869 = tpu.memref_slice %arg9[%dma_wait3A_864, %dma_wait3A_867, %dma_wait3A_868] : memref<2x128x128xf32, #tpu.memory_space<vmem>> -> memref<1x128x128xf32, #tpu.memory_space<vmem>>
        %dma_wait3A_870 = tpu.memref_squeeze %dma_wait3A_869 : memref<1x128x128xf32, #tpu.memory_space<vmem>> -> memref<128x128xf32, #tpu.memory_space<vmem>>
        %dma_wait3A_871 = arith.constant 0 : i32
        %dma_wait3A_872 = tpu.memref_slice %arg8[%dma_wait3A_865, %dma_wait3A_871] : memref<16x128xi32, #tpu.memory_space<vmem>> -> memref<1x128xi32, #tpu.memory_space<vmem>>
        %dma_wait3A_873 = tpu.memref_squeeze %dma_wait3A_872 : memref<1x128xi32, #tpu.memory_space<vmem>> -> memref<128xi32, #tpu.memory_space<vmem>>
        %dma_wait3A_874 = arith.constant 0 : i32
        %dma_wait3A_875 = arith.constant 0 : i32
        %dma_wait3A_876 = tpu.memref_slice %arg10[%dma_wait3A_874, %dma_wait3A_875] : memref<10240x128xf32, #tpu.memory_space<vmem_shared>> -> memref<10240x128xf32, #tpu.memory_space<vmem_shared>>
        %dma_wait3A_877 = tpu.memref_slice %arg12[%dma_wait3A_866] : memref<2x!tpu.dma_semaphore, #tpu.memory_space<semaphore_mem>> -> memref<1x!tpu.dma_semaphore, #tpu.memory_space<semaphore_mem>>
        %dma_wait3A_878 = tpu.memref_squeeze %dma_wait3A_877 : memref<1x!tpu.dma_semaphore, #tpu.memory_space<semaphore_mem>> -> memref<!tpu.dma_semaphore, #tpu.memory_space<semaphore_mem>>
        tpu.wait_indirect_dma semaphore(%dma_wait3A_878 : memref<!tpu.dma_semaphore, #tpu.memory_space<semaphore_mem>>) src(%dma_wait3A_870 : memref<128x128xf32, #tpu.memory_space<vmem>>) dst(%dma_wait3A_876 : memref<10240x128xf32, #tpu.memory_space<vmem_shared>>)
      } else {
      }
      %dma_start3A_795 = arith.constant 0 : i32
      %dma_start3A_796 = arith.constant 0 : i32
      %dma_start3A_797 = arith.constant 0 : i32
      %dma_start3A_798 = arith.constant 0 : i32
      %dma_start3A_799 = arith.constant 0 : i32
      %dma_start3A_800 = tpu.memref_slice %arg9[%dma_start3A_796, %dma_start3A_798, %dma_start3A_799] : memref<2x128x128xf32, #tpu.memory_space<vmem>> -> memref<1x128x128xf32, #tpu.memory_space<vmem>>
      %dma_start3A_801 = tpu.memref_squeeze %dma_start3A_800 : memref<1x128x128xf32, #tpu.memory_space<vmem>> -> memref<128x128xf32, #tpu.memory_space<vmem>>
      %dma_start3A_802 = arith.constant 0 : i32
      %dma_start3A_803 = tpu.memref_slice %arg7[%dma_start3A_795, %dma_start3A_802] : memref<16x128xi32, #tpu.memory_space<vmem>> -> memref<1x128xi32, #tpu.memory_space<vmem>>
      %dma_start3A_804 = tpu.memref_squeeze %dma_start3A_803 : memref<1x128xi32, #tpu.memory_space<vmem>> -> memref<128xi32, #tpu.memory_space<vmem>>
      %dma_start3A_805 = arith.constant 0 : i32
      %dma_start3A_806 = arith.constant 0 : i32
      %dma_start3A_807 = tpu.memref_slice %arg2[%dma_start3A_805, %dma_start3A_806] : memref<10240x128xf32, #tpu.memory_space<hbm>> -> memref<10240x128xf32, #tpu.memory_space<hbm>>
      %dma_start3A_808 = tpu.memref_slice %arg11[%dma_start3A_797] : memref<2x!tpu.dma_semaphore, #tpu.memory_space<semaphore_mem>> -> memref<1x!tpu.dma_semaphore, #tpu.memory_space<semaphore_mem>>
      %dma_start3A_809 = tpu.memref_squeeze %dma_start3A_808 : memref<1x!tpu.dma_semaphore, #tpu.memory_space<semaphore_mem>> -> memref<!tpu.dma_semaphore, #tpu.memory_space<semaphore_mem>>
      tpu.enqueue_indirect_dma source(%dma_start3A_807 : memref<10240x128xf32, #tpu.memory_space<hbm>>) target(%dma_start3A_801 : memref<128x128xf32, #tpu.memory_space<vmem>>) offsets(%dma_start3A_804 : memref<128xi32, #tpu.memory_space<vmem>>) semaphore(%dma_start3A_809 : memref<!tpu.dma_semaphore, #tpu.memory_space<semaphore_mem>>)
      %dma_wait3A_810 = arith.constant 15 : i32
      %dma_wait3A_811 = arith.constant 1 : i32
      %dma_wait3A_812 = arith.constant 1 : i32
      %dma_wait3A_813 = arith.constant 0 : i32
      %dma_wait3A_814 = arith.constant 0 : i32
      %dma_wait3A_815 = tpu.memref_slice %arg9[%dma_wait3A_811, %dma_wait3A_813, %dma_wait3A_814] : memref<2x128x128xf32, #tpu.memory_space<vmem>> -> memref<1x128x128xf32, #tpu.memory_space<vmem>>
      %dma_wait3A_816 = tpu.memref_squeeze %dma_wait3A_815 : memref<1x128x128xf32, #tpu.memory_space<vmem>> -> memref<128x128xf32, #tpu.memory_space<vmem>>
      %dma_wait3A_817 = arith.constant 0 : i32
      %dma_wait3A_818 = tpu.memref_slice %arg7[%dma_wait3A_810, %dma_wait3A_817] : memref<16x128xi32, #tpu.memory_space<vmem>> -> memref<1x128xi32, #tpu.memory_space<vmem>>
      %dma_wait3A_819 = tpu.memref_squeeze %dma_wait3A_818 : memref<1x128xi32, #tpu.memory_space<vmem>> -> memref<128xi32, #tpu.memory_space<vmem>>
      %dma_wait3A_820 = arith.constant 0 : i32
      %dma_wait3A_821 = arith.constant 0 : i32
      %dma_wait3A_822 = tpu.memref_slice %arg2[%dma_wait3A_820, %dma_wait3A_821] : memref<10240x128xf32, #tpu.memory_space<hbm>> -> memref<10240x128xf32, #tpu.memory_space<hbm>>
      %dma_wait3A_823 = tpu.memref_slice %arg11[%dma_wait3A_812] : memref<2x!tpu.dma_semaphore, #tpu.memory_space<semaphore_mem>> -> memref<1x!tpu.dma_semaphore, #tpu.memory_space<semaphore_mem>>
      %dma_wait3A_824 = tpu.memref_squeeze %dma_wait3A_823 : memref<1x!tpu.dma_semaphore, #tpu.memory_space<semaphore_mem>> -> memref<!tpu.dma_semaphore, #tpu.memory_space<semaphore_mem>>
      tpu.wait_indirect_dma semaphore(%dma_wait3A_824 : memref<!tpu.dma_semaphore, #tpu.memory_space<semaphore_mem>>) src(%dma_wait3A_822 : memref<10240x128xf32, #tpu.memory_space<hbm>>) dst(%dma_wait3A_816 : memref<128x128xf32, #tpu.memory_space<vmem>>)
      %mul3A_825 = arith.constant 8 : i32
      %mul3A_826 = arith.muli %add3A_467, %mul3A_825 : i32
      %add3A_827 = arith.constant 7 : i32
      %add3A_828 = arith.addi %mul3A_826, %add3A_827 : i32
      %lt3A_829 = arith.cmpi slt, %add3A_828, %max3A_7 : i32
      %convert_element_type3A_830 = arith.extui %lt3A_829 : i1 to i32
      %cond3A_831 = arith.constant 0 : i32
      %cond3A_832 = arith.cmpi ne, %convert_element_type3A_830, %cond3A_831 : i32
      scf.if %cond3A_832 {
        %dma_start3A_849 = arith.constant 1 : i32
        %dma_start3A_850 = arith.constant 15 : i32
        %dma_start3A_851 = arith.constant 1 : i32
        %dma_start3A_852 = arith.constant 0 : i32
        %dma_start3A_853 = arith.constant 0 : i32
        %dma_start3A_854 = tpu.memref_slice %arg9[%dma_start3A_849, %dma_start3A_852, %dma_start3A_853] : memref<2x128x128xf32, #tpu.memory_space<vmem>> -> memref<1x128x128xf32, #tpu.memory_space<vmem>>
        %dma_start3A_855 = tpu.memref_squeeze %dma_start3A_854 : memref<1x128x128xf32, #tpu.memory_space<vmem>> -> memref<128x128xf32, #tpu.memory_space<vmem>>
        %dma_start3A_856 = arith.constant 0 : i32
        %dma_start3A_857 = tpu.memref_slice %arg8[%dma_start3A_850, %dma_start3A_856] : memref<16x128xi32, #tpu.memory_space<vmem>> -> memref<1x128xi32, #tpu.memory_space<vmem>>
        %dma_start3A_858 = tpu.memref_squeeze %dma_start3A_857 : memref<1x128xi32, #tpu.memory_space<vmem>> -> memref<128xi32, #tpu.memory_space<vmem>>
        %dma_start3A_859 = arith.constant 0 : i32
        %dma_start3A_860 = arith.constant 0 : i32
        %dma_start3A_861 = tpu.memref_slice %arg10[%dma_start3A_859, %dma_start3A_860] : memref<10240x128xf32, #tpu.memory_space<vmem_shared>> -> memref<10240x128xf32, #tpu.memory_space<vmem_shared>>
        %dma_start3A_862 = tpu.memref_slice %arg12[%dma_start3A_851] : memref<2x!tpu.dma_semaphore, #tpu.memory_space<semaphore_mem>> -> memref<1x!tpu.dma_semaphore, #tpu.memory_space<semaphore_mem>>
        %dma_start3A_863 = tpu.memref_squeeze %dma_start3A_862 : memref<1x!tpu.dma_semaphore, #tpu.memory_space<semaphore_mem>> -> memref<!tpu.dma_semaphore, #tpu.memory_space<semaphore_mem>>
        tpu.enqueue_indirect_dma source(%dma_start3A_855 : memref<128x128xf32, #tpu.memory_space<vmem>>) target(%dma_start3A_861 : memref<10240x128xf32, #tpu.memory_space<vmem_shared>>) offsets(%dma_start3A_858 : memref<128xi32, #tpu.memory_space<vmem>>) semaphore(%dma_start3A_863 : memref<!tpu.dma_semaphore, #tpu.memory_space<semaphore_mem>>) {add = true}
        %dma_wait3A_864 = arith.constant 1 : i32
        %dma_wait3A_865 = arith.constant 0 : i32
        %dma_wait3A_866 = arith.constant 1 : i32
        %dma_wait3A_867 = arith.constant 0 : i32
        %dma_wait3A_868 = arith.constant 0 : i32
        %dma_wait3A_869 = tpu.memref_slice %arg9[%dma_wait3A_864, %dma_wait3A_867, %dma_wait3A_868] : memref<2x128x128xf32, #tpu.memory_space<vmem>> -> memref<1x128x128xf32, #tpu.memory_space<vmem>>
        %dma_wait3A_870 = tpu.memref_squeeze %dma_wait3A_869 : memref<1x128x128xf32, #tpu.memory_space<vmem>> -> memref<128x128xf32, #tpu.memory_space<vmem>>
        %dma_wait3A_871 = arith.constant 0 : i32
        %dma_wait3A_872 = tpu.memref_slice %arg8[%dma_wait3A_865, %dma_wait3A_871] : memref<16x128xi32, #tpu.memory_space<vmem>> -> memref<1x128xi32, #tpu.memory_space<vmem>>
        %dma_wait3A_873 = tpu.memref_squeeze %dma_wait3A_872 : memref<1x128xi32, #tpu.memory_space<vmem>> -> memref<128xi32, #tpu.memory_space<vmem>>
        %dma_wait3A_874 = arith.constant 0 : i32
        %dma_wait3A_875 = arith.constant 0 : i32
        %dma_wait3A_876 = tpu.memref_slice %arg10[%dma_wait3A_874, %dma_wait3A_875] : memref<10240x128xf32, #tpu.memory_space<vmem_shared>> -> memref<10240x128xf32, #tpu.memory_space<vmem_shared>>
        %dma_wait3A_877 = tpu.memref_slice %arg12[%dma_wait3A_866] : memref<2x!tpu.dma_semaphore, #tpu.memory_space<semaphore_mem>> -> memref<1x!tpu.dma_semaphore, #tpu.memory_space<semaphore_mem>>
        %dma_wait3A_878 = tpu.memref_squeeze %dma_wait3A_877 : memref<1x!tpu.dma_semaphore, #tpu.memory_space<semaphore_mem>> -> memref<!tpu.dma_semaphore, #tpu.memory_space<semaphore_mem>>
        tpu.wait_indirect_dma semaphore(%dma_wait3A_878 : memref<!tpu.dma_semaphore, #tpu.memory_space<semaphore_mem>>) src(%dma_wait3A_870 : memref<128x128xf32, #tpu.memory_space<vmem>>) dst(%dma_wait3A_876 : memref<10240x128xf32, #tpu.memory_space<vmem_shared>>)
      } else {
      }
      %dma_start3A_833 = arith.constant 1 : i32
      %dma_start3A_834 = arith.constant 1 : i32
      %dma_start3A_835 = arith.constant 1 : i32
      %dma_start3A_836 = arith.constant 0 : i32
      %dma_start3A_837 = arith.constant 0 : i32
      %dma_start3A_838 = tpu.memref_slice %arg9[%dma_start3A_834, %dma_start3A_836, %dma_start3A_837] : memref<2x128x128xf32, #tpu.memory_space<vmem>> -> memref<1x128x128xf32, #tpu.memory_space<vmem>>
      %dma_start3A_839 = tpu.memref_squeeze %dma_start3A_838 : memref<1x128x128xf32, #tpu.memory_space<vmem>> -> memref<128x128xf32, #tpu.memory_space<vmem>>
      %dma_start3A_840 = arith.constant 0 : i32
      %dma_start3A_841 = tpu.memref_slice %arg7[%dma_start3A_833, %dma_start3A_840] : memref<16x128xi32, #tpu.memory_space<vmem>> -> memref<1x128xi32, #tpu.memory_space<vmem>>
      %dma_start3A_842 = tpu.memref_squeeze %dma_start3A_841 : memref<1x128xi32, #tpu.memory_space<vmem>> -> memref<128xi32, #tpu.memory_space<vmem>>
      %dma_start3A_843 = arith.constant 0 : i32
      %dma_start3A_844 = arith.constant 0 : i32
      %dma_start3A_845 = tpu.memref_slice %arg2[%dma_start3A_843, %dma_start3A_844] : memref<10240x128xf32, #tpu.memory_space<hbm>> -> memref<10240x128xf32, #tpu.memory_space<hbm>>
      %dma_start3A_846 = tpu.memref_slice %arg11[%dma_start3A_835] : memref<2x!tpu.dma_semaphore, #tpu.memory_space<semaphore_mem>> -> memref<1x!tpu.dma_semaphore, #tpu.memory_space<semaphore_mem>>
      %dma_start3A_847 = tpu.memref_squeeze %dma_start3A_846 : memref<1x!tpu.dma_semaphore, #tpu.memory_space<semaphore_mem>> -> memref<!tpu.dma_semaphore, #tpu.memory_space<semaphore_mem>>
      tpu.enqueue_indirect_dma source(%dma_start3A_845 : memref<10240x128xf32, #tpu.memory_space<hbm>>) target(%dma_start3A_839 : memref<128x128xf32, #tpu.memory_space<vmem>>) offsets(%dma_start3A_842 : memref<128xi32, #tpu.memory_space<vmem>>) semaphore(%dma_start3A_847 : memref<!tpu.dma_semaphore, #tpu.memory_space<semaphore_mem>>)
      %scan3A_848 = arith.constant 0 : i32
      scf.yield %scan3A_848 : i32
    }
    %scan3A_50 = arith.constant 5 : i32
    %dma_wait3A = arith.constant 0 : i32
    %dma_wait3A_51 = arith.constant 0 : i32
    %dma_wait3A_52 = arith.constant 0 : i32
    %dma_wait3A_53 = arith.constant 0 : i32
    %dma_wait3A_54 = arith.constant 0 : i32
    %dma_wait3A_55 = tpu.memref_slice %arg9[%dma_wait3A_51, %dma_wait3A_53, %dma_wait3A_54] : memref<2x128x128xf32, #tpu.memory_space<vmem>> -> memref<1x128x128xf32, #tpu.memory_space<vmem>>
    %dma_wait3A_56 = tpu.memref_squeeze %dma_wait3A_55 : memref<1x128x128xf32, #tpu.memory_space<vmem>> -> memref<128x128xf32, #tpu.memory_space<vmem>>
    %dma_wait3A_57 = arith.constant 0 : i32
    %dma_wait3A_58 = tpu.memref_slice %arg7[%dma_wait3A, %dma_wait3A_57] : memref<16x128xi32, #tpu.memory_space<vmem>> -> memref<1x128xi32, #tpu.memory_space<vmem>>
    %dma_wait3A_59 = tpu.memref_squeeze %dma_wait3A_58 : memref<1x128xi32, #tpu.memory_space<vmem>> -> memref<128xi32, #tpu.memory_space<vmem>>
    %dma_wait3A_60 = arith.constant 0 : i32
    %dma_wait3A_61 = arith.constant 0 : i32
    %dma_wait3A_62 = tpu.memref_slice %arg2[%dma_wait3A_60, %dma_wait3A_61] : memref<10240x128xf32, #tpu.memory_space<hbm>> -> memref<10240x128xf32, #tpu.memory_space<hbm>>
    %dma_wait3A_63 = tpu.memref_slice %arg11[%dma_wait3A_52] : memref<2x!tpu.dma_semaphore, #tpu.memory_space<semaphore_mem>> -> memref<1x!tpu.dma_semaphore, #tpu.memory_space<semaphore_mem>>
    %dma_wait3A_64 = tpu.memref_squeeze %dma_wait3A_63 : memref<1x!tpu.dma_semaphore, #tpu.memory_space<semaphore_mem>> -> memref<!tpu.dma_semaphore, #tpu.memory_space<semaphore_mem>>
    tpu.wait_indirect_dma semaphore(%dma_wait3A_64 : memref<!tpu.dma_semaphore, #tpu.memory_space<semaphore_mem>>) src(%dma_wait3A_62 : memref<10240x128xf32, #tpu.memory_space<hbm>>) dst(%dma_wait3A_56 : memref<128x128xf32, #tpu.memory_space<vmem>>)
    %dma_wait3A_65 = arith.constant 1 : i32
    %dma_wait3A_66 = arith.constant 1 : i32
    %dma_wait3A_67 = arith.constant 1 : i32
    %dma_wait3A_68 = arith.constant 0 : i32
    %dma_wait3A_69 = arith.constant 0 : i32
    %dma_wait3A_70 = tpu.memref_slice %arg9[%dma_wait3A_66, %dma_wait3A_68, %dma_wait3A_69] : memref<2x128x128xf32, #tpu.memory_space<vmem>> -> memref<1x128x128xf32, #tpu.memory_space<vmem>>
    %dma_wait3A_71 = tpu.memref_squeeze %dma_wait3A_70 : memref<1x128x128xf32, #tpu.memory_space<vmem>> -> memref<128x128xf32, #tpu.memory_space<vmem>>
    %dma_wait3A_72 = arith.constant 0 : i32
    %dma_wait3A_73 = tpu.memref_slice %arg7[%dma_wait3A_65, %dma_wait3A_72] : memref<16x128xi32, #tpu.memory_space<vmem>> -> memref<1x128xi32, #tpu.memory_space<vmem>>
    %dma_wait3A_74 = tpu.memref_squeeze %dma_wait3A_73 : memref<1x128xi32, #tpu.memory_space<vmem>> -> memref<128xi32, #tpu.memory_space<vmem>>
    %dma_wait3A_75 = arith.constant 0 : i32
    %dma_wait3A_76 = arith.constant 0 : i32
    %dma_wait3A_77 = tpu.memref_slice %arg2[%dma_wait3A_75, %dma_wait3A_76] : memref<10240x128xf32, #tpu.memory_space<hbm>> -> memref<10240x128xf32, #tpu.memory_space<hbm>>
    %dma_wait3A_78 = tpu.memref_slice %arg11[%dma_wait3A_67] : memref<2x!tpu.dma_semaphore, #tpu.memory_space<semaphore_mem>> -> memref<1x!tpu.dma_semaphore, #tpu.memory_space<semaphore_mem>>
    %dma_wait3A_79 = tpu.memref_squeeze %dma_wait3A_78 : memref<1x!tpu.dma_semaphore, #tpu.memory_space<semaphore_mem>> -> memref<!tpu.dma_semaphore, #tpu.memory_space<semaphore_mem>>
    tpu.wait_indirect_dma semaphore(%dma_wait3A_79 : memref<!tpu.dma_semaphore, #tpu.memory_space<semaphore_mem>>) src(%dma_wait3A_77 : memref<10240x128xf32, #tpu.memory_space<hbm>>) dst(%dma_wait3A_71 : memref<128x128xf32, #tpu.memory_space<vmem>>)
    %barrier3A_80 = arith.constant 0 : index
    tpu.barrier barrier_id(%barrier3A_80)
    "tpu.region"() ({
      %run_scoped3A = tpu.sem_alloc : memref<!tpu.dma_semaphore, #tpu.memory_space<semaphore_mem>>
      %dma_start3A_81 = arith.constant 0 : i32
      %dma_start3A_82 = tpu.memref_slice %arg6[%arg0, %mul3A_2, %dma_start3A_81] : memref<2x10240x128xf32, #tpu.memory_space<hbm>> -> memref<1x640x128xf32, #tpu.memory_space<hbm>>
      %dma_start3A_83 = tpu.memref_squeeze %dma_start3A_82 : memref<1x640x128xf32, #tpu.memory_space<hbm>> -> memref<640x128xf32, #tpu.memory_space<hbm>>
      %dma_start3A_84 = arith.constant 0 : i32
      %dma_start3A_85 = tpu.memref_slice %arg10[%mul3A_2, %dma_start3A_84] : memref<10240x128xf32, #tpu.memory_space<vmem_shared>> -> memref<640x128xf32, #tpu.memory_space<vmem_shared>>
      tpu.enqueue_dma source(%dma_start3A_85 : memref<640x128xf32, #tpu.memory_space<vmem_shared>>) target(%dma_start3A_83 : memref<640x128xf32, #tpu.memory_space<hbm>>) target_semaphore(%run_scoped3A : memref<!tpu.dma_semaphore, #tpu.memory_space<semaphore_mem>>)
      %dma_wait3A_86 = arith.constant 0 : i32
      %dma_wait3A_87 = tpu.memref_slice %arg6[%arg0, %mul3A_2, %dma_wait3A_86] : memref<2x10240x128xf32, #tpu.memory_space<hbm>> -> memref<1x640x128xf32, #tpu.memory_space<hbm>>
      %dma_wait3A_88 = tpu.memref_squeeze %dma_wait3A_87 : memref<1x640x128xf32, #tpu.memory_space<hbm>> -> memref<640x128xf32, #tpu.memory_space<hbm>>
      %dma_wait3A_89 = arith.constant 0 : i32
      %dma_wait3A_90 = tpu.memref_slice %arg10[%mul3A_2, %dma_wait3A_89] : memref<10240x128xf32, #tpu.memory_space<vmem_shared>> -> memref<640x128xf32, #tpu.memory_space<vmem_shared>>
      tpu.wait_dma2 semaphore(%run_scoped3A : memref<!tpu.dma_semaphore, #tpu.memory_space<semaphore_mem>>) src(%dma_wait3A_90 : memref<640x128xf32, #tpu.memory_space<vmem_shared>>) dst(%dma_wait3A_88 : memref<640x128xf32, #tpu.memory_space<hbm>>)
      tpu.yield
    }) : () -> ()
    return
  }
}

module attributes {stable_mosaic.version = 14 : i64} {
  func.func @_tc1_body(%arg0: memref<10240x128xf32, #tpu.memory_space<vmem>>, %arg1: memref<2x10240x16xf32, #tpu.memory_space<vmem>>, %arg2: memref<2x10240x16xf32, #tpu.memory_space<vmem>>, %arg3: memref<128x128xf32, #tpu.memory_space<vmem>>, %arg4: memref<10240x128xf32, #tpu.memory_space<vmem>>, %arg5: memref<10240x1xf32, #tpu.memory_space<vmem>>, %arg6: memref<10240x1xf32, #tpu.memory_space<vmem>>) attributes {dimension_semantics = [], scalar_prefetch = 0 : i64, scratch_operands = 0 : i64, tpu.core_type = #tpu.core_type<tc>} {
    %get3A = arith.constant 0 : index
    %get3A_0 = arith.constant 0 : index
    %get3A_1 = arith.constant 0 : index
    %get3A_2 = vector.load %arg1[%get3A, %get3A_0, %get3A_1] : memref<2x10240x16xf32, #tpu.memory_space<vmem>>, vector<1x10240x1xf32>
    %get3A_3 = vector.shape_cast %get3A_2 : vector<1x10240x1xf32> to vector<10240x1xf32>
    %get3A_4 = arith.constant 1 : index
    %get3A_5 = arith.constant 0 : index
    %get3A_6 = arith.constant 0 : index
    %get3A_7 = vector.load %arg1[%get3A_4, %get3A_5, %get3A_6] : memref<2x10240x16xf32, #tpu.memory_space<vmem>>, vector<1x10240x1xf32>
    %get3A_8 = vector.shape_cast %get3A_7 : vector<1x10240x1xf32> to vector<10240x1xf32>
    %add3A = arith.addf %get3A_3, %get3A_8 : vector<10240x1xf32>
    %add3A_9 = arith.constant 1.000000e+00 : f32
    %add3A_10 = vector.broadcast %add3A_9 : f32 to vector<10240x1xf32>
    %add3A_11 = arith.addf %add3A, %add3A_10 : vector<10240x1xf32>
    %get3A_12 = arith.constant 0 : index
    %get3A_13 = arith.constant 0 : index
    %get3A_14 = arith.constant 0 : index
    %get3A_15 = vector.load %arg2[%get3A_12, %get3A_13, %get3A_14] : memref<2x10240x16xf32, #tpu.memory_space<vmem>>, vector<1x10240x1xf32>
    %get3A_16 = vector.shape_cast %get3A_15 : vector<1x10240x1xf32> to vector<10240x1xf32>
    %get3A_17 = arith.constant 1 : index
    %get3A_18 = arith.constant 0 : index
    %get3A_19 = arith.constant 0 : index
    %get3A_20 = vector.load %arg2[%get3A_17, %get3A_18, %get3A_19] : memref<2x10240x16xf32, #tpu.memory_space<vmem>>, vector<1x10240x1xf32>
    %get3A_21 = vector.shape_cast %get3A_20 : vector<1x10240x1xf32> to vector<10240x1xf32>
    %add3A_22 = arith.addf %get3A_16, %get3A_21 : vector<10240x1xf32>
    %add3A_23 = arith.constant 1.000000e+00 : f32
    %add3A_24 = vector.broadcast %add3A_23 : f32 to vector<10240x1xf32>
    %add3A_25 = arith.addf %add3A_22, %add3A_24 : vector<10240x1xf32>
    %rsqrt3A = math.rsqrt %add3A_11 : vector<10240x1xf32>
    %rsqrt3A_26 = math.rsqrt %add3A_25 : vector<10240x1xf32>
    %swap3A = arith.constant 0 : index
    %swap3A_27 = arith.constant 0 : index
    %swap3A_28 = vector.load %arg5[%swap3A, %swap3A_27] : memref<10240x1xf32, #tpu.memory_space<vmem>>, vector<10240x1xf32>
    tpu.vector_store %arg5[%swap3A, %swap3A_27], %rsqrt3A {strides = array<i32>} : memref<10240x1xf32, #tpu.memory_space<vmem>>, vector<10240x1xf32>,
    %swap3A_29 = arith.constant 0 : index
    %swap3A_30 = arith.constant 0 : index
    %swap3A_31 = vector.load %arg6[%swap3A_29, %swap3A_30] : memref<10240x1xf32, #tpu.memory_space<vmem>>, vector<10240x1xf32>
    tpu.vector_store %arg6[%swap3A_29, %swap3A_30], %rsqrt3A_26 {strides = array<i32>} : memref<10240x1xf32, #tpu.memory_space<vmem>>, vector<10240x1xf32>,
    %get3A_32 = arith.constant 0 : index
    %get3A_33 = arith.constant 0 : index
    %get3A_34 = vector.load %arg0[%get3A_32, %get3A_33] : memref<10240x128xf32, #tpu.memory_space<vmem>>, vector<10240x128xf32>
    %get3A_35 = arith.constant 0 : index
    %get3A_36 = arith.constant 0 : index
    %get3A_37 = vector.load %arg3[%get3A_35, %get3A_36] : memref<128x128xf32, #tpu.memory_space<vmem>>, vector<128x128xf32>
    %dot_general3A = arith.constant dense<0.000000e+00> : vector<10240x128xf32>
    %dot_general3A_38 = tpu.matmul %get3A_34, %get3A_37, %dot_general3A {dimension_numbers = #tpu.dot_dimension_numbers<[1], [0], [0], [1], [0, 0, 1, 1], [], []>, transpose_lhs_hint = false} : vector<10240x128xf32>, vector<128x128xf32>, vector<10240x128xf32> -> vector<10240x128xf32>
    %mul3A = vector.broadcast %rsqrt3A : vector<10240x1xf32> to vector<10240x128xf32>
    %mul3A_39 = arith.mulf %dot_general3A_38, %mul3A : vector<10240x128xf32>
    %swap3A_40 = arith.constant 0 : index
    %swap3A_41 = arith.constant 0 : index
    %swap3A_42 = vector.load %arg4[%swap3A_40, %swap3A_41] : memref<10240x128xf32, #tpu.memory_space<vmem>>, vector<10240x128xf32>
    tpu.vector_store %arg4[%swap3A_40, %swap3A_41], %mul3A_39 {strides = array<i32>} : memref<10240x128xf32, #tpu.memory_space<vmem>>, vector<10240x128xf32>,
    return
  }
}

module attributes {stable_mosaic.version = 14 : i64} {
  func.func @_tc2_body(%arg0: memref<2x10240x128xf32, #tpu.memory_space<vmem>>, %arg1: memref<10240x128xf32, #tpu.memory_space<vmem>>, %arg2: memref<10240x1xf32, #tpu.memory_space<vmem>>, %arg3: memref<10240x1xf32, #tpu.memory_space<vmem>>, %arg4: memref<128xf32, #tpu.memory_space<vmem>>, %arg5: memref<128x128xf32, #tpu.memory_space<vmem>>, %arg6: memref<10240x128xf32, #tpu.memory_space<vmem>>) attributes {dimension_semantics = [], scalar_prefetch = 0 : i64, scratch_operands = 0 : i64, tpu.core_type = #tpu.core_type<tc>} {
    %get3A = arith.constant 0 : index
    %get3A_0 = arith.constant 0 : index
    %get3A_1 = arith.constant 0 : index
    %get3A_2 = vector.load %arg0[%get3A, %get3A_0, %get3A_1] : memref<2x10240x128xf32, #tpu.memory_space<vmem>>, vector<1x10240x128xf32>
    %get3A_3 = vector.shape_cast %get3A_2 : vector<1x10240x128xf32> to vector<10240x128xf32>
    %get3A_4 = arith.constant 1 : index
    %get3A_5 = arith.constant 0 : index
    %get3A_6 = arith.constant 0 : index
    %get3A_7 = vector.load %arg0[%get3A_4, %get3A_5, %get3A_6] : memref<2x10240x128xf32, #tpu.memory_space<vmem>>, vector<1x10240x128xf32>
    %get3A_8 = vector.shape_cast %get3A_7 : vector<1x10240x128xf32> to vector<10240x128xf32>
    %add3A = arith.addf %get3A_3, %get3A_8 : vector<10240x128xf32>
    %get3A_9 = arith.constant 0 : index
    %get3A_10 = arith.constant 0 : index
    %get3A_11 = vector.load %arg1[%get3A_9, %get3A_10] : memref<10240x128xf32, #tpu.memory_space<vmem>>, vector<10240x128xf32>
    %add3A_12 = arith.addf %add3A, %get3A_11 : vector<10240x128xf32>
    %get3A_13 = arith.constant 0 : index
    %get3A_14 = arith.constant 0 : index
    %get3A_15 = vector.load %arg3[%get3A_13, %get3A_14] : memref<10240x1xf32, #tpu.memory_space<vmem>>, vector<10240x1xf32>
    %mul3A = vector.broadcast %get3A_15 : vector<10240x1xf32> to vector<10240x128xf32>
    %mul3A_16 = arith.mulf %add3A_12, %mul3A : vector<10240x128xf32>
    %get3A_17 = arith.constant 0 : index
    %get3A_18 = vector.load %arg4[%get3A_17] : memref<128xf32, #tpu.memory_space<vmem>>, vector<128xf32>
    %broadcast_in_dim3A = vector.shape_cast %get3A_18 : vector<128xf32> to vector<1x128xf32>
    %add3A_19 = vector.broadcast %broadcast_in_dim3A : vector<1x128xf32> to vector<10240x128xf32>
    %add3A_20 = arith.addf %mul3A_16, %add3A_19 : vector<10240x128xf32>
    %max3A = arith.constant 0.000000e+00 : f32
    %max3A_21 = vector.broadcast %max3A : f32 to vector<10240x128xf32>
    %max3A_22 = arith.maximumf %add3A_20, %max3A_21 : vector<10240x128xf32>
    %get3A_23 = arith.constant 0 : index
    %get3A_24 = arith.constant 0 : index
    %get3A_25 = vector.load %arg5[%get3A_23, %get3A_24] : memref<128x128xf32, #tpu.memory_space<vmem>>, vector<128x128xf32>
    %dot_general3A = arith.constant dense<0.000000e+00> : vector<10240x128xf32>
    %dot_general3A_26 = tpu.matmul %max3A_22, %get3A_25, %dot_general3A {dimension_numbers = #tpu.dot_dimension_numbers<[1], [0], [0], [1], [0, 0, 1, 1], [], []>, transpose_lhs_hint = false} : vector<10240x128xf32>, vector<128x128xf32>, vector<10240x128xf32> -> vector<10240x128xf32>
    %get3A_27 = arith.constant 0 : index
    %get3A_28 = arith.constant 0 : index
    %get3A_29 = vector.load %arg2[%get3A_27, %get3A_28] : memref<10240x1xf32, #tpu.memory_space<vmem>>, vector<10240x1xf32>
    %mul3A_30 = vector.broadcast %get3A_29 : vector<10240x1xf32> to vector<10240x128xf32>
    %mul3A_31 = arith.mulf %dot_general3A_26, %mul3A_30 : vector<10240x128xf32>
    %swap3A = arith.constant 0 : index
    %swap3A_32 = arith.constant 0 : index
    %swap3A_33 = vector.load %arg6[%swap3A, %swap3A_32] : memref<10240x128xf32, #tpu.memory_space<vmem>>, vector<10240x128xf32>
    tpu.vector_store %arg6[%swap3A, %swap3A_32], %mul3A_31 {strides = array<i32>} : memref<10240x128xf32, #tpu.memory_space<vmem>>, vector<10240x128xf32>,
    return
  }
}

module attributes {stable_mosaic.version = 14 : i64} {
  func.func @_tc3_body(%arg0: memref<2x10240x128xf32, #tpu.memory_space<vmem>>, %arg1: memref<10240x128xf32, #tpu.memory_space<vmem>>, %arg2: memref<10240x1xf32, #tpu.memory_space<vmem>>, %arg3: memref<128xf32, #tpu.memory_space<vmem>>, %arg4: memref<128x200xf32, #tpu.memory_space<vmem>>, %arg5: memref<200xf32, #tpu.memory_space<vmem>>, %arg6: memref<200xf32, #tpu.memory_space<vmem>>, %arg7: memref<200xf32, #tpu.memory_space<vmem>>, %arg8: memref<200x2xf32, #tpu.memory_space<vmem>>, %arg9: memref<2xf32, #tpu.memory_space<vmem>>, %arg10: memref<10240x2xf32, #tpu.memory_space<vmem>>) attributes {dimension_semantics = [], scalar_prefetch = 0 : i64, scratch_operands = 0 : i64, tpu.core_type = #tpu.core_type<tc>} {
    %get3A = arith.constant 0 : index
    %get3A_0 = arith.constant 0 : index
    %get3A_1 = arith.constant 0 : index
    %get3A_2 = vector.load %arg0[%get3A, %get3A_0, %get3A_1] : memref<2x10240x128xf32, #tpu.memory_space<vmem>>, vector<1x10240x128xf32>
    %get3A_3 = vector.shape_cast %get3A_2 : vector<1x10240x128xf32> to vector<10240x128xf32>
    %get3A_4 = arith.constant 1 : index
    %get3A_5 = arith.constant 0 : index
    %get3A_6 = arith.constant 0 : index
    %get3A_7 = vector.load %arg0[%get3A_4, %get3A_5, %get3A_6] : memref<2x10240x128xf32, #tpu.memory_space<vmem>>, vector<1x10240x128xf32>
    %get3A_8 = vector.shape_cast %get3A_7 : vector<1x10240x128xf32> to vector<10240x128xf32>
    %add3A = arith.addf %get3A_3, %get3A_8 : vector<10240x128xf32>
    %get3A_9 = arith.constant 0 : index
    %get3A_10 = arith.constant 0 : index
    %get3A_11 = vector.load %arg1[%get3A_9, %get3A_10] : memref<10240x128xf32, #tpu.memory_space<vmem>>, vector<10240x128xf32>
    %add3A_12 = arith.addf %add3A, %get3A_11 : vector<10240x128xf32>
    %get3A_13 = arith.constant 0 : index
    %get3A_14 = arith.constant 0 : index
    %get3A_15 = vector.load %arg2[%get3A_13, %get3A_14] : memref<10240x1xf32, #tpu.memory_space<vmem>>, vector<10240x1xf32>
    %mul3A = vector.broadcast %get3A_15 : vector<10240x1xf32> to vector<10240x128xf32>
    %mul3A_16 = arith.mulf %add3A_12, %mul3A : vector<10240x128xf32>
    %get3A_17 = arith.constant 0 : index
    %get3A_18 = vector.load %arg3[%get3A_17] : memref<128xf32, #tpu.memory_space<vmem>>, vector<128xf32>
    %broadcast_in_dim3A = vector.shape_cast %get3A_18 : vector<128xf32> to vector<1x128xf32>
    %add3A_19 = vector.broadcast %broadcast_in_dim3A : vector<1x128xf32> to vector<10240x128xf32>
    %add3A_20 = arith.addf %mul3A_16, %add3A_19 : vector<10240x128xf32>
    %max3A = arith.constant 0.000000e+00 : f32
    %max3A_21 = vector.broadcast %max3A : f32 to vector<10240x128xf32>
    %max3A_22 = arith.maximumf %add3A_20, %max3A_21 : vector<10240x128xf32>
    %get3A_23 = arith.constant 0 : index
    %get3A_24 = arith.constant 0 : index
    %get3A_25 = vector.load %arg4[%get3A_23, %get3A_24] : memref<128x200xf32, #tpu.memory_space<vmem>>, vector<128x200xf32>
    %dot_general3A = arith.constant dense<0.000000e+00> : vector<10240x200xf32>
    %dot_general3A_26 = tpu.matmul %max3A_22, %get3A_25, %dot_general3A {dimension_numbers = #tpu.dot_dimension_numbers<[1], [0], [0], [1], [0, 0, 1, 1], [], []>, transpose_lhs_hint = false} : vector<10240x128xf32>, vector<128x200xf32>, vector<10240x200xf32> -> vector<10240x200xf32>
    %get3A_27 = arith.constant 0 : index
    %get3A_28 = vector.load %arg5[%get3A_27] : memref<200xf32, #tpu.memory_space<vmem>>, vector<200xf32>
    %broadcast_in_dim3A_29 = vector.shape_cast %get3A_28 : vector<200xf32> to vector<1x200xf32>
    %add3A_30 = vector.broadcast %broadcast_in_dim3A_29 : vector<1x200xf32> to vector<10240x200xf32>
    %add3A_31 = arith.addf %dot_general3A_26, %add3A_30 : vector<10240x200xf32>
    %max3A_32 = arith.constant 0.000000e+00 : f32
    %max3A_33 = vector.broadcast %max3A_32 : f32 to vector<10240x200xf32>
    %max3A_34 = arith.maximumf %add3A_31, %max3A_33 : vector<10240x200xf32>
    %sqrt3A = arith.constant 1.000010e+00 : f32
    %sqrt3A_35 = math.sqrt %sqrt3A : f32
    %div3A = arith.constant 1.000000e+00 : f32
    %div3A_36 = arith.divf %div3A, %sqrt3A_35 : f32
    %get3A_37 = arith.constant 0 : index
    %get3A_38 = vector.load %arg6[%get3A_37] : memref<200xf32, #tpu.memory_space<vmem>>, vector<200xf32>
    %mul3A_39 = vector.broadcast %div3A_36 : f32 to vector<200xf32>
    %mul3A_40 = arith.mulf %get3A_38, %mul3A_39 : vector<200xf32>
    %broadcast_in_dim3A_41 = vector.shape_cast %mul3A_40 : vector<200xf32> to vector<1x200xf32>
    %mul3A_42 = vector.broadcast %broadcast_in_dim3A_41 : vector<1x200xf32> to vector<10240x200xf32>
    %mul3A_43 = arith.mulf %max3A_34, %mul3A_42 : vector<10240x200xf32>
    %get3A_44 = arith.constant 0 : index
    %get3A_45 = vector.load %arg7[%get3A_44] : memref<200xf32, #tpu.memory_space<vmem>>, vector<200xf32>
    %broadcast_in_dim3A_46 = vector.shape_cast %get3A_45 : vector<200xf32> to vector<1x200xf32>
    %add3A_47 = vector.broadcast %broadcast_in_dim3A_46 : vector<1x200xf32> to vector<10240x200xf32>
    %add3A_48 = arith.addf %mul3A_43, %add3A_47 : vector<10240x200xf32>
    %get3A_49 = arith.constant 0 : index
    %get3A_50 = arith.constant 0 : index
    %get3A_51 = vector.load %arg8[%get3A_49, %get3A_50] : memref<200x2xf32, #tpu.memory_space<vmem>>, vector<200x2xf32>
    %dot_general3A_52 = arith.constant dense<0.000000e+00> : vector<10240x2xf32>
    %dot_general3A_53 = tpu.matmul %add3A_48, %get3A_51, %dot_general3A_52 {dimension_numbers = #tpu.dot_dimension_numbers<[1], [0], [0], [1], [0, 0, 1, 1], [], []>, transpose_lhs_hint = false} : vector<10240x200xf32>, vector<200x2xf32>, vector<10240x2xf32> -> vector<10240x2xf32>
    %get3A_54 = arith.constant 0 : index
    %get3A_55 = vector.load %arg9[%get3A_54] : memref<2xf32, #tpu.memory_space<vmem>>, vector<2xf32>
    %broadcast_in_dim3A_56 = vector.shape_cast %get3A_55 : vector<2xf32> to vector<1x2xf32>
    %add3A_57 = vector.broadcast %broadcast_in_dim3A_56 : vector<1x2xf32> to vector<10240x2xf32>
    %add3A_58 = arith.addf %dot_general3A_53, %add3A_57 : vector<10240x2xf32>
    %swap3A = arith.constant 0 : index
    %swap3A_59 = arith.constant 0 : index
    %swap3A_60 = vector.load %arg10[%swap3A, %swap3A_59] : memref<10240x2xf32, #tpu.memory_space<vmem>>, vector<10240x2xf32>
    tpu.vector_store %arg10[%swap3A, %swap3A_59], %add3A_58 {strides = array<i32>} : memref<10240x2xf32, #tpu.memory_space<vmem>>, vector<10240x2xf32>,
    return
  }
}

</mosaic_0001>

<sc_bundles>
// kernel: kernel.11.cloned.1.call-start
scs
__scs_entry_jumppad:
0x0: {  	(pc) =	sbr.rel $0x88, $3  }
0x1: {  	(tag) =	ssettag $0x0;
	lr =	simm.s32 $0x1  }
0x2: {  	[smem:$0x3F95] =	sst lr;
	_ =	strace $0xD0000000  }
0x3: {  	_ = 	snop  }
0x4: {  	_ = 	snop  }
0x5: {  	_ = 	snop  }
0x6: {  	_ = 	snop  }
0x7: {  	_ = 	snop  }
__scs_overlays_trampoline_lowered:
0x8: {  	[smem:$0x3FA4] =	sst s0  }
0x9: {  	[smem:$0x3FA5] =	sst s1  }
0xa: {  	[smem:$0x3FA6] =	sst s2  }
0xb: {  	[smem:$0x3FA7] =	sst s3  }
0xc: {  	[smem:$0x3FA8] =	sst s4  }
0xd: {  	[smem:$0x3FA9] =	sst s5  }
0xe: {  	[smem:$0x3FAA] =	sst s6  }
0xf: {  	[smem:$0x3FAB] =	sst s7  }
0x10: {  	[smem:$0x3FAC] =	sst s8  }
0x11: {  	[smem:$0x3FAD] =	sst s9;
	s0 =	simm.s32 @!p0 $0x0  }
0x12: {  	s1 =	sld [smem:$0x3F93];
	s0 =	simm.s32 @p0 $0x1  }
0x13: {  	[smem:$0x3FAE] =	sst s0;
	s0 =	simm.s32 @!p1 $0x0  }
0x14: {  	s2 =	sld [smem:$0x3F92];
	s0 =	simm.s32 @p1 $0x1  }
0x15: {  	[smem:$0x3FAF] =	sst s0;
	s0 =	simm.s32 @!p2 $0x0  }
0x16: {  	s3 =	sld [smem:$0x3FDB];
	s0 =	simm.s32 @p2 $0x1  }
0x17: {  	s4 =	simm.s32 $0x1BF5;
	[smem:$0x3FB1] =	sst s0  }
0x18: {  	s0 =	sld [smem:$0x3F94];
	_ =	swait.ge [sflag:s4], $0x0  }
0x19: {  	s7 =	sld [smem:$0x3F95]  }
0x1a: {  	s8 =	sadd.s32 $0xFFFFE003, lr  }
0x1b: {  	s9 =	sadd.s32 $0xFFFFFEF7, lr;
	s5 =	simm.s32 $0xFFFFFFFF;
	p2 =	slt.u32 s8, $0xFFFFF086  }
0x1c: {  	p1 =	slt.u32 s9, $0xF7A;
	s5 =	simm.s32 @!p2 $0x0  }
0x1d: {  	s5 =	simm.s32 @p1 $0x1;
	p0 =	seq.s32 s7, s2  }
0x1e: {  	s7 =	smul.u32 @!p0 $0xF7A, s2;
	p2 =	seq.s32 @!p0 s5, $0x0  }
0x1f: {  	s9 =	smul.u32 $0xF7A, s1;
	s8 =	simm.s32 @!p0 $0x1BF5;
	p2 =	por !p2, p0  }
0x20: {  	[sflag:s8] =	ssyncset.s32 @!p0 $0xFFFFF086;
	s6 =	sadd.s32 @!p0 s3, s7;
	s7 =	simm.s32 @!p0 $0x108  }
0x21: {  	s3 =	sadd.s32 s3, s9;
	s6 =	sadd.s32 @!p0 $0x88, s6;
	s7 =	simm.s32 @p2 $0x1082  }
0x22: {  	[simem:s7], [sflag:s8] =	dma.local @!p0 [hbm:s6], $0xF7A  }
0x23: {  	s9 =	sor.u32 $0xD0000000, s2;
	s6 =	simm.s32 $0x108;
	_ =	swait.ge @!p0 [sflag:s8], $0x0  }
0x24: {  	s3 =	sadd.s32 $0x88, s3;
	s6 =	simm.s32 @!p1 $0x1082;
	[sflag:s4] =	ssyncset.s32 $0xFFFFF086  }
0x25: {  	[simem:s6], [sflag:s4] =	dma.local [hbm:s3], $0xF7A  }
0x26: {  	[smem:$0x3F95] =	sst s1;
	(tag) =	ssettag s2;
	_ =	strace s9  }
0x27: {  	s1 =	sld [smem:$0x3FA5]  }
0x28: {  	s2 =	sld [smem:$0x3FA6]  }
0x29: {  	s4 =	sld [smem:$0x3FA8]  }
0x2a: {  	p0 =	seq.s32 s5, $0x0;
	s5 =	sld [smem:$0x3FA9]  }
0x2b: {  	s6 =	sld [smem:$0x3FAA]  }
0x2c: {  	s7 =	sld [smem:$0x3FAB]  }
0x2d: {  	s3 =	simm.s32 $0x108;
	s8 =	sld [smem:$0x3FAC]  }
0x2e: {  	s3 =	simm.s32 @!p0 $0x1082;
	s9 =	sld [smem:$0x3FAD]  }
0x2f: {  	lr =	sadd.s32 s0, s3;
	s0 =	sld [smem:$0x3FA4]  }
0x30: {  	s3 =	sld [smem:$0x3FA7]  }
0x31: {  	[smem:$0x3FB0] =	sst s10  }
0x32: {  	s10 =	sld [smem:$0x3FAE];
	_ =	sdelay $0x3  }
0x33: {  	p0 =	seq.s32 s10, $0x1;
	s10 =	sld [smem:$0x3FB0];
	_ =	sdelay $0x3  }
0x34: {  	[smem:$0x3FB0] =	sst s10  }
0x35: {  	s10 =	sld [smem:$0x3FAF];
	_ =	sdelay $0x3  }
0x36: {  	p1 =	seq.s32 s10, $0x1;
	s10 =	sld [smem:$0x3FB0];
	_ =	sdelay $0x3  }
0x37: {  	[smem:$0x3FB0] =	sst s10  }
0x38: {  	s10 =	sld [smem:$0x3FB1]  }
0x39: {  	_ = 	snop;
	(pc) =	sbr.ind lr, $3  }
0x3a: {  	_ = 	snop  }
0x3b: {  	_ = 	snop  }
0x3c: {  	p2 =	seq.s32 s10, $0x1;
	s10 =	sld [smem:$0x3FB0]  }
0x3d: {  	_ =	shalt  }
0x3e: {  	_ =	shalt  }
0x3f: {  	_ =	shalt  }
0x40: {  	_ =	shalt  }
0x41: {  	_ =	shalt  }
0x42: {  	_ =	shalt  }
0x43: {  	_ =	shalt  }
0x44: {  	_ =	shalt  }
0x45: {  	_ =	shalt  }
0x46: {  	_ =	shalt  }
0x47: {  	_ =	shalt  }
0x48: {  	_ =	shalt  }
0x49: {  	_ =	shalt  }
0x4a: {  	_ =	shalt  }
0x4b: {  	_ =	shalt  }
0x4c: {  	_ =	shalt  }
0x4d: {  	_ =	shalt  }
0x4e: {  	_ =	shalt  }
0x4f: {  	_ =	shalt  }
0x50: {  	_ =	shalt  }
0x51: {  	_ =	shalt  }
0x52: {  	_ =	shalt  }
0x53: {  	_ =	shalt  }
0x54: {  	_ =	shalt  }
0x55: {  	_ =	shalt  }
0x56: {  	_ =	shalt  }
0x57: {  	_ =	shalt  }
0x58: {  	_ =	shalt  }
0x59: {  	_ =	shalt  }
0x5a: {  	_ =	shalt  }
0x5b: {  	_ =	shalt  }
0x5c: {  	_ =	shalt  }
0x5d: {  	_ =	shalt  }
0x5e: {  	_ =	shalt  }
0x5f: {  	_ =	shalt  }
0x60: {  	_ =	shalt  }
0x61: {  	_ =	shalt  }
0x62: {  	_ =	shalt  }
0x63: {  	_ =	shalt  }
0x64: {  	_ =	shalt  }
0x65: {  	_ =	shalt  }
0x66: {  	_ =	shalt  }
0x67: {  	_ =	shalt  }
0x68: {  	_ =	shalt  }
0x69: {  	_ =	shalt  }
0x6a: {  	_ =	shalt  }
0x6b: {  	_ =	shalt  }
0x6c: {  	_ =	shalt  }
0x6d: {  	_ =	shalt  }
0x6e: {  	_ =	shalt  }
0x6f: {  	_ =	shalt  }
0x70: {  	_ =	shalt  }
0x71: {  	_ =	shalt  }
0x72: {  	_ =	shalt  }
0x73: {  	_ =	shalt  }
0x74: {  	_ =	shalt  }
0x75: {  	_ =	shalt  }
0x76: {  	_ =	shalt  }
0x77: {  	_ =	shalt  }
0x78: {  	_ =	shalt  }
0x79: {  	_ =	shalt  }
0x7a: {  	_ =	shalt  }
0x7b: {  	_ =	shalt  }
0x7c: {  	_ =	shalt  }
0x7d: {  	_ =	shalt  }
0x7e: {  	_ =	shalt  }
0x7f: {  	_ =	shalt  }
0x80: {  	_ =	shalt  }
0x81: {  	_ =	shalt  }
0x82: {  	_ =	shalt  }
0x83: {  	_ =	shalt  }
0x84: {  	_ =	shalt  }
0x85: {  	_ =	shalt  }
0x86: {  	_ =	shalt  }
0x87: {  	_ =	shalt  }
.Lfunc_end0:
.L_simem_size_0:
called_computation.1_lowered:
.L_overlay_start_0:
0x88: {  	s2 =	sld [smem:$0x3FD9]  }
0x89: {  	s3 =	sld [smem:$0x3FFE];
	_ =	sdelay $0x1  }
0x8a: {  	s1 =	srdreg.scid  }
0x8b: {  	s0 =	sand.u32 $0x1, s1  }
0x8c: {  	s16 =	sshll.u32 s0, $0xA;
	s2 =	sadd.s32 s3, s2  }
0x8d: {  	s2 =	sadd.s32 s2, s16  }
0x8e: {  	[smem:$0x3FBC] =	sst s2  }
0x8f: {  	_ = 	snop  }
0x90: {  	(tm) =	ssettm $0x1  }
0x91: {  	s17 =	sld [smem:$0x3FFB];
	_ =	sdelay $0x3  }
0x92: {  	_ =	strace s17  }
0x93: {  	s2 =	sld [smem:$0x3FFC];
	_ =	sdelay $0x3  }
0x94: {  	_ =	strace s2  }
0x95: {  	s2 =	sld [smem:$0x3FFD];
	_ =	sdelay $0x3  }
0x96: {  	_ =	strace s2  }
0x97: {  	_ =	strace $0x8FFFFFFF  }
0x98: {  	s18 =	sld [smem:$0x3FDB];
	_ =	sdelay $0x1  }
0x99: {  	s19 =	simm.s32 $_scs_section_size  }
0x9a: {  	s4 =	simm.s32 $_size__tile_overlayer_lowered;
	s5 =	simm.s32 $_tile_overlayer_lowered  }
0x9b: {  	s22 =	simm.s32 $0x1BFF;
	s21 =	sshll.u32 s5, $0x1;
	s2 =	sadd.s32 s19, s18  }
0x9c: {  	s6 =	simm.s32 $0x0;
	s20 =	sshll.u32 s4, $0x1;
	s4 =	sadd.s32 s21, s2  }
0x9d: {  	[timem:s6], [sflag:s22] =	dma.local [hbm:s4], s20  }
0x9e: {  	_ =	swait.ge [sflag:s22], s20  }
0x9f: {  	s3 =	ssub.s32 $0x0, s20;
	[sflag:s22] =	ssyncset.done $0x0  }
0xa0: {  	[sflag:s22] =	ssyncadd.s32 s3;
	_ =	sdelay $0x1  }
0xa1: {  	s23 =	simm.s32 $0x1B8B  }
0xa2: {  	_ =	swait.ge [sflag:s23], $0x1  }
0xa3: {  	[sflag:s23] =	ssyncset.done $0x0  }
0xa4: {  	s25 =	simm.s32 $0x1B8E;
	s24 =	sld [smem:$0x3FFE];
	[sflag:s23] =	ssyncadd.s32 $0xFFFFFFFF  }
0xa5: {  	s26 =	simm.s32 $execute0_lowered;
	[smem:$0x3FD2] =	sst s25  }
0xa6: {  	s4 =	sshll.u32 s26, $0x1;
	_ =	strace $0x80000049;
	[dreg:$0x1] =	wrdreg $0xFFFFFFFF  }
0xa7: {  	s28 =	simm.s32 $_size_execute0_lowered;
	s2 =	sadd.s32 s2, s4;
	[dreg:$0x0] =	wrdreg $0x0  }
0xa8: {  	s4 =	sshll.u32 s28, $0x1;
	[dreg:$0x2] =	wrdreg s2  }
0xa9: {  	[dreg:$0x3] =	wrdreg s4  }
0xaa: {  	[dreg:$0x4] =	wrdreg $0xC0  }
0xab: {  	_ =	task [dreg:s6], $0x5FFFF  }
0xac: {  	[dreg:$0x1] =	wrdreg $0xFFFFFFFF  }
0xad: {  	[dreg:$0x0] =	wrdreg $0x60  }
0xae: {  	[dreg:$0x2] =	wrdreg s24  }
0xaf: {  	[dreg:$0x3] =	wrdreg $0x90000  }
0xb0: {  	[dreg:$0x4] =	wrdreg $0x9  }
0xb1: {  	_ =	task.clear_ibuf [dreg:s6], $0x5FFFF;
	_ =	strace $0x90000049  }
0xb2: {  	s29 =	simm.s32 $0x9;
	_ =	strace $0x8000004B  }
0xb3: {  	_ =	swait.ge [sflag:s29], $0x1  }
0xb4: {  	[sflag:s29] =	ssyncadd.s32 $0xFFFFFFFF  }
0xb5: {  	_ =	strace $0x9000004B  }
0xb6: {  	_ =	sfence  }
0xb7: {  	s30 =	sld [smem:$0x0];
	_ =	sdelay $0x2  }
0xb8: {  	s31 =	sshll.u32 s1, $0xD;
	s1 =	sshrl.u32 s1, $0x2  }
0xb9: {  	s3 =	sand.u32 $0x4000, s31;
	s1 =	sadd.s32 s1, s30  }
0xba: {  	s0 =	sor.u32 s3, s0;
	s1 =	sshll.u32 s1, $0x11  }
0xbb: {  	s0 =	sor.u32 s1, s0  }
0xbc: {  	s0 =	sadd.s32 $0x8F2B, s0  }
0xbd: {  	[sflag:s0] =	ssyncadd.remote.s32 $0x1  }
0xbe: {  	_ =	sfence.sel $0xFFFF  }
0xbf: {  	[dreg:$0x0] =	wrdreg $0xFFFFFFFF;
	(pc) =	sbr.abs _section_cstart, $3  }
0xc0: {  	[dreg:$0x1] =	wrdreg $0xFFFFFFFF  }
0xc1: {  	_ =	task.clear_ibuf [dreg:s6], $0x2FFFF;
	_ =	strace $0x9FFFFFFF  }
0xc2: {  	(tm) =	ssettm $0x7FFFFFFF  }
0xc3: {  	_ =	shalt  }
tec
execute0_lowered:
.L_overlay_start_1:
0x0: {  	(tag) =	ssettag $0x1  }
0x1: {  	s0 =	rddreg [dreg:$0x0]  }
0x2: {  	s1 =	rddreg [dreg:$0x1];
	s2 =	simm.s32 $0x0  }
0x3: {  	s3 =	srdreg.scid;
	s12 =	stileid.u32;
	s16 =	simm.s32 $0x180  }
0x4: {  	s18 =	simm.s32 $0x200;
	s19 =	simm.s32 $0x280;
	s20 =	simm.s32 $0x300  }
0x5: {  	s28 =	simm.s32 $0x7;
	s29 =	simm.s32 $0x0;
	[smem:$0x7FF] =	sst s2  }
0x6: {  	s3 =	sand.u32 $0x1, s3;
	s4 =	sadd.s32 $0x17C00, s0;
	s6 =	smul.u32 $0x14000, s12  }
0x7: {  	s8 =	sadd.s32 $0xDA00, s0;
	s14 =	sadd.s32 $0x3800, s0;
	s13 =	sadd.s32 $0x3FC00, s0  }
0x8: {  	s11 =	smul.u32 $0x50000, s12;
	_ =	strace $0x8000004A;
	[dreg:$0x11] =	wrdreg s13  }
0x9: {  	s26 =	sshll.u32 s12, $0x6;
	s5 =	smul.u32 $0x140000, s3;
	[dreg:$0x5] =	wrdreg s16  }
0xa: {  	s7 =	sshll.u32 s3, $0x4;
	s21 =	ssub.s32 $0x2, s3;
	[dreg:$0x6] =	wrdreg s18  }
0xb: {  	s3 =	smul.u32 $0x5000, s3;
	s13 =	simm.s32 $0x100;
	[dreg:$0x7] =	wrdreg s19  }
0xc: {  	s16 =	simm.s32 $0x9;
	[dreg:$0x8] =	wrdreg s20;
	s18 =	simm.s32 $0x80  }
0xd: {  	s19 =	simm.s32 $0x1000;
	s20 =	simm.s32 $0x5000;
	s7 =	sor.u32 s12, s7  }
0xe: {  	s10 =	sshrl.u32 s21, $0x1;
	s24 =	sshrl.u32 s11, $0x2;
	s12 =	smul.u32 $0x500, s12  }
0xf: {  	s11 =	simm.s32 $0xC00;
	[dreg:$0x4] =	wrdreg s13;
	s9 =	smul.u32 $0x50, s7  }
0x10: {  	s5 =	sadd.s32 s6, s5;
	s22 =	ssub.s32 s21, s10;
	s25 =	smul.u32 $0x500, s7  }
0x11: {  	s15 =	sadd.s32 s24, s1;
	[dreg:$0x3] =	wrdreg s11;
	s17 =	sadd.s32 s3, s8  }
0x12: {  	s7 =	sor.u32 $0x1C09, s26;
	s21 =	simm.s32 $0x380;
	[dreg:$0x16] =	wrdreg s17  }
0x13: {  	s24 =	simm.s32 $0x580;
	s26 =	simm.s32 $0x680;
	[dreg:$0x9] =	wrdreg s21  }
0x14: {  	s5 =	sshrl.u32 s5, $0x3;
	s10 =	smax.u32 s22, $0x1;
	[dreg:$0xc] =	wrdreg s24  }
0x15: {  	s15 =	sshrl.u32 s15, $0x3;
	s17 =	simm.s32 $0x800;
	[dreg:$0xe] =	wrdreg s26  }
0x16: {  	s22 =	simm.s32 $0x480;
	s21 =	simm.s32 $0x400;
	[dreg:$0x15] =	wrdreg s10  }
0x17: {  	s24 =	simm.s32 $0x6;
	s30 =	sadd.s32 s8, s25;
	[dreg:$0xa] =	wrdreg s22  }
0x18: {  	s26 =	simm.s32 $0x5;
	s31 =	sadd.s32 s14, s25;
	[dreg:$0x12] =	wrdreg s30  }
0x19: {  	s0 =	sadd.s32 s5, s0;
	s25 =	simm.s32 $0x600;
	[dreg:$0x13] =	wrdreg s31  }
0x1a: {  	s23 =	ssub.s32 $0x9C4, s9;
	s0 =	sadd.s32 $0x42400, s0;
	[dreg:$0xd] =	wrdreg s25  }
0x1b: {  	s6 =	smin.u32 s23, $0x50;
	s23 =	simm.s32 $0x500;
	[dreg:$0x14] =	wrdreg s0  }
0x1c: {  	s14 =	sadd.s32 s3, s14;
	s30 =	simm.s32 $0x700;
	[dreg:$0xb] =	wrdreg s23  }
0x1d: {  	s22 =	simm.s32 $0x1;
	s31 =	simm.s32 $0x780;
	[dreg:$0xf] =	wrdreg s30  }
0x1e: {  	s25 =	simm.s32 $0x8;
	s23 =	simm.s32 $0x2;
	[dreg:$0x10] =	wrdreg s31  }
.LBB2_1:
0x1f: {  	s0 =	rddreg [dreg:$0x11]  }
0x20: {  	[spmem:s15], [sflag:s7] =	dma.local [hbm:s0], $0x2800  }
0x21: {  	_ =	swait.ge [sflag:s16], $0x2800  }
0x22: {  	[sflag:s16] =	ssyncset.done $0x0  }
0x23: {  	[sflag:s16] =	ssyncadd.s32 $0xFFFFD800  }
0x24: {  	[bflag:$0x0] =	sbarrier.arrive $0xFFFF  }
0x25: {  	s9 =	rddreg [dreg:$0x12]  }
0x26: {  	[tilespmem:s2], [sflag:$0x9] =	stream.linear.gather [hbm4b:s9+s2], $0x400, $0x38;
	[tilespmem:$0x1D000] =	vst v63  }
0x27: {  	_ =	swait.ge [sflag:s16], $0x400  }
0x28: {  	[sflag:s16] =	ssyncset.done $0x0  }
0x29: {  	s10 =	rddreg [dreg:$0x13];
	[sflag:s16] =	ssyncadd.s32 $0xFFFFFC00  }
0x2a: {  	[tilespmem:s17], [sflag:$0x9] =	stream.linear.gather [hbm4b:s10+s2], $0x400, $0x38;
	[tilespmem:$0x1D000] =	vst v63  }
0x2b: {  	_ =	swait.ge [sflag:s16], $0x400  }
0x2c: {  	[sflag:s16] =	ssyncset.done $0x0  }
0x2d: {  	s13 =	smov.u32 s7;
	s7 =	rddreg [dreg:$0x16];
	[sflag:s16] =	ssyncadd.s32 $0xFFFFFC00  }
0x2e: {  	[tilespmem:s19], [sflag:$0x1] =	stream.indirect.gather [hbm4b:s4+s18], $0x80, s2, s18, $0xb8;
	[tilespmem:$0x1D000] =	vst v63  }
0x2f: {  	s0 =	sadd.s32 s7, s12  }
0x30: {  	[tilespmem:s20], [sflag:$0x2] =	stream.indirect.gather [hbm4b:s4+s18], $0x80, s18, s18, $0xb8;
	[tilespmem:$0x1D000] =	vst v63  }
0x31: {  	s3 =	sadd.s32 s14, s12;
	s5 =	sadd.s32 $0x80, s0  }
0x32: {  	[tilespmem:s21], [sflag:$0x6] =	stream.linear.gather [hbm4b:s5+s2], $0x400, $0x38;
	[tilespmem:$0x1D000] =	vst v63  }
0x33: {  	s11 =	sadd.s32 $0x80, s3;
	s8 =	rddreg [dreg:$0x3]  }
0x34: {  	[tilespmem:s8], [sflag:$0x8] =	stream.linear.gather [hbm4b:s11+s2], $0x400, $0x38;
	[tilespmem:$0x1D000] =	vst v63  }
0x35: {  	p0 =	sle.u32 s6, $0x0;
	_ =	swait.ge [sflag:s22], $0x4000  }
0x36: {  	s30 =	simm.s32 @!p0 $0x1000;
	[sflag:s22] =	ssyncset.done $0x0  }
0x37: {  	s5 =	simm.s32 @!p0 $0x80;
	s8 =	simm.s32 @!p0 $0x800;
	[sflag:s22] =	ssyncadd.s32 $0xFFFFC000  }
0x38: {  	[spmem:s1] =	stream.indirect.scatter.add.f32 @!p0 [tilespmem:s30], [sflag:$0x3], $0x80, s8, s5, $0xb8;
	[tilespmem:$0x1D000] =	vst v63  }
0x39: {  	s5 =	simm.s32 @!p0 $0x3  }
0x3a: {  	_ =	swait.ge @!p0 [sflag:s5], $0x4000  }
0x3b: {  	[sflag:s5] =	ssyncset.done @!p0 $0x0  }
0x3c: {  	s9 =	rddreg [dreg:$0x4];
	[sflag:s5] =	ssyncadd.s32 @!p0 $0xFFFFC000  }
0x3d: {  	[tilespmem:s19], [sflag:$0x1] =	stream.indirect.gather [hbm4b:s4+s18], $0x80, s9, s18, $0xb8;
	[tilespmem:$0x1D000] =	vst v63  }
0x3e: {  	p0 =	sle.u32 s6, $0x1;
	_ =	swait.ge [sflag:s23], $0x4000  }
0x3f: {  	s5 =	simm.s32 @!p0 $0x80;
	[sflag:s23] =	ssyncset.done $0x0  }
0x40: {  	s8 =	simm.s32 @!p0 $0x5000;
	s30 =	simm.s32 @!p0 $0x880;
	[sflag:s23] =	ssyncadd.s32 $0xFFFFC000  }
0x41: {  	[spmem:s1] =	stream.indirect.scatter.add.f32 @!p0 [tilespmem:s8], [sflag:$0x4], $0x80, s30, s5, $0xb8;
	[tilespmem:$0x1D000] =	vst v63  }
0x42: {  	s5 =	simm.s32 @!p0 $0x4  }
0x43: {  	_ =	swait.ge @!p0 [sflag:s5], $0x4000  }
0x44: {  	[sflag:s5] =	ssyncset.done @!p0 $0x0  }
0x45: {  	s10 =	rddreg [dreg:$0x5];
	[sflag:s5] =	ssyncadd.s32 @!p0 $0xFFFFC000  }
0x46: {  	[tilespmem:s20], [sflag:$0x2] =	stream.indirect.gather [hbm4b:s4+s18], $0x80, s10, s18, $0xb8;
	[tilespmem:$0x1D000] =	vst v63  }
0x47: {  	p0 =	sle.u32 s6, $0x2;
	_ =	swait.ge [sflag:s22], $0x4000  }
0x48: {  	s5 =	simm.s32 @!p0 $0x80;
	[sflag:s22] =	ssyncset.done $0x0  }
0x49: {  	s8 =	simm.s32 @!p0 $0x1000;
	s30 =	simm.s32 @!p0 $0x900;
	[sflag:s22] =	ssyncadd.s32 $0xFFFFC000  }
0x4a: {  	[spmem:s1] =	stream.indirect.scatter.add.f32 @!p0 [tilespmem:s8], [sflag:$0x3], $0x80, s30, s5, $0xb8;
	[tilespmem:$0x1D000] =	vst v63  }
0x4b: {  	s5 =	simm.s32 @!p0 $0x3  }
0x4c: {  	_ =	swait.ge @!p0 [sflag:s5], $0x4000  }
0x4d: {  	[sflag:s5] =	ssyncset.done @!p0 $0x0  }
0x4e: {  	s11 =	rddreg [dreg:$0x6];
	[sflag:s5] =	ssyncadd.s32 @!p0 $0xFFFFC000  }
0x4f: {  	[tilespmem:s19], [sflag:$0x1] =	stream.indirect.gather [hbm4b:s4+s18], $0x80, s11, s18, $0xb8;
	[tilespmem:$0x1D000] =	vst v63  }
0x50: {  	p0 =	sle.u32 s6, $0x3;
	_ =	swait.ge [sflag:s23], $0x4000  }
0x51: {  	s5 =	simm.s32 @!p0 $0x80;
	[sflag:s23] =	ssyncset.done $0x0  }
0x52: {  	s8 =	simm.s32 @!p0 $0x5000;
	s30 =	simm.s32 @!p0 $0x980;
	[sflag:s23] =	ssyncadd.s32 $0xFFFFC000  }
0x53: {  	[spmem:s1] =	stream.indirect.scatter.add.f32 @!p0 [tilespmem:s8], [sflag:$0x4], $0x80, s30, s5, $0xb8;
	[tilespmem:$0x1D000] =	vst v63  }
0x54: {  	s5 =	simm.s32 @!p0 $0x4  }
0x55: {  	_ =	swait.ge @!p0 [sflag:s5], $0x4000  }
0x56: {  	[sflag:s5] =	ssyncset.done @!p0 $0x0  }
0x57: {  	s9 =	rddreg [dreg:$0x7];
	[sflag:s5] =	ssyncadd.s32 @!p0 $0xFFFFC000  }
0x58: {  	[tilespmem:s20], [sflag:$0x2] =	stream.indirect.gather [hbm4b:s4+s18], $0x80, s9, s18, $0xb8;
	[tilespmem:$0x1D000] =	vst v63  }
0x59: {  	p0 =	sle.u32 s6, $0x4;
	_ =	swait.ge [sflag:s22], $0x4000  }
0x5a: {  	s5 =	simm.s32 @!p0 $0x80;
	[sflag:s22] =	ssyncset.done $0x0  }
0x5b: {  	s8 =	simm.s32 @!p0 $0x1000;
	s30 =	simm.s32 @!p0 $0xA00;
	[sflag:s22] =	ssyncadd.s32 $0xFFFFC000  }
0x5c: {  	[spmem:s1] =	stream.indirect.scatter.add.f32 @!p0 [tilespmem:s8], [sflag:$0x3], $0x80, s30, s5, $0xb8;
	[tilespmem:$0x1D000] =	vst v63  }
0x5d: {  	s5 =	simm.s32 @!p0 $0x3  }
0x5e: {  	_ =	swait.ge @!p0 [sflag:s5], $0x4000  }
0x5f: {  	[sflag:s5] =	ssyncset.done @!p0 $0x0  }
0x60: {  	s10 =	rddreg [dreg:$0x8];
	[sflag:s5] =	ssyncadd.s32 @!p0 $0xFFFFC000  }
0x61: {  	[tilespmem:s19], [sflag:$0x1] =	stream.indirect.gather [hbm4b:s4+s18], $0x80, s10, s18, $0xb8;
	[tilespmem:$0x1D000] =	vst v63  }
0x62: {  	p0 =	sle.u32 s6, $0x5;
	_ =	swait.ge [sflag:s23], $0x4000  }
0x63: {  	s5 =	simm.s32 @!p0 $0x80;
	[sflag:s23] =	ssyncset.done $0x0  }
0x64: {  	s8 =	simm.s32 @!p0 $0x5000;
	s30 =	simm.s32 @!p0 $0xA80;
	[sflag:s23] =	ssyncadd.s32 $0xFFFFC000  }
0x65: {  	[spmem:s1] =	stream.indirect.scatter.add.f32 @!p0 [tilespmem:s8], [sflag:$0x4], $0x80, s30, s5, $0xb8;
	[tilespmem:$0x1D000] =	vst v63  }
0x66: {  	s5 =	simm.s32 @!p0 $0x4  }
0x67: {  	_ =	swait.ge @!p0 [sflag:s5], $0x4000  }
0x68: {  	[sflag:s5] =	ssyncset.done @!p0 $0x0  }
0x69: {  	s11 =	rddreg [dreg:$0x9];
	[sflag:s5] =	ssyncadd.s32 @!p0 $0xFFFFC000  }
0x6a: {  	[tilespmem:s20], [sflag:$0x2] =	stream.indirect.gather [hbm4b:s4+s18], $0x80, s11, s18, $0xb8;
	[tilespmem:$0x1D000] =	vst v63  }
0x6b: {  	_ =	swait.ge [sflag:s24], $0x400  }
0x6c: {  	[sflag:s24] =	ssyncset.done $0x0  }
0x6d: {  	[sflag:s24] =	ssyncadd.s32 $0xFFFFFC00  }
0x6e: {  	_ =	swait.ge [sflag:s25], $0x400  }
0x6f: {  	[sflag:s25] =	ssyncset.done $0x0  }
0x70: {  	[sflag:s25] =	ssyncadd.s32 $0xFFFFFC00  }
0x71: {  	p0 =	sle.u32 s6, $0x6;
	_ =	swait.ge [sflag:s22], $0x4000  }
0x72: {  	s5 =	simm.s32 @!p0 $0x80;
	[sflag:s22] =	ssyncset.done $0x0  }
0x73: {  	s8 =	simm.s32 @!p0 $0x1000;
	s30 =	simm.s32 @!p0 $0xB00;
	[sflag:s22] =	ssyncadd.s32 $0xFFFFC000  }
0x74: {  	[spmem:s1] =	stream.indirect.scatter.add.f32 @!p0 [tilespmem:s8], [sflag:$0x3], $0x80, s30, s5, $0xb8;
	[tilespmem:$0x1D000] =	vst v63  }
0x75: {  	s5 =	simm.s32 @!p0 $0x3  }
0x76: {  	_ =	swait.ge @!p0 [sflag:s5], $0x4000  }
0x77: {  	[sflag:s5] =	ssyncset.done @!p0 $0x0  }
0x78: {  	[sflag:s5] =	ssyncadd.s32 @!p0 $0xFFFFC000  }
0x79: {  	[tilespmem:s19], [sflag:$0x1] =	stream.indirect.gather [hbm4b:s4+s18], $0x80, s21, s18, $0xb8;
	[tilespmem:$0x1D000] =	vst v63  }
0x7a: {  	p0 =	sle.u32 s6, $0x7;
	_ =	swait.ge [sflag:s23], $0x4000  }
0x7b: {  	s5 =	simm.s32 @!p0 $0x80;
	[sflag:s23] =	ssyncset.done $0x0  }
0x7c: {  	s8 =	simm.s32 @!p0 $0x5000;
	s30 =	simm.s32 @!p0 $0xB80;
	[sflag:s23] =	ssyncadd.s32 $0xFFFFC000  }
0x7d: {  	[spmem:s1] =	stream.indirect.scatter.add.f32 @!p0 [tilespmem:s8], [sflag:$0x4], $0x80, s30, s5, $0xb8;
	[tilespmem:$0x1D000] =	vst v63  }
0x7e: {  	s5 =	simm.s32 @!p0 $0x4  }
0x7f: {  	_ =	swait.ge @!p0 [sflag:s5], $0x4000  }
0x80: {  	[sflag:s5] =	ssyncset.done @!p0 $0x0  }
0x81: {  	s9 =	rddreg [dreg:$0xa];
	[sflag:s5] =	ssyncadd.s32 @!p0 $0xFFFFC000  }
0x82: {  	[tilespmem:s20], [sflag:$0x2] =	stream.indirect.gather [hbm4b:s4+s18], $0x80, s9, s18, $0xb8;
	[tilespmem:$0x1D000] =	vst v63  }
0x83: {  	s0 =	sadd.s32 $0x100, s0  }
0x84: {  	[tilespmem:s2], [sflag:$0x5] =	stream.linear.gather [hbm4b:s0+s2], $0x400, $0x38;
	[tilespmem:$0x1D000] =	vst v63  }
0x85: {  	s10 =	sadd.s32 $0x100, s3  }
0x86: {  	[tilespmem:s17], [sflag:$0x7] =	stream.linear.gather [hbm4b:s10+s2], $0x400, $0x38;
	[tilespmem:$0x1D000] =	vst v63  }
0x87: {  	p0 =	sle.u32 s6, $0x8;
	_ =	swait.ge [sflag:s22], $0x4000  }
0x88: {  	s3 =	simm.s32 @!p0 $0x1000;
	s5 =	simm.s32 @!p0 $0xC00;
	[sflag:s22] =	ssyncset.done $0x0  }
0x89: {  	s8 =	simm.s32 @!p0 $0x3;
	s0 =	simm.s32 @!p0 $0x80;
	[sflag:s22] =	ssyncadd.s32 $0xFFFFC000  }
0x8a: {  	[spmem:s1] =	stream.indirect.scatter.add.f32 @!p0 [tilespmem:s3], [sflag:$0x3], $0x80, s5, s0, $0xb8;
	[tilespmem:$0x1D000] =	vst v63  }
0x8b: {  	_ =	swait.ge @!p0 [sflag:s8], $0x4000  }
0x8c: {  	[sflag:s8] =	ssyncset.done @!p0 $0x0  }
0x8d: {  	s11 =	rddreg [dreg:$0xb];
	[sflag:s8] =	ssyncadd.s32 @!p0 $0xFFFFC000  }
0x8e: {  	[tilespmem:s19], [sflag:$0x1] =	stream.indirect.gather [hbm4b:s4+s18], $0x80, s11, s18, $0xb8;
	[tilespmem:$0x1D000] =	vst v63  }
0x8f: {  	p0 =	sle.u32 s6, $0x9;
	_ =	swait.ge [sflag:s23], $0x4000  }
0x90: {  	s0 =	simm.s32 @!p0 $0x80;
	s3 =	simm.s32 @!p0 $0x5000;
	[sflag:s23] =	ssyncset.done $0x0  }
0x91: {  	s5 =	simm.s32 @!p0 $0xC80;
	s8 =	simm.s32 @!p0 $0x4;
	[sflag:s23] =	ssyncadd.s32 $0xFFFFC000  }
0x92: {  	[spmem:s1] =	stream.indirect.scatter.add.f32 @!p0 [tilespmem:s3], [sflag:$0x4], $0x80, s5, s0, $0xb8;
	[tilespmem:$0x1D000] =	vst v63  }
0x93: {  	_ =	swait.ge @!p0 [sflag:s8], $0x4000  }
0x94: {  	[sflag:s8] =	ssyncset.done @!p0 $0x0  }
0x95: {  	s3 =	rddreg [dreg:$0xc];
	[sflag:s8] =	ssyncadd.s32 @!p0 $0xFFFFC000  }
0x96: {  	[tilespmem:s20], [sflag:$0x2] =	stream.indirect.gather [hbm4b:s4+s18], $0x80, s3, s18, $0xb8;
	[tilespmem:$0x1D000] =	vst v63  }
0x97: {  	p0 =	sle.u32 s6, $0xA;
	_ =	swait.ge [sflag:s22], $0x4000  }
0x98: {  	s0 =	simm.s32 @!p0 $0x80;
	s3 =	simm.s32 @!p0 $0x1000;
	[sflag:s22] =	ssyncset.done $0x0  }
0x99: {  	s5 =	simm.s32 @!p0 $0xD00;
	s8 =	simm.s32 @!p0 $0x3;
	[sflag:s22] =	ssyncadd.s32 $0xFFFFC000  }
0x9a: {  	[spmem:s1] =	stream.indirect.scatter.add.f32 @!p0 [tilespmem:s3], [sflag:$0x3], $0x80, s5, s0, $0xb8;
	[tilespmem:$0x1D000] =	vst v63  }
0x9b: {  	_ =	swait.ge @!p0 [sflag:s8], $0x4000  }
0x9c: {  	[sflag:s8] =	ssyncset.done @!p0 $0x0  }
0x9d: {  	s5 =	rddreg [dreg:$0xd];
	[sflag:s8] =	ssyncadd.s32 @!p0 $0xFFFFC000  }
0x9e: {  	[tilespmem:s19], [sflag:$0x1] =	stream.indirect.gather [hbm4b:s4+s18], $0x80, s5, s18, $0xb8;
	[tilespmem:$0x1D000] =	vst v63  }
0x9f: {  	p0 =	sle.u32 s6, $0xB;
	_ =	swait.ge [sflag:s23], $0x4000  }
0xa0: {  	s0 =	simm.s32 @!p0 $0x80;
	s3 =	simm.s32 @!p0 $0x5000;
	[sflag:s23] =	ssyncset.done $0x0  }
0xa1: {  	s5 =	simm.s32 @!p0 $0xD80;
	s8 =	simm.s32 @!p0 $0x4;
	[sflag:s23] =	ssyncadd.s32 $0xFFFFC000  }
0xa2: {  	[spmem:s1] =	stream.indirect.scatter.add.f32 @!p0 [tilespmem:s3], [sflag:$0x4], $0x80, s5, s0, $0xb8;
	[tilespmem:$0x1D000] =	vst v63  }
0xa3: {  	_ =	swait.ge @!p0 [sflag:s8], $0x4000  }
0xa4: {  	[sflag:s8] =	ssyncset.done @!p0 $0x0  }
0xa5: {  	s9 =	rddreg [dreg:$0xe];
	[sflag:s8] =	ssyncadd.s32 @!p0 $0xFFFFC000  }
0xa6: {  	[tilespmem:s20], [sflag:$0x2] =	stream.indirect.gather [hbm4b:s4+s18], $0x80, s9, s18, $0xb8;
	[tilespmem:$0x1D000] =	vst v63  }
0xa7: {  	p0 =	sle.u32 s6, $0xC;
	_ =	swait.ge [sflag:s22], $0x4000  }
0xa8: {  	s0 =	simm.s32 @!p0 $0x80;
	s3 =	simm.s32 @!p0 $0x1000;
	[sflag:s22] =	ssyncset.done $0x0  }
0xa9: {  	s5 =	simm.s32 @!p0 $0xE00;
	s8 =	simm.s32 @!p0 $0x3;
	[sflag:s22] =	ssyncadd.s32 $0xFFFFC000  }
0xaa: {  	[spmem:s1] =	stream.indirect.scatter.add.f32 @!p0 [tilespmem:s3], [sflag:$0x3], $0x80, s5, s0, $0xb8;
	[tilespmem:$0x1D000] =	vst v63  }
0xab: {  	_ =	swait.ge @!p0 [sflag:s8], $0x4000  }
0xac: {  	[sflag:s8] =	ssyncset.done @!p0 $0x0  }
0xad: {  	s10 =	rddreg [dreg:$0xf];
	[sflag:s8] =	ssyncadd.s32 @!p0 $0xFFFFC000  }
0xae: {  	[tilespmem:s19], [sflag:$0x1] =	stream.indirect.gather [hbm4b:s4+s18], $0x80, s10, s18, $0xb8;
	[tilespmem:$0x1D000] =	vst v63  }
0xaf: {  	p0 =	sle.u32 s6, $0xD;
	_ =	swait.ge [sflag:s23], $0x4000  }
0xb0: {  	s0 =	simm.s32 @!p0 $0x80;
	s3 =	simm.s32 @!p0 $0x5000;
	[sflag:s23] =	ssyncset.done $0x0  }
0xb1: {  	s5 =	simm.s32 @!p0 $0xE80;
	s8 =	simm.s32 @!p0 $0x4;
	[sflag:s23] =	ssyncadd.s32 $0xFFFFC000  }
0xb2: {  	[spmem:s1] =	stream.indirect.scatter.add.f32 @!p0 [tilespmem:s3], [sflag:$0x4], $0x80, s5, s0, $0xb8;
	[tilespmem:$0x1D000] =	vst v63  }
0xb3: {  	_ =	swait.ge @!p0 [sflag:s8], $0x4000  }
0xb4: {  	[sflag:s8] =	ssyncset.done @!p0 $0x0  }
0xb5: {  	s11 =	rddreg [dreg:$0x10];
	[sflag:s8] =	ssyncadd.s32 @!p0 $0xFFFFC000  }
0xb6: {  	[tilespmem:s20], [sflag:$0x2] =	stream.indirect.gather [hbm4b:s4+s18], $0x80, s11, s18, $0xb8;
	[tilespmem:$0x1D000] =	vst v63  }
0xb7: {  	_ =	swait.ge [sflag:s26], $0x400  }
0xb8: {  	[sflag:s26] =	ssyncset.done $0x0  }
0xb9: {  	[sflag:s26] =	ssyncadd.s32 $0xFFFFFC00  }
0xba: {  	_ =	swait.ge [sflag:s28], $0x400  }
0xbb: {  	[sflag:s28] =	ssyncset.done $0x0  }
0xbc: {  	[sflag:s28] =	ssyncadd.s32 $0xFFFFFC00  }
0xbd: {  	p0 =	sle.u32 s6, $0xE;
	_ =	swait.ge [sflag:s22], $0x4000  }
0xbe: {  	s0 =	simm.s32 @!p0 $0x80;
	s3 =	simm.s32 @!p0 $0x1000;
	[sflag:s22] =	ssyncset.done $0x0  }
0xbf: {  	s5 =	simm.s32 @!p0 $0xF00;
	s8 =	simm.s32 @!p0 $0x3;
	[sflag:s22] =	ssyncadd.s32 $0xFFFFC000  }
0xc0: {  	[spmem:s1] =	stream.indirect.scatter.add.f32 @!p0 [tilespmem:s3], [sflag:$0x3], $0x80, s5, s0, $0xb8;
	[tilespmem:$0x1D000] =	vst v63  }
0xc1: {  	_ =	swait.ge @!p0 [sflag:s8], $0x4000  }
0xc2: {  	[sflag:s8] =	ssyncset.done @!p0 $0x0  }
0xc3: {  	[sflag:s8] =	ssyncadd.s32 @!p0 $0xFFFFC000  }
0xc4: {  	[tilespmem:s19], [sflag:$0x1] =	stream.indirect.gather [hbm4b:s4+s18], $0x80, s2, s18, $0xb8;
	[tilespmem:$0x1D000] =	vst v63  }
0xc5: {  	p1 =	sle.u32 s6, $0xF;
	_ =	swait.ge [sflag:s23], $0x4000  }
0xc6: {  	s0 =	simm.s32 @!p1 $0x80;
	s5 =	simm.s32 @!p1 $0x5000;
	[sflag:s23] =	ssyncset.done $0x0  }
0xc7: {  	s3 =	simm.s32 @!p1 $0x4;
	s8 =	simm.s32 @!p1 $0xF80;
	[sflag:s23] =	ssyncadd.s32 $0xFFFFC000  }
0xc8: {  	[spmem:s1] =	stream.indirect.scatter.add.f32 @!p1 [tilespmem:s5], [sflag:$0x4], $0x80, s8, s0, $0xb8;
	[tilespmem:$0x1D000] =	vst v63  }
0xc9: {  	s31 =	sadd.s32 $0x100, s7;
	_ =	swait.ge @!p1 [sflag:s3], $0x4000  }
0xca: {  	s30 =	simm.s32 $0x10;
	s0 =	sadd.s32 $0x100, s14;
	[sflag:s3] =	ssyncset.done @!p1 $0x0  }
.LBB2_2:
0xcb: {  	s5 =	sadd.s32 s31, s12;
	[sflag:s3] =	ssyncadd.s32 @!p1 $0xFFFFC000  }
0xcc: {  	[tilespmem:s20], [sflag:$0x2] =	stream.indirect.gather [hbm4b:s4+s18], $0x80, s18, s18, $0xb8;
	[tilespmem:$0x1D000] =	vst v63  }
0xcd: {  	s8 =	sadd.s32 s0, s12;
	s9 =	sadd.s32 $0x80, s5  }
0xce: {  	[tilespmem:s21], [sflag:$0x6] =	stream.linear.gather [hbm4b:s9+s2], $0x400, $0x38;
	[tilespmem:$0x1D000] =	vst v63  }
0xcf: {  	s3 =	smov.u32 s30;
	s10 =	rddreg [dreg:$0x3];
	s7 =	sadd.s32 $0x80, s8  }
0xd0: {  	[tilespmem:s10], [sflag:$0x8] =	stream.linear.gather [hbm4b:s7+s2], $0x400, $0x38;
	[tilespmem:$0x1D000] =	vst v63  }
0xd1: {  	p1 =	sge.u32 s3, s6;
	_ =	swait.ge [sflag:s22], $0x4000  }
0xd2: {  	s11 =	simm.s32 @!p1 $0x1000;
	s9 =	simm.s32 @!p1 $0x80;
	[sflag:s22] =	ssyncset.done $0x0  }
0xd3: {  	s10 =	simm.s32 @!p1 $0x800;
	s7 =	simm.s32 @!p1 $0x3;
	[sflag:s22] =	ssyncadd.s32 $0xFFFFC000  }
0xd4: {  	[spmem:s1] =	stream.indirect.scatter.add.f32 @!p1 [tilespmem:s11], [sflag:$0x3], $0x80, s10, s9, $0xb8;
	[tilespmem:$0x1D000] =	vst v63  }
0xd5: {  	_ =	swait.ge @!p1 [sflag:s7], $0x4000  }
0xd6: {  	[sflag:s7] =	ssyncset.done @!p1 $0x0  }
0xd7: {  	s11 =	sadd.s32 $0x1, s3;
	s10 =	rddreg [dreg:$0x4];
	[sflag:s7] =	ssyncadd.s32 @!p1 $0xFFFFC000  }
0xd8: {  	[tilespmem:s19], [sflag:$0x1] =	stream.indirect.gather [hbm4b:s4+s18], $0x80, s10, s18, $0xb8;
	[tilespmem:$0x1D000] =	vst v63  }
0xd9: {  	p1 =	sge.u32 s11, s6;
	_ =	swait.ge [sflag:s23], $0x4000  }
0xda: {  	s7 =	simm.s32 @!p1 $0x80;
	s9 =	simm.s32 @!p1 $0x5000;
	[sflag:s23] =	ssyncset.done $0x0  }
0xdb: {  	s10 =	simm.s32 @!p1 $0x880;
	s11 =	simm.s32 @!p1 $0x4;
	[sflag:s23] =	ssyncadd.s32 $0xFFFFC000  }
0xdc: {  	[spmem:s1] =	stream.indirect.scatter.add.f32 @!p1 [tilespmem:s9], [sflag:$0x4], $0x80, s10, s7, $0xb8;
	[tilespmem:$0x1D000] =	vst v63  }
0xdd: {  	_ =	swait.ge @!p1 [sflag:s11], $0x4000  }
0xde: {  	[sflag:s11] =	ssyncset.done @!p1 $0x0  }
0xdf: {  	s10 =	rddreg [dreg:$0x5];
	[sflag:s11] =	ssyncadd.s32 @!p1 $0xFFFFC000;
	s11 =	sadd.s32 $0x2, s3  }
0xe0: {  	[tilespmem:s20], [sflag:$0x2] =	stream.indirect.gather [hbm4b:s4+s18], $0x80, s10, s18, $0xb8;
	[tilespmem:$0x1D000] =	vst v63  }
0xe1: {  	p1 =	sge.u32 s11, s6;
	_ =	swait.ge [sflag:s22], $0x4000  }
0xe2: {  	s7 =	simm.s32 @!p1 $0x80;
	s9 =	simm.s32 @!p1 $0x1000;
	[sflag:s22] =	ssyncset.done $0x0  }
0xe3: {  	s10 =	simm.s32 @!p1 $0x900;
	s11 =	simm.s32 @!p1 $0x3;
	[sflag:s22] =	ssyncadd.s32 $0xFFFFC000  }
0xe4: {  	[spmem:s1] =	stream.indirect.scatter.add.f32 @!p1 [tilespmem:s9], [sflag:$0x3], $0x80, s10, s7, $0xb8;
	[tilespmem:$0x1D000] =	vst v63  }
0xe5: {  	_ =	swait.ge @!p1 [sflag:s11], $0x4000  }
0xe6: {  	[sflag:s11] =	ssyncset.done @!p1 $0x0  }
0xe7: {  	s10 =	rddreg [dreg:$0x6];
	[sflag:s11] =	ssyncadd.s32 @!p1 $0xFFFFC000;
	s11 =	sadd.s32 $0x3, s3  }
0xe8: {  	[tilespmem:s19], [sflag:$0x1] =	stream.indirect.gather [hbm4b:s4+s18], $0x80, s10, s18, $0xb8;
	[tilespmem:$0x1D000] =	vst v63  }
0xe9: {  	p1 =	sge.u32 s11, s6;
	_ =	swait.ge [sflag:s23], $0x4000  }
0xea: {  	s7 =	simm.s32 @!p1 $0x80;
	s9 =	simm.s32 @!p1 $0x5000;
	[sflag:s23] =	ssyncset.done $0x0  }
0xeb: {  	s10 =	simm.s32 @!p1 $0x980;
	s11 =	simm.s32 @!p1 $0x4;
	[sflag:s23] =	ssyncadd.s32 $0xFFFFC000  }
0xec: {  	[spmem:s1] =	stream.indirect.scatter.add.f32 @!p1 [tilespmem:s9], [sflag:$0x4], $0x80, s10, s7, $0xb8;
	[tilespmem:$0x1D000] =	vst v63  }
0xed: {  	_ =	swait.ge @!p1 [sflag:s11], $0x4000  }
0xee: {  	[sflag:s11] =	ssyncset.done @!p1 $0x0  }
0xef: {  	s10 =	rddreg [dreg:$0x7];
	[sflag:s11] =	ssyncadd.s32 @!p1 $0xFFFFC000;
	s11 =	sadd.s32 $0x4, s3  }
0xf0: {  	[tilespmem:s20], [sflag:$0x2] =	stream.indirect.gather [hbm4b:s4+s18], $0x80, s10, s18, $0xb8;
	[tilespmem:$0x1D000] =	vst v63  }
0xf1: {  	p1 =	sge.u32 s11, s6;
	_ =	swait.ge [sflag:s22], $0x4000  }
0xf2: {  	s7 =	simm.s32 @!p1 $0x80;
	s9 =	simm.s32 @!p1 $0x1000;
	[sflag:s22] =	ssyncset.done $0x0  }
0xf3: {  	s10 =	simm.s32 @!p1 $0xA00;
	s11 =	simm.s32 @!p1 $0x3;
	[sflag:s22] =	ssyncadd.s32 $0xFFFFC000  }
0xf4: {  	[spmem:s1] =	stream.indirect.scatter.add.f32 @!p1 [tilespmem:s9], [sflag:$0x3], $0x80, s10, s7, $0xb8;
	[tilespmem:$0x1D000] =	vst v63  }
0xf5: {  	_ =	swait.ge @!p1 [sflag:s11], $0x4000  }
0xf6: {  	[sflag:s11] =	ssyncset.done @!p1 $0x0  }
0xf7: {  	s10 =	rddreg [dreg:$0x8];
	[sflag:s11] =	ssyncadd.s32 @!p1 $0xFFFFC000;
	s11 =	sadd.s32 $0x5, s3  }
0xf8: {  	[tilespmem:s19], [sflag:$0x1] =	stream.indirect.gather [hbm4b:s4+s18], $0x80, s10, s18, $0xb8;
	[tilespmem:$0x1D000] =	vst v63  }
0xf9: {  	p1 =	sge.u32 s11, s6;
	_ =	swait.ge [sflag:s23], $0x4000  }
0xfa: {  	s7 =	simm.s32 @!p1 $0x80;
	s9 =	simm.s32 @!p1 $0x5000;
	[sflag:s23] =	ssyncset.done $0x0  }
0xfb: {  	s10 =	simm.s32 @!p1 $0xA80;
	s11 =	simm.s32 @!p1 $0x4;
	[sflag:s23] =	ssyncadd.s32 $0xFFFFC000  }
0xfc: {  	[spmem:s1] =	stream.indirect.scatter.add.f32 @!p1 [tilespmem:s9], [sflag:$0x4], $0x80, s10, s7, $0xb8;
	[tilespmem:$0x1D000] =	vst v63  }
0xfd: {  	_ =	swait.ge @!p1 [sflag:s11], $0x4000  }
0xfe: {  	[sflag:s11] =	ssyncset.done @!p1 $0x0  }
0xff: {  	s9 =	rddreg [dreg:$0x9];
	[sflag:s11] =	ssyncadd.s32 @!p1 $0xFFFFC000  }
0x100: {  	[tilespmem:s20], [sflag:$0x2] =	stream.indirect.gather [hbm4b:s4+s18], $0x80, s9, s18, $0xb8;
	[tilespmem:$0x1D000] =	vst v63  }
0x101: {  	_ =	swait.ge [sflag:s24], $0x400  }
0x102: {  	[sflag:s24] =	ssyncset.done $0x0  }
0x103: {  	[sflag:s24] =	ssyncadd.s32 $0xFFFFFC00  }
0x104: {  	_ =	swait.ge [sflag:s25], $0x400  }
0x105: {  	[sflag:s25] =	ssyncset.done $0x0  }
0x106: {  	s10 =	sadd.s32 $0x6, s3;
	[sflag:s25] =	ssyncadd.s32 $0xFFFFFC00  }
0x107: {  	p1 =	sge.u32 s10, s6;
	_ =	swait.ge [sflag:s22], $0x4000  }
0x108: {  	s7 =	simm.s32 @!p1 $0x80;
	s9 =	simm.s32 @!p1 $0x1000;
	[sflag:s22] =	ssyncset.done $0x0  }
0x109: {  	s10 =	simm.s32 @!p1 $0xB00;
	s11 =	simm.s32 @!p1 $0x3;
	[sflag:s22] =	ssyncadd.s32 $0xFFFFC000  }
0x10a: {  	[spmem:s1] =	stream.indirect.scatter.add.f32 @!p1 [tilespmem:s9], [sflag:$0x3], $0x80, s10, s7, $0xb8;
	[tilespmem:$0x1D000] =	vst v63  }
0x10b: {  	_ =	swait.ge @!p1 [sflag:s11], $0x4000  }
0x10c: {  	[sflag:s11] =	ssyncset.done @!p1 $0x0  }
0x10d: {  	[sflag:s11] =	ssyncadd.s32 @!p1 $0xFFFFC000;
	s11 =	sadd.s32 $0x7, s3  }
0x10e: {  	[tilespmem:s19], [sflag:$0x1] =	stream.indirect.gather [hbm4b:s4+s18], $0x80, s21, s18, $0xb8;
	[tilespmem:$0x1D000] =	vst v63  }
0x10f: {  	p1 =	sge.u32 s11, s6;
	_ =	swait.ge [sflag:s23], $0x4000  }
0x110: {  	s7 =	simm.s32 @!p1 $0x80;
	s9 =	simm.s32 @!p1 $0x5000;
	[sflag:s23] =	ssyncset.done $0x0  }
0x111: {  	s10 =	simm.s32 @!p1 $0xB80;
	s11 =	simm.s32 @!p1 $0x4;
	[sflag:s23] =	ssyncadd.s32 $0xFFFFC000  }
0x112: {  	[spmem:s1] =	stream.indirect.scatter.add.f32 @!p1 [tilespmem:s9], [sflag:$0x4], $0x80, s10, s7, $0xb8;
	[tilespmem:$0x1D000] =	vst v63  }
0x113: {  	_ =	swait.ge @!p1 [sflag:s11], $0x4000  }
0x114: {  	[sflag:s11] =	ssyncset.done @!p1 $0x0  }
0x115: {  	s9 =	rddreg [dreg:$0xa];
	[sflag:s11] =	ssyncadd.s32 @!p1 $0xFFFFC000  }
0x116: {  	[tilespmem:s20], [sflag:$0x2] =	stream.indirect.gather [hbm4b:s4+s18], $0x80, s9, s18, $0xb8;
	[tilespmem:$0x1D000] =	vst v63  }
0x117: {  	s5 =	sadd.s32 $0x100, s5  }
0x118: {  	[tilespmem:s2], [sflag:$0x5] =	stream.linear.gather [hbm4b:s5+s2], $0x400, $0x38;
	[tilespmem:$0x1D000] =	vst v63  }
0x119: {  	s10 =	sadd.s32 $0x100, s8;
	s11 =	sadd.s32 $0x8, s3  }
0x11a: {  	[tilespmem:s17], [sflag:$0x7] =	stream.linear.gather [hbm4b:s10+s2], $0x400, $0x38;
	[tilespmem:$0x1D000] =	vst v63  }
0x11b: {  	p1 =	sge.u32 s11, s6;
	_ =	swait.ge [sflag:s22], $0x4000  }
0x11c: {  	s7 =	simm.s32 @!p1 $0x1000;
	s8 =	simm.s32 @!p1 $0xC00;
	[sflag:s22] =	ssyncset.done $0x0  }
0x11d: {  	s9 =	simm.s32 @!p1 $0x3;
	s5 =	simm.s32 @!p1 $0x80;
	[sflag:s22] =	ssyncadd.s32 $0xFFFFC000  }
0x11e: {  	[spmem:s1] =	stream.indirect.scatter.add.f32 @!p1 [tilespmem:s7], [sflag:$0x3], $0x80, s8, s5, $0xb8;
	[tilespmem:$0x1D000] =	vst v63  }
0x11f: {  	_ =	swait.ge @!p1 [sflag:s9], $0x4000  }
0x120: {  	[sflag:s9] =	ssyncset.done @!p1 $0x0  }
0x121: {  	s8 =	rddreg [dreg:$0xb];
	[sflag:s9] =	ssyncadd.s32 @!p1 $0xFFFFC000;
	s9 =	sadd.s32 $0x9, s3  }
0x122: {  	[tilespmem:s19], [sflag:$0x1] =	stream.indirect.gather [hbm4b:s4+s18], $0x80, s8, s18, $0xb8;
	[tilespmem:$0x1D000] =	vst v63  }
0x123: {  	p1 =	sge.u32 s9, s6;
	_ =	swait.ge [sflag:s23], $0x4000  }
0x124: {  	s5 =	simm.s32 @!p1 $0x80;
	s7 =	simm.s32 @!p1 $0x5000;
	[sflag:s23] =	ssyncset.done $0x0  }
0x125: {  	s8 =	simm.s32 @!p1 $0xC80;
	s9 =	simm.s32 @!p1 $0x4;
	[sflag:s23] =	ssyncadd.s32 $0xFFFFC000  }
0x126: {  	[spmem:s1] =	stream.indirect.scatter.add.f32 @!p1 [tilespmem:s7], [sflag:$0x4], $0x80, s8, s5, $0xb8;
	[tilespmem:$0x1D000] =	vst v63  }
0x127: {  	_ =	swait.ge @!p1 [sflag:s9], $0x4000  }
0x128: {  	[sflag:s9] =	ssyncset.done @!p1 $0x0  }
0x129: {  	s11 =	sadd.s32 $0xA, s3;
	s10 =	rddreg [dreg:$0xc];
	[sflag:s9] =	ssyncadd.s32 @!p1 $0xFFFFC000  }
0x12a: {  	[tilespmem:s20], [sflag:$0x2] =	stream.indirect.gather [hbm4b:s4+s18], $0x80, s10, s18, $0xb8;
	[tilespmem:$0x1D000] =	vst v63  }
0x12b: {  	p1 =	sge.u32 s11, s6;
	_ =	swait.ge [sflag:s22], $0x4000  }
0x12c: {  	s5 =	simm.s32 @!p1 $0x80;
	s7 =	simm.s32 @!p1 $0x1000;
	[sflag:s22] =	ssyncset.done $0x0  }
0x12d: {  	s8 =	simm.s32 @!p1 $0xD00;
	s9 =	simm.s32 @!p1 $0x3;
	[sflag:s22] =	ssyncadd.s32 $0xFFFFC000  }
0x12e: {  	[spmem:s1] =	stream.indirect.scatter.add.f32 @!p1 [tilespmem:s7], [sflag:$0x3], $0x80, s8, s5, $0xb8;
	[tilespmem:$0x1D000] =	vst v63  }
0x12f: {  	_ =	swait.ge @!p1 [sflag:s9], $0x4000  }
0x130: {  	[sflag:s9] =	ssyncset.done @!p1 $0x0  }
0x131: {  	s8 =	rddreg [dreg:$0xd];
	[sflag:s9] =	ssyncadd.s32 @!p1 $0xFFFFC000;
	s9 =	sadd.s32 $0xB, s3  }
0x132: {  	[tilespmem:s19], [sflag:$0x1] =	stream.indirect.gather [hbm4b:s4+s18], $0x80, s8, s18, $0xb8;
	[tilespmem:$0x1D000] =	vst v63  }
0x133: {  	p1 =	sge.u32 s9, s6;
	_ =	swait.ge [sflag:s23], $0x4000  }
0x134: {  	s5 =	simm.s32 @!p1 $0x80;
	s7 =	simm.s32 @!p1 $0x5000;
	[sflag:s23] =	ssyncset.done $0x0  }
0x135: {  	s8 =	simm.s32 @!p1 $0xD80;
	s9 =	simm.s32 @!p1 $0x4;
	[sflag:s23] =	ssyncadd.s32 $0xFFFFC000  }
0x136: {  	[spmem:s1] =	stream.indirect.scatter.add.f32 @!p1 [tilespmem:s7], [sflag:$0x4], $0x80, s8, s5, $0xb8;
	[tilespmem:$0x1D000] =	vst v63  }
0x137: {  	_ =	swait.ge @!p1 [sflag:s9], $0x4000  }
0x138: {  	[sflag:s9] =	ssyncset.done @!p1 $0x0  }
0x139: {  	s11 =	sadd.s32 $0xC, s3;
	s10 =	rddreg [dreg:$0xe];
	[sflag:s9] =	ssyncadd.s32 @!p1 $0xFFFFC000  }
0x13a: {  	[tilespmem:s20], [sflag:$0x2] =	stream.indirect.gather [hbm4b:s4+s18], $0x80, s10, s18, $0xb8;
	[tilespmem:$0x1D000] =	vst v63  }
0x13b: {  	p1 =	sge.u32 s11, s6;
	_ =	swait.ge [sflag:s22], $0x4000  }
0x13c: {  	s5 =	simm.s32 @!p1 $0x80;
	s7 =	simm.s32 @!p1 $0x1000;
	[sflag:s22] =	ssyncset.done $0x0  }
0x13d: {  	s8 =	simm.s32 @!p1 $0xE00;
	s9 =	simm.s32 @!p1 $0x3;
	[sflag:s22] =	ssyncadd.s32 $0xFFFFC000  }
0x13e: {  	[spmem:s1] =	stream.indirect.scatter.add.f32 @!p1 [tilespmem:s7], [sflag:$0x3], $0x80, s8, s5, $0xb8;
	[tilespmem:$0x1D000] =	vst v63  }
0x13f: {  	_ =	swait.ge @!p1 [sflag:s9], $0x4000  }
0x140: {  	[sflag:s9] =	ssyncset.done @!p1 $0x0  }
0x141: {  	s8 =	rddreg [dreg:$0xf];
	[sflag:s9] =	ssyncadd.s32 @!p1 $0xFFFFC000;
	s9 =	sadd.s32 $0xD, s3  }
0x142: {  	[tilespmem:s19], [sflag:$0x1] =	stream.indirect.gather [hbm4b:s4+s18], $0x80, s8, s18, $0xb8;
	[tilespmem:$0x1D000] =	vst v63  }
0x143: {  	p1 =	sge.u32 s9, s6;
	_ =	swait.ge [sflag:s23], $0x4000  }
0x144: {  	s5 =	simm.s32 @!p1 $0x80;
	s7 =	simm.s32 @!p1 $0x5000;
	[sflag:s23] =	ssyncset.done $0x0  }
0x145: {  	s8 =	simm.s32 @!p1 $0xE80;
	s9 =	simm.s32 @!p1 $0x4;
	[sflag:s23] =	ssyncadd.s32 $0xFFFFC000  }
0x146: {  	[spmem:s1] =	stream.indirect.scatter.add.f32 @!p1 [tilespmem:s7], [sflag:$0x4], $0x80, s8, s5, $0xb8;
	[tilespmem:$0x1D000] =	vst v63  }
0x147: {  	_ =	swait.ge @!p1 [sflag:s9], $0x4000  }
0x148: {  	[sflag:s9] =	ssyncset.done @!p1 $0x0  }
0x149: {  	s10 =	rddreg [dreg:$0x10];
	[sflag:s9] =	ssyncadd.s32 @!p1 $0xFFFFC000  }
0x14a: {  	[tilespmem:s20], [sflag:$0x2] =	stream.indirect.gather [hbm4b:s4+s18], $0x80, s10, s18, $0xb8;
	[tilespmem:$0x1D000] =	vst v63  }
0x14b: {  	_ =	swait.ge [sflag:s26], $0x400  }
0x14c: {  	[sflag:s26] =	ssyncset.done $0x0  }
0x14d: {  	[sflag:s26] =	ssyncadd.s32 $0xFFFFFC00  }
0x14e: {  	_ =	swait.ge [sflag:s28], $0x400  }
0x14f: {  	[sflag:s28] =	ssyncset.done $0x0  }
0x150: {  	s11 =	sadd.s32 $0xE, s3;
	[sflag:s28] =	ssyncadd.s32 $0xFFFFFC00  }
0x151: {  	p1 =	sge.u32 s11, s6;
	_ =	swait.ge [sflag:s22], $0x4000  }
0x152: {  	s5 =	simm.s32 @!p1 $0x80;
	s7 =	simm.s32 @!p1 $0x1000;
	[sflag:s22] =	ssyncset.done $0x0  }
0x153: {  	s8 =	simm.s32 @!p1 $0xF00;
	s9 =	simm.s32 @!p1 $0x3;
	[sflag:s22] =	ssyncadd.s32 $0xFFFFC000  }
0x154: {  	[spmem:s1] =	stream.indirect.scatter.add.f32 @!p1 [tilespmem:s7], [sflag:$0x3], $0x80, s8, s5, $0xb8;
	[tilespmem:$0x1D000] =	vst v63  }
0x155: {  	_ =	swait.ge @!p1 [sflag:s9], $0x4000  }
0x156: {  	s3 =	sadd.s32 $0xF, s3;
	[sflag:s9] =	ssyncset.done @!p1 $0x0  }
0x157: {  	s30 =	sadd.s32 $0x10, s30;
	[sflag:s9] =	ssyncadd.s32 @!p1 $0xFFFFC000;
	p1 =	sge.u32 s3, s6  }
0x158: {  	[tilespmem:s19], [sflag:$0x1] =	stream.indirect.gather [hbm4b:s4+s18], $0x80, s2, s18, $0xb8;
	[tilespmem:$0x1D000] =	vst v63  }
0x159: {  	p0 =	sne.s32 s30, $0x50;
	s5 =	simm.s32 @!p1 $0x80;
	_ =	swait.ge [sflag:s23], $0x4000  }
.Ltmp0:
0x15a: {  	s7 =	simm.s32 @!p1 $0x5000;
	[sflag:s23] =	ssyncset.done $0x0;
	(pc) =	sbr.rel @p0 .LBB2_2-.Ltmp0, $4  }
0x15b: {  	s8 =	simm.s32 @!p1 $0xF80;
	s3 =	simm.s32 @!p1 $0x4;
	[sflag:s23] =	ssyncadd.s32 $0xFFFFC000  }
0x15c: {  	[spmem:s1] =	stream.indirect.scatter.add.f32 @!p1 [tilespmem:s7], [sflag:$0x4], $0x80, s8, s5, $0xb8;
	[tilespmem:$0x1D000] =	vst v63  }
0x15d: {  	_ =	swait.ge @!p1 [sflag:s3], $0x4000  }
0x15e: {  	s31 =	sadd.s32 $0x100, s31;
	s0 =	sadd.s32 $0x100, s0;
	[sflag:s3] =	ssyncset.done @!p1 $0x0  }
0x15f: {  	[sflag:s3] =	ssyncadd.s32 @!p1 $0xFFFFC000  }
0x160: {  	[tilespmem:s20], [sflag:$0x2] =	stream.indirect.gather [hbm4b:s4+s18], $0x80, s18, s18, $0xb8;
	[tilespmem:$0x1D000] =	vst v63  }
0x161: {  	_ =	swait.ge [sflag:s22], $0x4000  }
0x162: {  	[sflag:s22] =	ssyncset.done $0x0  }
0x163: {  	[sflag:s22] =	ssyncadd.s32 $0xFFFFC000  }
0x164: {  	_ =	swait.ge [sflag:s23], $0x4000  }
0x165: {  	[sflag:s23] =	ssyncset.done $0x0  }
0x166: {  	[sflag:s23] =	ssyncadd.s32 $0xFFFFC000  }
0x167: {  	[bflag:$0x0] =	sbarrier.arrive $0xFFFF  }
0x168: {  	s0 =	rddreg [dreg:$0x14]  }
0x169: {  	[hbm:s0], [sflag:s13] =	dma.local [spmem:s15], $0x2800  }
0x16a: {  	_ =	swait.ge [sflag:s16], $0x2800  }
0x16b: {  	s29 =	sadd.s32 $0x1, s29;
	s31 =	rddreg [dreg:$0x15]  }
0x16c: {  	p0 =	sne.s32 s29, s31  }
.Ltmp1:
0x16d: {  	_ = 	snop;
	(pc) =	sbr.rel @p0 .LBB2_1-.Ltmp1, $3  }
0x16e: {  	_ =	sdelay $0x1  }
0x16f: {  	[sflag:s16] =	ssyncset.done $0x0  }
0x170: {  	s7 =	smov.u32 s13;
	[sflag:s16] =	ssyncadd.s32 $0xFFFFD800  }
0x171: {  	_ =	sfence.sel $0x180000  }
0x172: {  	[bflag:$0x0] =	sbarrier.arrive $0xFFFF  }
0x173: {  	_ =	strace $0x9000004A  }
0x174: {  	s0 =	stileid.u32;
	[bflag:$0x2] =	sbarrier.arrive $0xFFFF  }
0x175: {  	p0 =	sne.s32 s0, $0x0;
	s0 =	rddreg [dreg:$0x2]  }
0x176: {  	s0 =	sadd.s32 @!p0 $0x100000, s0  }
0x177: {  	[sflag:s0] =	ssyncadd.tile.s32 @!p0 $0x1;
	_ =	shalt  }
.Lfunc_end2:
_tile_overlayer_lowered:
.L_overlay_start_2:
0x178: {  	(tag) =	ssettag $0x2  }
0x179: {  	s0 =	rddreg [dreg:$0x0];
	s2 =	stileid.u32  }
0x17a: {  	s1 =	rddreg [dreg:$0x1];
	p0 =	sne.s32 s2, $0x0  }
0x17b: {  	s3 =	rddreg [dreg:$0x2];
	[bflag:$0x3] =	sbarrier.arrive $0xFFFF;
	s2 =	simm.s32 @!p0 $0x1C09  }
0x17c: {  	[timem:s3], [sflag:s2] =	dma.local @!p0 [hbm:s0], s1  }
0x17d: {  	s0 =	simm.s32 @!p0 $0x9  }
0x17e: {  	_ =	swait.ge @!p0 [sflag:s0], s1  }
0x17f: {  	s1 =	ssub.s32 @!p0 $0x0, s1;
	[sflag:s0] =	ssyncset.done @!p0 $0x0  }
0x180: {  	[sflag:s0] =	ssyncadd.s32 @!p0 s1  }
0x181: {  	[bflag:$0x3] =	sbarrier.arrive $0xFFFF  }
0x182: {  	_ =	shalt  }

// kernel: kernel.14.cloned.1.call-start
scs
__scs_entry_jumppad:
0x0: {  	(pc) =	sbr.rel $0x88, $3  }
0x1: {  	(tag) =	ssettag $0x0;
	lr =	simm.s32 $0x1  }
0x2: {  	[smem:$0x3F95] =	sst lr;
	_ =	strace $0xD0000000  }
0x3: {  	_ = 	snop  }
0x4: {  	_ = 	snop  }
0x5: {  	_ = 	snop  }
0x6: {  	_ = 	snop  }
0x7: {  	_ = 	snop  }
__scs_overlays_trampoline_lowered:
0x8: {  	[smem:$0x3FA4] =	sst s0  }
0x9: {  	[smem:$0x3FA5] =	sst s1  }
0xa: {  	[smem:$0x3FA6] =	sst s2  }
0xb: {  	[smem:$0x3FA7] =	sst s3  }
0xc: {  	[smem:$0x3FA8] =	sst s4  }
0xd: {  	[smem:$0x3FA9] =	sst s5  }
0xe: {  	[smem:$0x3FAA] =	sst s6  }
0xf: {  	[smem:$0x3FAB] =	sst s7  }
0x10: {  	[smem:$0x3FAC] =	sst s8  }
0x11: {  	[smem:$0x3FAD] =	sst s9;
	s0 =	simm.s32 @!p0 $0x0  }
0x12: {  	s1 =	sld [smem:$0x3F93];
	s0 =	simm.s32 @p0 $0x1  }
0x13: {  	[smem:$0x3FAE] =	sst s0;
	s0 =	simm.s32 @!p1 $0x0  }
0x14: {  	s2 =	sld [smem:$0x3F92];
	s0 =	simm.s32 @p1 $0x1  }
0x15: {  	[smem:$0x3FAF] =	sst s0;
	s0 =	simm.s32 @!p2 $0x0  }
0x16: {  	s3 =	sld [smem:$0x3FDB];
	s0 =	simm.s32 @p2 $0x1  }
0x17: {  	s4 =	simm.s32 $0x1BF5;
	[smem:$0x3FB1] =	sst s0  }
0x18: {  	s0 =	sld [smem:$0x3F94];
	_ =	swait.ge [sflag:s4], $0x0  }
0x19: {  	s7 =	sld [smem:$0x3F95]  }
0x1a: {  	s8 =	sadd.s32 $0xFFFFE003, lr  }
0x1b: {  	s9 =	sadd.s32 $0xFFFFFEF7, lr;
	s5 =	simm.s32 $0xFFFFFFFF;
	p2 =	slt.u32 s8, $0xFFFFF086  }
0x1c: {  	p1 =	slt.u32 s9, $0xF7A;
	s5 =	simm.s32 @!p2 $0x0  }
0x1d: {  	s5 =	simm.s32 @p1 $0x1;
	p0 =	seq.s32 s7, s2  }
0x1e: {  	s7 =	smul.u32 @!p0 $0xF7A, s2;
	p2 =	seq.s32 @!p0 s5, $0x0  }
0x1f: {  	s9 =	smul.u32 $0xF7A, s1;
	s8 =	simm.s32 @!p0 $0x1BF5;
	p2 =	por !p2, p0  }
0x20: {  	[sflag:s8] =	ssyncset.s32 @!p0 $0xFFFFF086;
	s6 =	sadd.s32 @!p0 s3, s7;
	s7 =	simm.s32 @!p0 $0x108  }
0x21: {  	s3 =	sadd.s32 s3, s9;
	s6 =	sadd.s32 @!p0 $0x88, s6;
	s7 =	simm.s32 @p2 $0x1082  }
0x22: {  	[simem:s7], [sflag:s8] =	dma.local @!p0 [hbm:s6], $0xF7A  }
0x23: {  	s9 =	sor.u32 $0xD0000000, s2;
	s6 =	simm.s32 $0x108;
	_ =	swait.ge @!p0 [sflag:s8], $0x0  }
0x24: {  	s3 =	sadd.s32 $0x88, s3;
	s6 =	simm.s32 @!p1 $0x1082;
	[sflag:s4] =	ssyncset.s32 $0xFFFFF086  }
0x25: {  	[simem:s6], [sflag:s4] =	dma.local [hbm:s3], $0xF7A  }
0x26: {  	[smem:$0x3F95] =	sst s1;
	(tag) =	ssettag s2;
	_ =	strace s9  }
0x27: {  	s1 =	sld [smem:$0x3FA5]  }
0x28: {  	s2 =	sld [smem:$0x3FA6]  }
0x29: {  	s4 =	sld [smem:$0x3FA8]  }
0x2a: {  	p0 =	seq.s32 s5, $0x0;
	s5 =	sld [smem:$0x3FA9]  }
0x2b: {  	s6 =	sld [smem:$0x3FAA]  }
0x2c: {  	s7 =	sld [smem:$0x3FAB]  }
0x2d: {  	s3 =	simm.s32 $0x108;
	s8 =	sld [smem:$0x3FAC]  }
0x2e: {  	s3 =	simm.s32 @!p0 $0x1082;
	s9 =	sld [smem:$0x3FAD]  }
0x2f: {  	lr =	sadd.s32 s0, s3;
	s0 =	sld [smem:$0x3FA4]  }
0x30: {  	s3 =	sld [smem:$0x3FA7]  }
0x31: {  	[smem:$0x3FB0] =	sst s10  }
0x32: {  	s10 =	sld [smem:$0x3FAE];
	_ =	sdelay $0x3  }
0x33: {  	p0 =	seq.s32 s10, $0x1;
	s10 =	sld [smem:$0x3FB0];
	_ =	sdelay $0x3  }
0x34: {  	[smem:$0x3FB0] =	sst s10  }
0x35: {  	s10 =	sld [smem:$0x3FAF];
	_ =	sdelay $0x3  }
0x36: {  	p1 =	seq.s32 s10, $0x1;
	s10 =	sld [smem:$0x3FB0];
	_ =	sdelay $0x3  }
0x37: {  	[smem:$0x3FB0] =	sst s10  }
0x38: {  	s10 =	sld [smem:$0x3FB1]  }
0x39: {  	_ = 	snop;
	(pc) =	sbr.ind lr, $3  }
0x3a: {  	_ = 	snop  }
0x3b: {  	_ = 	snop  }
0x3c: {  	p2 =	seq.s32 s10, $0x1;
	s10 =	sld [smem:$0x3FB0]  }
0x3d: {  	_ =	shalt  }
0x3e: {  	_ =	shalt  }
0x3f: {  	_ =	shalt  }
0x40: {  	_ =	shalt  }
0x41: {  	_ =	shalt  }
0x42: {  	_ =	shalt  }
0x43: {  	_ =	shalt  }
0x44: {  	_ =	shalt  }
0x45: {  	_ =	shalt  }
0x46: {  	_ =	shalt  }
0x47: {  	_ =	shalt  }
0x48: {  	_ =	shalt  }
0x49: {  	_ =	shalt  }
0x4a: {  	_ =	shalt  }
0x4b: {  	_ =	shalt  }
0x4c: {  	_ =	shalt  }
0x4d: {  	_ =	shalt  }
0x4e: {  	_ =	shalt  }
0x4f: {  	_ =	shalt  }
0x50: {  	_ =	shalt  }
0x51: {  	_ =	shalt  }
0x52: {  	_ =	shalt  }
0x53: {  	_ =	shalt  }
0x54: {  	_ =	shalt  }
0x55: {  	_ =	shalt  }
0x56: {  	_ =	shalt  }
0x57: {  	_ =	shalt  }
0x58: {  	_ =	shalt  }
0x59: {  	_ =	shalt  }
0x5a: {  	_ =	shalt  }
0x5b: {  	_ =	shalt  }
0x5c: {  	_ =	shalt  }
0x5d: {  	_ =	shalt  }
0x5e: {  	_ =	shalt  }
0x5f: {  	_ =	shalt  }
0x60: {  	_ =	shalt  }
0x61: {  	_ =	shalt  }
0x62: {  	_ =	shalt  }
0x63: {  	_ =	shalt  }
0x64: {  	_ =	shalt  }
0x65: {  	_ =	shalt  }
0x66: {  	_ =	shalt  }
0x67: {  	_ =	shalt  }
0x68: {  	_ =	shalt  }
0x69: {  	_ =	shalt  }
0x6a: {  	_ =	shalt  }
0x6b: {  	_ =	shalt  }
0x6c: {  	_ =	shalt  }
0x6d: {  	_ =	shalt  }
0x6e: {  	_ =	shalt  }
0x6f: {  	_ =	shalt  }
0x70: {  	_ =	shalt  }
0x71: {  	_ =	shalt  }
0x72: {  	_ =	shalt  }
0x73: {  	_ =	shalt  }
0x74: {  	_ =	shalt  }
0x75: {  	_ =	shalt  }
0x76: {  	_ =	shalt  }
0x77: {  	_ =	shalt  }
0x78: {  	_ =	shalt  }
0x79: {  	_ =	shalt  }
0x7a: {  	_ =	shalt  }
0x7b: {  	_ =	shalt  }
0x7c: {  	_ =	shalt  }
0x7d: {  	_ =	shalt  }
0x7e: {  	_ =	shalt  }
0x7f: {  	_ =	shalt  }
0x80: {  	_ =	shalt  }
0x81: {  	_ =	shalt  }
0x82: {  	_ =	shalt  }
0x83: {  	_ =	shalt  }
0x84: {  	_ =	shalt  }
0x85: {  	_ =	shalt  }
0x86: {  	_ =	shalt  }
0x87: {  	_ =	shalt  }
.Lfunc_end0:
.L_simem_size_0:
called_computation.2_lowered:
.L_overlay_start_0:
0x88: {  	s2 =	sld [smem:$0x3FD9]  }
0x89: {  	s3 =	sld [smem:$0x3FFE];
	_ =	sdelay $0x1  }
0x8a: {  	s1 =	srdreg.scid  }
0x8b: {  	s0 =	sand.u32 $0x1, s1  }
0x8c: {  	s16 =	sshll.u32 s0, $0xA;
	s2 =	sadd.s32 s3, s2  }
0x8d: {  	s2 =	sadd.s32 s2, s16  }
0x8e: {  	[smem:$0x3FBC] =	sst s2  }
0x8f: {  	_ = 	snop  }
0x90: {  	(tm) =	ssettm $0x1  }
0x91: {  	s17 =	sld [smem:$0x3FFB];
	_ =	sdelay $0x3  }
0x92: {  	_ =	strace s17  }
0x93: {  	s2 =	sld [smem:$0x3FFC];
	_ =	sdelay $0x3  }
0x94: {  	_ =	strace s2  }
0x95: {  	s2 =	sld [smem:$0x3FFD];
	_ =	sdelay $0x3  }
0x96: {  	_ =	strace s2  }
0x97: {  	_ =	strace $0x8FFFFFFF  }
0x98: {  	s18 =	sld [smem:$0x3FDB];
	_ =	sdelay $0x1  }
0x99: {  	s19 =	simm.s32 $_scs_section_size  }
0x9a: {  	s4 =	simm.s32 $_size__tile_overlayer_lowered;
	s5 =	simm.s32 $_tile_overlayer_lowered  }
0x9b: {  	s22 =	simm.s32 $0x1BFF;
	s21 =	sshll.u32 s5, $0x1;
	s2 =	sadd.s32 s19, s18  }
0x9c: {  	s6 =	simm.s32 $0x0;
	s20 =	sshll.u32 s4, $0x1;
	s4 =	sadd.s32 s21, s2  }
0x9d: {  	[timem:s6], [sflag:s22] =	dma.local [hbm:s4], s20  }
0x9e: {  	_ =	swait.ge [sflag:s22], s20  }
0x9f: {  	s3 =	ssub.s32 $0x0, s20;
	[sflag:s22] =	ssyncset.done $0x0  }
0xa0: {  	[sflag:s22] =	ssyncadd.s32 s3;
	_ =	sdelay $0x1  }
0xa1: {  	s23 =	simm.s32 $0x1B8B  }
0xa2: {  	_ =	swait.ge [sflag:s23], $0x1  }
0xa3: {  	[sflag:s23] =	ssyncset.done $0x0  }
0xa4: {  	s25 =	simm.s32 $0x1B8E;
	s24 =	sld [smem:$0x3FFE];
	[sflag:s23] =	ssyncadd.s32 $0xFFFFFFFF  }
0xa5: {  	s26 =	simm.s32 $execute0_lowered;
	[smem:$0x3FD2] =	sst s25  }
0xa6: {  	s4 =	sshll.u32 s26, $0x1;
	_ =	strace $0x8000004C;
	[dreg:$0x1] =	wrdreg $0xFFFFFFFF  }
0xa7: {  	s28 =	simm.s32 $_size_execute0_lowered;
	s2 =	sadd.s32 s2, s4;
	[dreg:$0x0] =	wrdreg $0x0  }
0xa8: {  	s4 =	sshll.u32 s28, $0x1;
	[dreg:$0x2] =	wrdreg s2  }
0xa9: {  	[dreg:$0x3] =	wrdreg s4  }
0xaa: {  	[dreg:$0x4] =	wrdreg $0xC0  }
0xab: {  	_ =	task [dreg:s6], $0x5FFFF  }
0xac: {  	[dreg:$0x1] =	wrdreg $0xFFFFFFFF  }
0xad: {  	[dreg:$0x0] =	wrdreg $0x60  }
0xae: {  	[dreg:$0x2] =	wrdreg s24  }
0xaf: {  	[dreg:$0x3] =	wrdreg $0x90000  }
0xb0: {  	[dreg:$0x4] =	wrdreg $0x9  }
0xb1: {  	_ =	task.clear_ibuf [dreg:s6], $0x5FFFF;
	_ =	strace $0x9000004C  }
0xb2: {  	s29 =	simm.s32 $0x9;
	_ =	strace $0x8000004E  }
0xb3: {  	_ =	swait.ge [sflag:s29], $0x1  }
0xb4: {  	[sflag:s29] =	ssyncadd.s32 $0xFFFFFFFF  }
0xb5: {  	_ =	strace $0x9000004E  }
0xb6: {  	_ =	sfence  }
0xb7: {  	s30 =	sld [smem:$0x0];
	_ =	sdelay $0x2  }
0xb8: {  	s31 =	sshll.u32 s1, $0xD;
	s1 =	sshrl.u32 s1, $0x2  }
0xb9: {  	s3 =	sand.u32 $0x4000, s31;
	s1 =	sadd.s32 s1, s30  }
0xba: {  	s0 =	sor.u32 s3, s0;
	s1 =	sshll.u32 s1, $0x11  }
0xbb: {  	s0 =	sor.u32 s1, s0  }
0xbc: {  	s0 =	sadd.s32 $0x8F2B, s0  }
0xbd: {  	[sflag:s0] =	ssyncadd.remote.s32 $0x1  }
0xbe: {  	_ =	sfence.sel $0xFFFF  }
0xbf: {  	[dreg:$0x0] =	wrdreg $0xFFFFFFFF;
	(pc) =	sbr.abs _section_cstart, $3  }
0xc0: {  	[dreg:$0x1] =	wrdreg $0xFFFFFFFF  }
0xc1: {  	_ =	task.clear_ibuf [dreg:s6], $0x2FFFF;
	_ =	strace $0x9FFFFFFF  }
0xc2: {  	(tm) =	ssettm $0x7FFFFFFF  }
0xc3: {  	_ =	shalt  }
tec
execute0_lowered:
.L_overlay_start_1:
0x0: {  	(tag) =	ssettag $0x1  }
0x1: {  	s0 =	rddreg [dreg:$0x0]  }
0x2: {  	s1 =	rddreg [dreg:$0x1];
	s2 =	simm.s32 $0x0  }
0x3: {  	s3 =	srdreg.scid;
	s12 =	stileid.u32;
	s16 =	simm.s32 $0x180  }
0x4: {  	s18 =	simm.s32 $0x200;
	s19 =	simm.s32 $0x280;
	s20 =	simm.s32 $0x300  }
0x5: {  	s28 =	simm.s32 $0x7;
	s29 =	simm.s32 $0x0;
	[smem:$0x7FF] =	sst s2  }
0x6: {  	s3 =	sand.u32 $0x1, s3;
	s4 =	sadd.s32 $0x17C00, s0;
	s6 =	smul.u32 $0x14000, s12  }
0x7: {  	s8 =	sadd.s32 $0xDA00, s0;
	s14 =	sadd.s32 $0x3800, s0;
	s13 =	sadd.s32 $0x3FC00, s0  }
0x8: {  	s11 =	smul.u32 $0x50000, s12;
	_ =	strace $0x8000004D;
	[dreg:$0x11] =	wrdreg s13  }
0x9: {  	s26 =	sshll.u32 s12, $0x6;
	s5 =	smul.u32 $0x140000, s3;
	[dreg:$0x5] =	wrdreg s16  }
0xa: {  	s7 =	sshll.u32 s3, $0x4;
	s21 =	ssub.s32 $0x2, s3;
	[dreg:$0x6] =	wrdreg s18  }
0xb: {  	s3 =	smul.u32 $0x5000, s3;
	s13 =	simm.s32 $0x100;
	[dreg:$0x7] =	wrdreg s19  }
0xc: {  	s16 =	simm.s32 $0x9;
	[dreg:$0x8] =	wrdreg s20;
	s18 =	simm.s32 $0x80  }
0xd: {  	s19 =	simm.s32 $0x1000;
	s20 =	simm.s32 $0x5000;
	s7 =	sor.u32 s12, s7  }
0xe: {  	s10 =	sshrl.u32 s21, $0x1;
	s24 =	sshrl.u32 s11, $0x2;
	s12 =	smul.u32 $0x500, s12  }
0xf: {  	s11 =	simm.s32 $0xC00;
	[dreg:$0x4] =	wrdreg s13;
	s9 =	smul.u32 $0x50, s7  }
0x10: {  	s5 =	sadd.s32 s6, s5;
	s22 =	ssub.s32 s21, s10;
	s25 =	smul.u32 $0x500, s7  }
0x11: {  	s15 =	sadd.s32 s24, s1;
	[dreg:$0x3] =	wrdreg s11;
	s17 =	sadd.s32 s3, s8  }
0x12: {  	s7 =	sor.u32 $0x1C09, s26;
	s21 =	simm.s32 $0x380;
	[dreg:$0x16] =	wrdreg s17  }
0x13: {  	s24 =	simm.s32 $0x580;
	s26 =	simm.s32 $0x680;
	[dreg:$0x9] =	wrdreg s21  }
0x14: {  	s5 =	sshrl.u32 s5, $0x3;
	s10 =	smax.u32 s22, $0x1;
	[dreg:$0xc] =	wrdreg s24  }
0x15: {  	s15 =	sshrl.u32 s15, $0x3;
	s17 =	simm.s32 $0x800;
	[dreg:$0xe] =	wrdreg s26  }
0x16: {  	s22 =	simm.s32 $0x480;
	s21 =	simm.s32 $0x400;
	[dreg:$0x15] =	wrdreg s10  }
0x17: {  	s24 =	simm.s32 $0x6;
	s30 =	sadd.s32 s8, s25;
	[dreg:$0xa] =	wrdreg s22  }
0x18: {  	s26 =	simm.s32 $0x5;
	s31 =	sadd.s32 s14, s25;
	[dreg:$0x12] =	wrdreg s30  }
0x19: {  	s0 =	sadd.s32 s5, s0;
	s25 =	simm.s32 $0x600;
	[dreg:$0x13] =	wrdreg s31  }
0x1a: {  	s23 =	ssub.s32 $0x9C4, s9;
	s0 =	sadd.s32 $0x42400, s0;
	[dreg:$0xd] =	wrdreg s25  }
0x1b: {  	s6 =	smin.u32 s23, $0x50;
	s23 =	simm.s32 $0x500;
	[dreg:$0x14] =	wrdreg s0  }
0x1c: {  	s14 =	sadd.s32 s3, s14;
	s30 =	simm.s32 $0x700;
	[dreg:$0xb] =	wrdreg s23  }
0x1d: {  	s22 =	simm.s32 $0x1;
	s31 =	simm.s32 $0x780;
	[dreg:$0xf] =	wrdreg s30  }
0x1e: {  	s25 =	simm.s32 $0x8;
	s23 =	simm.s32 $0x2;
	[dreg:$0x10] =	wrdreg s31  }
.LBB2_1:
0x1f: {  	s0 =	rddreg [dreg:$0x11]  }
0x20: {  	[spmem:s15], [sflag:s7] =	dma.local [hbm:s0], $0x2800  }
0x21: {  	_ =	swait.ge [sflag:s16], $0x2800  }
0x22: {  	[sflag:s16] =	ssyncset.done $0x0  }
0x23: {  	[sflag:s16] =	ssyncadd.s32 $0xFFFFD800  }
0x24: {  	[bflag:$0x0] =	sbarrier.arrive $0xFFFF  }
0x25: {  	s9 =	rddreg [dreg:$0x12]  }
0x26: {  	[tilespmem:s2], [sflag:$0x9] =	stream.linear.gather [hbm4b:s9+s2], $0x400, $0x38;
	[tilespmem:$0x1D000] =	vst v63  }
0x27: {  	_ =	swait.ge [sflag:s16], $0x400  }
0x28: {  	[sflag:s16] =	ssyncset.done $0x0  }
0x29: {  	s10 =	rddreg [dreg:$0x13];
	[sflag:s16] =	ssyncadd.s32 $0xFFFFFC00  }
0x2a: {  	[tilespmem:s17], [sflag:$0x9] =	stream.linear.gather [hbm4b:s10+s2], $0x400, $0x38;
	[tilespmem:$0x1D000] =	vst v63  }
0x2b: {  	_ =	swait.ge [sflag:s16], $0x400  }
0x2c: {  	[sflag:s16] =	ssyncset.done $0x0  }
0x2d: {  	s13 =	smov.u32 s7;
	s7 =	rddreg [dreg:$0x16];
	[sflag:s16] =	ssyncadd.s32 $0xFFFFFC00  }
0x2e: {  	[tilespmem:s19], [sflag:$0x1] =	stream.indirect.gather [hbm4b:s4+s18], $0x80, s2, s18, $0xb8;
	[tilespmem:$0x1D000] =	vst v63  }
0x2f: {  	s0 =	sadd.s32 s7, s12  }
0x30: {  	[tilespmem:s20], [sflag:$0x2] =	stream.indirect.gather [hbm4b:s4+s18], $0x80, s18, s18, $0xb8;
	[tilespmem:$0x1D000] =	vst v63  }
0x31: {  	s3 =	sadd.s32 s14, s12;
	s5 =	sadd.s32 $0x80, s0  }
0x32: {  	[tilespmem:s21], [sflag:$0x6] =	stream.linear.gather [hbm4b:s5+s2], $0x400, $0x38;
	[tilespmem:$0x1D000] =	vst v63  }
0x33: {  	s11 =	sadd.s32 $0x80, s3;
	s8 =	rddreg [dreg:$0x3]  }
0x34: {  	[tilespmem:s8], [sflag:$0x8] =	stream.linear.gather [hbm4b:s11+s2], $0x400, $0x38;
	[tilespmem:$0x1D000] =	vst v63  }
0x35: {  	p0 =	sle.u32 s6, $0x0;
	_ =	swait.ge [sflag:s22], $0x4000  }
0x36: {  	s30 =	simm.s32 @!p0 $0x1000;
	[sflag:s22] =	ssyncset.done $0x0  }
0x37: {  	s5 =	simm.s32 @!p0 $0x80;
	s8 =	simm.s32 @!p0 $0x800;
	[sflag:s22] =	ssyncadd.s32 $0xFFFFC000  }
0x38: {  	[spmem:s1] =	stream.indirect.scatter.add.f32 @!p0 [tilespmem:s30], [sflag:$0x3], $0x80, s8, s5, $0xb8;
	[tilespmem:$0x1D000] =	vst v63  }
0x39: {  	s5 =	simm.s32 @!p0 $0x3  }
0x3a: {  	_ =	swait.ge @!p0 [sflag:s5], $0x4000  }
0x3b: {  	[sflag:s5] =	ssyncset.done @!p0 $0x0  }
0x3c: {  	s9 =	rddreg [dreg:$0x4];
	[sflag:s5] =	ssyncadd.s32 @!p0 $0xFFFFC000  }
0x3d: {  	[tilespmem:s19], [sflag:$0x1] =	stream.indirect.gather [hbm4b:s4+s18], $0x80, s9, s18, $0xb8;
	[tilespmem:$0x1D000] =	vst v63  }
0x3e: {  	p0 =	sle.u32 s6, $0x1;
	_ =	swait.ge [sflag:s23], $0x4000  }
0x3f: {  	s5 =	simm.s32 @!p0 $0x80;
	[sflag:s23] =	ssyncset.done $0x0  }
0x40: {  	s8 =	simm.s32 @!p0 $0x5000;
	s30 =	simm.s32 @!p0 $0x880;
	[sflag:s23] =	ssyncadd.s32 $0xFFFFC000  }
0x41: {  	[spmem:s1] =	stream.indirect.scatter.add.f32 @!p0 [tilespmem:s8], [sflag:$0x4], $0x80, s30, s5, $0xb8;
	[tilespmem:$0x1D000] =	vst v63  }
0x42: {  	s5 =	simm.s32 @!p0 $0x4  }
0x43: {  	_ =	swait.ge @!p0 [sflag:s5], $0x4000  }
0x44: {  	[sflag:s5] =	ssyncset.done @!p0 $0x0  }
0x45: {  	s10 =	rddreg [dreg:$0x5];
	[sflag:s5] =	ssyncadd.s32 @!p0 $0xFFFFC000  }
0x46: {  	[tilespmem:s20], [sflag:$0x2] =	stream.indirect.gather [hbm4b:s4+s18], $0x80, s10, s18, $0xb8;
	[tilespmem:$0x1D000] =	vst v63  }
0x47: {  	p0 =	sle.u32 s6, $0x2;
	_ =	swait.ge [sflag:s22], $0x4000  }
0x48: {  	s5 =	simm.s32 @!p0 $0x80;
	[sflag:s22] =	ssyncset.done $0x0  }
0x49: {  	s8 =	simm.s32 @!p0 $0x1000;
	s30 =	simm.s32 @!p0 $0x900;
	[sflag:s22] =	ssyncadd.s32 $0xFFFFC000  }
0x4a: {  	[spmem:s1] =	stream.indirect.scatter.add.f32 @!p0 [tilespmem:s8], [sflag:$0x3], $0x80, s30, s5, $0xb8;
	[tilespmem:$0x1D000] =	vst v63  }
0x4b: {  	s5 =	simm.s32 @!p0 $0x3  }
0x4c: {  	_ =	swait.ge @!p0 [sflag:s5], $0x4000  }
0x4d: {  	[sflag:s5] =	ssyncset.done @!p0 $0x0  }
0x4e: {  	s11 =	rddreg [dreg:$0x6];
	[sflag:s5] =	ssyncadd.s32 @!p0 $0xFFFFC000  }
0x4f: {  	[tilespmem:s19], [sflag:$0x1] =	stream.indirect.gather [hbm4b:s4+s18], $0x80, s11, s18, $0xb8;
	[tilespmem:$0x1D000] =	vst v63  }
0x50: {  	p0 =	sle.u32 s6, $0x3;
	_ =	swait.ge [sflag:s23], $0x4000  }
0x51: {  	s5 =	simm.s32 @!p0 $0x80;
	[sflag:s23] =	ssyncset.done $0x0  }
0x52: {  	s8 =	simm.s32 @!p0 $0x5000;
	s30 =	simm.s32 @!p0 $0x980;
	[sflag:s23] =	ssyncadd.s32 $0xFFFFC000  }
0x53: {  	[spmem:s1] =	stream.indirect.scatter.add.f32 @!p0 [tilespmem:s8], [sflag:$0x4], $0x80, s30, s5, $0xb8;
	[tilespmem:$0x1D000] =	vst v63  }
0x54: {  	s5 =	simm.s32 @!p0 $0x4  }
0x55: {  	_ =	swait.ge @!p0 [sflag:s5], $0x4000  }
0x56: {  	[sflag:s5] =	ssyncset.done @!p0 $0x0  }
0x57: {  	s9 =	rddreg [dreg:$0x7];
	[sflag:s5] =	ssyncadd.s32 @!p0 $0xFFFFC000  }
0x58: {  	[tilespmem:s20], [sflag:$0x2] =	stream.indirect.gather [hbm4b:s4+s18], $0x80, s9, s18, $0xb8;
	[tilespmem:$0x1D000] =	vst v63  }
0x59: {  	p0 =	sle.u32 s6, $0x4;
	_ =	swait.ge [sflag:s22], $0x4000  }
0x5a: {  	s5 =	simm.s32 @!p0 $0x80;
	[sflag:s22] =	ssyncset.done $0x0  }
0x5b: {  	s8 =	simm.s32 @!p0 $0x1000;
	s30 =	simm.s32 @!p0 $0xA00;
	[sflag:s22] =	ssyncadd.s32 $0xFFFFC000  }
0x5c: {  	[spmem:s1] =	stream.indirect.scatter.add.f32 @!p0 [tilespmem:s8], [sflag:$0x3], $0x80, s30, s5, $0xb8;
	[tilespmem:$0x1D000] =	vst v63  }
0x5d: {  	s5 =	simm.s32 @!p0 $0x3  }
0x5e: {  	_ =	swait.ge @!p0 [sflag:s5], $0x4000  }
0x5f: {  	[sflag:s5] =	ssyncset.done @!p0 $0x0  }
0x60: {  	s10 =	rddreg [dreg:$0x8];
	[sflag:s5] =	ssyncadd.s32 @!p0 $0xFFFFC000  }
0x61: {  	[tilespmem:s19], [sflag:$0x1] =	stream.indirect.gather [hbm4b:s4+s18], $0x80, s10, s18, $0xb8;
	[tilespmem:$0x1D000] =	vst v63  }
0x62: {  	p0 =	sle.u32 s6, $0x5;
	_ =	swait.ge [sflag:s23], $0x4000  }
0x63: {  	s5 =	simm.s32 @!p0 $0x80;
	[sflag:s23] =	ssyncset.done $0x0  }
0x64: {  	s8 =	simm.s32 @!p0 $0x5000;
	s30 =	simm.s32 @!p0 $0xA80;
	[sflag:s23] =	ssyncadd.s32 $0xFFFFC000  }
0x65: {  	[spmem:s1] =	stream.indirect.scatter.add.f32 @!p0 [tilespmem:s8], [sflag:$0x4], $0x80, s30, s5, $0xb8;
	[tilespmem:$0x1D000] =	vst v63  }
0x66: {  	s5 =	simm.s32 @!p0 $0x4  }
0x67: {  	_ =	swait.ge @!p0 [sflag:s5], $0x4000  }
0x68: {  	[sflag:s5] =	ssyncset.done @!p0 $0x0  }
0x69: {  	s11 =	rddreg [dreg:$0x9];
	[sflag:s5] =	ssyncadd.s32 @!p0 $0xFFFFC000  }
0x6a: {  	[tilespmem:s20], [sflag:$0x2] =	stream.indirect.gather [hbm4b:s4+s18], $0x80, s11, s18, $0xb8;
	[tilespmem:$0x1D000] =	vst v63  }
0x6b: {  	_ =	swait.ge [sflag:s24], $0x400  }
0x6c: {  	[sflag:s24] =	ssyncset.done $0x0  }
0x6d: {  	[sflag:s24] =	ssyncadd.s32 $0xFFFFFC00  }
0x6e: {  	_ =	swait.ge [sflag:s25], $0x400  }
0x6f: {  	[sflag:s25] =	ssyncset.done $0x0  }
0x70: {  	[sflag:s25] =	ssyncadd.s32 $0xFFFFFC00  }
0x71: {  	p0 =	sle.u32 s6, $0x6;
	_ =	swait.ge [sflag:s22], $0x4000  }
0x72: {  	s5 =	simm.s32 @!p0 $0x80;
	[sflag:s22] =	ssyncset.done $0x0  }
0x73: {  	s8 =	simm.s32 @!p0 $0x1000;
	s30 =	simm.s32 @!p0 $0xB00;
	[sflag:s22] =	ssyncadd.s32 $0xFFFFC000  }
0x74: {  	[spmem:s1] =	stream.indirect.scatter.add.f32 @!p0 [tilespmem:s8], [sflag:$0x3], $0x80, s30, s5, $0xb8;
	[tilespmem:$0x1D000] =	vst v63  }
0x75: {  	s5 =	simm.s32 @!p0 $0x3  }
0x76: {  	_ =	swait.ge @!p0 [sflag:s5], $0x4000  }
0x77: {  	[sflag:s5] =	ssyncset.done @!p0 $0x0  }
0x78: {  	[sflag:s5] =	ssyncadd.s32 @!p0 $0xFFFFC000  }
0x79: {  	[tilespmem:s19], [sflag:$0x1] =	stream.indirect.gather [hbm4b:s4+s18], $0x80, s21, s18, $0xb8;
	[tilespmem:$0x1D000] =	vst v63  }
0x7a: {  	p0 =	sle.u32 s6, $0x7;
	_ =	swait.ge [sflag:s23], $0x4000  }
0x7b: {  	s5 =	simm.s32 @!p0 $0x80;
	[sflag:s23] =	ssyncset.done $0x0  }
0x7c: {  	s8 =	simm.s32 @!p0 $0x5000;
	s30 =	simm.s32 @!p0 $0xB80;
	[sflag:s23] =	ssyncadd.s32 $0xFFFFC000  }
0x7d: {  	[spmem:s1] =	stream.indirect.scatter.add.f32 @!p0 [tilespmem:s8], [sflag:$0x4], $0x80, s30, s5, $0xb8;
	[tilespmem:$0x1D000] =	vst v63  }
0x7e: {  	s5 =	simm.s32 @!p0 $0x4  }
0x7f: {  	_ =	swait.ge @!p0 [sflag:s5], $0x4000  }
0x80: {  	[sflag:s5] =	ssyncset.done @!p0 $0x0  }
0x81: {  	s9 =	rddreg [dreg:$0xa];
	[sflag:s5] =	ssyncadd.s32 @!p0 $0xFFFFC000  }
0x82: {  	[tilespmem:s20], [sflag:$0x2] =	stream.indirect.gather [hbm4b:s4+s18], $0x80, s9, s18, $0xb8;
	[tilespmem:$0x1D000] =	vst v63  }
0x83: {  	s0 =	sadd.s32 $0x100, s0  }
0x84: {  	[tilespmem:s2], [sflag:$0x5] =	stream.linear.gather [hbm4b:s0+s2], $0x400, $0x38;
	[tilespmem:$0x1D000] =	vst v63  }
0x85: {  	s10 =	sadd.s32 $0x100, s3  }
0x86: {  	[tilespmem:s17], [sflag:$0x7] =	stream.linear.gather [hbm4b:s10+s2], $0x400, $0x38;
	[tilespmem:$0x1D000] =	vst v63  }
0x87: {  	p0 =	sle.u32 s6, $0x8;
	_ =	swait.ge [sflag:s22], $0x4000  }
0x88: {  	s3 =	simm.s32 @!p0 $0x1000;
	s5 =	simm.s32 @!p0 $0xC00;
	[sflag:s22] =	ssyncset.done $0x0  }
0x89: {  	s8 =	simm.s32 @!p0 $0x3;
	s0 =	simm.s32 @!p0 $0x80;
	[sflag:s22] =	ssyncadd.s32 $0xFFFFC000  }
0x8a: {  	[spmem:s1] =	stream.indirect.scatter.add.f32 @!p0 [tilespmem:s3], [sflag:$0x3], $0x80, s5, s0, $0xb8;
	[tilespmem:$0x1D000] =	vst v63  }
0x8b: {  	_ =	swait.ge @!p0 [sflag:s8], $0x4000  }
0x8c: {  	[sflag:s8] =	ssyncset.done @!p0 $0x0  }
0x8d: {  	s11 =	rddreg [dreg:$0xb];
	[sflag:s8] =	ssyncadd.s32 @!p0 $0xFFFFC000  }
0x8e: {  	[tilespmem:s19], [sflag:$0x1] =	stream.indirect.gather [hbm4b:s4+s18], $0x80, s11, s18, $0xb8;
	[tilespmem:$0x1D000] =	vst v63  }
0x8f: {  	p0 =	sle.u32 s6, $0x9;
	_ =	swait.ge [sflag:s23], $0x4000  }
0x90: {  	s0 =	simm.s32 @!p0 $0x80;
	s3 =	simm.s32 @!p0 $0x5000;
	[sflag:s23] =	ssyncset.done $0x0  }
0x91: {  	s5 =	simm.s32 @!p0 $0xC80;
	s8 =	simm.s32 @!p0 $0x4;
	[sflag:s23] =	ssyncadd.s32 $0xFFFFC000  }
0x92: {  	[spmem:s1] =	stream.indirect.scatter.add.f32 @!p0 [tilespmem:s3], [sflag:$0x4], $0x80, s5, s0, $0xb8;
	[tilespmem:$0x1D000] =	vst v63  }
0x93: {  	_ =	swait.ge @!p0 [sflag:s8], $0x4000  }
0x94: {  	[sflag:s8] =	ssyncset.done @!p0 $0x0  }
0x95: {  	s3 =	rddreg [dreg:$0xc];
	[sflag:s8] =	ssyncadd.s32 @!p0 $0xFFFFC000  }
0x96: {  	[tilespmem:s20], [sflag:$0x2] =	stream.indirect.gather [hbm4b:s4+s18], $0x80, s3, s18, $0xb8;
	[tilespmem:$0x1D000] =	vst v63  }
0x97: {  	p0 =	sle.u32 s6, $0xA;
	_ =	swait.ge [sflag:s22], $0x4000  }
0x98: {  	s0 =	simm.s32 @!p0 $0x80;
	s3 =	simm.s32 @!p0 $0x1000;
	[sflag:s22] =	ssyncset.done $0x0  }
0x99: {  	s5 =	simm.s32 @!p0 $0xD00;
	s8 =	simm.s32 @!p0 $0x3;
	[sflag:s22] =	ssyncadd.s32 $0xFFFFC000  }
0x9a: {  	[spmem:s1] =	stream.indirect.scatter.add.f32 @!p0 [tilespmem:s3], [sflag:$0x3], $0x80, s5, s0, $0xb8;
	[tilespmem:$0x1D000] =	vst v63  }
0x9b: {  	_ =	swait.ge @!p0 [sflag:s8], $0x4000  }
0x9c: {  	[sflag:s8] =	ssyncset.done @!p0 $0x0  }
0x9d: {  	s5 =	rddreg [dreg:$0xd];
	[sflag:s8] =	ssyncadd.s32 @!p0 $0xFFFFC000  }
0x9e: {  	[tilespmem:s19], [sflag:$0x1] =	stream.indirect.gather [hbm4b:s4+s18], $0x80, s5, s18, $0xb8;
	[tilespmem:$0x1D000] =	vst v63  }
0x9f: {  	p0 =	sle.u32 s6, $0xB;
	_ =	swait.ge [sflag:s23], $0x4000  }
0xa0: {  	s0 =	simm.s32 @!p0 $0x80;
	s3 =	simm.s32 @!p0 $0x5000;
	[sflag:s23] =	ssyncset.done $0x0  }
0xa1: {  	s5 =	simm.s32 @!p0 $0xD80;
	s8 =	simm.s32 @!p0 $0x4;
	[sflag:s23] =	ssyncadd.s32 $0xFFFFC000  }
0xa2: {  	[spmem:s1] =	stream.indirect.scatter.add.f32 @!p0 [tilespmem:s3], [sflag:$0x4], $0x80, s5, s0, $0xb8;
	[tilespmem:$0x1D000] =	vst v63  }
0xa3: {  	_ =	swait.ge @!p0 [sflag:s8], $0x4000  }
0xa4: {  	[sflag:s8] =	ssyncset.done @!p0 $0x0  }
0xa5: {  	s9 =	rddreg [dreg:$0xe];
	[sflag:s8] =	ssyncadd.s32 @!p0 $0xFFFFC000  }
0xa6: {  	[tilespmem:s20], [sflag:$0x2] =	stream.indirect.gather [hbm4b:s4+s18], $0x80, s9, s18, $0xb8;
	[tilespmem:$0x1D000] =	vst v63  }
0xa7: {  	p0 =	sle.u32 s6, $0xC;
	_ =	swait.ge [sflag:s22], $0x4000  }
0xa8: {  	s0 =	simm.s32 @!p0 $0x80;
	s3 =	simm.s32 @!p0 $0x1000;
	[sflag:s22] =	ssyncset.done $0x0  }
0xa9: {  	s5 =	simm.s32 @!p0 $0xE00;
	s8 =	simm.s32 @!p0 $0x3;
	[sflag:s22] =	ssyncadd.s32 $0xFFFFC000  }
0xaa: {  	[spmem:s1] =	stream.indirect.scatter.add.f32 @!p0 [tilespmem:s3], [sflag:$0x3], $0x80, s5, s0, $0xb8;
	[tilespmem:$0x1D000] =	vst v63  }
0xab: {  	_ =	swait.ge @!p0 [sflag:s8], $0x4000  }
0xac: {  	[sflag:s8] =	ssyncset.done @!p0 $0x0  }
0xad: {  	s10 =	rddreg [dreg:$0xf];
	[sflag:s8] =	ssyncadd.s32 @!p0 $0xFFFFC000  }
0xae: {  	[tilespmem:s19], [sflag:$0x1] =	stream.indirect.gather [hbm4b:s4+s18], $0x80, s10, s18, $0xb8;
	[tilespmem:$0x1D000] =	vst v63  }
0xaf: {  	p0 =	sle.u32 s6, $0xD;
	_ =	swait.ge [sflag:s23], $0x4000  }
0xb0: {  	s0 =	simm.s32 @!p0 $0x80;
	s3 =	simm.s32 @!p0 $0x5000;
	[sflag:s23] =	ssyncset.done $0x0  }
0xb1: {  	s5 =	simm.s32 @!p0 $0xE80;
	s8 =	simm.s32 @!p0 $0x4;
	[sflag:s23] =	ssyncadd.s32 $0xFFFFC000  }
0xb2: {  	[spmem:s1] =	stream.indirect.scatter.add.f32 @!p0 [tilespmem:s3], [sflag:$0x4], $0x80, s5, s0, $0xb8;
	[tilespmem:$0x1D000] =	vst v63  }
0xb3: {  	_ =	swait.ge @!p0 [sflag:s8], $0x4000  }
0xb4: {  	[sflag:s8] =	ssyncset.done @!p0 $0x0  }
0xb5: {  	s11 =	rddreg [dreg:$0x10];
	[sflag:s8] =	ssyncadd.s32 @!p0 $0xFFFFC000  }
0xb6: {  	[tilespmem:s20], [sflag:$0x2] =	stream.indirect.gather [hbm4b:s4+s18], $0x80, s11, s18, $0xb8;
	[tilespmem:$0x1D000] =	vst v63  }
0xb7: {  	_ =	swait.ge [sflag:s26], $0x400  }
0xb8: {  	[sflag:s26] =	ssyncset.done $0x0  }
0xb9: {  	[sflag:s26] =	ssyncadd.s32 $0xFFFFFC00  }
0xba: {  	_ =	swait.ge [sflag:s28], $0x400  }
0xbb: {  	[sflag:s28] =	ssyncset.done $0x0  }
0xbc: {  	[sflag:s28] =	ssyncadd.s32 $0xFFFFFC00  }
0xbd: {  	p0 =	sle.u32 s6, $0xE;
	_ =	swait.ge [sflag:s22], $0x4000  }
0xbe: {  	s0 =	simm.s32 @!p0 $0x80;
	s3 =	simm.s32 @!p0 $0x1000;
	[sflag:s22] =	ssyncset.done $0x0  }
0xbf: {  	s5 =	simm.s32 @!p0 $0xF00;
	s8 =	simm.s32 @!p0 $0x3;
	[sflag:s22] =	ssyncadd.s32 $0xFFFFC000  }
0xc0: {  	[spmem:s1] =	stream.indirect.scatter.add.f32 @!p0 [tilespmem:s3], [sflag:$0x3], $0x80, s5, s0, $0xb8;
	[tilespmem:$0x1D000] =	vst v63  }
0xc1: {  	_ =	swait.ge @!p0 [sflag:s8], $0x4000  }
0xc2: {  	[sflag:s8] =	ssyncset.done @!p0 $0x0  }
0xc3: {  	[sflag:s8] =	ssyncadd.s32 @!p0 $0xFFFFC000  }
0xc4: {  	[tilespmem:s19], [sflag:$0x1] =	stream.indirect.gather [hbm4b:s4+s18], $0x80, s2, s18, $0xb8;
	[tilespmem:$0x1D000] =	vst v63  }
0xc5: {  	p1 =	sle.u32 s6, $0xF;
	_ =	swait.ge [sflag:s23], $0x4000  }
0xc6: {  	s0 =	simm.s32 @!p1 $0x80;
	s5 =	simm.s32 @!p1 $0x5000;
	[sflag:s23] =	ssyncset.done $0x0  }
0xc7: {  	s3 =	simm.s32 @!p1 $0x4;
	s8 =	simm.s32 @!p1 $0xF80;
	[sflag:s23] =	ssyncadd.s32 $0xFFFFC000  }
0xc8: {  	[spmem:s1] =	stream.indirect.scatter.add.f32 @!p1 [tilespmem:s5], [sflag:$0x4], $0x80, s8, s0, $0xb8;
	[tilespmem:$0x1D000] =	vst v63  }
0xc9: {  	s31 =	sadd.s32 $0x100, s7;
	_ =	swait.ge @!p1 [sflag:s3], $0x4000  }
0xca: {  	s30 =	simm.s32 $0x10;
	s0 =	sadd.s32 $0x100, s14;
	[sflag:s3] =	ssyncset.done @!p1 $0x0  }
.LBB2_2:
0xcb: {  	s5 =	sadd.s32 s31, s12;
	[sflag:s3] =	ssyncadd.s32 @!p1 $0xFFFFC000  }
0xcc: {  	[tilespmem:s20], [sflag:$0x2] =	stream.indirect.gather [hbm4b:s4+s18], $0x80, s18, s18, $0xb8;
	[tilespmem:$0x1D000] =	vst v63  }
0xcd: {  	s8 =	sadd.s32 s0, s12;
	s9 =	sadd.s32 $0x80, s5  }
0xce: {  	[tilespmem:s21], [sflag:$0x6] =	stream.linear.gather [hbm4b:s9+s2], $0x400, $0x38;
	[tilespmem:$0x1D000] =	vst v63  }
0xcf: {  	s3 =	smov.u32 s30;
	s10 =	rddreg [dreg:$0x3];
	s7 =	sadd.s32 $0x80, s8  }
0xd0: {  	[tilespmem:s10], [sflag:$0x8] =	stream.linear.gather [hbm4b:s7+s2], $0x400, $0x38;
	[tilespmem:$0x1D000] =	vst v63  }
0xd1: {  	p1 =	sge.u32 s3, s6;
	_ =	swait.ge [sflag:s22], $0x4000  }
0xd2: {  	s11 =	simm.s32 @!p1 $0x1000;
	s9 =	simm.s32 @!p1 $0x80;
	[sflag:s22] =	ssyncset.done $0x0  }
0xd3: {  	s10 =	simm.s32 @!p1 $0x800;
	s7 =	simm.s32 @!p1 $0x3;
	[sflag:s22] =	ssyncadd.s32 $0xFFFFC000  }
0xd4: {  	[spmem:s1] =	stream.indirect.scatter.add.f32 @!p1 [tilespmem:s11], [sflag:$0x3], $0x80, s10, s9, $0xb8;
	[tilespmem:$0x1D000] =	vst v63  }
0xd5: {  	_ =	swait.ge @!p1 [sflag:s7], $0x4000  }
0xd6: {  	[sflag:s7] =	ssyncset.done @!p1 $0x0  }
0xd7: {  	s11 =	sadd.s32 $0x1, s3;
	s10 =	rddreg [dreg:$0x4];
	[sflag:s7] =	ssyncadd.s32 @!p1 $0xFFFFC000  }
0xd8: {  	[tilespmem:s19], [sflag:$0x1] =	stream.indirect.gather [hbm4b:s4+s18], $0x80, s10, s18, $0xb8;
	[tilespmem:$0x1D000] =	vst v63  }
0xd9: {  	p1 =	sge.u32 s11, s6;
	_ =	swait.ge [sflag:s23], $0x4000  }
0xda: {  	s7 =	simm.s32 @!p1 $0x80;
	s9 =	simm.s32 @!p1 $0x5000;
	[sflag:s23] =	ssyncset.done $0x0  }
0xdb: {  	s10 =	simm.s32 @!p1 $0x880;
	s11 =	simm.s32 @!p1 $0x4;
	[sflag:s23] =	ssyncadd.s32 $0xFFFFC000  }
0xdc: {  	[spmem:s1] =	stream.indirect.scatter.add.f32 @!p1 [tilespmem:s9], [sflag:$0x4], $0x80, s10, s7, $0xb8;
	[tilespmem:$0x1D000] =	vst v63  }
0xdd: {  	_ =	swait.ge @!p1 [sflag:s11], $0x4000  }
0xde: {  	[sflag:s11] =	ssyncset.done @!p1 $0x0  }
0xdf: {  	s10 =	rddreg [dreg:$0x5];
	[sflag:s11] =	ssyncadd.s32 @!p1 $0xFFFFC000;
	s11 =	sadd.s32 $0x2, s3  }
0xe0: {  	[tilespmem:s20], [sflag:$0x2] =	stream.indirect.gather [hbm4b:s4+s18], $0x80, s10, s18, $0xb8;
	[tilespmem:$0x1D000] =	vst v63  }
0xe1: {  	p1 =	sge.u32 s11, s6;
	_ =	swait.ge [sflag:s22], $0x4000  }
0xe2: {  	s7 =	simm.s32 @!p1 $0x80;
	s9 =	simm.s32 @!p1 $0x1000;
	[sflag:s22] =	ssyncset.done $0x0  }
0xe3: {  	s10 =	simm.s32 @!p1 $0x900;
	s11 =	simm.s32 @!p1 $0x3;
	[sflag:s22] =	ssyncadd.s32 $0xFFFFC000  }
0xe4: {  	[spmem:s1] =	stream.indirect.scatter.add.f32 @!p1 [tilespmem:s9], [sflag:$0x3], $0x80, s10, s7, $0xb8;
	[tilespmem:$0x1D000] =	vst v63  }
0xe5: {  	_ =	swait.ge @!p1 [sflag:s11], $0x4000  }
0xe6: {  	[sflag:s11] =	ssyncset.done @!p1 $0x0  }
0xe7: {  	s10 =	rddreg [dreg:$0x6];
	[sflag:s11] =	ssyncadd.s32 @!p1 $0xFFFFC000;
	s11 =	sadd.s32 $0x3, s3  }
0xe8: {  	[tilespmem:s19], [sflag:$0x1] =	stream.indirect.gather [hbm4b:s4+s18], $0x80, s10, s18, $0xb8;
	[tilespmem:$0x1D000] =	vst v63  }
0xe9: {  	p1 =	sge.u32 s11, s6;
	_ =	swait.ge [sflag:s23], $0x4000  }
0xea: {  	s7 =	simm.s32 @!p1 $0x80;
	s9 =	simm.s32 @!p1 $0x5000;
	[sflag:s23] =	ssyncset.done $0x0  }
0xeb: {  	s10 =	simm.s32 @!p1 $0x980;
	s11 =	simm.s32 @!p1 $0x4;
	[sflag:s23] =	ssyncadd.s32 $0xFFFFC000  }
0xec: {  	[spmem:s1] =	stream.indirect.scatter.add.f32 @!p1 [tilespmem:s9], [sflag:$0x4], $0x80, s10, s7, $0xb8;
	[tilespmem:$0x1D000] =	vst v63  }
0xed: {  	_ =	swait.ge @!p1 [sflag:s11], $0x4000  }
0xee: {  	[sflag:s11] =	ssyncset.done @!p1 $0x0  }
0xef: {  	s10 =	rddreg [dreg:$0x7];
	[sflag:s11] =	ssyncadd.s32 @!p1 $0xFFFFC000;
	s11 =	sadd.s32 $0x4, s3  }
0xf0: {  	[tilespmem:s20], [sflag:$0x2] =	stream.indirect.gather [hbm4b:s4+s18], $0x80, s10, s18, $0xb8;
	[tilespmem:$0x1D000] =	vst v63  }
0xf1: {  	p1 =	sge.u32 s11, s6;
	_ =	swait.ge [sflag:s22], $0x4000  }
0xf2: {  	s7 =	simm.s32 @!p1 $0x80;
	s9 =	simm.s32 @!p1 $0x1000;
	[sflag:s22] =	ssyncset.done $0x0  }
0xf3: {  	s10 =	simm.s32 @!p1 $0xA00;
	s11 =	simm.s32 @!p1 $0x3;
	[sflag:s22] =	ssyncadd.s32 $0xFFFFC000  }
0xf4: {  	[spmem:s1] =	stream.indirect.scatter.add.f32 @!p1 [tilespmem:s9], [sflag:$0x3], $0x80, s10, s7, $0xb8;
	[tilespmem:$0x1D000] =	vst v63  }
0xf5: {  	_ =	swait.ge @!p1 [sflag:s11], $0x4000  }
0xf6: {  	[sflag:s11] =	ssyncset.done @!p1 $0x0  }
0xf7: {  	s10 =	rddreg [dreg:$0x8];
	[sflag:s11] =	ssyncadd.s32 @!p1 $0xFFFFC000;
	s11 =	sadd.s32 $0x5, s3  }
0xf8: {  	[tilespmem:s19], [sflag:$0x1] =	stream.indirect.gather [hbm4b:s4+s18], $0x80, s10, s18, $0xb8;
	[tilespmem:$0x1D000] =	vst v63  }
0xf9: {  	p1 =	sge.u32 s11, s6;
	_ =	swait.ge [sflag:s23], $0x4000  }
0xfa: {  	s7 =	simm.s32 @!p1 $0x80;
	s9 =	simm.s32 @!p1 $0x5000;
	[sflag:s23] =	ssyncset.done $0x0  }
0xfb: {  	s10 =	simm.s32 @!p1 $0xA80;
	s11 =	simm.s32 @!p1 $0x4;
	[sflag:s23] =	ssyncadd.s32 $0xFFFFC000  }
0xfc: {  	[spmem:s1] =	stream.indirect.scatter.add.f32 @!p1 [tilespmem:s9], [sflag:$0x4], $0x80, s10, s7, $0xb8;
	[tilespmem:$0x1D000] =	vst v63  }
0xfd: {  	_ =	swait.ge @!p1 [sflag:s11], $0x4000  }
0xfe: {  	[sflag:s11] =	ssyncset.done @!p1 $0x0  }
0xff: {  	s9 =	rddreg [dreg:$0x9];
	[sflag:s11] =	ssyncadd.s32 @!p1 $0xFFFFC000  }
0x100: {  	[tilespmem:s20], [sflag:$0x2] =	stream.indirect.gather [hbm4b:s4+s18], $0x80, s9, s18, $0xb8;
	[tilespmem:$0x1D000] =	vst v63  }
0x101: {  	_ =	swait.ge [sflag:s24], $0x400  }
0x102: {  	[sflag:s24] =	ssyncset.done $0x0  }
0x103: {  	[sflag:s24] =	ssyncadd.s32 $0xFFFFFC00  }
0x104: {  	_ =	swait.ge [sflag:s25], $0x400  }
0x105: {  	[sflag:s25] =	ssyncset.done $0x0  }
0x106: {  	s10 =	sadd.s32 $0x6, s3;
	[sflag:s25] =	ssyncadd.s32 $0xFFFFFC00  }
0x107: {  	p1 =	sge.u32 s10, s6;
	_ =	swait.ge [sflag:s22], $0x4000  }
0x108: {  	s7 =	simm.s32 @!p1 $0x80;
	s9 =	simm.s32 @!p1 $0x1000;
	[sflag:s22] =	ssyncset.done $0x0  }
0x109: {  	s10 =	simm.s32 @!p1 $0xB00;
	s11 =	simm.s32 @!p1 $0x3;
	[sflag:s22] =	ssyncadd.s32 $0xFFFFC000  }
0x10a: {  	[spmem:s1] =	stream.indirect.scatter.add.f32 @!p1 [tilespmem:s9], [sflag:$0x3], $0x80, s10, s7, $0xb8;
	[tilespmem:$0x1D000] =	vst v63  }
0x10b: {  	_ =	swait.ge @!p1 [sflag:s11], $0x4000  }
0x10c: {  	[sflag:s11] =	ssyncset.done @!p1 $0x0  }
0x10d: {  	[sflag:s11] =	ssyncadd.s32 @!p1 $0xFFFFC000;
	s11 =	sadd.s32 $0x7, s3  }
0x10e: {  	[tilespmem:s19], [sflag:$0x1] =	stream.indirect.gather [hbm4b:s4+s18], $0x80, s21, s18, $0xb8;
	[tilespmem:$0x1D000] =	vst v63  }
0x10f: {  	p1 =	sge.u32 s11, s6;
	_ =	swait.ge [sflag:s23], $0x4000  }
0x110: {  	s7 =	simm.s32 @!p1 $0x80;
	s9 =	simm.s32 @!p1 $0x5000;
	[sflag:s23] =	ssyncset.done $0x0  }
0x111: {  	s10 =	simm.s32 @!p1 $0xB80;
	s11 =	simm.s32 @!p1 $0x4;
	[sflag:s23] =	ssyncadd.s32 $0xFFFFC000  }
0x112: {  	[spmem:s1] =	stream.indirect.scatter.add.f32 @!p1 [tilespmem:s9], [sflag:$0x4], $0x80, s10, s7, $0xb8;
	[tilespmem:$0x1D000] =	vst v63  }
0x113: {  	_ =	swait.ge @!p1 [sflag:s11], $0x4000  }
0x114: {  	[sflag:s11] =	ssyncset.done @!p1 $0x0  }
0x115: {  	s9 =	rddreg [dreg:$0xa];
	[sflag:s11] =	ssyncadd.s32 @!p1 $0xFFFFC000  }
0x116: {  	[tilespmem:s20], [sflag:$0x2] =	stream.indirect.gather [hbm4b:s4+s18], $0x80, s9, s18, $0xb8;
	[tilespmem:$0x1D000] =	vst v63  }
0x117: {  	s5 =	sadd.s32 $0x100, s5  }
0x118: {  	[tilespmem:s2], [sflag:$0x5] =	stream.linear.gather [hbm4b:s5+s2], $0x400, $0x38;
	[tilespmem:$0x1D000] =	vst v63  }
0x119: {  	s10 =	sadd.s32 $0x100, s8;
	s11 =	sadd.s32 $0x8, s3  }
0x11a: {  	[tilespmem:s17], [sflag:$0x7] =	stream.linear.gather [hbm4b:s10+s2], $0x400, $0x38;
	[tilespmem:$0x1D000] =	vst v63  }
0x11b: {  	p1 =	sge.u32 s11, s6;
	_ =	swait.ge [sflag:s22], $0x4000  }
0x11c: {  	s7 =	simm.s32 @!p1 $0x1000;
	s8 =	simm.s32 @!p1 $0xC00;
	[sflag:s22] =	ssyncset.done $0x0  }
0x11d: {  	s9 =	simm.s32 @!p1 $0x3;
	s5 =	simm.s32 @!p1 $0x80;
	[sflag:s22] =	ssyncadd.s32 $0xFFFFC000  }
0x11e: {  	[spmem:s1] =	stream.indirect.scatter.add.f32 @!p1 [tilespmem:s7], [sflag:$0x3], $0x80, s8, s5, $0xb8;
	[tilespmem:$0x1D000] =	vst v63  }
0x11f: {  	_ =	swait.ge @!p1 [sflag:s9], $0x4000  }
0x120: {  	[sflag:s9] =	ssyncset.done @!p1 $0x0  }
0x121: {  	s8 =	rddreg [dreg:$0xb];
	[sflag:s9] =	ssyncadd.s32 @!p1 $0xFFFFC000;
	s9 =	sadd.s32 $0x9, s3  }
0x122: {  	[tilespmem:s19], [sflag:$0x1] =	stream.indirect.gather [hbm4b:s4+s18], $0x80, s8, s18, $0xb8;
	[tilespmem:$0x1D000] =	vst v63  }
0x123: {  	p1 =	sge.u32 s9, s6;
	_ =	swait.ge [sflag:s23], $0x4000  }
0x124: {  	s5 =	simm.s32 @!p1 $0x80;
	s7 =	simm.s32 @!p1 $0x5000;
	[sflag:s23] =	ssyncset.done $0x0  }
0x125: {  	s8 =	simm.s32 @!p1 $0xC80;
	s9 =	simm.s32 @!p1 $0x4;
	[sflag:s23] =	ssyncadd.s32 $0xFFFFC000  }
0x126: {  	[spmem:s1] =	stream.indirect.scatter.add.f32 @!p1 [tilespmem:s7], [sflag:$0x4], $0x80, s8, s5, $0xb8;
	[tilespmem:$0x1D000] =	vst v63  }
0x127: {  	_ =	swait.ge @!p1 [sflag:s9], $0x4000  }
0x128: {  	[sflag:s9] =	ssyncset.done @!p1 $0x0  }
0x129: {  	s11 =	sadd.s32 $0xA, s3;
	s10 =	rddreg [dreg:$0xc];
	[sflag:s9] =	ssyncadd.s32 @!p1 $0xFFFFC000  }
0x12a: {  	[tilespmem:s20], [sflag:$0x2] =	stream.indirect.gather [hbm4b:s4+s18], $0x80, s10, s18, $0xb8;
	[tilespmem:$0x1D000] =	vst v63  }
0x12b: {  	p1 =	sge.u32 s11, s6;
	_ =	swait.ge [sflag:s22], $0x4000  }
0x12c: {  	s5 =	simm.s32 @!p1 $0x80;
	s7 =	simm.s32 @!p1 $0x1000;
	[sflag:s22] =	ssyncset.done $0x0  }
0x12d: {  	s8 =	simm.s32 @!p1 $0xD00;
	s9 =	simm.s32 @!p1 $0x3;
	[sflag:s22] =	ssyncadd.s32 $0xFFFFC000  }
0x12e: {  	[spmem:s1] =	stream.indirect.scatter.add.f32 @!p1 [tilespmem:s7], [sflag:$0x3], $0x80, s8, s5, $0xb8;
	[tilespmem:$0x1D000] =	vst v63  }
0x12f: {  	_ =	swait.ge @!p1 [sflag:s9], $0x4000  }
0x130: {  	[sflag:s9] =	ssyncset.done @!p1 $0x0  }
0x131: {  	s8 =	rddreg [dreg:$0xd];
	[sflag:s9] =	ssyncadd.s32 @!p1 $0xFFFFC000;
	s9 =	sadd.s32 $0xB, s3  }
0x132: {  	[tilespmem:s19], [sflag:$0x1] =	stream.indirect.gather [hbm4b:s4+s18], $0x80, s8, s18, $0xb8;
	[tilespmem:$0x1D000] =	vst v63  }
0x133: {  	p1 =	sge.u32 s9, s6;
	_ =	swait.ge [sflag:s23], $0x4000  }
0x134: {  	s5 =	simm.s32 @!p1 $0x80;
	s7 =	simm.s32 @!p1 $0x5000;
	[sflag:s23] =	ssyncset.done $0x0  }
0x135: {  	s8 =	simm.s32 @!p1 $0xD80;
	s9 =	simm.s32 @!p1 $0x4;
	[sflag:s23] =	ssyncadd.s32 $0xFFFFC000  }
0x136: {  	[spmem:s1] =	stream.indirect.scatter.add.f32 @!p1 [tilespmem:s7], [sflag:$0x4], $0x80, s8, s5, $0xb8;
	[tilespmem:$0x1D000] =	vst v63  }
0x137: {  	_ =	swait.ge @!p1 [sflag:s9], $0x4000  }
0x138: {  	[sflag:s9] =	ssyncset.done @!p1 $0x0  }
0x139: {  	s11 =	sadd.s32 $0xC, s3;
	s10 =	rddreg [dreg:$0xe];
	[sflag:s9] =	ssyncadd.s32 @!p1 $0xFFFFC000  }
0x13a: {  	[tilespmem:s20], [sflag:$0x2] =	stream.indirect.gather [hbm4b:s4+s18], $0x80, s10, s18, $0xb8;
	[tilespmem:$0x1D000] =	vst v63  }
0x13b: {  	p1 =	sge.u32 s11, s6;
	_ =	swait.ge [sflag:s22], $0x4000  }
0x13c: {  	s5 =	simm.s32 @!p1 $0x80;
	s7 =	simm.s32 @!p1 $0x1000;
	[sflag:s22] =	ssyncset.done $0x0  }
0x13d: {  	s8 =	simm.s32 @!p1 $0xE00;
	s9 =	simm.s32 @!p1 $0x3;
	[sflag:s22] =	ssyncadd.s32 $0xFFFFC000  }
0x13e: {  	[spmem:s1] =	stream.indirect.scatter.add.f32 @!p1 [tilespmem:s7], [sflag:$0x3], $0x80, s8, s5, $0xb8;
	[tilespmem:$0x1D000] =	vst v63  }
0x13f: {  	_ =	swait.ge @!p1 [sflag:s9], $0x4000  }
0x140: {  	[sflag:s9] =	ssyncset.done @!p1 $0x0  }
0x141: {  	s8 =	rddreg [dreg:$0xf];
	[sflag:s9] =	ssyncadd.s32 @!p1 $0xFFFFC000;
	s9 =	sadd.s32 $0xD, s3  }
0x142: {  	[tilespmem:s19], [sflag:$0x1] =	stream.indirect.gather [hbm4b:s4+s18], $0x80, s8, s18, $0xb8;
	[tilespmem:$0x1D000] =	vst v63  }
0x143: {  	p1 =	sge.u32 s9, s6;
	_ =	swait.ge [sflag:s23], $0x4000  }
0x144: {  	s5 =	simm.s32 @!p1 $0x80;
	s7 =	simm.s32 @!p1 $0x5000;
	[sflag:s23] =	ssyncset.done $0x0  }
0x145: {  	s8 =	simm.s32 @!p1 $0xE80;
	s9 =	simm.s32 @!p1 $0x4;
	[sflag:s23] =	ssyncadd.s32 $0xFFFFC000  }
0x146: {  	[spmem:s1] =	stream.indirect.scatter.add.f32 @!p1 [tilespmem:s7], [sflag:$0x4], $0x80, s8, s5, $0xb8;
	[tilespmem:$0x1D000] =	vst v63  }
0x147: {  	_ =	swait.ge @!p1 [sflag:s9], $0x4000  }
0x148: {  	[sflag:s9] =	ssyncset.done @!p1 $0x0  }
0x149: {  	s10 =	rddreg [dreg:$0x10];
	[sflag:s9] =	ssyncadd.s32 @!p1 $0xFFFFC000  }
0x14a: {  	[tilespmem:s20], [sflag:$0x2] =	stream.indirect.gather [hbm4b:s4+s18], $0x80, s10, s18, $0xb8;
	[tilespmem:$0x1D000] =	vst v63  }
0x14b: {  	_ =	swait.ge [sflag:s26], $0x400  }
0x14c: {  	[sflag:s26] =	ssyncset.done $0x0  }
0x14d: {  	[sflag:s26] =	ssyncadd.s32 $0xFFFFFC00  }
0x14e: {  	_ =	swait.ge [sflag:s28], $0x400  }
0x14f: {  	[sflag:s28] =	ssyncset.done $0x0  }
0x150: {  	s11 =	sadd.s32 $0xE, s3;
	[sflag:s28] =	ssyncadd.s32 $0xFFFFFC00  }
0x151: {  	p1 =	sge.u32 s11, s6;
	_ =	swait.ge [sflag:s22], $0x4000  }
0x152: {  	s5 =	simm.s32 @!p1 $0x80;
	s7 =	simm.s32 @!p1 $0x1000;
	[sflag:s22] =	ssyncset.done $0x0  }
0x153: {  	s8 =	simm.s32 @!p1 $0xF00;
	s9 =	simm.s32 @!p1 $0x3;
	[sflag:s22] =	ssyncadd.s32 $0xFFFFC000  }
0x154: {  	[spmem:s1] =	stream.indirect.scatter.add.f32 @!p1 [tilespmem:s7], [sflag:$0x3], $0x80, s8, s5, $0xb8;
	[tilespmem:$0x1D000] =	vst v63  }
0x155: {  	_ =	swait.ge @!p1 [sflag:s9], $0x4000  }
0x156: {  	s3 =	sadd.s32 $0xF, s3;
	[sflag:s9] =	ssyncset.done @!p1 $0x0  }
0x157: {  	s30 =	sadd.s32 $0x10, s30;
	[sflag:s9] =	ssyncadd.s32 @!p1 $0xFFFFC000;
	p1 =	sge.u32 s3, s6  }
0x158: {  	[tilespmem:s19], [sflag:$0x1] =	stream.indirect.gather [hbm4b:s4+s18], $0x80, s2, s18, $0xb8;
	[tilespmem:$0x1D000] =	vst v63  }
0x159: {  	p0 =	sne.s32 s30, $0x50;
	s5 =	simm.s32 @!p1 $0x80;
	_ =	swait.ge [sflag:s23], $0x4000  }
.Ltmp0:
0x15a: {  	s7 =	simm.s32 @!p1 $0x5000;
	[sflag:s23] =	ssyncset.done $0x0;
	(pc) =	sbr.rel @p0 .LBB2_2-.Ltmp0, $4  }
0x15b: {  	s8 =	simm.s32 @!p1 $0xF80;
	s3 =	simm.s32 @!p1 $0x4;
	[sflag:s23] =	ssyncadd.s32 $0xFFFFC000  }
0x15c: {  	[spmem:s1] =	stream.indirect.scatter.add.f32 @!p1 [tilespmem:s7], [sflag:$0x4], $0x80, s8, s5, $0xb8;
	[tilespmem:$0x1D000] =	vst v63  }
0x15d: {  	_ =	swait.ge @!p1 [sflag:s3], $0x4000  }
0x15e: {  	s31 =	sadd.s32 $0x100, s31;
	s0 =	sadd.s32 $0x100, s0;
	[sflag:s3] =	ssyncset.done @!p1 $0x0  }
0x15f: {  	[sflag:s3] =	ssyncadd.s32 @!p1 $0xFFFFC000  }
0x160: {  	[tilespmem:s20], [sflag:$0x2] =	stream.indirect.gather [hbm4b:s4+s18], $0x80, s18, s18, $0xb8;
	[tilespmem:$0x1D000] =	vst v63  }
0x161: {  	_ =	swait.ge [sflag:s22], $0x4000  }
0x162: {  	[sflag:s22] =	ssyncset.done $0x0  }
0x163: {  	[sflag:s22] =	ssyncadd.s32 $0xFFFFC000  }
0x164: {  	_ =	swait.ge [sflag:s23], $0x4000  }
0x165: {  	[sflag:s23] =	ssyncset.done $0x0  }
0x166: {  	[sflag:s23] =	ssyncadd.s32 $0xFFFFC000  }
0x167: {  	[bflag:$0x0] =	sbarrier.arrive $0xFFFF  }
0x168: {  	s0 =	rddreg [dreg:$0x14]  }
0x169: {  	[hbm:s0], [sflag:s13] =	dma.local [spmem:s15], $0x2800  }
0x16a: {  	_ =	swait.ge [sflag:s16], $0x2800  }
0x16b: {  	s29 =	sadd.s32 $0x1, s29;
	s31 =	rddreg [dreg:$0x15]  }
0x16c: {  	p0 =	sne.s32 s29, s31  }
.Ltmp1:
0x16d: {  	_ = 	snop;
	(pc) =	sbr.rel @p0 .LBB2_1-.Ltmp1, $3  }
0x16e: {  	_ =	sdelay $0x1  }
0x16f: {  	[sflag:s16] =	ssyncset.done $0x0  }
0x170: {  	s7 =	smov.u32 s13;
	[sflag:s16] =	ssyncadd.s32 $0xFFFFD800  }
0x171: {  	_ =	sfence.sel $0x180000  }
0x172: {  	[bflag:$0x0] =	sbarrier.arrive $0xFFFF  }
0x173: {  	_ =	strace $0x9000004D  }
0x174: {  	s0 =	stileid.u32;
	[bflag:$0x2] =	sbarrier.arrive $0xFFFF  }
0x175: {  	p0 =	sne.s32 s0, $0x0;
	s0 =	rddreg [dreg:$0x2]  }
0x176: {  	s0 =	sadd.s32 @!p0 $0x100000, s0  }
0x177: {  	[sflag:s0] =	ssyncadd.tile.s32 @!p0 $0x1;
	_ =	shalt  }
.Lfunc_end2:
_tile_overlayer_lowered:
.L_overlay_start_2:
0x178: {  	(tag) =	ssettag $0x2  }
0x179: {  	s0 =	rddreg [dreg:$0x0];
	s2 =	stileid.u32  }
0x17a: {  	s1 =	rddreg [dreg:$0x1];
	p0 =	sne.s32 s2, $0x0  }
0x17b: {  	s3 =	rddreg [dreg:$0x2];
	[bflag:$0x3] =	sbarrier.arrive $0xFFFF;
	s2 =	simm.s32 @!p0 $0x1C09  }
0x17c: {  	[timem:s3], [sflag:s2] =	dma.local @!p0 [hbm:s0], s1  }
0x17d: {  	s0 =	simm.s32 @!p0 $0x9  }
0x17e: {  	_ =	swait.ge @!p0 [sflag:s0], s1  }
0x17f: {  	s1 =	ssub.s32 @!p0 $0x0, s1;
	[sflag:s0] =	ssyncset.done @!p0 $0x0  }
0x180: {  	[sflag:s0] =	ssyncadd.s32 @!p0 s1  }
0x181: {  	[bflag:$0x3] =	sbarrier.arrive $0xFFFF  }
0x182: {  	_ =	shalt  }

// kernel: kernel.8.cloned.1.call-start
scs
__scs_entry_jumppad:
0x0: {  	(pc) =	sbr.rel $0x88, $3  }
0x1: {  	(tag) =	ssettag $0x0;
	lr =	simm.s32 $0x1  }
0x2: {  	[smem:$0x3F95] =	sst lr;
	_ =	strace $0xD0000000  }
0x3: {  	_ = 	snop  }
0x4: {  	_ = 	snop  }
0x5: {  	_ = 	snop  }
0x6: {  	_ = 	snop  }
0x7: {  	_ = 	snop  }
__scs_overlays_trampoline_lowered:
0x8: {  	[smem:$0x3FA4] =	sst s0  }
0x9: {  	[smem:$0x3FA5] =	sst s1  }
0xa: {  	[smem:$0x3FA6] =	sst s2  }
0xb: {  	[smem:$0x3FA7] =	sst s3  }
0xc: {  	[smem:$0x3FA8] =	sst s4  }
0xd: {  	[smem:$0x3FA9] =	sst s5  }
0xe: {  	[smem:$0x3FAA] =	sst s6  }
0xf: {  	[smem:$0x3FAB] =	sst s7  }
0x10: {  	[smem:$0x3FAC] =	sst s8  }
0x11: {  	[smem:$0x3FAD] =	sst s9;
	s0 =	simm.s32 @!p0 $0x0  }
0x12: {  	s1 =	sld [smem:$0x3F93];
	s0 =	simm.s32 @p0 $0x1  }
0x13: {  	[smem:$0x3FAE] =	sst s0;
	s0 =	simm.s32 @!p1 $0x0  }
0x14: {  	s2 =	sld [smem:$0x3F92];
	s0 =	simm.s32 @p1 $0x1  }
0x15: {  	[smem:$0x3FAF] =	sst s0;
	s0 =	simm.s32 @!p2 $0x0  }
0x16: {  	s3 =	sld [smem:$0x3FDB];
	s0 =	simm.s32 @p2 $0x1  }
0x17: {  	s4 =	simm.s32 $0x1BF5;
	[smem:$0x3FB1] =	sst s0  }
0x18: {  	s0 =	sld [smem:$0x3F94];
	_ =	swait.ge [sflag:s4], $0x0  }
0x19: {  	s7 =	sld [smem:$0x3F95]  }
0x1a: {  	s8 =	sadd.s32 $0xFFFFE003, lr  }
0x1b: {  	s9 =	sadd.s32 $0xFFFFFEF7, lr;
	s5 =	simm.s32 $0xFFFFFFFF;
	p2 =	slt.u32 s8, $0xFFFFF086  }
0x1c: {  	p1 =	slt.u32 s9, $0xF7A;
	s5 =	simm.s32 @!p2 $0x0  }
0x1d: {  	s5 =	simm.s32 @p1 $0x1;
	p0 =	seq.s32 s7, s2  }
0x1e: {  	s7 =	smul.u32 @!p0 $0xF7A, s2;
	p2 =	seq.s32 @!p0 s5, $0x0  }
0x1f: {  	s9 =	smul.u32 $0xF7A, s1;
	s8 =	simm.s32 @!p0 $0x1BF5;
	p2 =	por !p2, p0  }
0x20: {  	[sflag:s8] =	ssyncset.s32 @!p0 $0xFFFFF086;
	s6 =	sadd.s32 @!p0 s3, s7;
	s7 =	simm.s32 @!p0 $0x108  }
0x21: {  	s3 =	sadd.s32 s3, s9;
	s6 =	sadd.s32 @!p0 $0x88, s6;
	s7 =	simm.s32 @p2 $0x1082  }
0x22: {  	[simem:s7], [sflag:s8] =	dma.local @!p0 [hbm:s6], $0xF7A  }
0x23: {  	s9 =	sor.u32 $0xD0000000, s2;
	s6 =	simm.s32 $0x108;
	_ =	swait.ge @!p0 [sflag:s8], $0x0  }
0x24: {  	s3 =	sadd.s32 $0x88, s3;
	s6 =	simm.s32 @!p1 $0x1082;
	[sflag:s4] =	ssyncset.s32 $0xFFFFF086  }
0x25: {  	[simem:s6], [sflag:s4] =	dma.local [hbm:s3], $0xF7A  }
0x26: {  	[smem:$0x3F95] =	sst s1;
	(tag) =	ssettag s2;
	_ =	strace s9  }
0x27: {  	s1 =	sld [smem:$0x3FA5]  }
0x28: {  	s2 =	sld [smem:$0x3FA6]  }
0x29: {  	s4 =	sld [smem:$0x3FA8]  }
0x2a: {  	p0 =	seq.s32 s5, $0x0;
	s5 =	sld [smem:$0x3FA9]  }
0x2b: {  	s6 =	sld [smem:$0x3FAA]  }
0x2c: {  	s7 =	sld [smem:$0x3FAB]  }
0x2d: {  	s3 =	simm.s32 $0x108;
	s8 =	sld [smem:$0x3FAC]  }
0x2e: {  	s3 =	simm.s32 @!p0 $0x1082;
	s9 =	sld [smem:$0x3FAD]  }
0x2f: {  	lr =	sadd.s32 s0, s3;
	s0 =	sld [smem:$0x3FA4]  }
0x30: {  	s3 =	sld [smem:$0x3FA7]  }
0x31: {  	[smem:$0x3FB0] =	sst s10  }
0x32: {  	s10 =	sld [smem:$0x3FAE];
	_ =	sdelay $0x3  }
0x33: {  	p0 =	seq.s32 s10, $0x1;
	s10 =	sld [smem:$0x3FB0];
	_ =	sdelay $0x3  }
0x34: {  	[smem:$0x3FB0] =	sst s10  }
0x35: {  	s10 =	sld [smem:$0x3FAF];
	_ =	sdelay $0x3  }
0x36: {  	p1 =	seq.s32 s10, $0x1;
	s10 =	sld [smem:$0x3FB0];
	_ =	sdelay $0x3  }
0x37: {  	[smem:$0x3FB0] =	sst s10  }
0x38: {  	s10 =	sld [smem:$0x3FB1]  }
0x39: {  	_ = 	snop;
	(pc) =	sbr.ind lr, $3  }
0x3a: {  	_ = 	snop  }
0x3b: {  	_ = 	snop  }
0x3c: {  	p2 =	seq.s32 s10, $0x1;
	s10 =	sld [smem:$0x3FB0]  }
0x3d: {  	_ =	shalt  }
0x3e: {  	_ =	shalt  }
0x3f: {  	_ =	shalt  }
0x40: {  	_ =	shalt  }
0x41: {  	_ =	shalt  }
0x42: {  	_ =	shalt  }
0x43: {  	_ =	shalt  }
0x44: {  	_ =	shalt  }
0x45: {  	_ =	shalt  }
0x46: {  	_ =	shalt  }
0x47: {  	_ =	shalt  }
0x48: {  	_ =	shalt  }
0x49: {  	_ =	shalt  }
0x4a: {  	_ =	shalt  }
0x4b: {  	_ =	shalt  }
0x4c: {  	_ =	shalt  }
0x4d: {  	_ =	shalt  }
0x4e: {  	_ =	shalt  }
0x4f: {  	_ =	shalt  }
0x50: {  	_ =	shalt  }
0x51: {  	_ =	shalt  }
0x52: {  	_ =	shalt  }
0x53: {  	_ =	shalt  }
0x54: {  	_ =	shalt  }
0x55: {  	_ =	shalt  }
0x56: {  	_ =	shalt  }
0x57: {  	_ =	shalt  }
0x58: {  	_ =	shalt  }
0x59: {  	_ =	shalt  }
0x5a: {  	_ =	shalt  }
0x5b: {  	_ =	shalt  }
0x5c: {  	_ =	shalt  }
0x5d: {  	_ =	shalt  }
0x5e: {  	_ =	shalt  }
0x5f: {  	_ =	shalt  }
0x60: {  	_ =	shalt  }
0x61: {  	_ =	shalt  }
0x62: {  	_ =	shalt  }
0x63: {  	_ =	shalt  }
0x64: {  	_ =	shalt  }
0x65: {  	_ =	shalt  }
0x66: {  	_ =	shalt  }
0x67: {  	_ =	shalt  }
0x68: {  	_ =	shalt  }
0x69: {  	_ =	shalt  }
0x6a: {  	_ =	shalt  }
0x6b: {  	_ =	shalt  }
0x6c: {  	_ =	shalt  }
0x6d: {  	_ =	shalt  }
0x6e: {  	_ =	shalt  }
0x6f: {  	_ =	shalt  }
0x70: {  	_ =	shalt  }
0x71: {  	_ =	shalt  }
0x72: {  	_ =	shalt  }
0x73: {  	_ =	shalt  }
0x74: {  	_ =	shalt  }
0x75: {  	_ =	shalt  }
0x76: {  	_ =	shalt  }
0x77: {  	_ =	shalt  }
0x78: {  	_ =	shalt  }
0x79: {  	_ =	shalt  }
0x7a: {  	_ =	shalt  }
0x7b: {  	_ =	shalt  }
0x7c: {  	_ =	shalt  }
0x7d: {  	_ =	shalt  }
0x7e: {  	_ =	shalt  }
0x7f: {  	_ =	shalt  }
0x80: {  	_ =	shalt  }
0x81: {  	_ =	shalt  }
0x82: {  	_ =	shalt  }
0x83: {  	_ =	shalt  }
0x84: {  	_ =	shalt  }
0x85: {  	_ =	shalt  }
0x86: {  	_ =	shalt  }
0x87: {  	_ =	shalt  }
.Lfunc_end0:
.L_simem_size_0:
called_computation_lowered:
.L_overlay_start_0:
0x88: {  	s2 =	sld [smem:$0x3FD9]  }
0x89: {  	s3 =	sld [smem:$0x3FFE];
	_ =	sdelay $0x1  }
0x8a: {  	s1 =	srdreg.scid  }
0x8b: {  	s0 =	sand.u32 $0x1, s1  }
0x8c: {  	s16 =	sshll.u32 s0, $0xA;
	s2 =	sadd.s32 s3, s2  }
0x8d: {  	s2 =	sadd.s32 s2, s16  }
0x8e: {  	[smem:$0x3FBC] =	sst s2  }
0x8f: {  	_ = 	snop  }
0x90: {  	(tm) =	ssettm $0x1  }
0x91: {  	s17 =	sld [smem:$0x3FFB];
	_ =	sdelay $0x3  }
0x92: {  	_ =	strace s17  }
0x93: {  	s2 =	sld [smem:$0x3FFC];
	_ =	sdelay $0x3  }
0x94: {  	_ =	strace s2  }
0x95: {  	s2 =	sld [smem:$0x3FFD];
	_ =	sdelay $0x3  }
0x96: {  	_ =	strace s2  }
0x97: {  	_ =	strace $0x8FFFFFFF  }
0x98: {  	s18 =	sld [smem:$0x3FDB];
	_ =	sdelay $0x1  }
0x99: {  	s19 =	simm.s32 $_scs_section_size  }
0x9a: {  	s4 =	simm.s32 $_size__tile_overlayer_lowered;
	s5 =	simm.s32 $_tile_overlayer_lowered  }
0x9b: {  	s22 =	simm.s32 $0x1BFF;
	s21 =	sshll.u32 s5, $0x1;
	s2 =	sadd.s32 s19, s18  }
0x9c: {  	s6 =	simm.s32 $0x0;
	s20 =	sshll.u32 s4, $0x1;
	s4 =	sadd.s32 s21, s2  }
0x9d: {  	[timem:s6], [sflag:s22] =	dma.local [hbm:s4], s20  }
0x9e: {  	_ =	swait.ge [sflag:s22], s20  }
0x9f: {  	s3 =	ssub.s32 $0x0, s20;
	[sflag:s22] =	ssyncset.done $0x0  }
0xa0: {  	[sflag:s22] =	ssyncadd.s32 s3;
	_ =	sdelay $0x1  }
0xa1: {  	s23 =	simm.s32 $0x1B8B  }
0xa2: {  	_ =	swait.ge [sflag:s23], $0x1  }
0xa3: {  	[sflag:s23] =	ssyncset.done $0x0  }
0xa4: {  	s25 =	simm.s32 $0x1B8E;
	s24 =	sld [smem:$0x3FFE];
	[sflag:s23] =	ssyncadd.s32 $0xFFFFFFFF  }
0xa5: {  	s26 =	simm.s32 $execute0_lowered;
	[smem:$0x3FD2] =	sst s25  }
0xa6: {  	s4 =	sshll.u32 s26, $0x1;
	_ =	strace $0x80000046;
	[dreg:$0x1] =	wrdreg $0xFFFFFFFF  }
0xa7: {  	s28 =	simm.s32 $_size_execute0_lowered;
	s2 =	sadd.s32 s2, s4;
	[dreg:$0x0] =	wrdreg $0x0  }
0xa8: {  	s4 =	sshll.u32 s28, $0x1;
	[dreg:$0x2] =	wrdreg s2  }
0xa9: {  	[dreg:$0x3] =	wrdreg s4  }
0xaa: {  	[dreg:$0x4] =	wrdreg $0xC0  }
0xab: {  	_ =	task [dreg:s6], $0x5FFFF  }
0xac: {  	[dreg:$0x1] =	wrdreg $0xFFFFFFFF  }
0xad: {  	[dreg:$0x0] =	wrdreg $0x60  }
0xae: {  	[dreg:$0x2] =	wrdreg s24  }
0xaf: {  	[dreg:$0x3] =	wrdreg $0x90000  }
0xb0: {  	[dreg:$0x4] =	wrdreg $0x9  }
0xb1: {  	_ =	task.clear_ibuf [dreg:s6], $0x5FFFF;
	_ =	strace $0x90000046  }
0xb2: {  	s29 =	simm.s32 $0x9;
	_ =	strace $0x80000048  }
0xb3: {  	_ =	swait.ge [sflag:s29], $0x1  }
0xb4: {  	[sflag:s29] =	ssyncadd.s32 $0xFFFFFFFF  }
0xb5: {  	_ =	strace $0x90000048  }
0xb6: {  	_ =	sfence  }
0xb7: {  	s30 =	sld [smem:$0x0];
	_ =	sdelay $0x2  }
0xb8: {  	s31 =	sshll.u32 s1, $0xD;
	s1 =	sshrl.u32 s1, $0x2  }
0xb9: {  	s3 =	sand.u32 $0x4000, s31;
	s1 =	sadd.s32 s1, s30  }
0xba: {  	s0 =	sor.u32 s3, s0;
	s1 =	sshll.u32 s1, $0x11  }
0xbb: {  	s0 =	sor.u32 s1, s0  }
0xbc: {  	s0 =	sadd.s32 $0x8F2B, s0  }
0xbd: {  	[sflag:s0] =	ssyncadd.remote.s32 $0x1  }
0xbe: {  	_ =	sfence.sel $0xFFFF  }
0xbf: {  	[dreg:$0x0] =	wrdreg $0xFFFFFFFF;
	(pc) =	sbr.abs _section_cstart, $3  }
0xc0: {  	[dreg:$0x1] =	wrdreg $0xFFFFFFFF  }
0xc1: {  	_ =	task.clear_ibuf [dreg:s6], $0x2FFFF;
	_ =	strace $0x9FFFFFFF  }
0xc2: {  	(tm) =	ssettm $0x7FFFFFFF  }
0xc3: {  	_ =	shalt  }
tec
execute0_lowered:
.L_overlay_start_1:
0x0: {  	(tag) =	ssettag $0x1  }
0x1: {  	s0 =	srdreg.scid;
	s6 =	rddreg [dreg:$0x0]  }
0x2: {  	s2 =	rddreg [dreg:$0x1];
	s5 =	sand.u32 $0x1, s0  }
0x3: {  	s3 =	simm.s32 $0x0;
	s0 =	stileid.u32;
	s8 =	smul.u32 $0x140000, s5  }
0x4: {  	[smem:$0x7FF] =	sst s3;
	s1 =	sshll.u32 s5, $0x4;
	s9 =	smul.u32 $0x14000, s0  }
0x5: {  	s5 =	ssub.s32 $0x2, s5;
	s11 =	smul.u32 $0x50000, s0;
	s31 =	sshll.u32 s0, $0x6  }
0x6: {  	s7 =	sor.u32 s0, s1;
	s1 =	rddreg [dreg:$0x2];
	_ =	strace $0x80000047  }
0x7: {  	s29 =	sshrl.u32 s5, $0x1;
	s4 =	smul.u32 $0x500, s7;
	s8 =	sadd.s32 s9, s8  }
0x8: {  	s7 =	smul.u32 $0xFFFFFFB0, s7;
	s13 =	ssub.s32 s5, s29;
	s30 =	sshrl.u32 s11, $0x2  }
0x9: {  	s11 =	simm.s32 $0x2;
	s8 =	sshrl.u32 s8, $0x3;
	s14 =	sadd.s32 s30, s2  }
0xa: {  	s10 =	sadd.s32 s4, s6;
	s4 =	sadd.s32 $0x17C00, s6;
	s12 =	sadd.s32 s8, s6  }
0xb: {  	s5 =	sadd.s32 $0x9C4, s7;
	s14 =	sshrl.u32 s14, $0x3;
	s6 =	sadd.s32 $0xDA00, s10  }
0xc: {  	s7 =	sadd.s32 $0x3800, s10;
	s8 =	sadd.s32 $0x1A400, s12;
	s9 =	sadd.s32 $0x6A400, s12  }
0xd: {  	v0 =	vimm.f32 $1.000000000e+00;
	s10 =	smax.u32 s13, $0x1;
	s12 =	simm.s32 $0x2800;
	s13 =	sor.u32 $0x1C02, s31  }
.LBB2_1:
0xe: {  	s15 =	simm.s32 $0x200;
	s16 =	simm.s32 $0x0  }
.LBB2_2:
0xf: {  	p0 =	sne.s32 s15, $0xFE00;
	[tilespmem:s16+$0x5000] =	vst v0;
	s16 =	smov.u32 s15;
	s15 =	sadd.s32 $0x200, s15  }
.Ltmp0:
0x10: {  	(pc) =	sbr.rel @p0 .LBB2_2-.Ltmp0, $2  }
0x11: {  	_ =	sdelay $0x2  }
0x12: {  	s16 =	sshra.s32 s16, $0x2  }
0x13: {  	[tilespmem:s16+$0x5000] =	vst v0;
	s15 =	simm.s32 $0x0  }
0x14: {  	[tilespmem:s15], [sflag:$0x2] =	stream.linear.gather [hbm4b:s6+s15], $0x2800, $0x38;
	[tilespmem:$0xB800] =	vst v63  }
0x15: {  	_ =	swait.ge [sflag:s11], $0x2800  }
0x16: {  	[sflag:s11] =	ssyncset.done $0x0  }
0x17: {  	[sflag:s11] =	ssyncadd.s32 $0xFFFFD800  }
0x18: {  	[tilespmem:s12], [sflag:$0x2] =	stream.linear.gather [hbm4b:s7+s15], $0x2800, $0x38;
	[tilespmem:$0xB800] =	vst v63  }
0x19: {  	_ =	swait.ge [sflag:s11], $0x2800  }
0x1a: {  	[sflag:s11] =	ssyncset.done $0x0  }
0x1b: {  	[sflag:s11] =	ssyncadd.s32 $0xFFFFD800  }
0x1c: {  	[spmem:s14], [sflag:s13] =	dma.local [hbm:s4], $0x2800  }
0x1d: {  	_ =	swait.ge [sflag:s11], $0x2800  }
0x1e: {  	s16 =	simm.s32 $0x1;
	[sflag:s11] =	ssyncset.done $0x0  }
0x1f: {  	p0 =	sle.u32 s5, $0x0;
	s17 =	simm.s32 $0x80;
	[sflag:s11] =	ssyncadd.s32 $0xFFFFD800  }
0x20: {  	s18 =	simm.s32 @!p0 $0x80;
	s19 =	simm.s32 @!p0 $0x5000;
	[bflag:$0x0] =	sbarrier.arrive $0xFFFF  }
.LBB2_4:
0x21: {  	[spmem:s2] =	stream.indirect.scatter.add.f32 @!p0 [tilespmem:s19], [sflag:$0x1], $0x10, s15, s18, $0xb8;
	[tilespmem:$0xB800] =	vst v63  }
0x22: {  	s18 =	smov.u32 s16;
	s16 =	sadd.s32 $0x1, s16  }
0x23: {  	p1 =	sne.s32 s16, $0x50  }
.Ltmp1:
0x24: {  	(pc) =	sbr.rel @p1 .LBB2_4-.Ltmp1, $3  }
0x25: {  	s15 =	smov.u32 s17;
	_ =	sdelay $0x1  }
0x26: {  	p0 =	sle.u32 s5, s18  }
0x27: {  	s17 =	sadd.s32 $0x80, s17;
	s18 =	simm.s32 @!p0 $0x80;
	s19 =	simm.s32 @!p0 $0x5000  }
0x28: {  	[spmem:s2] =	stream.indirect.scatter.add.f32 @!p0 [tilespmem:s19], [sflag:$0x1], $0x10, s15, s18, $0xb8;
	[tilespmem:$0xB800] =	vst v63  }
0x29: {  	p0 =	sle.u32 s5, $0x0  }
0x2a: {  	s16 =	simm.s32 @!p0 $0x1  }
0x2b: {  	_ =	swait.ge @!p0 [sflag:s16], $0x800  }
0x2c: {  	s15 =	simm.s32 $0x1;
	[sflag:s16] =	ssyncset.done @!p0 $0x0  }
.LBB2_6:
0x2d: {  	[sflag:s16] =	ssyncadd.s32 @!p0 $0xFFFFF800;
	s16 =	smov.u32 s15;
	s15 =	sadd.s32 $0x1, s15  }
0x2e: {  	p1 =	sne.s32 s15, $0x50  }
.Ltmp2:
0x2f: {  	(pc) =	sbr.rel @p1 .LBB2_6-.Ltmp2, $4  }
0x30: {  	p0 =	sle.u32 s5, s16  }
0x31: {  	s16 =	simm.s32 @!p0 $0x1  }
0x32: {  	_ =	swait.ge @!p0 [sflag:s16], $0x800  }
0x33: {  	[sflag:s16] =	ssyncset.done @!p0 $0x0  }
0x34: {  	[sflag:s16] =	ssyncadd.s32 @!p0 $0xFFFFF800  }
0x35: {  	[bflag:$0x0] =	sbarrier.arrive $0xFFFF  }
0x36: {  	[hbm:s8], [sflag:s13] =	dma.local [spmem:s14], $0x2800  }
0x37: {  	_ =	swait.ge [sflag:s11], $0x2800  }
0x38: {  	[sflag:s11] =	ssyncset.done $0x0  }
0x39: {  	[sflag:s11] =	ssyncadd.s32 $0xFFFFD800  }
0x3a: {  	[bflag:$0x0] =	sbarrier.arrive $0xFFFF  }
0x3b: {  	[spmem:s14], [sflag:s13] =	dma.local [hbm:s4], $0x2800  }
0x3c: {  	_ =	swait.ge [sflag:s11], $0x2800  }
0x3d: {  	s16 =	simm.s32 $0x2800;
	s15 =	simm.s32 $0x1;
	[sflag:s11] =	ssyncset.done $0x0  }
0x3e: {  	p0 =	sle.u32 s5, $0x0;
	s17 =	simm.s32 $0x2880;
	[sflag:s11] =	ssyncadd.s32 $0xFFFFD800  }
0x3f: {  	s18 =	simm.s32 @!p0 $0x80;
	s19 =	simm.s32 @!p0 $0x5000;
	[bflag:$0x0] =	sbarrier.arrive $0xFFFF  }
.LBB2_8:
0x40: {  	[spmem:s2] =	stream.indirect.scatter.add.f32 @!p0 [tilespmem:s19], [sflag:$0x1], $0x10, s16, s18, $0xb8;
	[tilespmem:$0xB800] =	vst v63  }
0x41: {  	s18 =	smov.u32 s15;
	s15 =	sadd.s32 $0x1, s15  }
0x42: {  	p1 =	sne.s32 s15, $0x50  }
.Ltmp3:
0x43: {  	(pc) =	sbr.rel @p1 .LBB2_8-.Ltmp3, $3  }
0x44: {  	s16 =	smov.u32 s17;
	_ =	sdelay $0x1  }
0x45: {  	p0 =	sle.u32 s5, s18  }
0x46: {  	s17 =	sadd.s32 $0x80, s17;
	s18 =	simm.s32 @!p0 $0x80;
	s19 =	simm.s32 @!p0 $0x5000  }
0x47: {  	[spmem:s2] =	stream.indirect.scatter.add.f32 @!p0 [tilespmem:s19], [sflag:$0x1], $0x10, s16, s18, $0xb8;
	[tilespmem:$0xB800] =	vst v63  }
0x48: {  	p0 =	sle.u32 s5, $0x0  }
0x49: {  	s16 =	simm.s32 @!p0 $0x1  }
0x4a: {  	_ =	swait.ge @!p0 [sflag:s16], $0x800  }
0x4b: {  	s15 =	simm.s32 $0x1;
	[sflag:s16] =	ssyncset.done @!p0 $0x0  }
.LBB2_10:
0x4c: {  	[sflag:s16] =	ssyncadd.s32 @!p0 $0xFFFFF800;
	s16 =	smov.u32 s15;
	s15 =	sadd.s32 $0x1, s15  }
0x4d: {  	p1 =	sne.s32 s15, $0x50  }
.Ltmp4:
0x4e: {  	(pc) =	sbr.rel @p1 .LBB2_10-.Ltmp4, $4  }
0x4f: {  	p0 =	sle.u32 s5, s16  }
0x50: {  	s16 =	simm.s32 @!p0 $0x1  }
0x51: {  	_ =	swait.ge @!p0 [sflag:s16], $0x800  }
0x52: {  	[sflag:s16] =	ssyncset.done @!p0 $0x0  }
0x53: {  	[sflag:s16] =	ssyncadd.s32 @!p0 $0xFFFFF800;
	s3 =	sadd.s32 $0x1, s3  }
0x54: {  	[bflag:$0x0] =	sbarrier.arrive $0xFFFF;
	p0 =	sne.s32 s3, s10  }
0x55: {  	[hbm:s9], [sflag:s13] =	dma.local [spmem:s14], $0x2800  }
.Ltmp5:
0x56: {  	_ =	swait.ge [sflag:s11], $0x2800;
	(pc) =	sbr.rel @p0 .LBB2_1-.Ltmp5, $3  }
0x57: {  	[sflag:s11] =	ssyncset.done $0x0  }
0x58: {  	[sflag:s11] =	ssyncadd.s32 $0xFFFFD800  }
0x59: {  	[bflag:$0x0] =	sbarrier.arrive $0xFFFF;
	_ =	sdelay $0x1  }
0x5a: {  	_ =	sfence.sel $0x180000  }
0x5b: {  	[bflag:$0x0] =	sbarrier.arrive $0xFFFF  }
0x5c: {  	p0 =	sne.s32 s0, $0x0;
	_ =	strace $0x90000047  }
0x5d: {  	s0 =	sadd.s32 @!p0 $0x100000, s1;
	[bflag:$0x2] =	sbarrier.arrive $0xFFFF  }
0x5e: {  	[sflag:s0] =	ssyncadd.tile.s32 @!p0 $0x1;
	_ =	shalt  }
.Lfunc_end2:
_tile_overlayer_lowered:
.L_overlay_start_2:
0x5f: {  	(tag) =	ssettag $0x2  }
0x60: {  	s0 =	rddreg [dreg:$0x0];
	s2 =	stileid.u32  }
0x61: {  	s1 =	rddreg [dreg:$0x1];
	p0 =	sne.s32 s2, $0x0  }
0x62: {  	s3 =	rddreg [dreg:$0x2];
	[bflag:$0x3] =	sbarrier.arrive $0xFFFF;
	s2 =	simm.s32 @!p0 $0x1C02  }
0x63: {  	[timem:s3], [sflag:s2] =	dma.local @!p0 [hbm:s0], s1  }
0x64: {  	s0 =	simm.s32 @!p0 $0x2  }
0x65: {  	_ =	swait.ge @!p0 [sflag:s0], s1  }
0x66: {  	s1 =	ssub.s32 @!p0 $0x0, s1;
	[sflag:s0] =	ssyncset.done @!p0 $0x0  }
0x67: {  	[sflag:s0] =	ssyncadd.s32 @!p0 s1  }
0x68: {  	[bflag:$0x3] =	sbarrier.arrive $0xFFFF  }
0x69: {  	_ =	shalt  }

</sc_bundles>
